<compile_context>
chip_gen: v7x
topology: tpu7x:2x2x1
jax: 0.10.2.dev20260603
libtpu: 0.0.44.dev20260713+nightly
codegen_flags: <defaults>
</compile_context>

<pallas_src>
import functools

import jax
import jax.numpy as jnp
from jax import lax
from jax.experimental import pallas as pl
from jax.experimental.pallas import tpu as pltpu, tpu_sc as plsc

BATCH = 4096
SEQ = 50
EMBED_DIM = 64
N = BATCH * SEQ

NUM_CORES = 2
NUM_SUBCORES = 16
NUM_WORKERS = NUM_CORES * NUM_SUBCORES
PER_WORKER = N // NUM_WORKERS
CHUNK = 400
NUM_CHUNKS = PER_WORKER // CHUNK
NUM_PAIRS = NUM_CHUNKS // 2
LANES = 16
NUM_BINS = 12


def _emb_sum_kernel(iw_hbm, is_hbm, words_hbm, scores_hbm, out_hbm,
                    idxw_v, idxs_v, stab,
                    wbuf0, wbuf1, obuf0, obuf1,
                    semw0, semw1, semo0, semo1):
    wid = lax.axis_index("s") * NUM_CORES + lax.axis_index("c")
    base = wid * PER_WORKER
    wbuf = (wbuf0, wbuf1)
    obuf = (obuf0, obuf1)
    semw = (semw0, semw1)
    semo = (semo0, semo1)

    pltpu.sync_copy(iw_hbm.at[pl.ds(base, PER_WORKER)], idxw_v)
    pltpu.sync_copy(is_hbm.at[pl.ds(base, PER_WORKER)], idxs_v)
    pltpu.sync_copy(scores_hbm, stab)

    def gather_into(c, p):
        off = c * CHUNK
        pltpu.async_copy(
            words_hbm.at[idxw_v.at[pl.ds(off, CHUNK)]], wbuf[p], semw[p])

    gather_into(0, 0)
    gather_into(1, 1)

    def pair_body(i, carry):
        for p in range(2):
            c = i * 2 + p
            off = c * CHUNK
            pltpu.make_async_copy(
                words_hbm.at[idxw_v.at[pl.ds(off, CHUNK)]],
                wbuf[p], semw[p]).wait()

            @pl.when(i >= 1)
            def _wait_prev_scatter():
                pltpu.make_async_copy(
                    obuf[p], out_hbm.at[pl.ds(base + off, CHUNK)],
                    semo[p]).wait()

            @plsc.parallel_loop(0, CHUNK, step=LANES)
            def _add_group(g):
                sidv = idxs_v[pl.ds(off + g, LANES)]
                for k in range(LANES):
                    sid = sidv[k]
                    for j in range(EMBED_DIM // LANES):
                        sl = pl.ds(j * LANES, LANES)
                        obuf[p][g + k, sl] = wbuf[p][g + k, sl] + stab[sid, sl]

            pltpu.async_copy(
                obuf[p], out_hbm.at[pl.ds(base + off, CHUNK)], semo[p])

            @pl.when(i < NUM_PAIRS - 1)
            def _prefetch():
                gather_into(c + 2, p)
        return carry

    lax.fori_loop(0, NUM_PAIRS, pair_body, 0)

    for p in range(2):
        off = (NUM_CHUNKS - 2 + p) * CHUNK
        pltpu.make_async_copy(
            obuf[p], out_hbm.at[pl.ds(base + off, CHUNK)], semo[p]).wait()


@jax.jit
def kernel(input_ids, scores_ids, words_table, scores_table):
    iw = input_ids.reshape(-1).astype(jnp.int32)
    isc = scores_ids.reshape(-1).astype(jnp.int32)
    mesh = plsc.VectorSubcoreMesh(core_axis_name="c", subcore_axis_name="s")
    run = functools.partial(
        pl.kernel,
        mesh=mesh,
        compiler_params=pltpu.CompilerParams(use_tc_tiling_on_sc=False),
        out_type=jax.ShapeDtypeStruct((N, EMBED_DIM), jnp.float32),
        scratch_types=[
            pltpu.VMEM((PER_WORKER,), jnp.int32),
            pltpu.VMEM((PER_WORKER,), jnp.int32),
            pltpu.VMEM((NUM_BINS, EMBED_DIM), jnp.float32),
            pltpu.VMEM((CHUNK, EMBED_DIM), jnp.float32),
            pltpu.VMEM((CHUNK, EMBED_DIM), jnp.float32),
            pltpu.VMEM((CHUNK, EMBED_DIM), jnp.float32),
            pltpu.VMEM((CHUNK, EMBED_DIM), jnp.float32),
            pltpu.SemaphoreType.DMA,
            pltpu.SemaphoreType.DMA,
            pltpu.SemaphoreType.DMA,
            pltpu.SemaphoreType.DMA,
        ],
    )(_emb_sum_kernel)
    out = run(iw, isc, words_table, scores_table)
    return out.reshape(BATCH, SEQ, EMBED_DIM)

# --- scband reference (transcript-rebuilt; emitter-appended) ---
"""Pipeline reference for scband-rec-ace-embedding-block-69638599737830 (READ-ONLY COPY).

The authoritative reference and input builder live on the scoring server;
editing this copy changes nothing except your own understanding.
"""

import jax, jax.numpy as jnp
import numpy as np

VOCAB = 100000
EMBED_DIM = 64
BIN_SIZE = 10
BATCH = 4096
SEQ = 50


def setup_inputs(seed: int = 0) -> dict:
    key = jax.random.key(seed)
    k1, k2, k3, k4 = jax.random.split(key, 4)
    input_ids = jax.random.randint(k1, (BATCH, SEQ), 0, VOCAB)
    scores_ids = jax.random.randint(k2, (BATCH, SEQ), 0, BIN_SIZE + 2)
    words_table = jax.random.normal(k3, (VOCAB, EMBED_DIM), dtype=jnp.float32)
    scores_table = jax.random.normal(k4, (BIN_SIZE + 2, EMBED_DIM), dtype=jnp.float32)
    # padding_idx=0 for scores embedding: row 0 is zeros
    scores_table = scores_table.at[0].set(0.0)
    return {
        "input_ids": input_ids,
        "scores_ids": scores_ids,
        "words_table": words_table,
        "scores_table": scores_table,
    }


def reference(input_ids, scores_ids, words_table, scores_table):
    # words embedding lookup
    x_words_emb = jnp.take(words_table, input_ids, axis=0)
    # scores embedding lookup (padding_idx row already zeroed in table)
    x_scores_emb = jnp.take(scores_table, scores_ids, axis=0)
    return x_words_emb + x_scores_emb

if __name__ == "__main__":
    import jax
    _d = setup_inputs()
    print(jax.jit(kernel)(*tuple(_d.values())))

</pallas_src>

<mosaic_0001>
#map = affine_map<(d0, d1) -> (0)>
#map1 = affine_map<(d0, d1) -> (0, 0)>
module attributes {stable_mosaic.version = 14 : i64} {
  func.func @_emb_sum_kernel(%arg0: i32, %arg1: i32, %arg2: memref<204800xi32, #tpu.memory_space<hbm>>, %arg3: memref<204800xi32, #tpu.memory_space<hbm>>, %arg4: memref<100000x64xf32, #tpu.memory_space<hbm>>, %arg5: memref<12x64xf32, #tpu.memory_space<hbm>>, %arg6: memref<204800x64xf32, #tpu.memory_space<hbm>>, %arg7: memref<6400xi32, #tpu.memory_space<vmem>>, %arg8: memref<6400xi32, #tpu.memory_space<vmem>>, %arg9: memref<12x64xf32, #tpu.memory_space<vmem>>, %arg10: memref<400x64xf32, #tpu.memory_space<vmem>>, %arg11: memref<400x64xf32, #tpu.memory_space<vmem>>, %arg12: memref<400x64xf32, #tpu.memory_space<vmem>>, %arg13: memref<400x64xf32, #tpu.memory_space<vmem>>, %arg14: memref<!tpu.dma_semaphore, #tpu.memory_space<semaphore_mem>>, %arg15: memref<!tpu.dma_semaphore, #tpu.memory_space<semaphore_mem>>, %arg16: memref<!tpu.dma_semaphore, #tpu.memory_space<semaphore_mem>>, %arg17: memref<!tpu.dma_semaphore, #tpu.memory_space<semaphore_mem>>) attributes {dimension_semantics = [#tpu.dimension_semantics<core_parallel>, #tpu.dimension_semantics<subcore_parallel>], iteration_bounds = array<i64: 2, 16>, scalar_prefetch = 0 : i64, scratch_operands = 11 : i64, tpu.core_type = #tpu.core_type<sc_vector_subcore>, window_params = [{transform_indices = #map}, {transform_indices = #map}, {transform_indices = #map1}, {transform_indices = #map1}, {transform_indices = #map1}]} {
    %mul3A = arith.constant 2 : i32
    %mul3A_0 = arith.muli %arg1, %mul3A : i32
    %add3A = arith.addi %mul3A_0, %arg0 : i32
    %mul3A_1 = arith.constant 6400 : i32
    %mul3A_2 = arith.muli %add3A, %mul3A_1 : i32
    "tpu.region"() ({
      %run_scoped3A = tpu.sem_alloc : memref<!tpu.dma_semaphore, #tpu.memory_space<semaphore_mem>>
      %dma_start3A_28 = tpu.memref_slice %arg2[%mul3A_2] : memref<204800xi32, #tpu.memory_space<hbm>> -> memref<6400xi32, #tpu.memory_space<hbm>>
      %dma_start3A_29 = tpu.memref_slice %arg2[%mul3A_2] : memref<204800xi32, #tpu.memory_space<hbm>> -> memref<6400xi32, #tpu.memory_space<hbm>>
      tpu.enqueue_dma source(%dma_start3A_29 : memref<6400xi32, #tpu.memory_space<hbm>>) target(%arg7 : memref<6400xi32, #tpu.memory_space<vmem>>) target_semaphore(%run_scoped3A : memref<!tpu.dma_semaphore, #tpu.memory_space<semaphore_mem>>)
      %dma_wait3A_30 = tpu.memref_slice %arg2[%mul3A_2] : memref<204800xi32, #tpu.memory_space<hbm>> -> memref<6400xi32, #tpu.memory_space<hbm>>
      %dma_wait3A_31 = tpu.memref_slice %arg2[%mul3A_2] : memref<204800xi32, #tpu.memory_space<hbm>> -> memref<6400xi32, #tpu.memory_space<hbm>>
      tpu.wait_dma2 semaphore(%run_scoped3A : memref<!tpu.dma_semaphore, #tpu.memory_space<semaphore_mem>>) src(%dma_wait3A_31 : memref<6400xi32, #tpu.memory_space<hbm>>) dst(%arg7 : memref<6400xi32, #tpu.memory_space<vmem>>)
      tpu.yield
    }) : () -> ()
    "tpu.region"() ({
      %run_scoped3A = tpu.sem_alloc : memref<!tpu.dma_semaphore, #tpu.memory_space<semaphore_mem>>
      %dma_start3A_28 = tpu.memref_slice %arg3[%mul3A_2] : memref<204800xi32, #tpu.memory_space<hbm>> -> memref<6400xi32, #tpu.memory_space<hbm>>
      %dma_start3A_29 = tpu.memref_slice %arg3[%mul3A_2] : memref<204800xi32, #tpu.memory_space<hbm>> -> memref<6400xi32, #tpu.memory_space<hbm>>
      tpu.enqueue_dma source(%dma_start3A_29 : memref<6400xi32, #tpu.memory_space<hbm>>) target(%arg8 : memref<6400xi32, #tpu.memory_space<vmem>>) target_semaphore(%run_scoped3A : memref<!tpu.dma_semaphore, #tpu.memory_space<semaphore_mem>>)
      %dma_wait3A_30 = tpu.memref_slice %arg3[%mul3A_2] : memref<204800xi32, #tpu.memory_space<hbm>> -> memref<6400xi32, #tpu.memory_space<hbm>>
      %dma_wait3A_31 = tpu.memref_slice %arg3[%mul3A_2] : memref<204800xi32, #tpu.memory_space<hbm>> -> memref<6400xi32, #tpu.memory_space<hbm>>
      tpu.wait_dma2 semaphore(%run_scoped3A : memref<!tpu.dma_semaphore, #tpu.memory_space<semaphore_mem>>) src(%dma_wait3A_31 : memref<6400xi32, #tpu.memory_space<hbm>>) dst(%arg8 : memref<6400xi32, #tpu.memory_space<vmem>>)
      tpu.yield
    }) : () -> ()
    "tpu.region"() ({
      %run_scoped3A = tpu.sem_alloc : memref<!tpu.dma_semaphore, #tpu.memory_space<semaphore_mem>>
      tpu.enqueue_dma source(%arg5 : memref<12x64xf32, #tpu.memory_space<hbm>>) target(%arg9 : memref<12x64xf32, #tpu.memory_space<vmem>>) target_semaphore(%run_scoped3A : memref<!tpu.dma_semaphore, #tpu.memory_space<semaphore_mem>>)
      tpu.wait_dma2 semaphore(%run_scoped3A : memref<!tpu.dma_semaphore, #tpu.memory_space<semaphore_mem>>) src(%arg5 : memref<12x64xf32, #tpu.memory_space<hbm>>) dst(%arg9 : memref<12x64xf32, #tpu.memory_space<vmem>>)
      tpu.yield
    }) : () -> ()
    %dma_start3A = arith.constant 0 : i32
    %dma_start3A_3 = tpu.memref_slice %arg7[%dma_start3A] : memref<6400xi32, #tpu.memory_space<vmem>> -> memref<400xi32, #tpu.memory_space<vmem>>
    %dma_start3A_4 = arith.constant 0 : i32
    %dma_start3A_5 = arith.constant 0 : i32
    %dma_start3A_6 = tpu.memref_slice %arg4[%dma_start3A_4, %dma_start3A_5] : memref<100000x64xf32, #tpu.memory_space<hbm>> -> memref<100000x64xf32, #tpu.memory_space<hbm>>
    tpu.enqueue_indirect_dma source(%dma_start3A_6 : memref<100000x64xf32, #tpu.memory_space<hbm>>) target(%arg10 : memref<400x64xf32, #tpu.memory_space<vmem>>) offsets(%dma_start3A_3 : memref<400xi32, #tpu.memory_space<vmem>>) semaphore(%arg14 : memref<!tpu.dma_semaphore, #tpu.memory_space<semaphore_mem>>)
    %dma_start3A_7 = arith.constant 400 : i32
    %dma_start3A_8 = tpu.memref_slice %arg7[%dma_start3A_7] : memref<6400xi32, #tpu.memory_space<vmem>> -> memref<400xi32, #tpu.memory_space<vmem>>
    %dma_start3A_9 = arith.constant 0 : i32
    %dma_start3A_10 = arith.constant 0 : i32
    %dma_start3A_11 = tpu.memref_slice %arg4[%dma_start3A_9, %dma_start3A_10] : memref<100000x64xf32, #tpu.memory_space<hbm>> -> memref<100000x64xf32, #tpu.memory_space<hbm>>
    tpu.enqueue_indirect_dma source(%dma_start3A_11 : memref<100000x64xf32, #tpu.memory_space<hbm>>) target(%arg11 : memref<400x64xf32, #tpu.memory_space<vmem>>) offsets(%dma_start3A_8 : memref<400xi32, #tpu.memory_space<vmem>>) semaphore(%arg15 : memref<!tpu.dma_semaphore, #tpu.memory_space<semaphore_mem>>)
    %scan3A = arith.constant 0 : i32
    %scan3A_12 = arith.constant 0 : i32
    %scan3A_13 = arith.constant 8 : i32
    %scan3A_14 = arith.addi %scan3A_12, %scan3A_13 : i32
    %scan3A_15 = arith.constant 1 : i32
    scf.for %scan3A_28 = %scan3A_12 to %scan3A_14 step %scan3A_15  : i32 {
      %mul3A_29 = arith.constant 2 : i32
      %mul3A_30 = arith.muli %scan3A_28, %mul3A_29 : i32
      %add3A_31 = arith.constant 0 : i32
      %add3A_32 = arith.addi %mul3A_30, %add3A_31 : i32
      %mul3A_33 = arith.constant 400 : i32
      %mul3A_34 = arith.muli %add3A_32, %mul3A_33 : i32
      %dma_wait3A_35 = tpu.memref_slice %arg7[%mul3A_34] : memref<6400xi32, #tpu.memory_space<vmem>> -> memref<400xi32, #tpu.memory_space<vmem>>
      %dma_wait3A_36 = arith.constant 0 : i32
      %dma_wait3A_37 = arith.constant 0 : i32
      %dma_wait3A_38 = tpu.memref_slice %arg4[%dma_wait3A_36, %dma_wait3A_37] : memref<100000x64xf32, #tpu.memory_space<hbm>> -> memref<100000x64xf32, #tpu.memory_space<hbm>>
      tpu.wait_indirect_dma semaphore(%arg14 : memref<!tpu.dma_semaphore, #tpu.memory_space<semaphore_mem>>) src(%dma_wait3A_38 : memref<100000x64xf32, #tpu.memory_space<hbm>>) dst(%arg10 : memref<400x64xf32, #tpu.memory_space<vmem>>)
      %ge3A = arith.constant 1 : i32
      %ge3A_39 = arith.cmpi sge, %scan3A_28, %ge3A : i32
      %convert_element_type3A = arith.extui %ge3A_39 : i1 to i32
      %cond3A = arith.constant 0 : i32
      %cond3A_40 = arith.cmpi ne, %convert_element_type3A, %cond3A : i32
      scf.if %cond3A_40 {
        %add3A_80 = arith.addi %mul3A_2, %mul3A_34 : i32
        %dma_wait3A_81 = arith.constant 0 : i32
        %dma_wait3A_82 = tpu.memref_slice %arg6[%add3A_80, %dma_wait3A_81] : memref<204800x64xf32, #tpu.memory_space<hbm>> -> memref<400x64xf32, #tpu.memory_space<hbm>>
        %dma_wait3A_83 = arith.constant 0 : i32
        %dma_wait3A_84 = tpu.memref_slice %arg6[%add3A_80, %dma_wait3A_83] : memref<204800x64xf32, #tpu.memory_space<hbm>> -> memref<400x64xf32, #tpu.memory_space<hbm>>
        tpu.wait_dma2 semaphore(%arg16 : memref<!tpu.dma_semaphore, #tpu.memory_space<semaphore_mem>>) src(%arg12 : memref<400x64xf32, #tpu.memory_space<vmem>>) dst(%dma_wait3A_84 : memref<400x64xf32, #tpu.memory_space<hbm>>)
      } else {
      }
      %parallel_loop3A = arith.constant 0 : i32
      %parallel_loop3A_41 = arith.constant 400 : i32
      %parallel_loop3A_42 = arith.constant 16 : i32
      scf.for %parallel_loop3A_80 = %parallel_loop3A to %parallel_loop3A_41 step %parallel_loop3A_42  : i32 {
        %parallel_loop3A_81 = arith.addi %mul3A_34, %parallel_loop3A_80 : i32
        %parallel_loop3A_82 = arith.index_cast %parallel_loop3A_81 : i32 to index
        %parallel_loop3A_83 = tpu.vector_load %arg8[%parallel_loop3A_82] {strides = array<i32>} : memref<6400xi32, #tpu.memory_space<vmem>>, vector<16xi32>,
        %parallel_loop3A_84 = vector.shape_cast %parallel_loop3A_83 : vector<16xi32> to vector<16xi32>
        %parallel_loop3A_85 = vector.extract_strided_slice %parallel_loop3A_84 {offsets = [0], sizes = [1], strides = [1]} : vector<16xi32> to vector<1xi32>
        %parallel_loop3A_86 = vector.extract %parallel_loop3A_85[0] : i32 from vector<1xi32>
        %parallel_loop3A_87 = arith.constant 0 : i32
        %parallel_loop3A_88 = arith.addi %parallel_loop3A_80, %parallel_loop3A_87 : i32
        %parallel_loop3A_89 = arith.index_cast %parallel_loop3A_88 : i32 to index
        %parallel_loop3A_90 = arith.constant 0 : index
        %parallel_loop3A_91 = tpu.vector_load %arg10[%parallel_loop3A_89, %parallel_loop3A_90] {strides = array<i32>} : memref<400x64xf32, #tpu.memory_space<vmem>>, vector<1x16xf32>,
        %parallel_loop3A_92 = vector.shape_cast %parallel_loop3A_91 : vector<1x16xf32> to vector<16xf32>
        %parallel_loop3A_93 = arith.index_cast %parallel_loop3A_86 : i32 to index
        %parallel_loop3A_94 = arith.constant 0 : index
        %parallel_loop3A_95 = tpu.vector_load %arg9[%parallel_loop3A_93, %parallel_loop3A_94] {strides = array<i32>} : memref<12x64xf32, #tpu.memory_space<vmem>>, vector<1x16xf32>,
        %parallel_loop3A_96 = vector.shape_cast %parallel_loop3A_95 : vector<1x16xf32> to vector<16xf32>
        %parallel_loop3A_97 = arith.addf %parallel_loop3A_92, %parallel_loop3A_96 : vector<16xf32>
        %parallel_loop3A_98 = arith.constant 0 : i32
        %parallel_loop3A_99 = arith.addi %parallel_loop3A_80, %parallel_loop3A_98 : i32
        %parallel_loop3A_100 = arith.index_cast %parallel_loop3A_99 : i32 to index
        %parallel_loop3A_101 = arith.constant 0 : index
        %parallel_loop3A_102 = tpu.vector_load %arg12[%parallel_loop3A_100, %parallel_loop3A_101] {strides = array<i32>} : memref<400x64xf32, #tpu.memory_space<vmem>>, vector<1x16xf32>,
        %parallel_loop3A_103 = vector.shape_cast %parallel_loop3A_102 : vector<1x16xf32> to vector<16xf32>
        %parallel_loop3A_104 = vector.shape_cast %parallel_loop3A_97 : vector<16xf32> to vector<1x16xf32>
        tpu.vector_store %arg12[%parallel_loop3A_100, %parallel_loop3A_101], %parallel_loop3A_104 {strides = array<i32>} : memref<400x64xf32, #tpu.memory_space<vmem>>, vector<1x16xf32>,
        %parallel_loop3A_105 = arith.constant 0 : i32
        %parallel_loop3A_106 = arith.addi %parallel_loop3A_80, %parallel_loop3A_105 : i32
        %parallel_loop3A_107 = arith.index_cast %parallel_loop3A_106 : i32 to index
        %parallel_loop3A_108 = arith.constant 16 : index
        %parallel_loop3A_109 = tpu.vector_load %arg10[%parallel_loop3A_107, %parallel_loop3A_108] {strides = array<i32>} : memref<400x64xf32, #tpu.memory_space<vmem>>, vector<1x16xf32>,
        %parallel_loop3A_110 = vector.shape_cast %parallel_loop3A_109 : vector<1x16xf32> to vector<16xf32>
        %parallel_loop3A_111 = arith.index_cast %parallel_loop3A_86 : i32 to index
        %parallel_loop3A_112 = arith.constant 16 : index
        %parallel_loop3A_113 = tpu.vector_load %arg9[%parallel_loop3A_111, %parallel_loop3A_112] {strides = array<i32>} : memref<12x64xf32, #tpu.memory_space<vmem>>, vector<1x16xf32>,
        %parallel_loop3A_114 = vector.shape_cast %parallel_loop3A_113 : vector<1x16xf32> to vector<16xf32>
        %parallel_loop3A_115 = arith.addf %parallel_loop3A_110, %parallel_loop3A_114 : vector<16xf32>
        %parallel_loop3A_116 = arith.constant 0 : i32
        %parallel_loop3A_117 = arith.addi %parallel_loop3A_80, %parallel_loop3A_116 : i32
        %parallel_loop3A_118 = arith.index_cast %parallel_loop3A_117 : i32 to index
        %parallel_loop3A_119 = arith.constant 16 : index
        %parallel_loop3A_120 = tpu.vector_load %arg12[%parallel_loop3A_118, %parallel_loop3A_119] {strides = array<i32>} : memref<400x64xf32, #tpu.memory_space<vmem>>, vector<1x16xf32>,
        %parallel_loop3A_121 = vector.shape_cast %parallel_loop3A_120 : vector<1x16xf32> to vector<16xf32>
        %parallel_loop3A_122 = vector.shape_cast %parallel_loop3A_115 : vector<16xf32> to vector<1x16xf32>
        tpu.vector_store %arg12[%parallel_loop3A_118, %parallel_loop3A_119], %parallel_loop3A_122 {strides = array<i32>} : memref<400x64xf32, #tpu.memory_space<vmem>>, vector<1x16xf32>,
        %parallel_loop3A_123 = arith.constant 0 : i32
        %parallel_loop3A_124 = arith.addi %parallel_loop3A_80, %parallel_loop3A_123 : i32
        %parallel_loop3A_125 = arith.index_cast %parallel_loop3A_124 : i32 to index
        %parallel_loop3A_126 = arith.constant 32 : index
        %parallel_loop3A_127 = tpu.vector_load %arg10[%parallel_loop3A_125, %parallel_loop3A_126] {strides = array<i32>} : memref<400x64xf32, #tpu.memory_space<vmem>>, vector<1x16xf32>,
        %parallel_loop3A_128 = vector.shape_cast %parallel_loop3A_127 : vector<1x16xf32> to vector<16xf32>
        %parallel_loop3A_129 = arith.index_cast %parallel_loop3A_86 : i32 to index
        %parallel_loop3A_130 = arith.constant 32 : index
        %parallel_loop3A_131 = tpu.vector_load %arg9[%parallel_loop3A_129, %parallel_loop3A_130] {strides = array<i32>} : memref<12x64xf32, #tpu.memory_space<vmem>>, vector<1x16xf32>,
        %parallel_loop3A_132 = vector.shape_cast %parallel_loop3A_131 : vector<1x16xf32> to vector<16xf32>
        %parallel_loop3A_133 = arith.addf %parallel_loop3A_128, %parallel_loop3A_132 : vector<16xf32>
        %parallel_loop3A_134 = arith.constant 0 : i32
        %parallel_loop3A_135 = arith.addi %parallel_loop3A_80, %parallel_loop3A_134 : i32
        %parallel_loop3A_136 = arith.index_cast %parallel_loop3A_135 : i32 to index
        %parallel_loop3A_137 = arith.constant 32 : index
        %parallel_loop3A_138 = tpu.vector_load %arg12[%parallel_loop3A_136, %parallel_loop3A_137] {strides = array<i32>} : memref<400x64xf32, #tpu.memory_space<vmem>>, vector<1x16xf32>,
        %parallel_loop3A_139 = vector.shape_cast %parallel_loop3A_138 : vector<1x16xf32> to vector<16xf32>
        %parallel_loop3A_140 = vector.shape_cast %parallel_loop3A_133 : vector<16xf32> to vector<1x16xf32>
        tpu.vector_store %arg12[%parallel_loop3A_136, %parallel_loop3A_137], %parallel_loop3A_140 {strides = array<i32>} : memref<400x64xf32, #tpu.memory_space<vmem>>, vector<1x16xf32>,
        %parallel_loop3A_141 = arith.constant 0 : i32
        %parallel_loop3A_142 = arith.addi %parallel_loop3A_80, %parallel_loop3A_141 : i32
        %parallel_loop3A_143 = arith.index_cast %parallel_loop3A_142 : i32 to index
        %parallel_loop3A_144 = arith.constant 48 : index
        %parallel_loop3A_145 = tpu.vector_load %arg10[%parallel_loop3A_143, %parallel_loop3A_144] {strides = array<i32>} : memref<400x64xf32, #tpu.memory_space<vmem>>, vector<1x16xf32>,
        %parallel_loop3A_146 = vector.shape_cast %parallel_loop3A_145 : vector<1x16xf32> to vector<16xf32>
        %parallel_loop3A_147 = arith.index_cast %parallel_loop3A_86 : i32 to index
        %parallel_loop3A_148 = arith.constant 48 : index
        %parallel_loop3A_149 = tpu.vector_load %arg9[%parallel_loop3A_147, %parallel_loop3A_148] {strides = array<i32>} : memref<12x64xf32, #tpu.memory_space<vmem>>, vector<1x16xf32>,
        %parallel_loop3A_150 = vector.shape_cast %parallel_loop3A_149 : vector<1x16xf32> to vector<16xf32>
        %parallel_loop3A_151 = arith.addf %parallel_loop3A_146, %parallel_loop3A_150 : vector<16xf32>
        %parallel_loop3A_152 = arith.constant 0 : i32
        %parallel_loop3A_153 = arith.addi %parallel_loop3A_80, %parallel_loop3A_152 : i32
        %parallel_loop3A_154 = arith.index_cast %parallel_loop3A_153 : i32 to index
        %parallel_loop3A_155 = arith.constant 48 : index
        %parallel_loop3A_156 = tpu.vector_load %arg12[%parallel_loop3A_154, %parallel_loop3A_155] {strides = array<i32>} : memref<400x64xf32, #tpu.memory_space<vmem>>, vector<1x16xf32>,
        %parallel_loop3A_157 = vector.shape_cast %parallel_loop3A_156 : vector<1x16xf32> to vector<16xf32>
        %parallel_loop3A_158 = vector.shape_cast %parallel_loop3A_151 : vector<16xf32> to vector<1x16xf32>
        tpu.vector_store %arg12[%parallel_loop3A_154, %parallel_loop3A_155], %parallel_loop3A_158 {strides = array<i32>} : memref<400x64xf32, #tpu.memory_space<vmem>>, vector<1x16xf32>,
        %parallel_loop3A_159 = vector.extract_strided_slice %parallel_loop3A_84 {offsets = [1], sizes = [1], strides = [1]} : vector<16xi32> to vector<1xi32>
        %parallel_loop3A_160 = vector.extract %parallel_loop3A_159[0] : i32 from vector<1xi32>
        %parallel_loop3A_161 = arith.constant 1 : i32
        %parallel_loop3A_162 = arith.addi %parallel_loop3A_80, %parallel_loop3A_161 : i32
        %parallel_loop3A_163 = arith.index_cast %parallel_loop3A_162 : i32 to index
        %parallel_loop3A_164 = arith.constant 0 : index
        %parallel_loop3A_165 = tpu.vector_load %arg10[%parallel_loop3A_163, %parallel_loop3A_164] {strides = array<i32>} : memref<400x64xf32, #tpu.memory_space<vmem>>, vector<1x16xf32>,
        %parallel_loop3A_166 = vector.shape_cast %parallel_loop3A_165 : vector<1x16xf32> to vector<16xf32>
        %parallel_loop3A_167 = arith.index_cast %parallel_loop3A_160 : i32 to index
        %parallel_loop3A_168 = arith.constant 0 : index
        %parallel_loop3A_169 = tpu.vector_load %arg9[%parallel_loop3A_167, %parallel_loop3A_168] {strides = array<i32>} : memref<12x64xf32, #tpu.memory_space<vmem>>, vector<1x16xf32>,
        %parallel_loop3A_170 = vector.shape_cast %parallel_loop3A_169 : vector<1x16xf32> to vector<16xf32>
        %parallel_loop3A_171 = arith.addf %parallel_loop3A_166, %parallel_loop3A_170 : vector<16xf32>
        %parallel_loop3A_172 = arith.constant 1 : i32
        %parallel_loop3A_173 = arith.addi %parallel_loop3A_80, %parallel_loop3A_172 : i32
        %parallel_loop3A_174 = arith.index_cast %parallel_loop3A_173 : i32 to index
        %parallel_loop3A_175 = arith.constant 0 : index
        %parallel_loop3A_176 = tpu.vector_load %arg12[%parallel_loop3A_174, %parallel_loop3A_175] {strides = array<i32>} : memref<400x64xf32, #tpu.memory_space<vmem>>, vector<1x16xf32>,
        %parallel_loop3A_177 = vector.shape_cast %parallel_loop3A_176 : vector<1x16xf32> to vector<16xf32>
        %parallel_loop3A_178 = vector.shape_cast %parallel_loop3A_171 : vector<16xf32> to vector<1x16xf32>
        tpu.vector_store %arg12[%parallel_loop3A_174, %parallel_loop3A_175], %parallel_loop3A_178 {strides = array<i32>} : memref<400x64xf32, #tpu.memory_space<vmem>>, vector<1x16xf32>,
        %parallel_loop3A_179 = arith.constant 1 : i32
        %parallel_loop3A_180 = arith.addi %parallel_loop3A_80, %parallel_loop3A_179 : i32
        %parallel_loop3A_181 = arith.index_cast %parallel_loop3A_180 : i32 to index
        %parallel_loop3A_182 = arith.constant 16 : index
        %parallel_loop3A_183 = tpu.vector_load %arg10[%parallel_loop3A_181, %parallel_loop3A_182] {strides = array<i32>} : memref<400x64xf32, #tpu.memory_space<vmem>>, vector<1x16xf32>,
        %parallel_loop3A_184 = vector.shape_cast %parallel_loop3A_183 : vector<1x16xf32> to vector<16xf32>
        %parallel_loop3A_185 = arith.index_cast %parallel_loop3A_160 : i32 to index
        %parallel_loop3A_186 = arith.constant 16 : index
        %parallel_loop3A_187 = tpu.vector_load %arg9[%parallel_loop3A_185, %parallel_loop3A_186] {strides = array<i32>} : memref<12x64xf32, #tpu.memory_space<vmem>>, vector<1x16xf32>,
        %parallel_loop3A_188 = vector.shape_cast %parallel_loop3A_187 : vector<1x16xf32> to vector<16xf32>
        %parallel_loop3A_189 = arith.addf %parallel_loop3A_184, %parallel_loop3A_188 : vector<16xf32>
        %parallel_loop3A_190 = arith.constant 1 : i32
        %parallel_loop3A_191 = arith.addi %parallel_loop3A_80, %parallel_loop3A_190 : i32
        %parallel_loop3A_192 = arith.index_cast %parallel_loop3A_191 : i32 to index
        %parallel_loop3A_193 = arith.constant 16 : index
        %parallel_loop3A_194 = tpu.vector_load %arg12[%parallel_loop3A_192, %parallel_loop3A_193] {strides = array<i32>} : memref<400x64xf32, #tpu.memory_space<vmem>>, vector<1x16xf32>,
        %parallel_loop3A_195 = vector.shape_cast %parallel_loop3A_194 : vector<1x16xf32> to vector<16xf32>
        %parallel_loop3A_196 = vector.shape_cast %parallel_loop3A_189 : vector<16xf32> to vector<1x16xf32>
        tpu.vector_store %arg12[%parallel_loop3A_192, %parallel_loop3A_193], %parallel_loop3A_196 {strides = array<i32>} : memref<400x64xf32, #tpu.memory_space<vmem>>, vector<1x16xf32>,
        %parallel_loop3A_197 = arith.constant 1 : i32
        %parallel_loop3A_198 = arith.addi %parallel_loop3A_80, %parallel_loop3A_197 : i32
        %parallel_loop3A_199 = arith.index_cast %parallel_loop3A_198 : i32 to index
        %parallel_loop3A_200 = arith.constant 32 : index
        %parallel_loop3A_201 = tpu.vector_load %arg10[%parallel_loop3A_199, %parallel_loop3A_200] {strides = array<i32>} : memref<400x64xf32, #tpu.memory_space<vmem>>, vector<1x16xf32>,
        %parallel_loop3A_202 = vector.shape_cast %parallel_loop3A_201 : vector<1x16xf32> to vector<16xf32>
        %parallel_loop3A_203 = arith.index_cast %parallel_loop3A_160 : i32 to index
        %parallel_loop3A_204 = arith.constant 32 : index
        %parallel_loop3A_205 = tpu.vector_load %arg9[%parallel_loop3A_203, %parallel_loop3A_204] {strides = array<i32>} : memref<12x64xf32, #tpu.memory_space<vmem>>, vector<1x16xf32>,
        %parallel_loop3A_206 = vector.shape_cast %parallel_loop3A_205 : vector<1x16xf32> to vector<16xf32>
        %parallel_loop3A_207 = arith.addf %parallel_loop3A_202, %parallel_loop3A_206 : vector<16xf32>
        %parallel_loop3A_208 = arith.constant 1 : i32
        %parallel_loop3A_209 = arith.addi %parallel_loop3A_80, %parallel_loop3A_208 : i32
        %parallel_loop3A_210 = arith.index_cast %parallel_loop3A_209 : i32 to index
        %parallel_loop3A_211 = arith.constant 32 : index
        %parallel_loop3A_212 = tpu.vector_load %arg12[%parallel_loop3A_210, %parallel_loop3A_211] {strides = array<i32>} : memref<400x64xf32, #tpu.memory_space<vmem>>, vector<1x16xf32>,
        %parallel_loop3A_213 = vector.shape_cast %parallel_loop3A_212 : vector<1x16xf32> to vector<16xf32>
        %parallel_loop3A_214 = vector.shape_cast %parallel_loop3A_207 : vector<16xf32> to vector<1x16xf32>
        tpu.vector_store %arg12[%parallel_loop3A_210, %parallel_loop3A_211], %parallel_loop3A_214 {strides = array<i32>} : memref<400x64xf32, #tpu.memory_space<vmem>>, vector<1x16xf32>,
        %parallel_loop3A_215 = arith.constant 1 : i32
        %parallel_loop3A_216 = arith.addi %parallel_loop3A_80, %parallel_loop3A_215 : i32
        %parallel_loop3A_217 = arith.index_cast %parallel_loop3A_216 : i32 to index
        %parallel_loop3A_218 = arith.constant 48 : index
        %parallel_loop3A_219 = tpu.vector_load %arg10[%parallel_loop3A_217, %parallel_loop3A_218] {strides = array<i32>} : memref<400x64xf32, #tpu.memory_space<vmem>>, vector<1x16xf32>,
        %parallel_loop3A_220 = vector.shape_cast %parallel_loop3A_219 : vector<1x16xf32> to vector<16xf32>
        %parallel_loop3A_221 = arith.index_cast %parallel_loop3A_160 : i32 to index
        %parallel_loop3A_222 = arith.constant 48 : index
        %parallel_loop3A_223 = tpu.vector_load %arg9[%parallel_loop3A_221, %parallel_loop3A_222] {strides = array<i32>} : memref<12x64xf32, #tpu.memory_space<vmem>>, vector<1x16xf32>,
        %parallel_loop3A_224 = vector.shape_cast %parallel_loop3A_223 : vector<1x16xf32> to vector<16xf32>
        %parallel_loop3A_225 = arith.addf %parallel_loop3A_220, %parallel_loop3A_224 : vector<16xf32>
        %parallel_loop3A_226 = arith.constant 1 : i32
        %parallel_loop3A_227 = arith.addi %parallel_loop3A_80, %parallel_loop3A_226 : i32
        %parallel_loop3A_228 = arith.index_cast %parallel_loop3A_227 : i32 to index
        %parallel_loop3A_229 = arith.constant 48 : index
        %parallel_loop3A_230 = tpu.vector_load %arg12[%parallel_loop3A_228, %parallel_loop3A_229] {strides = array<i32>} : memref<400x64xf32, #tpu.memory_space<vmem>>, vector<1x16xf32>,
        %parallel_loop3A_231 = vector.shape_cast %parallel_loop3A_230 : vector<1x16xf32> to vector<16xf32>
        %parallel_loop3A_232 = vector.shape_cast %parallel_loop3A_225 : vector<16xf32> to vector<1x16xf32>
        tpu.vector_store %arg12[%parallel_loop3A_228, %parallel_loop3A_229], %parallel_loop3A_232 {strides = array<i32>} : memref<400x64xf32, #tpu.memory_space<vmem>>, vector<1x16xf32>,
        %parallel_loop3A_233 = vector.extract_strided_slice %parallel_loop3A_84 {offsets = [2], sizes = [1], strides = [1]} : vector<16xi32> to vector<1xi32>
        %parallel_loop3A_234 = vector.extract %parallel_loop3A_233[0] : i32 from vector<1xi32>
        %parallel_loop3A_235 = arith.constant 2 : i32
        %parallel_loop3A_236 = arith.addi %parallel_loop3A_80, %parallel_loop3A_235 : i32
        %parallel_loop3A_237 = arith.index_cast %parallel_loop3A_236 : i32 to index
        %parallel_loop3A_238 = arith.constant 0 : index
        %parallel_loop3A_239 = tpu.vector_load %arg10[%parallel_loop3A_237, %parallel_loop3A_238] {strides = array<i32>} : memref<400x64xf32, #tpu.memory_space<vmem>>, vector<1x16xf32>,
        %parallel_loop3A_240 = vector.shape_cast %parallel_loop3A_239 : vector<1x16xf32> to vector<16xf32>
        %parallel_loop3A_241 = arith.index_cast %parallel_loop3A_234 : i32 to index
        %parallel_loop3A_242 = arith.constant 0 : index
        %parallel_loop3A_243 = tpu.vector_load %arg9[%parallel_loop3A_241, %parallel_loop3A_242] {strides = array<i32>} : memref<12x64xf32, #tpu.memory_space<vmem>>, vector<1x16xf32>,
        %parallel_loop3A_244 = vector.shape_cast %parallel_loop3A_243 : vector<1x16xf32> to vector<16xf32>
        %parallel_loop3A_245 = arith.addf %parallel_loop3A_240, %parallel_loop3A_244 : vector<16xf32>
        %parallel_loop3A_246 = arith.constant 2 : i32
        %parallel_loop3A_247 = arith.addi %parallel_loop3A_80, %parallel_loop3A_246 : i32
        %parallel_loop3A_248 = arith.index_cast %parallel_loop3A_247 : i32 to index
        %parallel_loop3A_249 = arith.constant 0 : index
        %parallel_loop3A_250 = tpu.vector_load %arg12[%parallel_loop3A_248, %parallel_loop3A_249] {strides = array<i32>} : memref<400x64xf32, #tpu.memory_space<vmem>>, vector<1x16xf32>,
        %parallel_loop3A_251 = vector.shape_cast %parallel_loop3A_250 : vector<1x16xf32> to vector<16xf32>
        %parallel_loop3A_252 = vector.shape_cast %parallel_loop3A_245 : vector<16xf32> to vector<1x16xf32>
        tpu.vector_store %arg12[%parallel_loop3A_248, %parallel_loop3A_249], %parallel_loop3A_252 {strides = array<i32>} : memref<400x64xf32, #tpu.memory_space<vmem>>, vector<1x16xf32>,
        %parallel_loop3A_253 = arith.constant 2 : i32
        %parallel_loop3A_254 = arith.addi %parallel_loop3A_80, %parallel_loop3A_253 : i32
        %parallel_loop3A_255 = arith.index_cast %parallel_loop3A_254 : i32 to index
        %parallel_loop3A_256 = arith.constant 16 : index
        %parallel_loop3A_257 = tpu.vector_load %arg10[%parallel_loop3A_255, %parallel_loop3A_256] {strides = array<i32>} : memref<400x64xf32, #tpu.memory_space<vmem>>, vector<1x16xf32>,
        %parallel_loop3A_258 = vector.shape_cast %parallel_loop3A_257 : vector<1x16xf32> to vector<16xf32>
        %parallel_loop3A_259 = arith.index_cast %parallel_loop3A_234 : i32 to index
        %parallel_loop3A_260 = arith.constant 16 : index
        %parallel_loop3A_261 = tpu.vector_load %arg9[%parallel_loop3A_259, %parallel_loop3A_260] {strides = array<i32>} : memref<12x64xf32, #tpu.memory_space<vmem>>, vector<1x16xf32>,
        %parallel_loop3A_262 = vector.shape_cast %parallel_loop3A_261 : vector<1x16xf32> to vector<16xf32>
        %parallel_loop3A_263 = arith.addf %parallel_loop3A_258, %parallel_loop3A_262 : vector<16xf32>
        %parallel_loop3A_264 = arith.constant 2 : i32
        %parallel_loop3A_265 = arith.addi %parallel_loop3A_80, %parallel_loop3A_264 : i32
        %parallel_loop3A_266 = arith.index_cast %parallel_loop3A_265 : i32 to index
        %parallel_loop3A_267 = arith.constant 16 : index
        %parallel_loop3A_268 = tpu.vector_load %arg12[%parallel_loop3A_266, %parallel_loop3A_267] {strides = array<i32>} : memref<400x64xf32, #tpu.memory_space<vmem>>, vector<1x16xf32>,
        %parallel_loop3A_269 = vector.shape_cast %parallel_loop3A_268 : vector<1x16xf32> to vector<16xf32>
        %parallel_loop3A_270 = vector.shape_cast %parallel_loop3A_263 : vector<16xf32> to vector<1x16xf32>
        tpu.vector_store %arg12[%parallel_loop3A_266, %parallel_loop3A_267], %parallel_loop3A_270 {strides = array<i32>} : memref<400x64xf32, #tpu.memory_space<vmem>>, vector<1x16xf32>,
        %parallel_loop3A_271 = arith.constant 2 : i32
        %parallel_loop3A_272 = arith.addi %parallel_loop3A_80, %parallel_loop3A_271 : i32
        %parallel_loop3A_273 = arith.index_cast %parallel_loop3A_272 : i32 to index
        %parallel_loop3A_274 = arith.constant 32 : index
        %parallel_loop3A_275 = tpu.vector_load %arg10[%parallel_loop3A_273, %parallel_loop3A_274] {strides = array<i32>} : memref<400x64xf32, #tpu.memory_space<vmem>>, vector<1x16xf32>,
        %parallel_loop3A_276 = vector.shape_cast %parallel_loop3A_275 : vector<1x16xf32> to vector<16xf32>
        %parallel_loop3A_277 = arith.index_cast %parallel_loop3A_234 : i32 to index
        %parallel_loop3A_278 = arith.constant 32 : index
        %parallel_loop3A_279 = tpu.vector_load %arg9[%parallel_loop3A_277, %parallel_loop3A_278] {strides = array<i32>} : memref<12x64xf32, #tpu.memory_space<vmem>>, vector<1x16xf32>,
        %parallel_loop3A_280 = vector.shape_cast %parallel_loop3A_279 : vector<1x16xf32> to vector<16xf32>
        %parallel_loop3A_281 = arith.addf %parallel_loop3A_276, %parallel_loop3A_280 : vector<16xf32>
        %parallel_loop3A_282 = arith.constant 2 : i32
        %parallel_loop3A_283 = arith.addi %parallel_loop3A_80, %parallel_loop3A_282 : i32
        %parallel_loop3A_284 = arith.index_cast %parallel_loop3A_283 : i32 to index
        %parallel_loop3A_285 = arith.constant 32 : index
        %parallel_loop3A_286 = tpu.vector_load %arg12[%parallel_loop3A_284, %parallel_loop3A_285] {strides = array<i32>} : memref<400x64xf32, #tpu.memory_space<vmem>>, vector<1x16xf32>,
        %parallel_loop3A_287 = vector.shape_cast %parallel_loop3A_286 : vector<1x16xf32> to vector<16xf32>
        %parallel_loop3A_288 = vector.shape_cast %parallel_loop3A_281 : vector<16xf32> to vector<1x16xf32>
        tpu.vector_store %arg12[%parallel_loop3A_284, %parallel_loop3A_285], %parallel_loop3A_288 {strides = array<i32>} : memref<400x64xf32, #tpu.memory_space<vmem>>, vector<1x16xf32>,
        %parallel_loop3A_289 = arith.constant 2 : i32
        %parallel_loop3A_290 = arith.addi %parallel_loop3A_80, %parallel_loop3A_289 : i32
        %parallel_loop3A_291 = arith.index_cast %parallel_loop3A_290 : i32 to index
        %parallel_loop3A_292 = arith.constant 48 : index
        %parallel_loop3A_293 = tpu.vector_load %arg10[%parallel_loop3A_291, %parallel_loop3A_292] {strides = array<i32>} : memref<400x64xf32, #tpu.memory_space<vmem>>, vector<1x16xf32>,
        %parallel_loop3A_294 = vector.shape_cast %parallel_loop3A_293 : vector<1x16xf32> to vector<16xf32>
        %parallel_loop3A_295 = arith.index_cast %parallel_loop3A_234 : i32 to index
        %parallel_loop3A_296 = arith.constant 48 : index
        %parallel_loop3A_297 = tpu.vector_load %arg9[%parallel_loop3A_295, %parallel_loop3A_296] {strides = array<i32>} : memref<12x64xf32, #tpu.memory_space<vmem>>, vector<1x16xf32>,
        %parallel_loop3A_298 = vector.shape_cast %parallel_loop3A_297 : vector<1x16xf32> to vector<16xf32>
        %parallel_loop3A_299 = arith.addf %parallel_loop3A_294, %parallel_loop3A_298 : vector<16xf32>
        %parallel_loop3A_300 = arith.constant 2 : i32
        %parallel_loop3A_301 = arith.addi %parallel_loop3A_80, %parallel_loop3A_300 : i32
        %parallel_loop3A_302 = arith.index_cast %parallel_loop3A_301 : i32 to index
        %parallel_loop3A_303 = arith.constant 48 : index
        %parallel_loop3A_304 = tpu.vector_load %arg12[%parallel_loop3A_302, %parallel_loop3A_303] {strides = array<i32>} : memref<400x64xf32, #tpu.memory_space<vmem>>, vector<1x16xf32>,
        %parallel_loop3A_305 = vector.shape_cast %parallel_loop3A_304 : vector<1x16xf32> to vector<16xf32>
        %parallel_loop3A_306 = vector.shape_cast %parallel_loop3A_299 : vector<16xf32> to vector<1x16xf32>
        tpu.vector_store %arg12[%parallel_loop3A_302, %parallel_loop3A_303], %parallel_loop3A_306 {strides = array<i32>} : memref<400x64xf32, #tpu.memory_space<vmem>>, vector<1x16xf32>,
        %parallel_loop3A_307 = vector.extract_strided_slice %parallel_loop3A_84 {offsets = [3], sizes = [1], strides = [1]} : vector<16xi32> to vector<1xi32>
        %parallel_loop3A_308 = vector.extract %parallel_loop3A_307[0] : i32 from vector<1xi32>
        %parallel_loop3A_309 = arith.constant 3 : i32
        %parallel_loop3A_310 = arith.addi %parallel_loop3A_80, %parallel_loop3A_309 : i32
        %parallel_loop3A_311 = arith.index_cast %parallel_loop3A_310 : i32 to index
        %parallel_loop3A_312 = arith.constant 0 : index
        %parallel_loop3A_313 = tpu.vector_load %arg10[%parallel_loop3A_311, %parallel_loop3A_312] {strides = array<i32>} : memref<400x64xf32, #tpu.memory_space<vmem>>, vector<1x16xf32>,
        %parallel_loop3A_314 = vector.shape_cast %parallel_loop3A_313 : vector<1x16xf32> to vector<16xf32>
        %parallel_loop3A_315 = arith.index_cast %parallel_loop3A_308 : i32 to index
        %parallel_loop3A_316 = arith.constant 0 : index
        %parallel_loop3A_317 = tpu.vector_load %arg9[%parallel_loop3A_315, %parallel_loop3A_316] {strides = array<i32>} : memref<12x64xf32, #tpu.memory_space<vmem>>, vector<1x16xf32>,
        %parallel_loop3A_318 = vector.shape_cast %parallel_loop3A_317 : vector<1x16xf32> to vector<16xf32>
        %parallel_loop3A_319 = arith.addf %parallel_loop3A_314, %parallel_loop3A_318 : vector<16xf32>
        %parallel_loop3A_320 = arith.constant 3 : i32
        %parallel_loop3A_321 = arith.addi %parallel_loop3A_80, %parallel_loop3A_320 : i32
        %parallel_loop3A_322 = arith.index_cast %parallel_loop3A_321 : i32 to index
        %parallel_loop3A_323 = arith.constant 0 : index
        %parallel_loop3A_324 = tpu.vector_load %arg12[%parallel_loop3A_322, %parallel_loop3A_323] {strides = array<i32>} : memref<400x64xf32, #tpu.memory_space<vmem>>, vector<1x16xf32>,
        %parallel_loop3A_325 = vector.shape_cast %parallel_loop3A_324 : vector<1x16xf32> to vector<16xf32>
        %parallel_loop3A_326 = vector.shape_cast %parallel_loop3A_319 : vector<16xf32> to vector<1x16xf32>
        tpu.vector_store %arg12[%parallel_loop3A_322, %parallel_loop3A_323], %parallel_loop3A_326 {strides = array<i32>} : memref<400x64xf32, #tpu.memory_space<vmem>>, vector<1x16xf32>,
        %parallel_loop3A_327 = arith.constant 3 : i32
        %parallel_loop3A_328 = arith.addi %parallel_loop3A_80, %parallel_loop3A_327 : i32
        %parallel_loop3A_329 = arith.index_cast %parallel_loop3A_328 : i32 to index
        %parallel_loop3A_330 = arith.constant 16 : index
        %parallel_loop3A_331 = tpu.vector_load %arg10[%parallel_loop3A_329, %parallel_loop3A_330] {strides = array<i32>} : memref<400x64xf32, #tpu.memory_space<vmem>>, vector<1x16xf32>,
        %parallel_loop3A_332 = vector.shape_cast %parallel_loop3A_331 : vector<1x16xf32> to vector<16xf32>
        %parallel_loop3A_333 = arith.index_cast %parallel_loop3A_308 : i32 to index
        %parallel_loop3A_334 = arith.constant 16 : index
        %parallel_loop3A_335 = tpu.vector_load %arg9[%parallel_loop3A_333, %parallel_loop3A_334] {strides = array<i32>} : memref<12x64xf32, #tpu.memory_space<vmem>>, vector<1x16xf32>,
        %parallel_loop3A_336 = vector.shape_cast %parallel_loop3A_335 : vector<1x16xf32> to vector<16xf32>
        %parallel_loop3A_337 = arith.addf %parallel_loop3A_332, %parallel_loop3A_336 : vector<16xf32>
        %parallel_loop3A_338 = arith.constant 3 : i32
        %parallel_loop3A_339 = arith.addi %parallel_loop3A_80, %parallel_loop3A_338 : i32
        %parallel_loop3A_340 = arith.index_cast %parallel_loop3A_339 : i32 to index
        %parallel_loop3A_341 = arith.constant 16 : index
        %parallel_loop3A_342 = tpu.vector_load %arg12[%parallel_loop3A_340, %parallel_loop3A_341] {strides = array<i32>} : memref<400x64xf32, #tpu.memory_space<vmem>>, vector<1x16xf32>,
        %parallel_loop3A_343 = vector.shape_cast %parallel_loop3A_342 : vector<1x16xf32> to vector<16xf32>
        %parallel_loop3A_344 = vector.shape_cast %parallel_loop3A_337 : vector<16xf32> to vector<1x16xf32>
        tpu.vector_store %arg12[%parallel_loop3A_340, %parallel_loop3A_341], %parallel_loop3A_344 {strides = array<i32>} : memref<400x64xf32, #tpu.memory_space<vmem>>, vector<1x16xf32>,
        %parallel_loop3A_345 = arith.constant 3 : i32
        %parallel_loop3A_346 = arith.addi %parallel_loop3A_80, %parallel_loop3A_345 : i32
        %parallel_loop3A_347 = arith.index_cast %parallel_loop3A_346 : i32 to index
        %parallel_loop3A_348 = arith.constant 32 : index
        %parallel_loop3A_349 = tpu.vector_load %arg10[%parallel_loop3A_347, %parallel_loop3A_348] {strides = array<i32>} : memref<400x64xf32, #tpu.memory_space<vmem>>, vector<1x16xf32>,
        %parallel_loop3A_350 = vector.shape_cast %parallel_loop3A_349 : vector<1x16xf32> to vector<16xf32>
        %parallel_loop3A_351 = arith.index_cast %parallel_loop3A_308 : i32 to index
        %parallel_loop3A_352 = arith.constant 32 : index
        %parallel_loop3A_353 = tpu.vector_load %arg9[%parallel_loop3A_351, %parallel_loop3A_352] {strides = array<i32>} : memref<12x64xf32, #tpu.memory_space<vmem>>, vector<1x16xf32>,
        %parallel_loop3A_354 = vector.shape_cast %parallel_loop3A_353 : vector<1x16xf32> to vector<16xf32>
        %parallel_loop3A_355 = arith.addf %parallel_loop3A_350, %parallel_loop3A_354 : vector<16xf32>
        %parallel_loop3A_356 = arith.constant 3 : i32
        %parallel_loop3A_357 = arith.addi %parallel_loop3A_80, %parallel_loop3A_356 : i32
        %parallel_loop3A_358 = arith.index_cast %parallel_loop3A_357 : i32 to index
        %parallel_loop3A_359 = arith.constant 32 : index
        %parallel_loop3A_360 = tpu.vector_load %arg12[%parallel_loop3A_358, %parallel_loop3A_359] {strides = array<i32>} : memref<400x64xf32, #tpu.memory_space<vmem>>, vector<1x16xf32>,
        %parallel_loop3A_361 = vector.shape_cast %parallel_loop3A_360 : vector<1x16xf32> to vector<16xf32>
        %parallel_loop3A_362 = vector.shape_cast %parallel_loop3A_355 : vector<16xf32> to vector<1x16xf32>
        tpu.vector_store %arg12[%parallel_loop3A_358, %parallel_loop3A_359], %parallel_loop3A_362 {strides = array<i32>} : memref<400x64xf32, #tpu.memory_space<vmem>>, vector<1x16xf32>,
        %parallel_loop3A_363 = arith.constant 3 : i32
        %parallel_loop3A_364 = arith.addi %parallel_loop3A_80, %parallel_loop3A_363 : i32
        %parallel_loop3A_365 = arith.index_cast %parallel_loop3A_364 : i32 to index
        %parallel_loop3A_366 = arith.constant 48 : index
        %parallel_loop3A_367 = tpu.vector_load %arg10[%parallel_loop3A_365, %parallel_loop3A_366] {strides = array<i32>} : memref<400x64xf32, #tpu.memory_space<vmem>>, vector<1x16xf32>,
        %parallel_loop3A_368 = vector.shape_cast %parallel_loop3A_367 : vector<1x16xf32> to vector<16xf32>
        %parallel_loop3A_369 = arith.index_cast %parallel_loop3A_308 : i32 to index
        %parallel_loop3A_370 = arith.constant 48 : index
        %parallel_loop3A_371 = tpu.vector_load %arg9[%parallel_loop3A_369, %parallel_loop3A_370] {strides = array<i32>} : memref<12x64xf32, #tpu.memory_space<vmem>>, vector<1x16xf32>,
        %parallel_loop3A_372 = vector.shape_cast %parallel_loop3A_371 : vector<1x16xf32> to vector<16xf32>
        %parallel_loop3A_373 = arith.addf %parallel_loop3A_368, %parallel_loop3A_372 : vector<16xf32>
        %parallel_loop3A_374 = arith.constant 3 : i32
        %parallel_loop3A_375 = arith.addi %parallel_loop3A_80, %parallel_loop3A_374 : i32
        %parallel_loop3A_376 = arith.index_cast %parallel_loop3A_375 : i32 to index
        %parallel_loop3A_377 = arith.constant 48 : index
        %parallel_loop3A_378 = tpu.vector_load %arg12[%parallel_loop3A_376, %parallel_loop3A_377] {strides = array<i32>} : memref<400x64xf32, #tpu.memory_space<vmem>>, vector<1x16xf32>,
        %parallel_loop3A_379 = vector.shape_cast %parallel_loop3A_378 : vector<1x16xf32> to vector<16xf32>
        %parallel_loop3A_380 = vector.shape_cast %parallel_loop3A_373 : vector<16xf32> to vector<1x16xf32>
        tpu.vector_store %arg12[%parallel_loop3A_376, %parallel_loop3A_377], %parallel_loop3A_380 {strides = array<i32>} : memref<400x64xf32, #tpu.memory_space<vmem>>, vector<1x16xf32>,
        %parallel_loop3A_381 = vector.extract_strided_slice %parallel_loop3A_84 {offsets = [4], sizes = [1], strides = [1]} : vector<16xi32> to vector<1xi32>
        %parallel_loop3A_382 = vector.extract %parallel_loop3A_381[0] : i32 from vector<1xi32>
        %parallel_loop3A_383 = arith.constant 4 : i32
        %parallel_loop3A_384 = arith.addi %parallel_loop3A_80, %parallel_loop3A_383 : i32
        %parallel_loop3A_385 = arith.index_cast %parallel_loop3A_384 : i32 to index
        %parallel_loop3A_386 = arith.constant 0 : index
        %parallel_loop3A_387 = tpu.vector_load %arg10[%parallel_loop3A_385, %parallel_loop3A_386] {strides = array<i32>} : memref<400x64xf32, #tpu.memory_space<vmem>>, vector<1x16xf32>,
        %parallel_loop3A_388 = vector.shape_cast %parallel_loop3A_387 : vector<1x16xf32> to vector<16xf32>
        %parallel_loop3A_389 = arith.index_cast %parallel_loop3A_382 : i32 to index
        %parallel_loop3A_390 = arith.constant 0 : index
        %parallel_loop3A_391 = tpu.vector_load %arg9[%parallel_loop3A_389, %parallel_loop3A_390] {strides = array<i32>} : memref<12x64xf32, #tpu.memory_space<vmem>>, vector<1x16xf32>,
        %parallel_loop3A_392 = vector.shape_cast %parallel_loop3A_391 : vector<1x16xf32> to vector<16xf32>
        %parallel_loop3A_393 = arith.addf %parallel_loop3A_388, %parallel_loop3A_392 : vector<16xf32>
        %parallel_loop3A_394 = arith.constant 4 : i32
        %parallel_loop3A_395 = arith.addi %parallel_loop3A_80, %parallel_loop3A_394 : i32
        %parallel_loop3A_396 = arith.index_cast %parallel_loop3A_395 : i32 to index
        %parallel_loop3A_397 = arith.constant 0 : index
        %parallel_loop3A_398 = tpu.vector_load %arg12[%parallel_loop3A_396, %parallel_loop3A_397] {strides = array<i32>} : memref<400x64xf32, #tpu.memory_space<vmem>>, vector<1x16xf32>,
        %parallel_loop3A_399 = vector.shape_cast %parallel_loop3A_398 : vector<1x16xf32> to vector<16xf32>
        %parallel_loop3A_400 = vector.shape_cast %parallel_loop3A_393 : vector<16xf32> to vector<1x16xf32>
        tpu.vector_store %arg12[%parallel_loop3A_396, %parallel_loop3A_397], %parallel_loop3A_400 {strides = array<i32>} : memref<400x64xf32, #tpu.memory_space<vmem>>, vector<1x16xf32>,
        %parallel_loop3A_401 = arith.constant 4 : i32
        %parallel_loop3A_402 = arith.addi %parallel_loop3A_80, %parallel_loop3A_401 : i32
        %parallel_loop3A_403 = arith.index_cast %parallel_loop3A_402 : i32 to index
        %parallel_loop3A_404 = arith.constant 16 : index
        %parallel_loop3A_405 = tpu.vector_load %arg10[%parallel_loop3A_403, %parallel_loop3A_404] {strides = array<i32>} : memref<400x64xf32, #tpu.memory_space<vmem>>, vector<1x16xf32>,
        %parallel_loop3A_406 = vector.shape_cast %parallel_loop3A_405 : vector<1x16xf32> to vector<16xf32>
        %parallel_loop3A_407 = arith.index_cast %parallel_loop3A_382 : i32 to index
        %parallel_loop3A_408 = arith.constant 16 : index
        %parallel_loop3A_409 = tpu.vector_load %arg9[%parallel_loop3A_407, %parallel_loop3A_408] {strides = array<i32>} : memref<12x64xf32, #tpu.memory_space<vmem>>, vector<1x16xf32>,
        %parallel_loop3A_410 = vector.shape_cast %parallel_loop3A_409 : vector<1x16xf32> to vector<16xf32>
        %parallel_loop3A_411 = arith.addf %parallel_loop3A_406, %parallel_loop3A_410 : vector<16xf32>
        %parallel_loop3A_412 = arith.constant 4 : i32
        %parallel_loop3A_413 = arith.addi %parallel_loop3A_80, %parallel_loop3A_412 : i32
        %parallel_loop3A_414 = arith.index_cast %parallel_loop3A_413 : i32 to index
        %parallel_loop3A_415 = arith.constant 16 : index
        %parallel_loop3A_416 = tpu.vector_load %arg12[%parallel_loop3A_414, %parallel_loop3A_415] {strides = array<i32>} : memref<400x64xf32, #tpu.memory_space<vmem>>, vector<1x16xf32>,
        %parallel_loop3A_417 = vector.shape_cast %parallel_loop3A_416 : vector<1x16xf32> to vector<16xf32>
        %parallel_loop3A_418 = vector.shape_cast %parallel_loop3A_411 : vector<16xf32> to vector<1x16xf32>
        tpu.vector_store %arg12[%parallel_loop3A_414, %parallel_loop3A_415], %parallel_loop3A_418 {strides = array<i32>} : memref<400x64xf32, #tpu.memory_space<vmem>>, vector<1x16xf32>,
        %parallel_loop3A_419 = arith.constant 4 : i32
        %parallel_loop3A_420 = arith.addi %parallel_loop3A_80, %parallel_loop3A_419 : i32
        %parallel_loop3A_421 = arith.index_cast %parallel_loop3A_420 : i32 to index
        %parallel_loop3A_422 = arith.constant 32 : index
        %parallel_loop3A_423 = tpu.vector_load %arg10[%parallel_loop3A_421, %parallel_loop3A_422] {strides = array<i32>} : memref<400x64xf32, #tpu.memory_space<vmem>>, vector<1x16xf32>,
        %parallel_loop3A_424 = vector.shape_cast %parallel_loop3A_423 : vector<1x16xf32> to vector<16xf32>
        %parallel_loop3A_425 = arith.index_cast %parallel_loop3A_382 : i32 to index
        %parallel_loop3A_426 = arith.constant 32 : index
        %parallel_loop3A_427 = tpu.vector_load %arg9[%parallel_loop3A_425, %parallel_loop3A_426] {strides = array<i32>} : memref<12x64xf32, #tpu.memory_space<vmem>>, vector<1x16xf32>,
        %parallel_loop3A_428 = vector.shape_cast %parallel_loop3A_427 : vector<1x16xf32> to vector<16xf32>
        %parallel_loop3A_429 = arith.addf %parallel_loop3A_424, %parallel_loop3A_428 : vector<16xf32>
        %parallel_loop3A_430 = arith.constant 4 : i32
        %parallel_loop3A_431 = arith.addi %parallel_loop3A_80, %parallel_loop3A_430 : i32
        %parallel_loop3A_432 = arith.index_cast %parallel_loop3A_431 : i32 to index
        %parallel_loop3A_433 = arith.constant 32 : index
        %parallel_loop3A_434 = tpu.vector_load %arg12[%parallel_loop3A_432, %parallel_loop3A_433] {strides = array<i32>} : memref<400x64xf32, #tpu.memory_space<vmem>>, vector<1x16xf32>,
        %parallel_loop3A_435 = vector.shape_cast %parallel_loop3A_434 : vector<1x16xf32> to vector<16xf32>
        %parallel_loop3A_436 = vector.shape_cast %parallel_loop3A_429 : vector<16xf32> to vector<1x16xf32>
        tpu.vector_store %arg12[%parallel_loop3A_432, %parallel_loop3A_433], %parallel_loop3A_436 {strides = array<i32>} : memref<400x64xf32, #tpu.memory_space<vmem>>, vector<1x16xf32>,
        %parallel_loop3A_437 = arith.constant 4 : i32
        %parallel_loop3A_438 = arith.addi %parallel_loop3A_80, %parallel_loop3A_437 : i32
        %parallel_loop3A_439 = arith.index_cast %parallel_loop3A_438 : i32 to index
        %parallel_loop3A_440 = arith.constant 48 : index
        %parallel_loop3A_441 = tpu.vector_load %arg10[%parallel_loop3A_439, %parallel_loop3A_440] {strides = array<i32>} : memref<400x64xf32, #tpu.memory_space<vmem>>, vector<1x16xf32>,
        %parallel_loop3A_442 = vector.shape_cast %parallel_loop3A_441 : vector<1x16xf32> to vector<16xf32>
        %parallel_loop3A_443 = arith.index_cast %parallel_loop3A_382 : i32 to index
        %parallel_loop3A_444 = arith.constant 48 : index
        %parallel_loop3A_445 = tpu.vector_load %arg9[%parallel_loop3A_443, %parallel_loop3A_444] {strides = array<i32>} : memref<12x64xf32, #tpu.memory_space<vmem>>, vector<1x16xf32>,
        %parallel_loop3A_446 = vector.shape_cast %parallel_loop3A_445 : vector<1x16xf32> to vector<16xf32>
        %parallel_loop3A_447 = arith.addf %parallel_loop3A_442, %parallel_loop3A_446 : vector<16xf32>
        %parallel_loop3A_448 = arith.constant 4 : i32
        %parallel_loop3A_449 = arith.addi %parallel_loop3A_80, %parallel_loop3A_448 : i32
        %parallel_loop3A_450 = arith.index_cast %parallel_loop3A_449 : i32 to index
        %parallel_loop3A_451 = arith.constant 48 : index
        %parallel_loop3A_452 = tpu.vector_load %arg12[%parallel_loop3A_450, %parallel_loop3A_451] {strides = array<i32>} : memref<400x64xf32, #tpu.memory_space<vmem>>, vector<1x16xf32>,
        %parallel_loop3A_453 = vector.shape_cast %parallel_loop3A_452 : vector<1x16xf32> to vector<16xf32>
        %parallel_loop3A_454 = vector.shape_cast %parallel_loop3A_447 : vector<16xf32> to vector<1x16xf32>
        tpu.vector_store %arg12[%parallel_loop3A_450, %parallel_loop3A_451], %parallel_loop3A_454 {strides = array<i32>} : memref<400x64xf32, #tpu.memory_space<vmem>>, vector<1x16xf32>,
        %parallel_loop3A_455 = vector.extract_strided_slice %parallel_loop3A_84 {offsets = [5], sizes = [1], strides = [1]} : vector<16xi32> to vector<1xi32>
        %parallel_loop3A_456 = vector.extract %parallel_loop3A_455[0] : i32 from vector<1xi32>
        %parallel_loop3A_457 = arith.constant 5 : i32
        %parallel_loop3A_458 = arith.addi %parallel_loop3A_80, %parallel_loop3A_457 : i32
        %parallel_loop3A_459 = arith.index_cast %parallel_loop3A_458 : i32 to index
        %parallel_loop3A_460 = arith.constant 0 : index
        %parallel_loop3A_461 = tpu.vector_load %arg10[%parallel_loop3A_459, %parallel_loop3A_460] {strides = array<i32>} : memref<400x64xf32, #tpu.memory_space<vmem>>, vector<1x16xf32>,
        %parallel_loop3A_462 = vector.shape_cast %parallel_loop3A_461 : vector<1x16xf32> to vector<16xf32>
        %parallel_loop3A_463 = arith.index_cast %parallel_loop3A_456 : i32 to index
        %parallel_loop3A_464 = arith.constant 0 : index
        %parallel_loop3A_465 = tpu.vector_load %arg9[%parallel_loop3A_463, %parallel_loop3A_464] {strides = array<i32>} : memref<12x64xf32, #tpu.memory_space<vmem>>, vector<1x16xf32>,
        %parallel_loop3A_466 = vector.shape_cast %parallel_loop3A_465 : vector<1x16xf32> to vector<16xf32>
        %parallel_loop3A_467 = arith.addf %parallel_loop3A_462, %parallel_loop3A_466 : vector<16xf32>
        %parallel_loop3A_468 = arith.constant 5 : i32
        %parallel_loop3A_469 = arith.addi %parallel_loop3A_80, %parallel_loop3A_468 : i32
        %parallel_loop3A_470 = arith.index_cast %parallel_loop3A_469 : i32 to index
        %parallel_loop3A_471 = arith.constant 0 : index
        %parallel_loop3A_472 = tpu.vector_load %arg12[%parallel_loop3A_470, %parallel_loop3A_471] {strides = array<i32>} : memref<400x64xf32, #tpu.memory_space<vmem>>, vector<1x16xf32>,
        %parallel_loop3A_473 = vector.shape_cast %parallel_loop3A_472 : vector<1x16xf32> to vector<16xf32>
        %parallel_loop3A_474 = vector.shape_cast %parallel_loop3A_467 : vector<16xf32> to vector<1x16xf32>
        tpu.vector_store %arg12[%parallel_loop3A_470, %parallel_loop3A_471], %parallel_loop3A_474 {strides = array<i32>} : memref<400x64xf32, #tpu.memory_space<vmem>>, vector<1x16xf32>,
        %parallel_loop3A_475 = arith.constant 5 : i32
        %parallel_loop3A_476 = arith.addi %parallel_loop3A_80, %parallel_loop3A_475 : i32
        %parallel_loop3A_477 = arith.index_cast %parallel_loop3A_476 : i32 to index
        %parallel_loop3A_478 = arith.constant 16 : index
        %parallel_loop3A_479 = tpu.vector_load %arg10[%parallel_loop3A_477, %parallel_loop3A_478] {strides = array<i32>} : memref<400x64xf32, #tpu.memory_space<vmem>>, vector<1x16xf32>,
        %parallel_loop3A_480 = vector.shape_cast %parallel_loop3A_479 : vector<1x16xf32> to vector<16xf32>
        %parallel_loop3A_481 = arith.index_cast %parallel_loop3A_456 : i32 to index
        %parallel_loop3A_482 = arith.constant 16 : index
        %parallel_loop3A_483 = tpu.vector_load %arg9[%parallel_loop3A_481, %parallel_loop3A_482] {strides = array<i32>} : memref<12x64xf32, #tpu.memory_space<vmem>>, vector<1x16xf32>,
        %parallel_loop3A_484 = vector.shape_cast %parallel_loop3A_483 : vector<1x16xf32> to vector<16xf32>
        %parallel_loop3A_485 = arith.addf %parallel_loop3A_480, %parallel_loop3A_484 : vector<16xf32>
        %parallel_loop3A_486 = arith.constant 5 : i32
        %parallel_loop3A_487 = arith.addi %parallel_loop3A_80, %parallel_loop3A_486 : i32
        %parallel_loop3A_488 = arith.index_cast %parallel_loop3A_487 : i32 to index
        %parallel_loop3A_489 = arith.constant 16 : index
        %parallel_loop3A_490 = tpu.vector_load %arg12[%parallel_loop3A_488, %parallel_loop3A_489] {strides = array<i32>} : memref<400x64xf32, #tpu.memory_space<vmem>>, vector<1x16xf32>,
        %parallel_loop3A_491 = vector.shape_cast %parallel_loop3A_490 : vector<1x16xf32> to vector<16xf32>
        %parallel_loop3A_492 = vector.shape_cast %parallel_loop3A_485 : vector<16xf32> to vector<1x16xf32>
        tpu.vector_store %arg12[%parallel_loop3A_488, %parallel_loop3A_489], %parallel_loop3A_492 {strides = array<i32>} : memref<400x64xf32, #tpu.memory_space<vmem>>, vector<1x16xf32>,
        %parallel_loop3A_493 = arith.constant 5 : i32
        %parallel_loop3A_494 = arith.addi %parallel_loop3A_80, %parallel_loop3A_493 : i32
        %parallel_loop3A_495 = arith.index_cast %parallel_loop3A_494 : i32 to index
        %parallel_loop3A_496 = arith.constant 32 : index
        %parallel_loop3A_497 = tpu.vector_load %arg10[%parallel_loop3A_495, %parallel_loop3A_496] {strides = array<i32>} : memref<400x64xf32, #tpu.memory_space<vmem>>, vector<1x16xf32>,
        %parallel_loop3A_498 = vector.shape_cast %parallel_loop3A_497 : vector<1x16xf32> to vector<16xf32>
        %parallel_loop3A_499 = arith.index_cast %parallel_loop3A_456 : i32 to index
        %parallel_loop3A_500 = arith.constant 32 : index
        %parallel_loop3A_501 = tpu.vector_load %arg9[%parallel_loop3A_499, %parallel_loop3A_500] {strides = array<i32>} : memref<12x64xf32, #tpu.memory_space<vmem>>, vector<1x16xf32>,
        %parallel_loop3A_502 = vector.shape_cast %parallel_loop3A_501 : vector<1x16xf32> to vector<16xf32>
        %parallel_loop3A_503 = arith.addf %parallel_loop3A_498, %parallel_loop3A_502 : vector<16xf32>
        %parallel_loop3A_504 = arith.constant 5 : i32
        %parallel_loop3A_505 = arith.addi %parallel_loop3A_80, %parallel_loop3A_504 : i32
        %parallel_loop3A_506 = arith.index_cast %parallel_loop3A_505 : i32 to index
        %parallel_loop3A_507 = arith.constant 32 : index
        %parallel_loop3A_508 = tpu.vector_load %arg12[%parallel_loop3A_506, %parallel_loop3A_507] {strides = array<i32>} : memref<400x64xf32, #tpu.memory_space<vmem>>, vector<1x16xf32>,
        %parallel_loop3A_509 = vector.shape_cast %parallel_loop3A_508 : vector<1x16xf32> to vector<16xf32>
        %parallel_loop3A_510 = vector.shape_cast %parallel_loop3A_503 : vector<16xf32> to vector<1x16xf32>
        tpu.vector_store %arg12[%parallel_loop3A_506, %parallel_loop3A_507], %parallel_loop3A_510 {strides = array<i32>} : memref<400x64xf32, #tpu.memory_space<vmem>>, vector<1x16xf32>,
        %parallel_loop3A_511 = arith.constant 5 : i32
        %parallel_loop3A_512 = arith.addi %parallel_loop3A_80, %parallel_loop3A_511 : i32
        %parallel_loop3A_513 = arith.index_cast %parallel_loop3A_512 : i32 to index
        %parallel_loop3A_514 = arith.constant 48 : index
        %parallel_loop3A_515 = tpu.vector_load %arg10[%parallel_loop3A_513, %parallel_loop3A_514] {strides = array<i32>} : memref<400x64xf32, #tpu.memory_space<vmem>>, vector<1x16xf32>,
        %parallel_loop3A_516 = vector.shape_cast %parallel_loop3A_515 : vector<1x16xf32> to vector<16xf32>
        %parallel_loop3A_517 = arith.index_cast %parallel_loop3A_456 : i32 to index
        %parallel_loop3A_518 = arith.constant 48 : index
        %parallel_loop3A_519 = tpu.vector_load %arg9[%parallel_loop3A_517, %parallel_loop3A_518] {strides = array<i32>} : memref<12x64xf32, #tpu.memory_space<vmem>>, vector<1x16xf32>,
        %parallel_loop3A_520 = vector.shape_cast %parallel_loop3A_519 : vector<1x16xf32> to vector<16xf32>
        %parallel_loop3A_521 = arith.addf %parallel_loop3A_516, %parallel_loop3A_520 : vector<16xf32>
        %parallel_loop3A_522 = arith.constant 5 : i32
        %parallel_loop3A_523 = arith.addi %parallel_loop3A_80, %parallel_loop3A_522 : i32
        %parallel_loop3A_524 = arith.index_cast %parallel_loop3A_523 : i32 to index
        %parallel_loop3A_525 = arith.constant 48 : index
        %parallel_loop3A_526 = tpu.vector_load %arg12[%parallel_loop3A_524, %parallel_loop3A_525] {strides = array<i32>} : memref<400x64xf32, #tpu.memory_space<vmem>>, vector<1x16xf32>,
        %parallel_loop3A_527 = vector.shape_cast %parallel_loop3A_526 : vector<1x16xf32> to vector<16xf32>
        %parallel_loop3A_528 = vector.shape_cast %parallel_loop3A_521 : vector<16xf32> to vector<1x16xf32>
        tpu.vector_store %arg12[%parallel_loop3A_524, %parallel_loop3A_525], %parallel_loop3A_528 {strides = array<i32>} : memref<400x64xf32, #tpu.memory_space<vmem>>, vector<1x16xf32>,
        %parallel_loop3A_529 = vector.extract_strided_slice %parallel_loop3A_84 {offsets = [6], sizes = [1], strides = [1]} : vector<16xi32> to vector<1xi32>
        %parallel_loop3A_530 = vector.extract %parallel_loop3A_529[0] : i32 from vector<1xi32>
        %parallel_loop3A_531 = arith.constant 6 : i32
        %parallel_loop3A_532 = arith.addi %parallel_loop3A_80, %parallel_loop3A_531 : i32
        %parallel_loop3A_533 = arith.index_cast %parallel_loop3A_532 : i32 to index
        %parallel_loop3A_534 = arith.constant 0 : index
        %parallel_loop3A_535 = tpu.vector_load %arg10[%parallel_loop3A_533, %parallel_loop3A_534] {strides = array<i32>} : memref<400x64xf32, #tpu.memory_space<vmem>>, vector<1x16xf32>,
        %parallel_loop3A_536 = vector.shape_cast %parallel_loop3A_535 : vector<1x16xf32> to vector<16xf32>
        %parallel_loop3A_537 = arith.index_cast %parallel_loop3A_530 : i32 to index
        %parallel_loop3A_538 = arith.constant 0 : index
        %parallel_loop3A_539 = tpu.vector_load %arg9[%parallel_loop3A_537, %parallel_loop3A_538] {strides = array<i32>} : memref<12x64xf32, #tpu.memory_space<vmem>>, vector<1x16xf32>,
        %parallel_loop3A_540 = vector.shape_cast %parallel_loop3A_539 : vector<1x16xf32> to vector<16xf32>
        %parallel_loop3A_541 = arith.addf %parallel_loop3A_536, %parallel_loop3A_540 : vector<16xf32>
        %parallel_loop3A_542 = arith.constant 6 : i32
        %parallel_loop3A_543 = arith.addi %parallel_loop3A_80, %parallel_loop3A_542 : i32
        %parallel_loop3A_544 = arith.index_cast %parallel_loop3A_543 : i32 to index
        %parallel_loop3A_545 = arith.constant 0 : index
        %parallel_loop3A_546 = tpu.vector_load %arg12[%parallel_loop3A_544, %parallel_loop3A_545] {strides = array<i32>} : memref<400x64xf32, #tpu.memory_space<vmem>>, vector<1x16xf32>,
        %parallel_loop3A_547 = vector.shape_cast %parallel_loop3A_546 : vector<1x16xf32> to vector<16xf32>
        %parallel_loop3A_548 = vector.shape_cast %parallel_loop3A_541 : vector<16xf32> to vector<1x16xf32>
        tpu.vector_store %arg12[%parallel_loop3A_544, %parallel_loop3A_545], %parallel_loop3A_548 {strides = array<i32>} : memref<400x64xf32, #tpu.memory_space<vmem>>, vector<1x16xf32>,
        %parallel_loop3A_549 = arith.constant 6 : i32
        %parallel_loop3A_550 = arith.addi %parallel_loop3A_80, %parallel_loop3A_549 : i32
        %parallel_loop3A_551 = arith.index_cast %parallel_loop3A_550 : i32 to index
        %parallel_loop3A_552 = arith.constant 16 : index
        %parallel_loop3A_553 = tpu.vector_load %arg10[%parallel_loop3A_551, %parallel_loop3A_552] {strides = array<i32>} : memref<400x64xf32, #tpu.memory_space<vmem>>, vector<1x16xf32>,
        %parallel_loop3A_554 = vector.shape_cast %parallel_loop3A_553 : vector<1x16xf32> to vector<16xf32>
        %parallel_loop3A_555 = arith.index_cast %parallel_loop3A_530 : i32 to index
        %parallel_loop3A_556 = arith.constant 16 : index
        %parallel_loop3A_557 = tpu.vector_load %arg9[%parallel_loop3A_555, %parallel_loop3A_556] {strides = array<i32>} : memref<12x64xf32, #tpu.memory_space<vmem>>, vector<1x16xf32>,
        %parallel_loop3A_558 = vector.shape_cast %parallel_loop3A_557 : vector<1x16xf32> to vector<16xf32>
        %parallel_loop3A_559 = arith.addf %parallel_loop3A_554, %parallel_loop3A_558 : vector<16xf32>
        %parallel_loop3A_560 = arith.constant 6 : i32
        %parallel_loop3A_561 = arith.addi %parallel_loop3A_80, %parallel_loop3A_560 : i32
        %parallel_loop3A_562 = arith.index_cast %parallel_loop3A_561 : i32 to index
        %parallel_loop3A_563 = arith.constant 16 : index
        %parallel_loop3A_564 = tpu.vector_load %arg12[%parallel_loop3A_562, %parallel_loop3A_563] {strides = array<i32>} : memref<400x64xf32, #tpu.memory_space<vmem>>, vector<1x16xf32>,
        %parallel_loop3A_565 = vector.shape_cast %parallel_loop3A_564 : vector<1x16xf32> to vector<16xf32>
        %parallel_loop3A_566 = vector.shape_cast %parallel_loop3A_559 : vector<16xf32> to vector<1x16xf32>
        tpu.vector_store %arg12[%parallel_loop3A_562, %parallel_loop3A_563], %parallel_loop3A_566 {strides = array<i32>} : memref<400x64xf32, #tpu.memory_space<vmem>>, vector<1x16xf32>,
        %parallel_loop3A_567 = arith.constant 6 : i32
        %parallel_loop3A_568 = arith.addi %parallel_loop3A_80, %parallel_loop3A_567 : i32
        %parallel_loop3A_569 = arith.index_cast %parallel_loop3A_568 : i32 to index
        %parallel_loop3A_570 = arith.constant 32 : index
        %parallel_loop3A_571 = tpu.vector_load %arg10[%parallel_loop3A_569, %parallel_loop3A_570] {strides = array<i32>} : memref<400x64xf32, #tpu.memory_space<vmem>>, vector<1x16xf32>,
        %parallel_loop3A_572 = vector.shape_cast %parallel_loop3A_571 : vector<1x16xf32> to vector<16xf32>
        %parallel_loop3A_573 = arith.index_cast %parallel_loop3A_530 : i32 to index
        %parallel_loop3A_574 = arith.constant 32 : index
        %parallel_loop3A_575 = tpu.vector_load %arg9[%parallel_loop3A_573, %parallel_loop3A_574] {strides = array<i32>} : memref<12x64xf32, #tpu.memory_space<vmem>>, vector<1x16xf32>,
        %parallel_loop3A_576 = vector.shape_cast %parallel_loop3A_575 : vector<1x16xf32> to vector<16xf32>
        %parallel_loop3A_577 = arith.addf %parallel_loop3A_572, %parallel_loop3A_576 : vector<16xf32>
        %parallel_loop3A_578 = arith.constant 6 : i32
        %parallel_loop3A_579 = arith.addi %parallel_loop3A_80, %parallel_loop3A_578 : i32
        %parallel_loop3A_580 = arith.index_cast %parallel_loop3A_579 : i32 to index
        %parallel_loop3A_581 = arith.constant 32 : index
        %parallel_loop3A_582 = tpu.vector_load %arg12[%parallel_loop3A_580, %parallel_loop3A_581] {strides = array<i32>} : memref<400x64xf32, #tpu.memory_space<vmem>>, vector<1x16xf32>,
        %parallel_loop3A_583 = vector.shape_cast %parallel_loop3A_582 : vector<1x16xf32> to vector<16xf32>
        %parallel_loop3A_584 = vector.shape_cast %parallel_loop3A_577 : vector<16xf32> to vector<1x16xf32>
        tpu.vector_store %arg12[%parallel_loop3A_580, %parallel_loop3A_581], %parallel_loop3A_584 {strides = array<i32>} : memref<400x64xf32, #tpu.memory_space<vmem>>, vector<1x16xf32>,
        %parallel_loop3A_585 = arith.constant 6 : i32
        %parallel_loop3A_586 = arith.addi %parallel_loop3A_80, %parallel_loop3A_585 : i32
        %parallel_loop3A_587 = arith.index_cast %parallel_loop3A_586 : i32 to index
        %parallel_loop3A_588 = arith.constant 48 : index
        %parallel_loop3A_589 = tpu.vector_load %arg10[%parallel_loop3A_587, %parallel_loop3A_588] {strides = array<i32>} : memref<400x64xf32, #tpu.memory_space<vmem>>, vector<1x16xf32>,
        %parallel_loop3A_590 = vector.shape_cast %parallel_loop3A_589 : vector<1x16xf32> to vector<16xf32>
        %parallel_loop3A_591 = arith.index_cast %parallel_loop3A_530 : i32 to index
        %parallel_loop3A_592 = arith.constant 48 : index
        %parallel_loop3A_593 = tpu.vector_load %arg9[%parallel_loop3A_591, %parallel_loop3A_592] {strides = array<i32>} : memref<12x64xf32, #tpu.memory_space<vmem>>, vector<1x16xf32>,
        %parallel_loop3A_594 = vector.shape_cast %parallel_loop3A_593 : vector<1x16xf32> to vector<16xf32>
        %parallel_loop3A_595 = arith.addf %parallel_loop3A_590, %parallel_loop3A_594 : vector<16xf32>
        %parallel_loop3A_596 = arith.constant 6 : i32
        %parallel_loop3A_597 = arith.addi %parallel_loop3A_80, %parallel_loop3A_596 : i32
        %parallel_loop3A_598 = arith.index_cast %parallel_loop3A_597 : i32 to index
        %parallel_loop3A_599 = arith.constant 48 : index
        %parallel_loop3A_600 = tpu.vector_load %arg12[%parallel_loop3A_598, %parallel_loop3A_599] {strides = array<i32>} : memref<400x64xf32, #tpu.memory_space<vmem>>, vector<1x16xf32>,
        %parallel_loop3A_601 = vector.shape_cast %parallel_loop3A_600 : vector<1x16xf32> to vector<16xf32>
        %parallel_loop3A_602 = vector.shape_cast %parallel_loop3A_595 : vector<16xf32> to vector<1x16xf32>
        tpu.vector_store %arg12[%parallel_loop3A_598, %parallel_loop3A_599], %parallel_loop3A_602 {strides = array<i32>} : memref<400x64xf32, #tpu.memory_space<vmem>>, vector<1x16xf32>,
        %parallel_loop3A_603 = vector.extract_strided_slice %parallel_loop3A_84 {offsets = [7], sizes = [1], strides = [1]} : vector<16xi32> to vector<1xi32>
        %parallel_loop3A_604 = vector.extract %parallel_loop3A_603[0] : i32 from vector<1xi32>
        %parallel_loop3A_605 = arith.constant 7 : i32
        %parallel_loop3A_606 = arith.addi %parallel_loop3A_80, %parallel_loop3A_605 : i32
        %parallel_loop3A_607 = arith.index_cast %parallel_loop3A_606 : i32 to index
        %parallel_loop3A_608 = arith.constant 0 : index
        %parallel_loop3A_609 = tpu.vector_load %arg10[%parallel_loop3A_607, %parallel_loop3A_608] {strides = array<i32>} : memref<400x64xf32, #tpu.memory_space<vmem>>, vector<1x16xf32>,
        %parallel_loop3A_610 = vector.shape_cast %parallel_loop3A_609 : vector<1x16xf32> to vector<16xf32>
        %parallel_loop3A_611 = arith.index_cast %parallel_loop3A_604 : i32 to index
        %parallel_loop3A_612 = arith.constant 0 : index
        %parallel_loop3A_613 = tpu.vector_load %arg9[%parallel_loop3A_611, %parallel_loop3A_612] {strides = array<i32>} : memref<12x64xf32, #tpu.memory_space<vmem>>, vector<1x16xf32>,
        %parallel_loop3A_614 = vector.shape_cast %parallel_loop3A_613 : vector<1x16xf32> to vector<16xf32>
        %parallel_loop3A_615 = arith.addf %parallel_loop3A_610, %parallel_loop3A_614 : vector<16xf32>
        %parallel_loop3A_616 = arith.constant 7 : i32
        %parallel_loop3A_617 = arith.addi %parallel_loop3A_80, %parallel_loop3A_616 : i32
        %parallel_loop3A_618 = arith.index_cast %parallel_loop3A_617 : i32 to index
        %parallel_loop3A_619 = arith.constant 0 : index
        %parallel_loop3A_620 = tpu.vector_load %arg12[%parallel_loop3A_618, %parallel_loop3A_619] {strides = array<i32>} : memref<400x64xf32, #tpu.memory_space<vmem>>, vector<1x16xf32>,
        %parallel_loop3A_621 = vector.shape_cast %parallel_loop3A_620 : vector<1x16xf32> to vector<16xf32>
        %parallel_loop3A_622 = vector.shape_cast %parallel_loop3A_615 : vector<16xf32> to vector<1x16xf32>
        tpu.vector_store %arg12[%parallel_loop3A_618, %parallel_loop3A_619], %parallel_loop3A_622 {strides = array<i32>} : memref<400x64xf32, #tpu.memory_space<vmem>>, vector<1x16xf32>,
        %parallel_loop3A_623 = arith.constant 7 : i32
        %parallel_loop3A_624 = arith.addi %parallel_loop3A_80, %parallel_loop3A_623 : i32
        %parallel_loop3A_625 = arith.index_cast %parallel_loop3A_624 : i32 to index
        %parallel_loop3A_626 = arith.constant 16 : index
        %parallel_loop3A_627 = tpu.vector_load %arg10[%parallel_loop3A_625, %parallel_loop3A_626] {strides = array<i32>} : memref<400x64xf32, #tpu.memory_space<vmem>>, vector<1x16xf32>,
        %parallel_loop3A_628 = vector.shape_cast %parallel_loop3A_627 : vector<1x16xf32> to vector<16xf32>
        %parallel_loop3A_629 = arith.index_cast %parallel_loop3A_604 : i32 to index
        %parallel_loop3A_630 = arith.constant 16 : index
        %parallel_loop3A_631 = tpu.vector_load %arg9[%parallel_loop3A_629, %parallel_loop3A_630] {strides = array<i32>} : memref<12x64xf32, #tpu.memory_space<vmem>>, vector<1x16xf32>,
        %parallel_loop3A_632 = vector.shape_cast %parallel_loop3A_631 : vector<1x16xf32> to vector<16xf32>
        %parallel_loop3A_633 = arith.addf %parallel_loop3A_628, %parallel_loop3A_632 : vector<16xf32>
        %parallel_loop3A_634 = arith.constant 7 : i32
        %parallel_loop3A_635 = arith.addi %parallel_loop3A_80, %parallel_loop3A_634 : i32
        %parallel_loop3A_636 = arith.index_cast %parallel_loop3A_635 : i32 to index
        %parallel_loop3A_637 = arith.constant 16 : index
        %parallel_loop3A_638 = tpu.vector_load %arg12[%parallel_loop3A_636, %parallel_loop3A_637] {strides = array<i32>} : memref<400x64xf32, #tpu.memory_space<vmem>>, vector<1x16xf32>,
        %parallel_loop3A_639 = vector.shape_cast %parallel_loop3A_638 : vector<1x16xf32> to vector<16xf32>
        %parallel_loop3A_640 = vector.shape_cast %parallel_loop3A_633 : vector<16xf32> to vector<1x16xf32>
        tpu.vector_store %arg12[%parallel_loop3A_636, %parallel_loop3A_637], %parallel_loop3A_640 {strides = array<i32>} : memref<400x64xf32, #tpu.memory_space<vmem>>, vector<1x16xf32>,
        %parallel_loop3A_641 = arith.constant 7 : i32
        %parallel_loop3A_642 = arith.addi %parallel_loop3A_80, %parallel_loop3A_641 : i32
        %parallel_loop3A_643 = arith.index_cast %parallel_loop3A_642 : i32 to index
        %parallel_loop3A_644 = arith.constant 32 : index
        %parallel_loop3A_645 = tpu.vector_load %arg10[%parallel_loop3A_643, %parallel_loop3A_644] {strides = array<i32>} : memref<400x64xf32, #tpu.memory_space<vmem>>, vector<1x16xf32>,
        %parallel_loop3A_646 = vector.shape_cast %parallel_loop3A_645 : vector<1x16xf32> to vector<16xf32>
        %parallel_loop3A_647 = arith.index_cast %parallel_loop3A_604 : i32 to index
        %parallel_loop3A_648 = arith.constant 32 : index
        %parallel_loop3A_649 = tpu.vector_load %arg9[%parallel_loop3A_647, %parallel_loop3A_648] {strides = array<i32>} : memref<12x64xf32, #tpu.memory_space<vmem>>, vector<1x16xf32>,
        %parallel_loop3A_650 = vector.shape_cast %parallel_loop3A_649 : vector<1x16xf32> to vector<16xf32>
        %parallel_loop3A_651 = arith.addf %parallel_loop3A_646, %parallel_loop3A_650 : vector<16xf32>
        %parallel_loop3A_652 = arith.constant 7 : i32
        %parallel_loop3A_653 = arith.addi %parallel_loop3A_80, %parallel_loop3A_652 : i32
        %parallel_loop3A_654 = arith.index_cast %parallel_loop3A_653 : i32 to index
        %parallel_loop3A_655 = arith.constant 32 : index
        %parallel_loop3A_656 = tpu.vector_load %arg12[%parallel_loop3A_654, %parallel_loop3A_655] {strides = array<i32>} : memref<400x64xf32, #tpu.memory_space<vmem>>, vector<1x16xf32>,
        %parallel_loop3A_657 = vector.shape_cast %parallel_loop3A_656 : vector<1x16xf32> to vector<16xf32>
        %parallel_loop3A_658 = vector.shape_cast %parallel_loop3A_651 : vector<16xf32> to vector<1x16xf32>
        tpu.vector_store %arg12[%parallel_loop3A_654, %parallel_loop3A_655], %parallel_loop3A_658 {strides = array<i32>} : memref<400x64xf32, #tpu.memory_space<vmem>>, vector<1x16xf32>,
        %parallel_loop3A_659 = arith.constant 7 : i32
        %parallel_loop3A_660 = arith.addi %parallel_loop3A_80, %parallel_loop3A_659 : i32
        %parallel_loop3A_661 = arith.index_cast %parallel_loop3A_660 : i32 to index
        %parallel_loop3A_662 = arith.constant 48 : index
        %parallel_loop3A_663 = tpu.vector_load %arg10[%parallel_loop3A_661, %parallel_loop3A_662] {strides = array<i32>} : memref<400x64xf32, #tpu.memory_space<vmem>>, vector<1x16xf32>,
        %parallel_loop3A_664 = vector.shape_cast %parallel_loop3A_663 : vector<1x16xf32> to vector<16xf32>
        %parallel_loop3A_665 = arith.index_cast %parallel_loop3A_604 : i32 to index
        %parallel_loop3A_666 = arith.constant 48 : index
        %parallel_loop3A_667 = tpu.vector_load %arg9[%parallel_loop3A_665, %parallel_loop3A_666] {strides = array<i32>} : memref<12x64xf32, #tpu.memory_space<vmem>>, vector<1x16xf32>,
        %parallel_loop3A_668 = vector.shape_cast %parallel_loop3A_667 : vector<1x16xf32> to vector<16xf32>
        %parallel_loop3A_669 = arith.addf %parallel_loop3A_664, %parallel_loop3A_668 : vector<16xf32>
        %parallel_loop3A_670 = arith.constant 7 : i32
        %parallel_loop3A_671 = arith.addi %parallel_loop3A_80, %parallel_loop3A_670 : i32
        %parallel_loop3A_672 = arith.index_cast %parallel_loop3A_671 : i32 to index
        %parallel_loop3A_673 = arith.constant 48 : index
        %parallel_loop3A_674 = tpu.vector_load %arg12[%parallel_loop3A_672, %parallel_loop3A_673] {strides = array<i32>} : memref<400x64xf32, #tpu.memory_space<vmem>>, vector<1x16xf32>,
        %parallel_loop3A_675 = vector.shape_cast %parallel_loop3A_674 : vector<1x16xf32> to vector<16xf32>
        %parallel_loop3A_676 = vector.shape_cast %parallel_loop3A_669 : vector<16xf32> to vector<1x16xf32>
        tpu.vector_store %arg12[%parallel_loop3A_672, %parallel_loop3A_673], %parallel_loop3A_676 {strides = array<i32>} : memref<400x64xf32, #tpu.memory_space<vmem>>, vector<1x16xf32>,
        %parallel_loop3A_677 = vector.extract_strided_slice %parallel_loop3A_84 {offsets = [8], sizes = [1], strides = [1]} : vector<16xi32> to vector<1xi32>
        %parallel_loop3A_678 = vector.extract %parallel_loop3A_677[0] : i32 from vector<1xi32>
        %parallel_loop3A_679 = arith.constant 8 : i32
        %parallel_loop3A_680 = arith.addi %parallel_loop3A_80, %parallel_loop3A_679 : i32
        %parallel_loop3A_681 = arith.index_cast %parallel_loop3A_680 : i32 to index
        %parallel_loop3A_682 = arith.constant 0 : index
        %parallel_loop3A_683 = tpu.vector_load %arg10[%parallel_loop3A_681, %parallel_loop3A_682] {strides = array<i32>} : memref<400x64xf32, #tpu.memory_space<vmem>>, vector<1x16xf32>,
        %parallel_loop3A_684 = vector.shape_cast %parallel_loop3A_683 : vector<1x16xf32> to vector<16xf32>
        %parallel_loop3A_685 = arith.index_cast %parallel_loop3A_678 : i32 to index
        %parallel_loop3A_686 = arith.constant 0 : index
        %parallel_loop3A_687 = tpu.vector_load %arg9[%parallel_loop3A_685, %parallel_loop3A_686] {strides = array<i32>} : memref<12x64xf32, #tpu.memory_space<vmem>>, vector<1x16xf32>,
        %parallel_loop3A_688 = vector.shape_cast %parallel_loop3A_687 : vector<1x16xf32> to vector<16xf32>
        %parallel_loop3A_689 = arith.addf %parallel_loop3A_684, %parallel_loop3A_688 : vector<16xf32>
        %parallel_loop3A_690 = arith.constant 8 : i32
        %parallel_loop3A_691 = arith.addi %parallel_loop3A_80, %parallel_loop3A_690 : i32
        %parallel_loop3A_692 = arith.index_cast %parallel_loop3A_691 : i32 to index
        %parallel_loop3A_693 = arith.constant 0 : index
        %parallel_loop3A_694 = tpu.vector_load %arg12[%parallel_loop3A_692, %parallel_loop3A_693] {strides = array<i32>} : memref<400x64xf32, #tpu.memory_space<vmem>>, vector<1x16xf32>,
        %parallel_loop3A_695 = vector.shape_cast %parallel_loop3A_694 : vector<1x16xf32> to vector<16xf32>
        %parallel_loop3A_696 = vector.shape_cast %parallel_loop3A_689 : vector<16xf32> to vector<1x16xf32>
        tpu.vector_store %arg12[%parallel_loop3A_692, %parallel_loop3A_693], %parallel_loop3A_696 {strides = array<i32>} : memref<400x64xf32, #tpu.memory_space<vmem>>, vector<1x16xf32>,
        %parallel_loop3A_697 = arith.constant 8 : i32
        %parallel_loop3A_698 = arith.addi %parallel_loop3A_80, %parallel_loop3A_697 : i32
        %parallel_loop3A_699 = arith.index_cast %parallel_loop3A_698 : i32 to index
        %parallel_loop3A_700 = arith.constant 16 : index
        %parallel_loop3A_701 = tpu.vector_load %arg10[%parallel_loop3A_699, %parallel_loop3A_700] {strides = array<i32>} : memref<400x64xf32, #tpu.memory_space<vmem>>, vector<1x16xf32>,
        %parallel_loop3A_702 = vector.shape_cast %parallel_loop3A_701 : vector<1x16xf32> to vector<16xf32>
        %parallel_loop3A_703 = arith.index_cast %parallel_loop3A_678 : i32 to index
        %parallel_loop3A_704 = arith.constant 16 : index
        %parallel_loop3A_705 = tpu.vector_load %arg9[%parallel_loop3A_703, %parallel_loop3A_704] {strides = array<i32>} : memref<12x64xf32, #tpu.memory_space<vmem>>, vector<1x16xf32>,
        %parallel_loop3A_706 = vector.shape_cast %parallel_loop3A_705 : vector<1x16xf32> to vector<16xf32>
        %parallel_loop3A_707 = arith.addf %parallel_loop3A_702, %parallel_loop3A_706 : vector<16xf32>
        %parallel_loop3A_708 = arith.constant 8 : i32
        %parallel_loop3A_709 = arith.addi %parallel_loop3A_80, %parallel_loop3A_708 : i32
        %parallel_loop3A_710 = arith.index_cast %parallel_loop3A_709 : i32 to index
        %parallel_loop3A_711 = arith.constant 16 : index
        %parallel_loop3A_712 = tpu.vector_load %arg12[%parallel_loop3A_710, %parallel_loop3A_711] {strides = array<i32>} : memref<400x64xf32, #tpu.memory_space<vmem>>, vector<1x16xf32>,
        %parallel_loop3A_713 = vector.shape_cast %parallel_loop3A_712 : vector<1x16xf32> to vector<16xf32>
        %parallel_loop3A_714 = vector.shape_cast %parallel_loop3A_707 : vector<16xf32> to vector<1x16xf32>
        tpu.vector_store %arg12[%parallel_loop3A_710, %parallel_loop3A_711], %parallel_loop3A_714 {strides = array<i32>} : memref<400x64xf32, #tpu.memory_space<vmem>>, vector<1x16xf32>,
        %parallel_loop3A_715 = arith.constant 8 : i32
        %parallel_loop3A_716 = arith.addi %parallel_loop3A_80, %parallel_loop3A_715 : i32
        %parallel_loop3A_717 = arith.index_cast %parallel_loop3A_716 : i32 to index
        %parallel_loop3A_718 = arith.constant 32 : index
        %parallel_loop3A_719 = tpu.vector_load %arg10[%parallel_loop3A_717, %parallel_loop3A_718] {strides = array<i32>} : memref<400x64xf32, #tpu.memory_space<vmem>>, vector<1x16xf32>,
        %parallel_loop3A_720 = vector.shape_cast %parallel_loop3A_719 : vector<1x16xf32> to vector<16xf32>
        %parallel_loop3A_721 = arith.index_cast %parallel_loop3A_678 : i32 to index
        %parallel_loop3A_722 = arith.constant 32 : index
        %parallel_loop3A_723 = tpu.vector_load %arg9[%parallel_loop3A_721, %parallel_loop3A_722] {strides = array<i32>} : memref<12x64xf32, #tpu.memory_space<vmem>>, vector<1x16xf32>,
        %parallel_loop3A_724 = vector.shape_cast %parallel_loop3A_723 : vector<1x16xf32> to vector<16xf32>
        %parallel_loop3A_725 = arith.addf %parallel_loop3A_720, %parallel_loop3A_724 : vector<16xf32>
        %parallel_loop3A_726 = arith.constant 8 : i32
        %parallel_loop3A_727 = arith.addi %parallel_loop3A_80, %parallel_loop3A_726 : i32
        %parallel_loop3A_728 = arith.index_cast %parallel_loop3A_727 : i32 to index
        %parallel_loop3A_729 = arith.constant 32 : index
        %parallel_loop3A_730 = tpu.vector_load %arg12[%parallel_loop3A_728, %parallel_loop3A_729] {strides = array<i32>} : memref<400x64xf32, #tpu.memory_space<vmem>>, vector<1x16xf32>,
        %parallel_loop3A_731 = vector.shape_cast %parallel_loop3A_730 : vector<1x16xf32> to vector<16xf32>
        %parallel_loop3A_732 = vector.shape_cast %parallel_loop3A_725 : vector<16xf32> to vector<1x16xf32>
        tpu.vector_store %arg12[%parallel_loop3A_728, %parallel_loop3A_729], %parallel_loop3A_732 {strides = array<i32>} : memref<400x64xf32, #tpu.memory_space<vmem>>, vector<1x16xf32>,
        %parallel_loop3A_733 = arith.constant 8 : i32
        %parallel_loop3A_734 = arith.addi %parallel_loop3A_80, %parallel_loop3A_733 : i32
        %parallel_loop3A_735 = arith.index_cast %parallel_loop3A_734 : i32 to index
        %parallel_loop3A_736 = arith.constant 48 : index
        %parallel_loop3A_737 = tpu.vector_load %arg10[%parallel_loop3A_735, %parallel_loop3A_736] {strides = array<i32>} : memref<400x64xf32, #tpu.memory_space<vmem>>, vector<1x16xf32>,
        %parallel_loop3A_738 = vector.shape_cast %parallel_loop3A_737 : vector<1x16xf32> to vector<16xf32>
        %parallel_loop3A_739 = arith.index_cast %parallel_loop3A_678 : i32 to index
        %parallel_loop3A_740 = arith.constant 48 : index
        %parallel_loop3A_741 = tpu.vector_load %arg9[%parallel_loop3A_739, %parallel_loop3A_740] {strides = array<i32>} : memref<12x64xf32, #tpu.memory_space<vmem>>, vector<1x16xf32>,
        %parallel_loop3A_742 = vector.shape_cast %parallel_loop3A_741 : vector<1x16xf32> to vector<16xf32>
        %parallel_loop3A_743 = arith.addf %parallel_loop3A_738, %parallel_loop3A_742 : vector<16xf32>
        %parallel_loop3A_744 = arith.constant 8 : i32
        %parallel_loop3A_745 = arith.addi %parallel_loop3A_80, %parallel_loop3A_744 : i32
        %parallel_loop3A_746 = arith.index_cast %parallel_loop3A_745 : i32 to index
        %parallel_loop3A_747 = arith.constant 48 : index
        %parallel_loop3A_748 = tpu.vector_load %arg12[%parallel_loop3A_746, %parallel_loop3A_747] {strides = array<i32>} : memref<400x64xf32, #tpu.memory_space<vmem>>, vector<1x16xf32>,
        %parallel_loop3A_749 = vector.shape_cast %parallel_loop3A_748 : vector<1x16xf32> to vector<16xf32>
        %parallel_loop3A_750 = vector.shape_cast %parallel_loop3A_743 : vector<16xf32> to vector<1x16xf32>
        tpu.vector_store %arg12[%parallel_loop3A_746, %parallel_loop3A_747], %parallel_loop3A_750 {strides = array<i32>} : memref<400x64xf32, #tpu.memory_space<vmem>>, vector<1x16xf32>,
        %parallel_loop3A_751 = vector.extract_strided_slice %parallel_loop3A_84 {offsets = [9], sizes = [1], strides = [1]} : vector<16xi32> to vector<1xi32>
        %parallel_loop3A_752 = vector.extract %parallel_loop3A_751[0] : i32 from vector<1xi32>
        %parallel_loop3A_753 = arith.constant 9 : i32
        %parallel_loop3A_754 = arith.addi %parallel_loop3A_80, %parallel_loop3A_753 : i32
        %parallel_loop3A_755 = arith.index_cast %parallel_loop3A_754 : i32 to index
        %parallel_loop3A_756 = arith.constant 0 : index
        %parallel_loop3A_757 = tpu.vector_load %arg10[%parallel_loop3A_755, %parallel_loop3A_756] {strides = array<i32>} : memref<400x64xf32, #tpu.memory_space<vmem>>, vector<1x16xf32>,
        %parallel_loop3A_758 = vector.shape_cast %parallel_loop3A_757 : vector<1x16xf32> to vector<16xf32>
        %parallel_loop3A_759 = arith.index_cast %parallel_loop3A_752 : i32 to index
        %parallel_loop3A_760 = arith.constant 0 : index
        %parallel_loop3A_761 = tpu.vector_load %arg9[%parallel_loop3A_759, %parallel_loop3A_760] {strides = array<i32>} : memref<12x64xf32, #tpu.memory_space<vmem>>, vector<1x16xf32>,
        %parallel_loop3A_762 = vector.shape_cast %parallel_loop3A_761 : vector<1x16xf32> to vector<16xf32>
        %parallel_loop3A_763 = arith.addf %parallel_loop3A_758, %parallel_loop3A_762 : vector<16xf32>
        %parallel_loop3A_764 = arith.constant 9 : i32
        %parallel_loop3A_765 = arith.addi %parallel_loop3A_80, %parallel_loop3A_764 : i32
        %parallel_loop3A_766 = arith.index_cast %parallel_loop3A_765 : i32 to index
        %parallel_loop3A_767 = arith.constant 0 : index
        %parallel_loop3A_768 = tpu.vector_load %arg12[%parallel_loop3A_766, %parallel_loop3A_767] {strides = array<i32>} : memref<400x64xf32, #tpu.memory_space<vmem>>, vector<1x16xf32>,
        %parallel_loop3A_769 = vector.shape_cast %parallel_loop3A_768 : vector<1x16xf32> to vector<16xf32>
        %parallel_loop3A_770 = vector.shape_cast %parallel_loop3A_763 : vector<16xf32> to vector<1x16xf32>
        tpu.vector_store %arg12[%parallel_loop3A_766, %parallel_loop3A_767], %parallel_loop3A_770 {strides = array<i32>} : memref<400x64xf32, #tpu.memory_space<vmem>>, vector<1x16xf32>,
        %parallel_loop3A_771 = arith.constant 9 : i32
        %parallel_loop3A_772 = arith.addi %parallel_loop3A_80, %parallel_loop3A_771 : i32
        %parallel_loop3A_773 = arith.index_cast %parallel_loop3A_772 : i32 to index
        %parallel_loop3A_774 = arith.constant 16 : index
        %parallel_loop3A_775 = tpu.vector_load %arg10[%parallel_loop3A_773, %parallel_loop3A_774] {strides = array<i32>} : memref<400x64xf32, #tpu.memory_space<vmem>>, vector<1x16xf32>,
        %parallel_loop3A_776 = vector.shape_cast %parallel_loop3A_775 : vector<1x16xf32> to vector<16xf32>
        %parallel_loop3A_777 = arith.index_cast %parallel_loop3A_752 : i32 to index
        %parallel_loop3A_778 = arith.constant 16 : index
        %parallel_loop3A_779 = tpu.vector_load %arg9[%parallel_loop3A_777, %parallel_loop3A_778] {strides = array<i32>} : memref<12x64xf32, #tpu.memory_space<vmem>>, vector<1x16xf32>,
        %parallel_loop3A_780 = vector.shape_cast %parallel_loop3A_779 : vector<1x16xf32> to vector<16xf32>
        %parallel_loop3A_781 = arith.addf %parallel_loop3A_776, %parallel_loop3A_780 : vector<16xf32>
        %parallel_loop3A_782 = arith.constant 9 : i32
        %parallel_loop3A_783 = arith.addi %parallel_loop3A_80, %parallel_loop3A_782 : i32
        %parallel_loop3A_784 = arith.index_cast %parallel_loop3A_783 : i32 to index
        %parallel_loop3A_785 = arith.constant 16 : index
        %parallel_loop3A_786 = tpu.vector_load %arg12[%parallel_loop3A_784, %parallel_loop3A_785] {strides = array<i32>} : memref<400x64xf32, #tpu.memory_space<vmem>>, vector<1x16xf32>,
        %parallel_loop3A_787 = vector.shape_cast %parallel_loop3A_786 : vector<1x16xf32> to vector<16xf32>
        %parallel_loop3A_788 = vector.shape_cast %parallel_loop3A_781 : vector<16xf32> to vector<1x16xf32>
        tpu.vector_store %arg12[%parallel_loop3A_784, %parallel_loop3A_785], %parallel_loop3A_788 {strides = array<i32>} : memref<400x64xf32, #tpu.memory_space<vmem>>, vector<1x16xf32>,
        %parallel_loop3A_789 = arith.constant 9 : i32
        %parallel_loop3A_790 = arith.addi %parallel_loop3A_80, %parallel_loop3A_789 : i32
        %parallel_loop3A_791 = arith.index_cast %parallel_loop3A_790 : i32 to index
        %parallel_loop3A_792 = arith.constant 32 : index
        %parallel_loop3A_793 = tpu.vector_load %arg10[%parallel_loop3A_791, %parallel_loop3A_792] {strides = array<i32>} : memref<400x64xf32, #tpu.memory_space<vmem>>, vector<1x16xf32>,
        %parallel_loop3A_794 = vector.shape_cast %parallel_loop3A_793 : vector<1x16xf32> to vector<16xf32>
        %parallel_loop3A_795 = arith.index_cast %parallel_loop3A_752 : i32 to index
        %parallel_loop3A_796 = arith.constant 32 : index
        %parallel_loop3A_797 = tpu.vector_load %arg9[%parallel_loop3A_795, %parallel_loop3A_796] {strides = array<i32>} : memref<12x64xf32, #tpu.memory_space<vmem>>, vector<1x16xf32>,
        %parallel_loop3A_798 = vector.shape_cast %parallel_loop3A_797 : vector<1x16xf32> to vector<16xf32>
        %parallel_loop3A_799 = arith.addf %parallel_loop3A_794, %parallel_loop3A_798 : vector<16xf32>
        %parallel_loop3A_800 = arith.constant 9 : i32
        %parallel_loop3A_801 = arith.addi %parallel_loop3A_80, %parallel_loop3A_800 : i32
        %parallel_loop3A_802 = arith.index_cast %parallel_loop3A_801 : i32 to index
        %parallel_loop3A_803 = arith.constant 32 : index
        %parallel_loop3A_804 = tpu.vector_load %arg12[%parallel_loop3A_802, %parallel_loop3A_803] {strides = array<i32>} : memref<400x64xf32, #tpu.memory_space<vmem>>, vector<1x16xf32>,
        %parallel_loop3A_805 = vector.shape_cast %parallel_loop3A_804 : vector<1x16xf32> to vector<16xf32>
        %parallel_loop3A_806 = vector.shape_cast %parallel_loop3A_799 : vector<16xf32> to vector<1x16xf32>
        tpu.vector_store %arg12[%parallel_loop3A_802, %parallel_loop3A_803], %parallel_loop3A_806 {strides = array<i32>} : memref<400x64xf32, #tpu.memory_space<vmem>>, vector<1x16xf32>,
        %parallel_loop3A_807 = arith.constant 9 : i32
        %parallel_loop3A_808 = arith.addi %parallel_loop3A_80, %parallel_loop3A_807 : i32
        %parallel_loop3A_809 = arith.index_cast %parallel_loop3A_808 : i32 to index
        %parallel_loop3A_810 = arith.constant 48 : index
        %parallel_loop3A_811 = tpu.vector_load %arg10[%parallel_loop3A_809, %parallel_loop3A_810] {strides = array<i32>} : memref<400x64xf32, #tpu.memory_space<vmem>>, vector<1x16xf32>,
        %parallel_loop3A_812 = vector.shape_cast %parallel_loop3A_811 : vector<1x16xf32> to vector<16xf32>
        %parallel_loop3A_813 = arith.index_cast %parallel_loop3A_752 : i32 to index
        %parallel_loop3A_814 = arith.constant 48 : index
        %parallel_loop3A_815 = tpu.vector_load %arg9[%parallel_loop3A_813, %parallel_loop3A_814] {strides = array<i32>} : memref<12x64xf32, #tpu.memory_space<vmem>>, vector<1x16xf32>,
        %parallel_loop3A_816 = vector.shape_cast %parallel_loop3A_815 : vector<1x16xf32> to vector<16xf32>
        %parallel_loop3A_817 = arith.addf %parallel_loop3A_812, %parallel_loop3A_816 : vector<16xf32>
        %parallel_loop3A_818 = arith.constant 9 : i32
        %parallel_loop3A_819 = arith.addi %parallel_loop3A_80, %parallel_loop3A_818 : i32
        %parallel_loop3A_820 = arith.index_cast %parallel_loop3A_819 : i32 to index
        %parallel_loop3A_821 = arith.constant 48 : index
        %parallel_loop3A_822 = tpu.vector_load %arg12[%parallel_loop3A_820, %parallel_loop3A_821] {strides = array<i32>} : memref<400x64xf32, #tpu.memory_space<vmem>>, vector<1x16xf32>,
        %parallel_loop3A_823 = vector.shape_cast %parallel_loop3A_822 : vector<1x16xf32> to vector<16xf32>
        %parallel_loop3A_824 = vector.shape_cast %parallel_loop3A_817 : vector<16xf32> to vector<1x16xf32>
        tpu.vector_store %arg12[%parallel_loop3A_820, %parallel_loop3A_821], %parallel_loop3A_824 {strides = array<i32>} : memref<400x64xf32, #tpu.memory_space<vmem>>, vector<1x16xf32>,
        %parallel_loop3A_825 = vector.extract_strided_slice %parallel_loop3A_84 {offsets = [10], sizes = [1], strides = [1]} : vector<16xi32> to vector<1xi32>
        %parallel_loop3A_826 = vector.extract %parallel_loop3A_825[0] : i32 from vector<1xi32>
        %parallel_loop3A_827 = arith.constant 10 : i32
        %parallel_loop3A_828 = arith.addi %parallel_loop3A_80, %parallel_loop3A_827 : i32
        %parallel_loop3A_829 = arith.index_cast %parallel_loop3A_828 : i32 to index
        %parallel_loop3A_830 = arith.constant 0 : index
        %parallel_loop3A_831 = tpu.vector_load %arg10[%parallel_loop3A_829, %parallel_loop3A_830] {strides = array<i32>} : memref<400x64xf32, #tpu.memory_space<vmem>>, vector<1x16xf32>,
        %parallel_loop3A_832 = vector.shape_cast %parallel_loop3A_831 : vector<1x16xf32> to vector<16xf32>
        %parallel_loop3A_833 = arith.index_cast %parallel_loop3A_826 : i32 to index
        %parallel_loop3A_834 = arith.constant 0 : index
        %parallel_loop3A_835 = tpu.vector_load %arg9[%parallel_loop3A_833, %parallel_loop3A_834] {strides = array<i32>} : memref<12x64xf32, #tpu.memory_space<vmem>>, vector<1x16xf32>,
        %parallel_loop3A_836 = vector.shape_cast %parallel_loop3A_835 : vector<1x16xf32> to vector<16xf32>
        %parallel_loop3A_837 = arith.addf %parallel_loop3A_832, %parallel_loop3A_836 : vector<16xf32>
        %parallel_loop3A_838 = arith.constant 10 : i32
        %parallel_loop3A_839 = arith.addi %parallel_loop3A_80, %parallel_loop3A_838 : i32
        %parallel_loop3A_840 = arith.index_cast %parallel_loop3A_839 : i32 to index
        %parallel_loop3A_841 = arith.constant 0 : index
        %parallel_loop3A_842 = tpu.vector_load %arg12[%parallel_loop3A_840, %parallel_loop3A_841] {strides = array<i32>} : memref<400x64xf32, #tpu.memory_space<vmem>>, vector<1x16xf32>,
        %parallel_loop3A_843 = vector.shape_cast %parallel_loop3A_842 : vector<1x16xf32> to vector<16xf32>
        %parallel_loop3A_844 = vector.shape_cast %parallel_loop3A_837 : vector<16xf32> to vector<1x16xf32>
        tpu.vector_store %arg12[%parallel_loop3A_840, %parallel_loop3A_841], %parallel_loop3A_844 {strides = array<i32>} : memref<400x64xf32, #tpu.memory_space<vmem>>, vector<1x16xf32>,
        %parallel_loop3A_845 = arith.constant 10 : i32
        %parallel_loop3A_846 = arith.addi %parallel_loop3A_80, %parallel_loop3A_845 : i32
        %parallel_loop3A_847 = arith.index_cast %parallel_loop3A_846 : i32 to index
        %parallel_loop3A_848 = arith.constant 16 : index
        %parallel_loop3A_849 = tpu.vector_load %arg10[%parallel_loop3A_847, %parallel_loop3A_848] {strides = array<i32>} : memref<400x64xf32, #tpu.memory_space<vmem>>, vector<1x16xf32>,
        %parallel_loop3A_850 = vector.shape_cast %parallel_loop3A_849 : vector<1x16xf32> to vector<16xf32>
        %parallel_loop3A_851 = arith.index_cast %parallel_loop3A_826 : i32 to index
        %parallel_loop3A_852 = arith.constant 16 : index
        %parallel_loop3A_853 = tpu.vector_load %arg9[%parallel_loop3A_851, %parallel_loop3A_852] {strides = array<i32>} : memref<12x64xf32, #tpu.memory_space<vmem>>, vector<1x16xf32>,
        %parallel_loop3A_854 = vector.shape_cast %parallel_loop3A_853 : vector<1x16xf32> to vector<16xf32>
        %parallel_loop3A_855 = arith.addf %parallel_loop3A_850, %parallel_loop3A_854 : vector<16xf32>
        %parallel_loop3A_856 = arith.constant 10 : i32
        %parallel_loop3A_857 = arith.addi %parallel_loop3A_80, %parallel_loop3A_856 : i32
        %parallel_loop3A_858 = arith.index_cast %parallel_loop3A_857 : i32 to index
        %parallel_loop3A_859 = arith.constant 16 : index
        %parallel_loop3A_860 = tpu.vector_load %arg12[%parallel_loop3A_858, %parallel_loop3A_859] {strides = array<i32>} : memref<400x64xf32, #tpu.memory_space<vmem>>, vector<1x16xf32>,
        %parallel_loop3A_861 = vector.shape_cast %parallel_loop3A_860 : vector<1x16xf32> to vector<16xf32>
        %parallel_loop3A_862 = vector.shape_cast %parallel_loop3A_855 : vector<16xf32> to vector<1x16xf32>
        tpu.vector_store %arg12[%parallel_loop3A_858, %parallel_loop3A_859], %parallel_loop3A_862 {strides = array<i32>} : memref<400x64xf32, #tpu.memory_space<vmem>>, vector<1x16xf32>,
        %parallel_loop3A_863 = arith.constant 10 : i32
        %parallel_loop3A_864 = arith.addi %parallel_loop3A_80, %parallel_loop3A_863 : i32
        %parallel_loop3A_865 = arith.index_cast %parallel_loop3A_864 : i32 to index
        %parallel_loop3A_866 = arith.constant 32 : index
        %parallel_loop3A_867 = tpu.vector_load %arg10[%parallel_loop3A_865, %parallel_loop3A_866] {strides = array<i32>} : memref<400x64xf32, #tpu.memory_space<vmem>>, vector<1x16xf32>,
        %parallel_loop3A_868 = vector.shape_cast %parallel_loop3A_867 : vector<1x16xf32> to vector<16xf32>
        %parallel_loop3A_869 = arith.index_cast %parallel_loop3A_826 : i32 to index
        %parallel_loop3A_870 = arith.constant 32 : index
        %parallel_loop3A_871 = tpu.vector_load %arg9[%parallel_loop3A_869, %parallel_loop3A_870] {strides = array<i32>} : memref<12x64xf32, #tpu.memory_space<vmem>>, vector<1x16xf32>,
        %parallel_loop3A_872 = vector.shape_cast %parallel_loop3A_871 : vector<1x16xf32> to vector<16xf32>
        %parallel_loop3A_873 = arith.addf %parallel_loop3A_868, %parallel_loop3A_872 : vector<16xf32>
        %parallel_loop3A_874 = arith.constant 10 : i32
        %parallel_loop3A_875 = arith.addi %parallel_loop3A_80, %parallel_loop3A_874 : i32
        %parallel_loop3A_876 = arith.index_cast %parallel_loop3A_875 : i32 to index
        %parallel_loop3A_877 = arith.constant 32 : index
        %parallel_loop3A_878 = tpu.vector_load %arg12[%parallel_loop3A_876, %parallel_loop3A_877] {strides = array<i32>} : memref<400x64xf32, #tpu.memory_space<vmem>>, vector<1x16xf32>,
        %parallel_loop3A_879 = vector.shape_cast %parallel_loop3A_878 : vector<1x16xf32> to vector<16xf32>
        %parallel_loop3A_880 = vector.shape_cast %parallel_loop3A_873 : vector<16xf32> to vector<1x16xf32>
        tpu.vector_store %arg12[%parallel_loop3A_876, %parallel_loop3A_877], %parallel_loop3A_880 {strides = array<i32>} : memref<400x64xf32, #tpu.memory_space<vmem>>, vector<1x16xf32>,
        %parallel_loop3A_881 = arith.constant 10 : i32
        %parallel_loop3A_882 = arith.addi %parallel_loop3A_80, %parallel_loop3A_881 : i32
        %parallel_loop3A_883 = arith.index_cast %parallel_loop3A_882 : i32 to index
        %parallel_loop3A_884 = arith.constant 48 : index
        %parallel_loop3A_885 = tpu.vector_load %arg10[%parallel_loop3A_883, %parallel_loop3A_884] {strides = array<i32>} : memref<400x64xf32, #tpu.memory_space<vmem>>, vector<1x16xf32>,
        %parallel_loop3A_886 = vector.shape_cast %parallel_loop3A_885 : vector<1x16xf32> to vector<16xf32>
        %parallel_loop3A_887 = arith.index_cast %parallel_loop3A_826 : i32 to index
        %parallel_loop3A_888 = arith.constant 48 : index
        %parallel_loop3A_889 = tpu.vector_load %arg9[%parallel_loop3A_887, %parallel_loop3A_888] {strides = array<i32>} : memref<12x64xf32, #tpu.memory_space<vmem>>, vector<1x16xf32>,
        %parallel_loop3A_890 = vector.shape_cast %parallel_loop3A_889 : vector<1x16xf32> to vector<16xf32>
        %parallel_loop3A_891 = arith.addf %parallel_loop3A_886, %parallel_loop3A_890 : vector<16xf32>
        %parallel_loop3A_892 = arith.constant 10 : i32
        %parallel_loop3A_893 = arith.addi %parallel_loop3A_80, %parallel_loop3A_892 : i32
        %parallel_loop3A_894 = arith.index_cast %parallel_loop3A_893 : i32 to index
        %parallel_loop3A_895 = arith.constant 48 : index
        %parallel_loop3A_896 = tpu.vector_load %arg12[%parallel_loop3A_894, %parallel_loop3A_895] {strides = array<i32>} : memref<400x64xf32, #tpu.memory_space<vmem>>, vector<1x16xf32>,
        %parallel_loop3A_897 = vector.shape_cast %parallel_loop3A_896 : vector<1x16xf32> to vector<16xf32>
        %parallel_loop3A_898 = vector.shape_cast %parallel_loop3A_891 : vector<16xf32> to vector<1x16xf32>
        tpu.vector_store %arg12[%parallel_loop3A_894, %parallel_loop3A_895], %parallel_loop3A_898 {strides = array<i32>} : memref<400x64xf32, #tpu.memory_space<vmem>>, vector<1x16xf32>,
        %parallel_loop3A_899 = vector.extract_strided_slice %parallel_loop3A_84 {offsets = [11], sizes = [1], strides = [1]} : vector<16xi32> to vector<1xi32>
        %parallel_loop3A_900 = vector.extract %parallel_loop3A_899[0] : i32 from vector<1xi32>
        %parallel_loop3A_901 = arith.constant 11 : i32
        %parallel_loop3A_902 = arith.addi %parallel_loop3A_80, %parallel_loop3A_901 : i32
        %parallel_loop3A_903 = arith.index_cast %parallel_loop3A_902 : i32 to index
        %parallel_loop3A_904 = arith.constant 0 : index
        %parallel_loop3A_905 = tpu.vector_load %arg10[%parallel_loop3A_903, %parallel_loop3A_904] {strides = array<i32>} : memref<400x64xf32, #tpu.memory_space<vmem>>, vector<1x16xf32>,
        %parallel_loop3A_906 = vector.shape_cast %parallel_loop3A_905 : vector<1x16xf32> to vector<16xf32>
        %parallel_loop3A_907 = arith.index_cast %parallel_loop3A_900 : i32 to index
        %parallel_loop3A_908 = arith.constant 0 : index
        %parallel_loop3A_909 = tpu.vector_load %arg9[%parallel_loop3A_907, %parallel_loop3A_908] {strides = array<i32>} : memref<12x64xf32, #tpu.memory_space<vmem>>, vector<1x16xf32>,
        %parallel_loop3A_910 = vector.shape_cast %parallel_loop3A_909 : vector<1x16xf32> to vector<16xf32>
        %parallel_loop3A_911 = arith.addf %parallel_loop3A_906, %parallel_loop3A_910 : vector<16xf32>
        %parallel_loop3A_912 = arith.constant 11 : i32
        %parallel_loop3A_913 = arith.addi %parallel_loop3A_80, %parallel_loop3A_912 : i32
        %parallel_loop3A_914 = arith.index_cast %parallel_loop3A_913 : i32 to index
        %parallel_loop3A_915 = arith.constant 0 : index
        %parallel_loop3A_916 = tpu.vector_load %arg12[%parallel_loop3A_914, %parallel_loop3A_915] {strides = array<i32>} : memref<400x64xf32, #tpu.memory_space<vmem>>, vector<1x16xf32>,
        %parallel_loop3A_917 = vector.shape_cast %parallel_loop3A_916 : vector<1x16xf32> to vector<16xf32>
        %parallel_loop3A_918 = vector.shape_cast %parallel_loop3A_911 : vector<16xf32> to vector<1x16xf32>
        tpu.vector_store %arg12[%parallel_loop3A_914, %parallel_loop3A_915], %parallel_loop3A_918 {strides = array<i32>} : memref<400x64xf32, #tpu.memory_space<vmem>>, vector<1x16xf32>,
        %parallel_loop3A_919 = arith.constant 11 : i32
        %parallel_loop3A_920 = arith.addi %parallel_loop3A_80, %parallel_loop3A_919 : i32
        %parallel_loop3A_921 = arith.index_cast %parallel_loop3A_920 : i32 to index
        %parallel_loop3A_922 = arith.constant 16 : index
        %parallel_loop3A_923 = tpu.vector_load %arg10[%parallel_loop3A_921, %parallel_loop3A_922] {strides = array<i32>} : memref<400x64xf32, #tpu.memory_space<vmem>>, vector<1x16xf32>,
        %parallel_loop3A_924 = vector.shape_cast %parallel_loop3A_923 : vector<1x16xf32> to vector<16xf32>
        %parallel_loop3A_925 = arith.index_cast %parallel_loop3A_900 : i32 to index
        %parallel_loop3A_926 = arith.constant 16 : index
        %parallel_loop3A_927 = tpu.vector_load %arg9[%parallel_loop3A_925, %parallel_loop3A_926] {strides = array<i32>} : memref<12x64xf32, #tpu.memory_space<vmem>>, vector<1x16xf32>,
        %parallel_loop3A_928 = vector.shape_cast %parallel_loop3A_927 : vector<1x16xf32> to vector<16xf32>
        %parallel_loop3A_929 = arith.addf %parallel_loop3A_924, %parallel_loop3A_928 : vector<16xf32>
        %parallel_loop3A_930 = arith.constant 11 : i32
        %parallel_loop3A_931 = arith.addi %parallel_loop3A_80, %parallel_loop3A_930 : i32
        %parallel_loop3A_932 = arith.index_cast %parallel_loop3A_931 : i32 to index
        %parallel_loop3A_933 = arith.constant 16 : index
        %parallel_loop3A_934 = tpu.vector_load %arg12[%parallel_loop3A_932, %parallel_loop3A_933] {strides = array<i32>} : memref<400x64xf32, #tpu.memory_space<vmem>>, vector<1x16xf32>,
        %parallel_loop3A_935 = vector.shape_cast %parallel_loop3A_934 : vector<1x16xf32> to vector<16xf32>
        %parallel_loop3A_936 = vector.shape_cast %parallel_loop3A_929 : vector<16xf32> to vector<1x16xf32>
        tpu.vector_store %arg12[%parallel_loop3A_932, %parallel_loop3A_933], %parallel_loop3A_936 {strides = array<i32>} : memref<400x64xf32, #tpu.memory_space<vmem>>, vector<1x16xf32>,
        %parallel_loop3A_937 = arith.constant 11 : i32
        %parallel_loop3A_938 = arith.addi %parallel_loop3A_80, %parallel_loop3A_937 : i32
        %parallel_loop3A_939 = arith.index_cast %parallel_loop3A_938 : i32 to index
        %parallel_loop3A_940 = arith.constant 32 : index
        %parallel_loop3A_941 = tpu.vector_load %arg10[%parallel_loop3A_939, %parallel_loop3A_940] {strides = array<i32>} : memref<400x64xf32, #tpu.memory_space<vmem>>, vector<1x16xf32>,
        %parallel_loop3A_942 = vector.shape_cast %parallel_loop3A_941 : vector<1x16xf32> to vector<16xf32>
        %parallel_loop3A_943 = arith.index_cast %parallel_loop3A_900 : i32 to index
        %parallel_loop3A_944 = arith.constant 32 : index
        %parallel_loop3A_945 = tpu.vector_load %arg9[%parallel_loop3A_943, %parallel_loop3A_944] {strides = array<i32>} : memref<12x64xf32, #tpu.memory_space<vmem>>, vector<1x16xf32>,
        %parallel_loop3A_946 = vector.shape_cast %parallel_loop3A_945 : vector<1x16xf32> to vector<16xf32>
        %parallel_loop3A_947 = arith.addf %parallel_loop3A_942, %parallel_loop3A_946 : vector<16xf32>
        %parallel_loop3A_948 = arith.constant 11 : i32
        %parallel_loop3A_949 = arith.addi %parallel_loop3A_80, %parallel_loop3A_948 : i32
        %parallel_loop3A_950 = arith.index_cast %parallel_loop3A_949 : i32 to index
        %parallel_loop3A_951 = arith.constant 32 : index
        %parallel_loop3A_952 = tpu.vector_load %arg12[%parallel_loop3A_950, %parallel_loop3A_951] {strides = array<i32>} : memref<400x64xf32, #tpu.memory_space<vmem>>, vector<1x16xf32>,
        %parallel_loop3A_953 = vector.shape_cast %parallel_loop3A_952 : vector<1x16xf32> to vector<16xf32>
        %parallel_loop3A_954 = vector.shape_cast %parallel_loop3A_947 : vector<16xf32> to vector<1x16xf32>
        tpu.vector_store %arg12[%parallel_loop3A_950, %parallel_loop3A_951], %parallel_loop3A_954 {strides = array<i32>} : memref<400x64xf32, #tpu.memory_space<vmem>>, vector<1x16xf32>,
        %parallel_loop3A_955 = arith.constant 11 : i32
        %parallel_loop3A_956 = arith.addi %parallel_loop3A_80, %parallel_loop3A_955 : i32
        %parallel_loop3A_957 = arith.index_cast %parallel_loop3A_956 : i32 to index
        %parallel_loop3A_958 = arith.constant 48 : index
        %parallel_loop3A_959 = tpu.vector_load %arg10[%parallel_loop3A_957, %parallel_loop3A_958] {strides = array<i32>} : memref<400x64xf32, #tpu.memory_space<vmem>>, vector<1x16xf32>,
        %parallel_loop3A_960 = vector.shape_cast %parallel_loop3A_959 : vector<1x16xf32> to vector<16xf32>
        %parallel_loop3A_961 = arith.index_cast %parallel_loop3A_900 : i32 to index
        %parallel_loop3A_962 = arith.constant 48 : index
        %parallel_loop3A_963 = tpu.vector_load %arg9[%parallel_loop3A_961, %parallel_loop3A_962] {strides = array<i32>} : memref<12x64xf32, #tpu.memory_space<vmem>>, vector<1x16xf32>,
        %parallel_loop3A_964 = vector.shape_cast %parallel_loop3A_963 : vector<1x16xf32> to vector<16xf32>
        %parallel_loop3A_965 = arith.addf %parallel_loop3A_960, %parallel_loop3A_964 : vector<16xf32>
        %parallel_loop3A_966 = arith.constant 11 : i32
        %parallel_loop3A_967 = arith.addi %parallel_loop3A_80, %parallel_loop3A_966 : i32
        %parallel_loop3A_968 = arith.index_cast %parallel_loop3A_967 : i32 to index
        %parallel_loop3A_969 = arith.constant 48 : index
        %parallel_loop3A_970 = tpu.vector_load %arg12[%parallel_loop3A_968, %parallel_loop3A_969] {strides = array<i32>} : memref<400x64xf32, #tpu.memory_space<vmem>>, vector<1x16xf32>,
        %parallel_loop3A_971 = vector.shape_cast %parallel_loop3A_970 : vector<1x16xf32> to vector<16xf32>
        %parallel_loop3A_972 = vector.shape_cast %parallel_loop3A_965 : vector<16xf32> to vector<1x16xf32>
        tpu.vector_store %arg12[%parallel_loop3A_968, %parallel_loop3A_969], %parallel_loop3A_972 {strides = array<i32>} : memref<400x64xf32, #tpu.memory_space<vmem>>, vector<1x16xf32>,
        %parallel_loop3A_973 = vector.extract_strided_slice %parallel_loop3A_84 {offsets = [12], sizes = [1], strides = [1]} : vector<16xi32> to vector<1xi32>
        %parallel_loop3A_974 = vector.extract %parallel_loop3A_973[0] : i32 from vector<1xi32>
        %parallel_loop3A_975 = arith.constant 12 : i32
        %parallel_loop3A_976 = arith.addi %parallel_loop3A_80, %parallel_loop3A_975 : i32
        %parallel_loop3A_977 = arith.index_cast %parallel_loop3A_976 : i32 to index
        %parallel_loop3A_978 = arith.constant 0 : index
        %parallel_loop3A_979 = tpu.vector_load %arg10[%parallel_loop3A_977, %parallel_loop3A_978] {strides = array<i32>} : memref<400x64xf32, #tpu.memory_space<vmem>>, vector<1x16xf32>,
        %parallel_loop3A_980 = vector.shape_cast %parallel_loop3A_979 : vector<1x16xf32> to vector<16xf32>
        %parallel_loop3A_981 = arith.index_cast %parallel_loop3A_974 : i32 to index
        %parallel_loop3A_982 = arith.constant 0 : index
        %parallel_loop3A_983 = tpu.vector_load %arg9[%parallel_loop3A_981, %parallel_loop3A_982] {strides = array<i32>} : memref<12x64xf32, #tpu.memory_space<vmem>>, vector<1x16xf32>,
        %parallel_loop3A_984 = vector.shape_cast %parallel_loop3A_983 : vector<1x16xf32> to vector<16xf32>
        %parallel_loop3A_985 = arith.addf %parallel_loop3A_980, %parallel_loop3A_984 : vector<16xf32>
        %parallel_loop3A_986 = arith.constant 12 : i32
        %parallel_loop3A_987 = arith.addi %parallel_loop3A_80, %parallel_loop3A_986 : i32
        %parallel_loop3A_988 = arith.index_cast %parallel_loop3A_987 : i32 to index
        %parallel_loop3A_989 = arith.constant 0 : index
        %parallel_loop3A_990 = tpu.vector_load %arg12[%parallel_loop3A_988, %parallel_loop3A_989] {strides = array<i32>} : memref<400x64xf32, #tpu.memory_space<vmem>>, vector<1x16xf32>,
        %parallel_loop3A_991 = vector.shape_cast %parallel_loop3A_990 : vector<1x16xf32> to vector<16xf32>
        %parallel_loop3A_992 = vector.shape_cast %parallel_loop3A_985 : vector<16xf32> to vector<1x16xf32>
        tpu.vector_store %arg12[%parallel_loop3A_988, %parallel_loop3A_989], %parallel_loop3A_992 {strides = array<i32>} : memref<400x64xf32, #tpu.memory_space<vmem>>, vector<1x16xf32>,
        %parallel_loop3A_993 = arith.constant 12 : i32
        %parallel_loop3A_994 = arith.addi %parallel_loop3A_80, %parallel_loop3A_993 : i32
        %parallel_loop3A_995 = arith.index_cast %parallel_loop3A_994 : i32 to index
        %parallel_loop3A_996 = arith.constant 16 : index
        %parallel_loop3A_997 = tpu.vector_load %arg10[%parallel_loop3A_995, %parallel_loop3A_996] {strides = array<i32>} : memref<400x64xf32, #tpu.memory_space<vmem>>, vector<1x16xf32>,
        %parallel_loop3A_998 = vector.shape_cast %parallel_loop3A_997 : vector<1x16xf32> to vector<16xf32>
        %parallel_loop3A_999 = arith.index_cast %parallel_loop3A_974 : i32 to index
        %parallel_loop3A_1000 = arith.constant 16 : index
        %parallel_loop3A_1001 = tpu.vector_load %arg9[%parallel_loop3A_999, %parallel_loop3A_1000] {strides = array<i32>} : memref<12x64xf32, #tpu.memory_space<vmem>>, vector<1x16xf32>,
        %parallel_loop3A_1002 = vector.shape_cast %parallel_loop3A_1001 : vector<1x16xf32> to vector<16xf32>
        %parallel_loop3A_1003 = arith.addf %parallel_loop3A_998, %parallel_loop3A_1002 : vector<16xf32>
        %parallel_loop3A_1004 = arith.constant 12 : i32
        %parallel_loop3A_1005 = arith.addi %parallel_loop3A_80, %parallel_loop3A_1004 : i32
        %parallel_loop3A_1006 = arith.index_cast %parallel_loop3A_1005 : i32 to index
        %parallel_loop3A_1007 = arith.constant 16 : index
        %parallel_loop3A_1008 = tpu.vector_load %arg12[%parallel_loop3A_1006, %parallel_loop3A_1007] {strides = array<i32>} : memref<400x64xf32, #tpu.memory_space<vmem>>, vector<1x16xf32>,
        %parallel_loop3A_1009 = vector.shape_cast %parallel_loop3A_1008 : vector<1x16xf32> to vector<16xf32>
        %parallel_loop3A_1010 = vector.shape_cast %parallel_loop3A_1003 : vector<16xf32> to vector<1x16xf32>
        tpu.vector_store %arg12[%parallel_loop3A_1006, %parallel_loop3A_1007], %parallel_loop3A_1010 {strides = array<i32>} : memref<400x64xf32, #tpu.memory_space<vmem>>, vector<1x16xf32>,
        %parallel_loop3A_1011 = arith.constant 12 : i32
        %parallel_loop3A_1012 = arith.addi %parallel_loop3A_80, %parallel_loop3A_1011 : i32
        %parallel_loop3A_1013 = arith.index_cast %parallel_loop3A_1012 : i32 to index
        %parallel_loop3A_1014 = arith.constant 32 : index
        %parallel_loop3A_1015 = tpu.vector_load %arg10[%parallel_loop3A_1013, %parallel_loop3A_1014] {strides = array<i32>} : memref<400x64xf32, #tpu.memory_space<vmem>>, vector<1x16xf32>,
        %parallel_loop3A_1016 = vector.shape_cast %parallel_loop3A_1015 : vector<1x16xf32> to vector<16xf32>
        %parallel_loop3A_1017 = arith.index_cast %parallel_loop3A_974 : i32 to index
        %parallel_loop3A_1018 = arith.constant 32 : index
        %parallel_loop3A_1019 = tpu.vector_load %arg9[%parallel_loop3A_1017, %parallel_loop3A_1018] {strides = array<i32>} : memref<12x64xf32, #tpu.memory_space<vmem>>, vector<1x16xf32>,
        %parallel_loop3A_1020 = vector.shape_cast %parallel_loop3A_1019 : vector<1x16xf32> to vector<16xf32>
        %parallel_loop3A_1021 = arith.addf %parallel_loop3A_1016, %parallel_loop3A_1020 : vector<16xf32>
        %parallel_loop3A_1022 = arith.constant 12 : i32
        %parallel_loop3A_1023 = arith.addi %parallel_loop3A_80, %parallel_loop3A_1022 : i32
        %parallel_loop3A_1024 = arith.index_cast %parallel_loop3A_1023 : i32 to index
        %parallel_loop3A_1025 = arith.constant 32 : index
        %parallel_loop3A_1026 = tpu.vector_load %arg12[%parallel_loop3A_1024, %parallel_loop3A_1025] {strides = array<i32>} : memref<400x64xf32, #tpu.memory_space<vmem>>, vector<1x16xf32>,
        %parallel_loop3A_1027 = vector.shape_cast %parallel_loop3A_1026 : vector<1x16xf32> to vector<16xf32>
        %parallel_loop3A_1028 = vector.shape_cast %parallel_loop3A_1021 : vector<16xf32> to vector<1x16xf32>
        tpu.vector_store %arg12[%parallel_loop3A_1024, %parallel_loop3A_1025], %parallel_loop3A_1028 {strides = array<i32>} : memref<400x64xf32, #tpu.memory_space<vmem>>, vector<1x16xf32>,
        %parallel_loop3A_1029 = arith.constant 12 : i32
        %parallel_loop3A_1030 = arith.addi %parallel_loop3A_80, %parallel_loop3A_1029 : i32
        %parallel_loop3A_1031 = arith.index_cast %parallel_loop3A_1030 : i32 to index
        %parallel_loop3A_1032 = arith.constant 48 : index
        %parallel_loop3A_1033 = tpu.vector_load %arg10[%parallel_loop3A_1031, %parallel_loop3A_1032] {strides = array<i32>} : memref<400x64xf32, #tpu.memory_space<vmem>>, vector<1x16xf32>,
        %parallel_loop3A_1034 = vector.shape_cast %parallel_loop3A_1033 : vector<1x16xf32> to vector<16xf32>
        %parallel_loop3A_1035 = arith.index_cast %parallel_loop3A_974 : i32 to index
        %parallel_loop3A_1036 = arith.constant 48 : index
        %parallel_loop3A_1037 = tpu.vector_load %arg9[%parallel_loop3A_1035, %parallel_loop3A_1036] {strides = array<i32>} : memref<12x64xf32, #tpu.memory_space<vmem>>, vector<1x16xf32>,
        %parallel_loop3A_1038 = vector.shape_cast %parallel_loop3A_1037 : vector<1x16xf32> to vector<16xf32>
        %parallel_loop3A_1039 = arith.addf %parallel_loop3A_1034, %parallel_loop3A_1038 : vector<16xf32>
        %parallel_loop3A_1040 = arith.constant 12 : i32
        %parallel_loop3A_1041 = arith.addi %parallel_loop3A_80, %parallel_loop3A_1040 : i32
        %parallel_loop3A_1042 = arith.index_cast %parallel_loop3A_1041 : i32 to index
        %parallel_loop3A_1043 = arith.constant 48 : index
        %parallel_loop3A_1044 = tpu.vector_load %arg12[%parallel_loop3A_1042, %parallel_loop3A_1043] {strides = array<i32>} : memref<400x64xf32, #tpu.memory_space<vmem>>, vector<1x16xf32>,
        %parallel_loop3A_1045 = vector.shape_cast %parallel_loop3A_1044 : vector<1x16xf32> to vector<16xf32>
        %parallel_loop3A_1046 = vector.shape_cast %parallel_loop3A_1039 : vector<16xf32> to vector<1x16xf32>
        tpu.vector_store %arg12[%parallel_loop3A_1042, %parallel_loop3A_1043], %parallel_loop3A_1046 {strides = array<i32>} : memref<400x64xf32, #tpu.memory_space<vmem>>, vector<1x16xf32>,
        %parallel_loop3A_1047 = vector.extract_strided_slice %parallel_loop3A_84 {offsets = [13], sizes = [1], strides = [1]} : vector<16xi32> to vector<1xi32>
        %parallel_loop3A_1048 = vector.extract %parallel_loop3A_1047[0] : i32 from vector<1xi32>
        %parallel_loop3A_1049 = arith.constant 13 : i32
        %parallel_loop3A_1050 = arith.addi %parallel_loop3A_80, %parallel_loop3A_1049 : i32
        %parallel_loop3A_1051 = arith.index_cast %parallel_loop3A_1050 : i32 to index
        %parallel_loop3A_1052 = arith.constant 0 : index
        %parallel_loop3A_1053 = tpu.vector_load %arg10[%parallel_loop3A_1051, %parallel_loop3A_1052] {strides = array<i32>} : memref<400x64xf32, #tpu.memory_space<vmem>>, vector<1x16xf32>,
        %parallel_loop3A_1054 = vector.shape_cast %parallel_loop3A_1053 : vector<1x16xf32> to vector<16xf32>
        %parallel_loop3A_1055 = arith.index_cast %parallel_loop3A_1048 : i32 to index
        %parallel_loop3A_1056 = arith.constant 0 : index
        %parallel_loop3A_1057 = tpu.vector_load %arg9[%parallel_loop3A_1055, %parallel_loop3A_1056] {strides = array<i32>} : memref<12x64xf32, #tpu.memory_space<vmem>>, vector<1x16xf32>,
        %parallel_loop3A_1058 = vector.shape_cast %parallel_loop3A_1057 : vector<1x16xf32> to vector<16xf32>
        %parallel_loop3A_1059 = arith.addf %parallel_loop3A_1054, %parallel_loop3A_1058 : vector<16xf32>
        %parallel_loop3A_1060 = arith.constant 13 : i32
        %parallel_loop3A_1061 = arith.addi %parallel_loop3A_80, %parallel_loop3A_1060 : i32
        %parallel_loop3A_1062 = arith.index_cast %parallel_loop3A_1061 : i32 to index
        %parallel_loop3A_1063 = arith.constant 0 : index
        %parallel_loop3A_1064 = tpu.vector_load %arg12[%parallel_loop3A_1062, %parallel_loop3A_1063] {strides = array<i32>} : memref<400x64xf32, #tpu.memory_space<vmem>>, vector<1x16xf32>,
        %parallel_loop3A_1065 = vector.shape_cast %parallel_loop3A_1064 : vector<1x16xf32> to vector<16xf32>
        %parallel_loop3A_1066 = vector.shape_cast %parallel_loop3A_1059 : vector<16xf32> to vector<1x16xf32>
        tpu.vector_store %arg12[%parallel_loop3A_1062, %parallel_loop3A_1063], %parallel_loop3A_1066 {strides = array<i32>} : memref<400x64xf32, #tpu.memory_space<vmem>>, vector<1x16xf32>,
        %parallel_loop3A_1067 = arith.constant 13 : i32
        %parallel_loop3A_1068 = arith.addi %parallel_loop3A_80, %parallel_loop3A_1067 : i32
        %parallel_loop3A_1069 = arith.index_cast %parallel_loop3A_1068 : i32 to index
        %parallel_loop3A_1070 = arith.constant 16 : index
        %parallel_loop3A_1071 = tpu.vector_load %arg10[%parallel_loop3A_1069, %parallel_loop3A_1070] {strides = array<i32>} : memref<400x64xf32, #tpu.memory_space<vmem>>, vector<1x16xf32>,
        %parallel_loop3A_1072 = vector.shape_cast %parallel_loop3A_1071 : vector<1x16xf32> to vector<16xf32>
        %parallel_loop3A_1073 = arith.index_cast %parallel_loop3A_1048 : i32 to index
        %parallel_loop3A_1074 = arith.constant 16 : index
        %parallel_loop3A_1075 = tpu.vector_load %arg9[%parallel_loop3A_1073, %parallel_loop3A_1074] {strides = array<i32>} : memref<12x64xf32, #tpu.memory_space<vmem>>, vector<1x16xf32>,
        %parallel_loop3A_1076 = vector.shape_cast %parallel_loop3A_1075 : vector<1x16xf32> to vector<16xf32>
        %parallel_loop3A_1077 = arith.addf %parallel_loop3A_1072, %parallel_loop3A_1076 : vector<16xf32>
        %parallel_loop3A_1078 = arith.constant 13 : i32
        %parallel_loop3A_1079 = arith.addi %parallel_loop3A_80, %parallel_loop3A_1078 : i32
        %parallel_loop3A_1080 = arith.index_cast %parallel_loop3A_1079 : i32 to index
        %parallel_loop3A_1081 = arith.constant 16 : index
        %parallel_loop3A_1082 = tpu.vector_load %arg12[%parallel_loop3A_1080, %parallel_loop3A_1081] {strides = array<i32>} : memref<400x64xf32, #tpu.memory_space<vmem>>, vector<1x16xf32>,
        %parallel_loop3A_1083 = vector.shape_cast %parallel_loop3A_1082 : vector<1x16xf32> to vector<16xf32>
        %parallel_loop3A_1084 = vector.shape_cast %parallel_loop3A_1077 : vector<16xf32> to vector<1x16xf32>
        tpu.vector_store %arg12[%parallel_loop3A_1080, %parallel_loop3A_1081], %parallel_loop3A_1084 {strides = array<i32>} : memref<400x64xf32, #tpu.memory_space<vmem>>, vector<1x16xf32>,
        %parallel_loop3A_1085 = arith.constant 13 : i32
        %parallel_loop3A_1086 = arith.addi %parallel_loop3A_80, %parallel_loop3A_1085 : i32
        %parallel_loop3A_1087 = arith.index_cast %parallel_loop3A_1086 : i32 to index
        %parallel_loop3A_1088 = arith.constant 32 : index
        %parallel_loop3A_1089 = tpu.vector_load %arg10[%parallel_loop3A_1087, %parallel_loop3A_1088] {strides = array<i32>} : memref<400x64xf32, #tpu.memory_space<vmem>>, vector<1x16xf32>,
        %parallel_loop3A_1090 = vector.shape_cast %parallel_loop3A_1089 : vector<1x16xf32> to vector<16xf32>
        %parallel_loop3A_1091 = arith.index_cast %parallel_loop3A_1048 : i32 to index
        %parallel_loop3A_1092 = arith.constant 32 : index
        %parallel_loop3A_1093 = tpu.vector_load %arg9[%parallel_loop3A_1091, %parallel_loop3A_1092] {strides = array<i32>} : memref<12x64xf32, #tpu.memory_space<vmem>>, vector<1x16xf32>,
        %parallel_loop3A_1094 = vector.shape_cast %parallel_loop3A_1093 : vector<1x16xf32> to vector<16xf32>
        %parallel_loop3A_1095 = arith.addf %parallel_loop3A_1090, %parallel_loop3A_1094 : vector<16xf32>
        %parallel_loop3A_1096 = arith.constant 13 : i32
        %parallel_loop3A_1097 = arith.addi %parallel_loop3A_80, %parallel_loop3A_1096 : i32
        %parallel_loop3A_1098 = arith.index_cast %parallel_loop3A_1097 : i32 to index
        %parallel_loop3A_1099 = arith.constant 32 : index
        %parallel_loop3A_1100 = tpu.vector_load %arg12[%parallel_loop3A_1098, %parallel_loop3A_1099] {strides = array<i32>} : memref<400x64xf32, #tpu.memory_space<vmem>>, vector<1x16xf32>,
        %parallel_loop3A_1101 = vector.shape_cast %parallel_loop3A_1100 : vector<1x16xf32> to vector<16xf32>
        %parallel_loop3A_1102 = vector.shape_cast %parallel_loop3A_1095 : vector<16xf32> to vector<1x16xf32>
        tpu.vector_store %arg12[%parallel_loop3A_1098, %parallel_loop3A_1099], %parallel_loop3A_1102 {strides = array<i32>} : memref<400x64xf32, #tpu.memory_space<vmem>>, vector<1x16xf32>,
        %parallel_loop3A_1103 = arith.constant 13 : i32
        %parallel_loop3A_1104 = arith.addi %parallel_loop3A_80, %parallel_loop3A_1103 : i32
        %parallel_loop3A_1105 = arith.index_cast %parallel_loop3A_1104 : i32 to index
        %parallel_loop3A_1106 = arith.constant 48 : index
        %parallel_loop3A_1107 = tpu.vector_load %arg10[%parallel_loop3A_1105, %parallel_loop3A_1106] {strides = array<i32>} : memref<400x64xf32, #tpu.memory_space<vmem>>, vector<1x16xf32>,
        %parallel_loop3A_1108 = vector.shape_cast %parallel_loop3A_1107 : vector<1x16xf32> to vector<16xf32>
        %parallel_loop3A_1109 = arith.index_cast %parallel_loop3A_1048 : i32 to index
        %parallel_loop3A_1110 = arith.constant 48 : index
        %parallel_loop3A_1111 = tpu.vector_load %arg9[%parallel_loop3A_1109, %parallel_loop3A_1110] {strides = array<i32>} : memref<12x64xf32, #tpu.memory_space<vmem>>, vector<1x16xf32>,
        %parallel_loop3A_1112 = vector.shape_cast %parallel_loop3A_1111 : vector<1x16xf32> to vector<16xf32>
        %parallel_loop3A_1113 = arith.addf %parallel_loop3A_1108, %parallel_loop3A_1112 : vector<16xf32>
        %parallel_loop3A_1114 = arith.constant 13 : i32
        %parallel_loop3A_1115 = arith.addi %parallel_loop3A_80, %parallel_loop3A_1114 : i32
        %parallel_loop3A_1116 = arith.index_cast %parallel_loop3A_1115 : i32 to index
        %parallel_loop3A_1117 = arith.constant 48 : index
        %parallel_loop3A_1118 = tpu.vector_load %arg12[%parallel_loop3A_1116, %parallel_loop3A_1117] {strides = array<i32>} : memref<400x64xf32, #tpu.memory_space<vmem>>, vector<1x16xf32>,
        %parallel_loop3A_1119 = vector.shape_cast %parallel_loop3A_1118 : vector<1x16xf32> to vector<16xf32>
        %parallel_loop3A_1120 = vector.shape_cast %parallel_loop3A_1113 : vector<16xf32> to vector<1x16xf32>
        tpu.vector_store %arg12[%parallel_loop3A_1116, %parallel_loop3A_1117], %parallel_loop3A_1120 {strides = array<i32>} : memref<400x64xf32, #tpu.memory_space<vmem>>, vector<1x16xf32>,
        %parallel_loop3A_1121 = vector.extract_strided_slice %parallel_loop3A_84 {offsets = [14], sizes = [1], strides = [1]} : vector<16xi32> to vector<1xi32>
        %parallel_loop3A_1122 = vector.extract %parallel_loop3A_1121[0] : i32 from vector<1xi32>
        %parallel_loop3A_1123 = arith.constant 14 : i32
        %parallel_loop3A_1124 = arith.addi %parallel_loop3A_80, %parallel_loop3A_1123 : i32
        %parallel_loop3A_1125 = arith.index_cast %parallel_loop3A_1124 : i32 to index
        %parallel_loop3A_1126 = arith.constant 0 : index
        %parallel_loop3A_1127 = tpu.vector_load %arg10[%parallel_loop3A_1125, %parallel_loop3A_1126] {strides = array<i32>} : memref<400x64xf32, #tpu.memory_space<vmem>>, vector<1x16xf32>,
        %parallel_loop3A_1128 = vector.shape_cast %parallel_loop3A_1127 : vector<1x16xf32> to vector<16xf32>
        %parallel_loop3A_1129 = arith.index_cast %parallel_loop3A_1122 : i32 to index
        %parallel_loop3A_1130 = arith.constant 0 : index
        %parallel_loop3A_1131 = tpu.vector_load %arg9[%parallel_loop3A_1129, %parallel_loop3A_1130] {strides = array<i32>} : memref<12x64xf32, #tpu.memory_space<vmem>>, vector<1x16xf32>,
        %parallel_loop3A_1132 = vector.shape_cast %parallel_loop3A_1131 : vector<1x16xf32> to vector<16xf32>
        %parallel_loop3A_1133 = arith.addf %parallel_loop3A_1128, %parallel_loop3A_1132 : vector<16xf32>
        %parallel_loop3A_1134 = arith.constant 14 : i32
        %parallel_loop3A_1135 = arith.addi %parallel_loop3A_80, %parallel_loop3A_1134 : i32
        %parallel_loop3A_1136 = arith.index_cast %parallel_loop3A_1135 : i32 to index
        %parallel_loop3A_1137 = arith.constant 0 : index
        %parallel_loop3A_1138 = tpu.vector_load %arg12[%parallel_loop3A_1136, %parallel_loop3A_1137] {strides = array<i32>} : memref<400x64xf32, #tpu.memory_space<vmem>>, vector<1x16xf32>,
        %parallel_loop3A_1139 = vector.shape_cast %parallel_loop3A_1138 : vector<1x16xf32> to vector<16xf32>
        %parallel_loop3A_1140 = vector.shape_cast %parallel_loop3A_1133 : vector<16xf32> to vector<1x16xf32>
        tpu.vector_store %arg12[%parallel_loop3A_1136, %parallel_loop3A_1137], %parallel_loop3A_1140 {strides = array<i32>} : memref<400x64xf32, #tpu.memory_space<vmem>>, vector<1x16xf32>,
        %parallel_loop3A_1141 = arith.constant 14 : i32
        %parallel_loop3A_1142 = arith.addi %parallel_loop3A_80, %parallel_loop3A_1141 : i32
        %parallel_loop3A_1143 = arith.index_cast %parallel_loop3A_1142 : i32 to index
        %parallel_loop3A_1144 = arith.constant 16 : index
        %parallel_loop3A_1145 = tpu.vector_load %arg10[%parallel_loop3A_1143, %parallel_loop3A_1144] {strides = array<i32>} : memref<400x64xf32, #tpu.memory_space<vmem>>, vector<1x16xf32>,
        %parallel_loop3A_1146 = vector.shape_cast %parallel_loop3A_1145 : vector<1x16xf32> to vector<16xf32>
        %parallel_loop3A_1147 = arith.index_cast %parallel_loop3A_1122 : i32 to index
        %parallel_loop3A_1148 = arith.constant 16 : index
        %parallel_loop3A_1149 = tpu.vector_load %arg9[%parallel_loop3A_1147, %parallel_loop3A_1148] {strides = array<i32>} : memref<12x64xf32, #tpu.memory_space<vmem>>, vector<1x16xf32>,
        %parallel_loop3A_1150 = vector.shape_cast %parallel_loop3A_1149 : vector<1x16xf32> to vector<16xf32>
        %parallel_loop3A_1151 = arith.addf %parallel_loop3A_1146, %parallel_loop3A_1150 : vector<16xf32>
        %parallel_loop3A_1152 = arith.constant 14 : i32
        %parallel_loop3A_1153 = arith.addi %parallel_loop3A_80, %parallel_loop3A_1152 : i32
        %parallel_loop3A_1154 = arith.index_cast %parallel_loop3A_1153 : i32 to index
        %parallel_loop3A_1155 = arith.constant 16 : index
        %parallel_loop3A_1156 = tpu.vector_load %arg12[%parallel_loop3A_1154, %parallel_loop3A_1155] {strides = array<i32>} : memref<400x64xf32, #tpu.memory_space<vmem>>, vector<1x16xf32>,
        %parallel_loop3A_1157 = vector.shape_cast %parallel_loop3A_1156 : vector<1x16xf32> to vector<16xf32>
        %parallel_loop3A_1158 = vector.shape_cast %parallel_loop3A_1151 : vector<16xf32> to vector<1x16xf32>
        tpu.vector_store %arg12[%parallel_loop3A_1154, %parallel_loop3A_1155], %parallel_loop3A_1158 {strides = array<i32>} : memref<400x64xf32, #tpu.memory_space<vmem>>, vector<1x16xf32>,
        %parallel_loop3A_1159 = arith.constant 14 : i32
        %parallel_loop3A_1160 = arith.addi %parallel_loop3A_80, %parallel_loop3A_1159 : i32
        %parallel_loop3A_1161 = arith.index_cast %parallel_loop3A_1160 : i32 to index
        %parallel_loop3A_1162 = arith.constant 32 : index
        %parallel_loop3A_1163 = tpu.vector_load %arg10[%parallel_loop3A_1161, %parallel_loop3A_1162] {strides = array<i32>} : memref<400x64xf32, #tpu.memory_space<vmem>>, vector<1x16xf32>,
        %parallel_loop3A_1164 = vector.shape_cast %parallel_loop3A_1163 : vector<1x16xf32> to vector<16xf32>
        %parallel_loop3A_1165 = arith.index_cast %parallel_loop3A_1122 : i32 to index
        %parallel_loop3A_1166 = arith.constant 32 : index
        %parallel_loop3A_1167 = tpu.vector_load %arg9[%parallel_loop3A_1165, %parallel_loop3A_1166] {strides = array<i32>} : memref<12x64xf32, #tpu.memory_space<vmem>>, vector<1x16xf32>,
        %parallel_loop3A_1168 = vector.shape_cast %parallel_loop3A_1167 : vector<1x16xf32> to vector<16xf32>
        %parallel_loop3A_1169 = arith.addf %parallel_loop3A_1164, %parallel_loop3A_1168 : vector<16xf32>
        %parallel_loop3A_1170 = arith.constant 14 : i32
        %parallel_loop3A_1171 = arith.addi %parallel_loop3A_80, %parallel_loop3A_1170 : i32
        %parallel_loop3A_1172 = arith.index_cast %parallel_loop3A_1171 : i32 to index
        %parallel_loop3A_1173 = arith.constant 32 : index
        %parallel_loop3A_1174 = tpu.vector_load %arg12[%parallel_loop3A_1172, %parallel_loop3A_1173] {strides = array<i32>} : memref<400x64xf32, #tpu.memory_space<vmem>>, vector<1x16xf32>,
        %parallel_loop3A_1175 = vector.shape_cast %parallel_loop3A_1174 : vector<1x16xf32> to vector<16xf32>
        %parallel_loop3A_1176 = vector.shape_cast %parallel_loop3A_1169 : vector<16xf32> to vector<1x16xf32>
        tpu.vector_store %arg12[%parallel_loop3A_1172, %parallel_loop3A_1173], %parallel_loop3A_1176 {strides = array<i32>} : memref<400x64xf32, #tpu.memory_space<vmem>>, vector<1x16xf32>,
        %parallel_loop3A_1177 = arith.constant 14 : i32
        %parallel_loop3A_1178 = arith.addi %parallel_loop3A_80, %parallel_loop3A_1177 : i32
        %parallel_loop3A_1179 = arith.index_cast %parallel_loop3A_1178 : i32 to index
        %parallel_loop3A_1180 = arith.constant 48 : index
        %parallel_loop3A_1181 = tpu.vector_load %arg10[%parallel_loop3A_1179, %parallel_loop3A_1180] {strides = array<i32>} : memref<400x64xf32, #tpu.memory_space<vmem>>, vector<1x16xf32>,
        %parallel_loop3A_1182 = vector.shape_cast %parallel_loop3A_1181 : vector<1x16xf32> to vector<16xf32>
        %parallel_loop3A_1183 = arith.index_cast %parallel_loop3A_1122 : i32 to index
        %parallel_loop3A_1184 = arith.constant 48 : index
        %parallel_loop3A_1185 = tpu.vector_load %arg9[%parallel_loop3A_1183, %parallel_loop3A_1184] {strides = array<i32>} : memref<12x64xf32, #tpu.memory_space<vmem>>, vector<1x16xf32>,
        %parallel_loop3A_1186 = vector.shape_cast %parallel_loop3A_1185 : vector<1x16xf32> to vector<16xf32>
        %parallel_loop3A_1187 = arith.addf %parallel_loop3A_1182, %parallel_loop3A_1186 : vector<16xf32>
        %parallel_loop3A_1188 = arith.constant 14 : i32
        %parallel_loop3A_1189 = arith.addi %parallel_loop3A_80, %parallel_loop3A_1188 : i32
        %parallel_loop3A_1190 = arith.index_cast %parallel_loop3A_1189 : i32 to index
        %parallel_loop3A_1191 = arith.constant 48 : index
        %parallel_loop3A_1192 = tpu.vector_load %arg12[%parallel_loop3A_1190, %parallel_loop3A_1191] {strides = array<i32>} : memref<400x64xf32, #tpu.memory_space<vmem>>, vector<1x16xf32>,
        %parallel_loop3A_1193 = vector.shape_cast %parallel_loop3A_1192 : vector<1x16xf32> to vector<16xf32>
        %parallel_loop3A_1194 = vector.shape_cast %parallel_loop3A_1187 : vector<16xf32> to vector<1x16xf32>
        tpu.vector_store %arg12[%parallel_loop3A_1190, %parallel_loop3A_1191], %parallel_loop3A_1194 {strides = array<i32>} : memref<400x64xf32, #tpu.memory_space<vmem>>, vector<1x16xf32>,
        %parallel_loop3A_1195 = vector.extract_strided_slice %parallel_loop3A_84 {offsets = [15], sizes = [1], strides = [1]} : vector<16xi32> to vector<1xi32>
        %parallel_loop3A_1196 = vector.extract %parallel_loop3A_1195[0] : i32 from vector<1xi32>
        %parallel_loop3A_1197 = arith.constant 15 : i32
        %parallel_loop3A_1198 = arith.addi %parallel_loop3A_80, %parallel_loop3A_1197 : i32
        %parallel_loop3A_1199 = arith.index_cast %parallel_loop3A_1198 : i32 to index
        %parallel_loop3A_1200 = arith.constant 0 : index
        %parallel_loop3A_1201 = tpu.vector_load %arg10[%parallel_loop3A_1199, %parallel_loop3A_1200] {strides = array<i32>} : memref<400x64xf32, #tpu.memory_space<vmem>>, vector<1x16xf32>,
        %parallel_loop3A_1202 = vector.shape_cast %parallel_loop3A_1201 : vector<1x16xf32> to vector<16xf32>
        %parallel_loop3A_1203 = arith.index_cast %parallel_loop3A_1196 : i32 to index
        %parallel_loop3A_1204 = arith.constant 0 : index
        %parallel_loop3A_1205 = tpu.vector_load %arg9[%parallel_loop3A_1203, %parallel_loop3A_1204] {strides = array<i32>} : memref<12x64xf32, #tpu.memory_space<vmem>>, vector<1x16xf32>,
        %parallel_loop3A_1206 = vector.shape_cast %parallel_loop3A_1205 : vector<1x16xf32> to vector<16xf32>
        %parallel_loop3A_1207 = arith.addf %parallel_loop3A_1202, %parallel_loop3A_1206 : vector<16xf32>
        %parallel_loop3A_1208 = arith.constant 15 : i32
        %parallel_loop3A_1209 = arith.addi %parallel_loop3A_80, %parallel_loop3A_1208 : i32
        %parallel_loop3A_1210 = arith.index_cast %parallel_loop3A_1209 : i32 to index
        %parallel_loop3A_1211 = arith.constant 0 : index
        %parallel_loop3A_1212 = tpu.vector_load %arg12[%parallel_loop3A_1210, %parallel_loop3A_1211] {strides = array<i32>} : memref<400x64xf32, #tpu.memory_space<vmem>>, vector<1x16xf32>,
        %parallel_loop3A_1213 = vector.shape_cast %parallel_loop3A_1212 : vector<1x16xf32> to vector<16xf32>
        %parallel_loop3A_1214 = vector.shape_cast %parallel_loop3A_1207 : vector<16xf32> to vector<1x16xf32>
        tpu.vector_store %arg12[%parallel_loop3A_1210, %parallel_loop3A_1211], %parallel_loop3A_1214 {strides = array<i32>} : memref<400x64xf32, #tpu.memory_space<vmem>>, vector<1x16xf32>,
        %parallel_loop3A_1215 = arith.constant 15 : i32
        %parallel_loop3A_1216 = arith.addi %parallel_loop3A_80, %parallel_loop3A_1215 : i32
        %parallel_loop3A_1217 = arith.index_cast %parallel_loop3A_1216 : i32 to index
        %parallel_loop3A_1218 = arith.constant 16 : index
        %parallel_loop3A_1219 = tpu.vector_load %arg10[%parallel_loop3A_1217, %parallel_loop3A_1218] {strides = array<i32>} : memref<400x64xf32, #tpu.memory_space<vmem>>, vector<1x16xf32>,
        %parallel_loop3A_1220 = vector.shape_cast %parallel_loop3A_1219 : vector<1x16xf32> to vector<16xf32>
        %parallel_loop3A_1221 = arith.index_cast %parallel_loop3A_1196 : i32 to index
        %parallel_loop3A_1222 = arith.constant 16 : index
        %parallel_loop3A_1223 = tpu.vector_load %arg9[%parallel_loop3A_1221, %parallel_loop3A_1222] {strides = array<i32>} : memref<12x64xf32, #tpu.memory_space<vmem>>, vector<1x16xf32>,
        %parallel_loop3A_1224 = vector.shape_cast %parallel_loop3A_1223 : vector<1x16xf32> to vector<16xf32>
        %parallel_loop3A_1225 = arith.addf %parallel_loop3A_1220, %parallel_loop3A_1224 : vector<16xf32>
        %parallel_loop3A_1226 = arith.constant 15 : i32
        %parallel_loop3A_1227 = arith.addi %parallel_loop3A_80, %parallel_loop3A_1226 : i32
        %parallel_loop3A_1228 = arith.index_cast %parallel_loop3A_1227 : i32 to index
        %parallel_loop3A_1229 = arith.constant 16 : index
        %parallel_loop3A_1230 = tpu.vector_load %arg12[%parallel_loop3A_1228, %parallel_loop3A_1229] {strides = array<i32>} : memref<400x64xf32, #tpu.memory_space<vmem>>, vector<1x16xf32>,
        %parallel_loop3A_1231 = vector.shape_cast %parallel_loop3A_1230 : vector<1x16xf32> to vector<16xf32>
        %parallel_loop3A_1232 = vector.shape_cast %parallel_loop3A_1225 : vector<16xf32> to vector<1x16xf32>
        tpu.vector_store %arg12[%parallel_loop3A_1228, %parallel_loop3A_1229], %parallel_loop3A_1232 {strides = array<i32>} : memref<400x64xf32, #tpu.memory_space<vmem>>, vector<1x16xf32>,
        %parallel_loop3A_1233 = arith.constant 15 : i32
        %parallel_loop3A_1234 = arith.addi %parallel_loop3A_80, %parallel_loop3A_1233 : i32
        %parallel_loop3A_1235 = arith.index_cast %parallel_loop3A_1234 : i32 to index
        %parallel_loop3A_1236 = arith.constant 32 : index
        %parallel_loop3A_1237 = tpu.vector_load %arg10[%parallel_loop3A_1235, %parallel_loop3A_1236] {strides = array<i32>} : memref<400x64xf32, #tpu.memory_space<vmem>>, vector<1x16xf32>,
        %parallel_loop3A_1238 = vector.shape_cast %parallel_loop3A_1237 : vector<1x16xf32> to vector<16xf32>
        %parallel_loop3A_1239 = arith.index_cast %parallel_loop3A_1196 : i32 to index
        %parallel_loop3A_1240 = arith.constant 32 : index
        %parallel_loop3A_1241 = tpu.vector_load %arg9[%parallel_loop3A_1239, %parallel_loop3A_1240] {strides = array<i32>} : memref<12x64xf32, #tpu.memory_space<vmem>>, vector<1x16xf32>,
        %parallel_loop3A_1242 = vector.shape_cast %parallel_loop3A_1241 : vector<1x16xf32> to vector<16xf32>
        %parallel_loop3A_1243 = arith.addf %parallel_loop3A_1238, %parallel_loop3A_1242 : vector<16xf32>
        %parallel_loop3A_1244 = arith.constant 15 : i32
        %parallel_loop3A_1245 = arith.addi %parallel_loop3A_80, %parallel_loop3A_1244 : i32
        %parallel_loop3A_1246 = arith.index_cast %parallel_loop3A_1245 : i32 to index
        %parallel_loop3A_1247 = arith.constant 32 : index
        %parallel_loop3A_1248 = tpu.vector_load %arg12[%parallel_loop3A_1246, %parallel_loop3A_1247] {strides = array<i32>} : memref<400x64xf32, #tpu.memory_space<vmem>>, vector<1x16xf32>,
        %parallel_loop3A_1249 = vector.shape_cast %parallel_loop3A_1248 : vector<1x16xf32> to vector<16xf32>
        %parallel_loop3A_1250 = vector.shape_cast %parallel_loop3A_1243 : vector<16xf32> to vector<1x16xf32>
        tpu.vector_store %arg12[%parallel_loop3A_1246, %parallel_loop3A_1247], %parallel_loop3A_1250 {strides = array<i32>} : memref<400x64xf32, #tpu.memory_space<vmem>>, vector<1x16xf32>,
        %parallel_loop3A_1251 = arith.constant 15 : i32
        %parallel_loop3A_1252 = arith.addi %parallel_loop3A_80, %parallel_loop3A_1251 : i32
        %parallel_loop3A_1253 = arith.index_cast %parallel_loop3A_1252 : i32 to index
        %parallel_loop3A_1254 = arith.constant 48 : index
        %parallel_loop3A_1255 = tpu.vector_load %arg10[%parallel_loop3A_1253, %parallel_loop3A_1254] {strides = array<i32>} : memref<400x64xf32, #tpu.memory_space<vmem>>, vector<1x16xf32>,
        %parallel_loop3A_1256 = vector.shape_cast %parallel_loop3A_1255 : vector<1x16xf32> to vector<16xf32>
        %parallel_loop3A_1257 = arith.index_cast %parallel_loop3A_1196 : i32 to index
        %parallel_loop3A_1258 = arith.constant 48 : index
        %parallel_loop3A_1259 = tpu.vector_load %arg9[%parallel_loop3A_1257, %parallel_loop3A_1258] {strides = array<i32>} : memref<12x64xf32, #tpu.memory_space<vmem>>, vector<1x16xf32>,
        %parallel_loop3A_1260 = vector.shape_cast %parallel_loop3A_1259 : vector<1x16xf32> to vector<16xf32>
        %parallel_loop3A_1261 = arith.addf %parallel_loop3A_1256, %parallel_loop3A_1260 : vector<16xf32>
        %parallel_loop3A_1262 = arith.constant 15 : i32
        %parallel_loop3A_1263 = arith.addi %parallel_loop3A_80, %parallel_loop3A_1262 : i32
        %parallel_loop3A_1264 = arith.index_cast %parallel_loop3A_1263 : i32 to index
        %parallel_loop3A_1265 = arith.constant 48 : index
        %parallel_loop3A_1266 = tpu.vector_load %arg12[%parallel_loop3A_1264, %parallel_loop3A_1265] {strides = array<i32>} : memref<400x64xf32, #tpu.memory_space<vmem>>, vector<1x16xf32>,
        %parallel_loop3A_1267 = vector.shape_cast %parallel_loop3A_1266 : vector<1x16xf32> to vector<16xf32>
        %parallel_loop3A_1268 = vector.shape_cast %parallel_loop3A_1261 : vector<16xf32> to vector<1x16xf32>
        tpu.vector_store %arg12[%parallel_loop3A_1264, %parallel_loop3A_1265], %parallel_loop3A_1268 {strides = array<i32>} : memref<400x64xf32, #tpu.memory_space<vmem>>, vector<1x16xf32>,
      } {sc.loop_unroll_factor = 1 : i64, sc.parallel_access}
      %add3A_43 = arith.addi %mul3A_2, %mul3A_34 : i32
      %dma_start3A_44 = arith.constant 0 : i32
      %dma_start3A_45 = tpu.memref_slice %arg6[%add3A_43, %dma_start3A_44] : memref<204800x64xf32, #tpu.memory_space<hbm>> -> memref<400x64xf32, #tpu.memory_space<hbm>>
      %dma_start3A_46 = arith.constant 0 : i32
      %dma_start3A_47 = tpu.memref_slice %arg6[%add3A_43, %dma_start3A_46] : memref<204800x64xf32, #tpu.memory_space<hbm>> -> memref<400x64xf32, #tpu.memory_space<hbm>>
      tpu.enqueue_dma source(%arg12 : memref<400x64xf32, #tpu.memory_space<vmem>>) target(%dma_start3A_47 : memref<400x64xf32, #tpu.memory_space<hbm>>) target_semaphore(%arg16 : memref<!tpu.dma_semaphore, #tpu.memory_space<semaphore_mem>>)
      %lt3A = arith.constant 7 : i32
      %lt3A_48 = arith.cmpi slt, %scan3A_28, %lt3A : i32
      %convert_element_type3A_49 = arith.extui %lt3A_48 : i1 to i32
      %cond3A_50 = arith.constant 0 : i32
      %cond3A_51 = arith.cmpi ne, %convert_element_type3A_49, %cond3A_50 : i32
      scf.if %cond3A_51 {
        %add3A_80 = arith.constant 2 : i32
        %add3A_81 = arith.addi %add3A_32, %add3A_80 : i32
        %mul3A_82 = arith.constant 400 : i32
        %mul3A_83 = arith.muli %add3A_81, %mul3A_82 : i32
        %dma_start3A_84 = tpu.memref_slice %arg7[%mul3A_83] : memref<6400xi32, #tpu.memory_space<vmem>> -> memref<400xi32, #tpu.memory_space<vmem>>
        %dma_start3A_85 = arith.constant 0 : i32
        %dma_start3A_86 = arith.constant 0 : i32
        %dma_start3A_87 = tpu.memref_slice %arg4[%dma_start3A_85, %dma_start3A_86] : memref<100000x64xf32, #tpu.memory_space<hbm>> -> memref<100000x64xf32, #tpu.memory_space<hbm>>
        tpu.enqueue_indirect_dma source(%dma_start3A_87 : memref<100000x64xf32, #tpu.memory_space<hbm>>) target(%arg10 : memref<400x64xf32, #tpu.memory_space<vmem>>) offsets(%dma_start3A_84 : memref<400xi32, #tpu.memory_space<vmem>>) semaphore(%arg14 : memref<!tpu.dma_semaphore, #tpu.memory_space<semaphore_mem>>)
      } else {
      }
      %mul3A_52 = arith.constant 2 : i32
      %mul3A_53 = arith.muli %scan3A_28, %mul3A_52 : i32
      %add3A_54 = arith.constant 1 : i32
      %add3A_55 = arith.addi %mul3A_53, %add3A_54 : i32
      %mul3A_56 = arith.constant 400 : i32
      %mul3A_57 = arith.muli %add3A_55, %mul3A_56 : i32
      %dma_wait3A_58 = tpu.memref_slice %arg7[%mul3A_57] : memref<6400xi32, #tpu.memory_space<vmem>> -> memref<400xi32, #tpu.memory_space<vmem>>
      %dma_wait3A_59 = arith.constant 0 : i32
      %dma_wait3A_60 = arith.constant 0 : i32
      %dma_wait3A_61 = tpu.memref_slice %arg4[%dma_wait3A_59, %dma_wait3A_60] : memref<100000x64xf32, #tpu.memory_space<hbm>> -> memref<100000x64xf32, #tpu.memory_space<hbm>>
      tpu.wait_indirect_dma semaphore(%arg15 : memref<!tpu.dma_semaphore, #tpu.memory_space<semaphore_mem>>) src(%dma_wait3A_61 : memref<100000x64xf32, #tpu.memory_space<hbm>>) dst(%arg11 : memref<400x64xf32, #tpu.memory_space<vmem>>)
      %ge3A_62 = arith.constant 1 : i32
      %ge3A_63 = arith.cmpi sge, %scan3A_28, %ge3A_62 : i32
      %convert_element_type3A_64 = arith.extui %ge3A_63 : i1 to i32
      %cond3A_65 = arith.constant 0 : i32
      %cond3A_66 = arith.cmpi ne, %convert_element_type3A_64, %cond3A_65 : i32
      scf.if %cond3A_66 {
        %add3A_80 = arith.addi %mul3A_2, %mul3A_57 : i32
        %dma_wait3A_81 = arith.constant 0 : i32
        %dma_wait3A_82 = tpu.memref_slice %arg6[%add3A_80, %dma_wait3A_81] : memref<204800x64xf32, #tpu.memory_space<hbm>> -> memref<400x64xf32, #tpu.memory_space<hbm>>
        %dma_wait3A_83 = arith.constant 0 : i32
        %dma_wait3A_84 = tpu.memref_slice %arg6[%add3A_80, %dma_wait3A_83] : memref<204800x64xf32, #tpu.memory_space<hbm>> -> memref<400x64xf32, #tpu.memory_space<hbm>>
        tpu.wait_dma2 semaphore(%arg17 : memref<!tpu.dma_semaphore, #tpu.memory_space<semaphore_mem>>) src(%arg13 : memref<400x64xf32, #tpu.memory_space<vmem>>) dst(%dma_wait3A_84 : memref<400x64xf32, #tpu.memory_space<hbm>>)
      } else {
      }
      %parallel_loop3A_67 = arith.constant 0 : i32
      %parallel_loop3A_68 = arith.constant 400 : i32
      %parallel_loop3A_69 = arith.constant 16 : i32
      scf.for %parallel_loop3A_80 = %parallel_loop3A_67 to %parallel_loop3A_68 step %parallel_loop3A_69  : i32 {
        %parallel_loop3A_81 = arith.addi %mul3A_57, %parallel_loop3A_80 : i32
        %parallel_loop3A_82 = arith.index_cast %parallel_loop3A_81 : i32 to index
        %parallel_loop3A_83 = tpu.vector_load %arg8[%parallel_loop3A_82] {strides = array<i32>} : memref<6400xi32, #tpu.memory_space<vmem>>, vector<16xi32>,
        %parallel_loop3A_84 = vector.shape_cast %parallel_loop3A_83 : vector<16xi32> to vector<16xi32>
        %parallel_loop3A_85 = vector.extract_strided_slice %parallel_loop3A_84 {offsets = [0], sizes = [1], strides = [1]} : vector<16xi32> to vector<1xi32>
        %parallel_loop3A_86 = vector.extract %parallel_loop3A_85[0] : i32 from vector<1xi32>
        %parallel_loop3A_87 = arith.constant 0 : i32
        %parallel_loop3A_88 = arith.addi %parallel_loop3A_80, %parallel_loop3A_87 : i32
        %parallel_loop3A_89 = arith.index_cast %parallel_loop3A_88 : i32 to index
        %parallel_loop3A_90 = arith.constant 0 : index
        %parallel_loop3A_91 = tpu.vector_load %arg11[%parallel_loop3A_89, %parallel_loop3A_90] {strides = array<i32>} : memref<400x64xf32, #tpu.memory_space<vmem>>, vector<1x16xf32>,
        %parallel_loop3A_92 = vector.shape_cast %parallel_loop3A_91 : vector<1x16xf32> to vector<16xf32>
        %parallel_loop3A_93 = arith.index_cast %parallel_loop3A_86 : i32 to index
        %parallel_loop3A_94 = arith.constant 0 : index
        %parallel_loop3A_95 = tpu.vector_load %arg9[%parallel_loop3A_93, %parallel_loop3A_94] {strides = array<i32>} : memref<12x64xf32, #tpu.memory_space<vmem>>, vector<1x16xf32>,
        %parallel_loop3A_96 = vector.shape_cast %parallel_loop3A_95 : vector<1x16xf32> to vector<16xf32>
        %parallel_loop3A_97 = arith.addf %parallel_loop3A_92, %parallel_loop3A_96 : vector<16xf32>
        %parallel_loop3A_98 = arith.constant 0 : i32
        %parallel_loop3A_99 = arith.addi %parallel_loop3A_80, %parallel_loop3A_98 : i32
        %parallel_loop3A_100 = arith.index_cast %parallel_loop3A_99 : i32 to index
        %parallel_loop3A_101 = arith.constant 0 : index
        %parallel_loop3A_102 = tpu.vector_load %arg13[%parallel_loop3A_100, %parallel_loop3A_101] {strides = array<i32>} : memref<400x64xf32, #tpu.memory_space<vmem>>, vector<1x16xf32>,
        %parallel_loop3A_103 = vector.shape_cast %parallel_loop3A_102 : vector<1x16xf32> to vector<16xf32>
        %parallel_loop3A_104 = vector.shape_cast %parallel_loop3A_97 : vector<16xf32> to vector<1x16xf32>
        tpu.vector_store %arg13[%parallel_loop3A_100, %parallel_loop3A_101], %parallel_loop3A_104 {strides = array<i32>} : memref<400x64xf32, #tpu.memory_space<vmem>>, vector<1x16xf32>,
        %parallel_loop3A_105 = arith.constant 0 : i32
        %parallel_loop3A_106 = arith.addi %parallel_loop3A_80, %parallel_loop3A_105 : i32
        %parallel_loop3A_107 = arith.index_cast %parallel_loop3A_106 : i32 to index
        %parallel_loop3A_108 = arith.constant 16 : index
        %parallel_loop3A_109 = tpu.vector_load %arg11[%parallel_loop3A_107, %parallel_loop3A_108] {strides = array<i32>} : memref<400x64xf32, #tpu.memory_space<vmem>>, vector<1x16xf32>,
        %parallel_loop3A_110 = vector.shape_cast %parallel_loop3A_109 : vector<1x16xf32> to vector<16xf32>
        %parallel_loop3A_111 = arith.index_cast %parallel_loop3A_86 : i32 to index
        %parallel_loop3A_112 = arith.constant 16 : index
        %parallel_loop3A_113 = tpu.vector_load %arg9[%parallel_loop3A_111, %parallel_loop3A_112] {strides = array<i32>} : memref<12x64xf32, #tpu.memory_space<vmem>>, vector<1x16xf32>,
        %parallel_loop3A_114 = vector.shape_cast %parallel_loop3A_113 : vector<1x16xf32> to vector<16xf32>
        %parallel_loop3A_115 = arith.addf %parallel_loop3A_110, %parallel_loop3A_114 : vector<16xf32>
        %parallel_loop3A_116 = arith.constant 0 : i32
        %parallel_loop3A_117 = arith.addi %parallel_loop3A_80, %parallel_loop3A_116 : i32
        %parallel_loop3A_118 = arith.index_cast %parallel_loop3A_117 : i32 to index
        %parallel_loop3A_119 = arith.constant 16 : index
        %parallel_loop3A_120 = tpu.vector_load %arg13[%parallel_loop3A_118, %parallel_loop3A_119] {strides = array<i32>} : memref<400x64xf32, #tpu.memory_space<vmem>>, vector<1x16xf32>,
        %parallel_loop3A_121 = vector.shape_cast %parallel_loop3A_120 : vector<1x16xf32> to vector<16xf32>
        %parallel_loop3A_122 = vector.shape_cast %parallel_loop3A_115 : vector<16xf32> to vector<1x16xf32>
        tpu.vector_store %arg13[%parallel_loop3A_118, %parallel_loop3A_119], %parallel_loop3A_122 {strides = array<i32>} : memref<400x64xf32, #tpu.memory_space<vmem>>, vector<1x16xf32>,
        %parallel_loop3A_123 = arith.constant 0 : i32
        %parallel_loop3A_124 = arith.addi %parallel_loop3A_80, %parallel_loop3A_123 : i32
        %parallel_loop3A_125 = arith.index_cast %parallel_loop3A_124 : i32 to index
        %parallel_loop3A_126 = arith.constant 32 : index
        %parallel_loop3A_127 = tpu.vector_load %arg11[%parallel_loop3A_125, %parallel_loop3A_126] {strides = array<i32>} : memref<400x64xf32, #tpu.memory_space<vmem>>, vector<1x16xf32>,
        %parallel_loop3A_128 = vector.shape_cast %parallel_loop3A_127 : vector<1x16xf32> to vector<16xf32>
        %parallel_loop3A_129 = arith.index_cast %parallel_loop3A_86 : i32 to index
        %parallel_loop3A_130 = arith.constant 32 : index
        %parallel_loop3A_131 = tpu.vector_load %arg9[%parallel_loop3A_129, %parallel_loop3A_130] {strides = array<i32>} : memref<12x64xf32, #tpu.memory_space<vmem>>, vector<1x16xf32>,
        %parallel_loop3A_132 = vector.shape_cast %parallel_loop3A_131 : vector<1x16xf32> to vector<16xf32>
        %parallel_loop3A_133 = arith.addf %parallel_loop3A_128, %parallel_loop3A_132 : vector<16xf32>
        %parallel_loop3A_134 = arith.constant 0 : i32
        %parallel_loop3A_135 = arith.addi %parallel_loop3A_80, %parallel_loop3A_134 : i32
        %parallel_loop3A_136 = arith.index_cast %parallel_loop3A_135 : i32 to index
        %parallel_loop3A_137 = arith.constant 32 : index
        %parallel_loop3A_138 = tpu.vector_load %arg13[%parallel_loop3A_136, %parallel_loop3A_137] {strides = array<i32>} : memref<400x64xf32, #tpu.memory_space<vmem>>, vector<1x16xf32>,
        %parallel_loop3A_139 = vector.shape_cast %parallel_loop3A_138 : vector<1x16xf32> to vector<16xf32>
        %parallel_loop3A_140 = vector.shape_cast %parallel_loop3A_133 : vector<16xf32> to vector<1x16xf32>
        tpu.vector_store %arg13[%parallel_loop3A_136, %parallel_loop3A_137], %parallel_loop3A_140 {strides = array<i32>} : memref<400x64xf32, #tpu.memory_space<vmem>>, vector<1x16xf32>,
        %parallel_loop3A_141 = arith.constant 0 : i32
        %parallel_loop3A_142 = arith.addi %parallel_loop3A_80, %parallel_loop3A_141 : i32
        %parallel_loop3A_143 = arith.index_cast %parallel_loop3A_142 : i32 to index
        %parallel_loop3A_144 = arith.constant 48 : index
        %parallel_loop3A_145 = tpu.vector_load %arg11[%parallel_loop3A_143, %parallel_loop3A_144] {strides = array<i32>} : memref<400x64xf32, #tpu.memory_space<vmem>>, vector<1x16xf32>,
        %parallel_loop3A_146 = vector.shape_cast %parallel_loop3A_145 : vector<1x16xf32> to vector<16xf32>
        %parallel_loop3A_147 = arith.index_cast %parallel_loop3A_86 : i32 to index
        %parallel_loop3A_148 = arith.constant 48 : index
        %parallel_loop3A_149 = tpu.vector_load %arg9[%parallel_loop3A_147, %parallel_loop3A_148] {strides = array<i32>} : memref<12x64xf32, #tpu.memory_space<vmem>>, vector<1x16xf32>,
        %parallel_loop3A_150 = vector.shape_cast %parallel_loop3A_149 : vector<1x16xf32> to vector<16xf32>
        %parallel_loop3A_151 = arith.addf %parallel_loop3A_146, %parallel_loop3A_150 : vector<16xf32>
        %parallel_loop3A_152 = arith.constant 0 : i32
        %parallel_loop3A_153 = arith.addi %parallel_loop3A_80, %parallel_loop3A_152 : i32
        %parallel_loop3A_154 = arith.index_cast %parallel_loop3A_153 : i32 to index
        %parallel_loop3A_155 = arith.constant 48 : index
        %parallel_loop3A_156 = tpu.vector_load %arg13[%parallel_loop3A_154, %parallel_loop3A_155] {strides = array<i32>} : memref<400x64xf32, #tpu.memory_space<vmem>>, vector<1x16xf32>,
        %parallel_loop3A_157 = vector.shape_cast %parallel_loop3A_156 : vector<1x16xf32> to vector<16xf32>
        %parallel_loop3A_158 = vector.shape_cast %parallel_loop3A_151 : vector<16xf32> to vector<1x16xf32>
        tpu.vector_store %arg13[%parallel_loop3A_154, %parallel_loop3A_155], %parallel_loop3A_158 {strides = array<i32>} : memref<400x64xf32, #tpu.memory_space<vmem>>, vector<1x16xf32>,
        %parallel_loop3A_159 = vector.extract_strided_slice %parallel_loop3A_84 {offsets = [1], sizes = [1], strides = [1]} : vector<16xi32> to vector<1xi32>
        %parallel_loop3A_160 = vector.extract %parallel_loop3A_159[0] : i32 from vector<1xi32>
        %parallel_loop3A_161 = arith.constant 1 : i32
        %parallel_loop3A_162 = arith.addi %parallel_loop3A_80, %parallel_loop3A_161 : i32
        %parallel_loop3A_163 = arith.index_cast %parallel_loop3A_162 : i32 to index
        %parallel_loop3A_164 = arith.constant 0 : index
        %parallel_loop3A_165 = tpu.vector_load %arg11[%parallel_loop3A_163, %parallel_loop3A_164] {strides = array<i32>} : memref<400x64xf32, #tpu.memory_space<vmem>>, vector<1x16xf32>,
        %parallel_loop3A_166 = vector.shape_cast %parallel_loop3A_165 : vector<1x16xf32> to vector<16xf32>
        %parallel_loop3A_167 = arith.index_cast %parallel_loop3A_160 : i32 to index
        %parallel_loop3A_168 = arith.constant 0 : index
        %parallel_loop3A_169 = tpu.vector_load %arg9[%parallel_loop3A_167, %parallel_loop3A_168] {strides = array<i32>} : memref<12x64xf32, #tpu.memory_space<vmem>>, vector<1x16xf32>,
        %parallel_loop3A_170 = vector.shape_cast %parallel_loop3A_169 : vector<1x16xf32> to vector<16xf32>
        %parallel_loop3A_171 = arith.addf %parallel_loop3A_166, %parallel_loop3A_170 : vector<16xf32>
        %parallel_loop3A_172 = arith.constant 1 : i32
        %parallel_loop3A_173 = arith.addi %parallel_loop3A_80, %parallel_loop3A_172 : i32
        %parallel_loop3A_174 = arith.index_cast %parallel_loop3A_173 : i32 to index
        %parallel_loop3A_175 = arith.constant 0 : index
        %parallel_loop3A_176 = tpu.vector_load %arg13[%parallel_loop3A_174, %parallel_loop3A_175] {strides = array<i32>} : memref<400x64xf32, #tpu.memory_space<vmem>>, vector<1x16xf32>,
        %parallel_loop3A_177 = vector.shape_cast %parallel_loop3A_176 : vector<1x16xf32> to vector<16xf32>
        %parallel_loop3A_178 = vector.shape_cast %parallel_loop3A_171 : vector<16xf32> to vector<1x16xf32>
        tpu.vector_store %arg13[%parallel_loop3A_174, %parallel_loop3A_175], %parallel_loop3A_178 {strides = array<i32>} : memref<400x64xf32, #tpu.memory_space<vmem>>, vector<1x16xf32>,
        %parallel_loop3A_179 = arith.constant 1 : i32
        %parallel_loop3A_180 = arith.addi %parallel_loop3A_80, %parallel_loop3A_179 : i32
        %parallel_loop3A_181 = arith.index_cast %parallel_loop3A_180 : i32 to index
        %parallel_loop3A_182 = arith.constant 16 : index
        %parallel_loop3A_183 = tpu.vector_load %arg11[%parallel_loop3A_181, %parallel_loop3A_182] {strides = array<i32>} : memref<400x64xf32, #tpu.memory_space<vmem>>, vector<1x16xf32>,
        %parallel_loop3A_184 = vector.shape_cast %parallel_loop3A_183 : vector<1x16xf32> to vector<16xf32>
        %parallel_loop3A_185 = arith.index_cast %parallel_loop3A_160 : i32 to index
        %parallel_loop3A_186 = arith.constant 16 : index
        %parallel_loop3A_187 = tpu.vector_load %arg9[%parallel_loop3A_185, %parallel_loop3A_186] {strides = array<i32>} : memref<12x64xf32, #tpu.memory_space<vmem>>, vector<1x16xf32>,
        %parallel_loop3A_188 = vector.shape_cast %parallel_loop3A_187 : vector<1x16xf32> to vector<16xf32>
        %parallel_loop3A_189 = arith.addf %parallel_loop3A_184, %parallel_loop3A_188 : vector<16xf32>
        %parallel_loop3A_190 = arith.constant 1 : i32
        %parallel_loop3A_191 = arith.addi %parallel_loop3A_80, %parallel_loop3A_190 : i32
        %parallel_loop3A_192 = arith.index_cast %parallel_loop3A_191 : i32 to index
        %parallel_loop3A_193 = arith.constant 16 : index
        %parallel_loop3A_194 = tpu.vector_load %arg13[%parallel_loop3A_192, %parallel_loop3A_193] {strides = array<i32>} : memref<400x64xf32, #tpu.memory_space<vmem>>, vector<1x16xf32>,
        %parallel_loop3A_195 = vector.shape_cast %parallel_loop3A_194 : vector<1x16xf32> to vector<16xf32>
        %parallel_loop3A_196 = vector.shape_cast %parallel_loop3A_189 : vector<16xf32> to vector<1x16xf32>
        tpu.vector_store %arg13[%parallel_loop3A_192, %parallel_loop3A_193], %parallel_loop3A_196 {strides = array<i32>} : memref<400x64xf32, #tpu.memory_space<vmem>>, vector<1x16xf32>,
        %parallel_loop3A_197 = arith.constant 1 : i32
        %parallel_loop3A_198 = arith.addi %parallel_loop3A_80, %parallel_loop3A_197 : i32
        %parallel_loop3A_199 = arith.index_cast %parallel_loop3A_198 : i32 to index
        %parallel_loop3A_200 = arith.constant 32 : index
        %parallel_loop3A_201 = tpu.vector_load %arg11[%parallel_loop3A_199, %parallel_loop3A_200] {strides = array<i32>} : memref<400x64xf32, #tpu.memory_space<vmem>>, vector<1x16xf32>,
        %parallel_loop3A_202 = vector.shape_cast %parallel_loop3A_201 : vector<1x16xf32> to vector<16xf32>
        %parallel_loop3A_203 = arith.index_cast %parallel_loop3A_160 : i32 to index
        %parallel_loop3A_204 = arith.constant 32 : index
        %parallel_loop3A_205 = tpu.vector_load %arg9[%parallel_loop3A_203, %parallel_loop3A_204] {strides = array<i32>} : memref<12x64xf32, #tpu.memory_space<vmem>>, vector<1x16xf32>,
        %parallel_loop3A_206 = vector.shape_cast %parallel_loop3A_205 : vector<1x16xf32> to vector<16xf32>
        %parallel_loop3A_207 = arith.addf %parallel_loop3A_202, %parallel_loop3A_206 : vector<16xf32>
        %parallel_loop3A_208 = arith.constant 1 : i32
        %parallel_loop3A_209 = arith.addi %parallel_loop3A_80, %parallel_loop3A_208 : i32
        %parallel_loop3A_210 = arith.index_cast %parallel_loop3A_209 : i32 to index
        %parallel_loop3A_211 = arith.constant 32 : index
        %parallel_loop3A_212 = tpu.vector_load %arg13[%parallel_loop3A_210, %parallel_loop3A_211] {strides = array<i32>} : memref<400x64xf32, #tpu.memory_space<vmem>>, vector<1x16xf32>,
        %parallel_loop3A_213 = vector.shape_cast %parallel_loop3A_212 : vector<1x16xf32> to vector<16xf32>
        %parallel_loop3A_214 = vector.shape_cast %parallel_loop3A_207 : vector<16xf32> to vector<1x16xf32>
        tpu.vector_store %arg13[%parallel_loop3A_210, %parallel_loop3A_211], %parallel_loop3A_214 {strides = array<i32>} : memref<400x64xf32, #tpu.memory_space<vmem>>, vector<1x16xf32>,
        %parallel_loop3A_215 = arith.constant 1 : i32
        %parallel_loop3A_216 = arith.addi %parallel_loop3A_80, %parallel_loop3A_215 : i32
        %parallel_loop3A_217 = arith.index_cast %parallel_loop3A_216 : i32 to index
        %parallel_loop3A_218 = arith.constant 48 : index
        %parallel_loop3A_219 = tpu.vector_load %arg11[%parallel_loop3A_217, %parallel_loop3A_218] {strides = array<i32>} : memref<400x64xf32, #tpu.memory_space<vmem>>, vector<1x16xf32>,
        %parallel_loop3A_220 = vector.shape_cast %parallel_loop3A_219 : vector<1x16xf32> to vector<16xf32>
        %parallel_loop3A_221 = arith.index_cast %parallel_loop3A_160 : i32 to index
        %parallel_loop3A_222 = arith.constant 48 : index
        %parallel_loop3A_223 = tpu.vector_load %arg9[%parallel_loop3A_221, %parallel_loop3A_222] {strides = array<i32>} : memref<12x64xf32, #tpu.memory_space<vmem>>, vector<1x16xf32>,
        %parallel_loop3A_224 = vector.shape_cast %parallel_loop3A_223 : vector<1x16xf32> to vector<16xf32>
        %parallel_loop3A_225 = arith.addf %parallel_loop3A_220, %parallel_loop3A_224 : vector<16xf32>
        %parallel_loop3A_226 = arith.constant 1 : i32
        %parallel_loop3A_227 = arith.addi %parallel_loop3A_80, %parallel_loop3A_226 : i32
        %parallel_loop3A_228 = arith.index_cast %parallel_loop3A_227 : i32 to index
        %parallel_loop3A_229 = arith.constant 48 : index
        %parallel_loop3A_230 = tpu.vector_load %arg13[%parallel_loop3A_228, %parallel_loop3A_229] {strides = array<i32>} : memref<400x64xf32, #tpu.memory_space<vmem>>, vector<1x16xf32>,
        %parallel_loop3A_231 = vector.shape_cast %parallel_loop3A_230 : vector<1x16xf32> to vector<16xf32>
        %parallel_loop3A_232 = vector.shape_cast %parallel_loop3A_225 : vector<16xf32> to vector<1x16xf32>
        tpu.vector_store %arg13[%parallel_loop3A_228, %parallel_loop3A_229], %parallel_loop3A_232 {strides = array<i32>} : memref<400x64xf32, #tpu.memory_space<vmem>>, vector<1x16xf32>,
        %parallel_loop3A_233 = vector.extract_strided_slice %parallel_loop3A_84 {offsets = [2], sizes = [1], strides = [1]} : vector<16xi32> to vector<1xi32>
        %parallel_loop3A_234 = vector.extract %parallel_loop3A_233[0] : i32 from vector<1xi32>
        %parallel_loop3A_235 = arith.constant 2 : i32
        %parallel_loop3A_236 = arith.addi %parallel_loop3A_80, %parallel_loop3A_235 : i32
        %parallel_loop3A_237 = arith.index_cast %parallel_loop3A_236 : i32 to index
        %parallel_loop3A_238 = arith.constant 0 : index
        %parallel_loop3A_239 = tpu.vector_load %arg11[%parallel_loop3A_237, %parallel_loop3A_238] {strides = array<i32>} : memref<400x64xf32, #tpu.memory_space<vmem>>, vector<1x16xf32>,
        %parallel_loop3A_240 = vector.shape_cast %parallel_loop3A_239 : vector<1x16xf32> to vector<16xf32>
        %parallel_loop3A_241 = arith.index_cast %parallel_loop3A_234 : i32 to index
        %parallel_loop3A_242 = arith.constant 0 : index
        %parallel_loop3A_243 = tpu.vector_load %arg9[%parallel_loop3A_241, %parallel_loop3A_242] {strides = array<i32>} : memref<12x64xf32, #tpu.memory_space<vmem>>, vector<1x16xf32>,
        %parallel_loop3A_244 = vector.shape_cast %parallel_loop3A_243 : vector<1x16xf32> to vector<16xf32>
        %parallel_loop3A_245 = arith.addf %parallel_loop3A_240, %parallel_loop3A_244 : vector<16xf32>
        %parallel_loop3A_246 = arith.constant 2 : i32
        %parallel_loop3A_247 = arith.addi %parallel_loop3A_80, %parallel_loop3A_246 : i32
        %parallel_loop3A_248 = arith.index_cast %parallel_loop3A_247 : i32 to index
        %parallel_loop3A_249 = arith.constant 0 : index
        %parallel_loop3A_250 = tpu.vector_load %arg13[%parallel_loop3A_248, %parallel_loop3A_249] {strides = array<i32>} : memref<400x64xf32, #tpu.memory_space<vmem>>, vector<1x16xf32>,
        %parallel_loop3A_251 = vector.shape_cast %parallel_loop3A_250 : vector<1x16xf32> to vector<16xf32>
        %parallel_loop3A_252 = vector.shape_cast %parallel_loop3A_245 : vector<16xf32> to vector<1x16xf32>
        tpu.vector_store %arg13[%parallel_loop3A_248, %parallel_loop3A_249], %parallel_loop3A_252 {strides = array<i32>} : memref<400x64xf32, #tpu.memory_space<vmem>>, vector<1x16xf32>,
        %parallel_loop3A_253 = arith.constant 2 : i32
        %parallel_loop3A_254 = arith.addi %parallel_loop3A_80, %parallel_loop3A_253 : i32
        %parallel_loop3A_255 = arith.index_cast %parallel_loop3A_254 : i32 to index
        %parallel_loop3A_256 = arith.constant 16 : index
        %parallel_loop3A_257 = tpu.vector_load %arg11[%parallel_loop3A_255, %parallel_loop3A_256] {strides = array<i32>} : memref<400x64xf32, #tpu.memory_space<vmem>>, vector<1x16xf32>,
        %parallel_loop3A_258 = vector.shape_cast %parallel_loop3A_257 : vector<1x16xf32> to vector<16xf32>
        %parallel_loop3A_259 = arith.index_cast %parallel_loop3A_234 : i32 to index
        %parallel_loop3A_260 = arith.constant 16 : index
        %parallel_loop3A_261 = tpu.vector_load %arg9[%parallel_loop3A_259, %parallel_loop3A_260] {strides = array<i32>} : memref<12x64xf32, #tpu.memory_space<vmem>>, vector<1x16xf32>,
        %parallel_loop3A_262 = vector.shape_cast %parallel_loop3A_261 : vector<1x16xf32> to vector<16xf32>
        %parallel_loop3A_263 = arith.addf %parallel_loop3A_258, %parallel_loop3A_262 : vector<16xf32>
        %parallel_loop3A_264 = arith.constant 2 : i32
        %parallel_loop3A_265 = arith.addi %parallel_loop3A_80, %parallel_loop3A_264 : i32
        %parallel_loop3A_266 = arith.index_cast %parallel_loop3A_265 : i32 to index
        %parallel_loop3A_267 = arith.constant 16 : index
        %parallel_loop3A_268 = tpu.vector_load %arg13[%parallel_loop3A_266, %parallel_loop3A_267] {strides = array<i32>} : memref<400x64xf32, #tpu.memory_space<vmem>>, vector<1x16xf32>,
        %parallel_loop3A_269 = vector.shape_cast %parallel_loop3A_268 : vector<1x16xf32> to vector<16xf32>
        %parallel_loop3A_270 = vector.shape_cast %parallel_loop3A_263 : vector<16xf32> to vector<1x16xf32>
        tpu.vector_store %arg13[%parallel_loop3A_266, %parallel_loop3A_267], %parallel_loop3A_270 {strides = array<i32>} : memref<400x64xf32, #tpu.memory_space<vmem>>, vector<1x16xf32>,
        %parallel_loop3A_271 = arith.constant 2 : i32
        %parallel_loop3A_272 = arith.addi %parallel_loop3A_80, %parallel_loop3A_271 : i32
        %parallel_loop3A_273 = arith.index_cast %parallel_loop3A_272 : i32 to index
        %parallel_loop3A_274 = arith.constant 32 : index
        %parallel_loop3A_275 = tpu.vector_load %arg11[%parallel_loop3A_273, %parallel_loop3A_274] {strides = array<i32>} : memref<400x64xf32, #tpu.memory_space<vmem>>, vector<1x16xf32>,
        %parallel_loop3A_276 = vector.shape_cast %parallel_loop3A_275 : vector<1x16xf32> to vector<16xf32>
        %parallel_loop3A_277 = arith.index_cast %parallel_loop3A_234 : i32 to index
        %parallel_loop3A_278 = arith.constant 32 : index
        %parallel_loop3A_279 = tpu.vector_load %arg9[%parallel_loop3A_277, %parallel_loop3A_278] {strides = array<i32>} : memref<12x64xf32, #tpu.memory_space<vmem>>, vector<1x16xf32>,
        %parallel_loop3A_280 = vector.shape_cast %parallel_loop3A_279 : vector<1x16xf32> to vector<16xf32>
        %parallel_loop3A_281 = arith.addf %parallel_loop3A_276, %parallel_loop3A_280 : vector<16xf32>
        %parallel_loop3A_282 = arith.constant 2 : i32
        %parallel_loop3A_283 = arith.addi %parallel_loop3A_80, %parallel_loop3A_282 : i32
        %parallel_loop3A_284 = arith.index_cast %parallel_loop3A_283 : i32 to index
        %parallel_loop3A_285 = arith.constant 32 : index
        %parallel_loop3A_286 = tpu.vector_load %arg13[%parallel_loop3A_284, %parallel_loop3A_285] {strides = array<i32>} : memref<400x64xf32, #tpu.memory_space<vmem>>, vector<1x16xf32>,
        %parallel_loop3A_287 = vector.shape_cast %parallel_loop3A_286 : vector<1x16xf32> to vector<16xf32>
        %parallel_loop3A_288 = vector.shape_cast %parallel_loop3A_281 : vector<16xf32> to vector<1x16xf32>
        tpu.vector_store %arg13[%parallel_loop3A_284, %parallel_loop3A_285], %parallel_loop3A_288 {strides = array<i32>} : memref<400x64xf32, #tpu.memory_space<vmem>>, vector<1x16xf32>,
        %parallel_loop3A_289 = arith.constant 2 : i32
        %parallel_loop3A_290 = arith.addi %parallel_loop3A_80, %parallel_loop3A_289 : i32
        %parallel_loop3A_291 = arith.index_cast %parallel_loop3A_290 : i32 to index
        %parallel_loop3A_292 = arith.constant 48 : index
        %parallel_loop3A_293 = tpu.vector_load %arg11[%parallel_loop3A_291, %parallel_loop3A_292] {strides = array<i32>} : memref<400x64xf32, #tpu.memory_space<vmem>>, vector<1x16xf32>,
        %parallel_loop3A_294 = vector.shape_cast %parallel_loop3A_293 : vector<1x16xf32> to vector<16xf32>
        %parallel_loop3A_295 = arith.index_cast %parallel_loop3A_234 : i32 to index
        %parallel_loop3A_296 = arith.constant 48 : index
        %parallel_loop3A_297 = tpu.vector_load %arg9[%parallel_loop3A_295, %parallel_loop3A_296] {strides = array<i32>} : memref<12x64xf32, #tpu.memory_space<vmem>>, vector<1x16xf32>,
        %parallel_loop3A_298 = vector.shape_cast %parallel_loop3A_297 : vector<1x16xf32> to vector<16xf32>
        %parallel_loop3A_299 = arith.addf %parallel_loop3A_294, %parallel_loop3A_298 : vector<16xf32>
        %parallel_loop3A_300 = arith.constant 2 : i32
        %parallel_loop3A_301 = arith.addi %parallel_loop3A_80, %parallel_loop3A_300 : i32
        %parallel_loop3A_302 = arith.index_cast %parallel_loop3A_301 : i32 to index
        %parallel_loop3A_303 = arith.constant 48 : index
        %parallel_loop3A_304 = tpu.vector_load %arg13[%parallel_loop3A_302, %parallel_loop3A_303] {strides = array<i32>} : memref<400x64xf32, #tpu.memory_space<vmem>>, vector<1x16xf32>,
        %parallel_loop3A_305 = vector.shape_cast %parallel_loop3A_304 : vector<1x16xf32> to vector<16xf32>
        %parallel_loop3A_306 = vector.shape_cast %parallel_loop3A_299 : vector<16xf32> to vector<1x16xf32>
        tpu.vector_store %arg13[%parallel_loop3A_302, %parallel_loop3A_303], %parallel_loop3A_306 {strides = array<i32>} : memref<400x64xf32, #tpu.memory_space<vmem>>, vector<1x16xf32>,
        %parallel_loop3A_307 = vector.extract_strided_slice %parallel_loop3A_84 {offsets = [3], sizes = [1], strides = [1]} : vector<16xi32> to vector<1xi32>
        %parallel_loop3A_308 = vector.extract %parallel_loop3A_307[0] : i32 from vector<1xi32>
        %parallel_loop3A_309 = arith.constant 3 : i32
        %parallel_loop3A_310 = arith.addi %parallel_loop3A_80, %parallel_loop3A_309 : i32
        %parallel_loop3A_311 = arith.index_cast %parallel_loop3A_310 : i32 to index
        %parallel_loop3A_312 = arith.constant 0 : index
        %parallel_loop3A_313 = tpu.vector_load %arg11[%parallel_loop3A_311, %parallel_loop3A_312] {strides = array<i32>} : memref<400x64xf32, #tpu.memory_space<vmem>>, vector<1x16xf32>,
        %parallel_loop3A_314 = vector.shape_cast %parallel_loop3A_313 : vector<1x16xf32> to vector<16xf32>
        %parallel_loop3A_315 = arith.index_cast %parallel_loop3A_308 : i32 to index
        %parallel_loop3A_316 = arith.constant 0 : index
        %parallel_loop3A_317 = tpu.vector_load %arg9[%parallel_loop3A_315, %parallel_loop3A_316] {strides = array<i32>} : memref<12x64xf32, #tpu.memory_space<vmem>>, vector<1x16xf32>,
        %parallel_loop3A_318 = vector.shape_cast %parallel_loop3A_317 : vector<1x16xf32> to vector<16xf32>
        %parallel_loop3A_319 = arith.addf %parallel_loop3A_314, %parallel_loop3A_318 : vector<16xf32>
        %parallel_loop3A_320 = arith.constant 3 : i32
        %parallel_loop3A_321 = arith.addi %parallel_loop3A_80, %parallel_loop3A_320 : i32
        %parallel_loop3A_322 = arith.index_cast %parallel_loop3A_321 : i32 to index
        %parallel_loop3A_323 = arith.constant 0 : index
        %parallel_loop3A_324 = tpu.vector_load %arg13[%parallel_loop3A_322, %parallel_loop3A_323] {strides = array<i32>} : memref<400x64xf32, #tpu.memory_space<vmem>>, vector<1x16xf32>,
        %parallel_loop3A_325 = vector.shape_cast %parallel_loop3A_324 : vector<1x16xf32> to vector<16xf32>
        %parallel_loop3A_326 = vector.shape_cast %parallel_loop3A_319 : vector<16xf32> to vector<1x16xf32>
        tpu.vector_store %arg13[%parallel_loop3A_322, %parallel_loop3A_323], %parallel_loop3A_326 {strides = array<i32>} : memref<400x64xf32, #tpu.memory_space<vmem>>, vector<1x16xf32>,
        %parallel_loop3A_327 = arith.constant 3 : i32
        %parallel_loop3A_328 = arith.addi %parallel_loop3A_80, %parallel_loop3A_327 : i32
        %parallel_loop3A_329 = arith.index_cast %parallel_loop3A_328 : i32 to index
        %parallel_loop3A_330 = arith.constant 16 : index
        %parallel_loop3A_331 = tpu.vector_load %arg11[%parallel_loop3A_329, %parallel_loop3A_330] {strides = array<i32>} : memref<400x64xf32, #tpu.memory_space<vmem>>, vector<1x16xf32>,
        %parallel_loop3A_332 = vector.shape_cast %parallel_loop3A_331 : vector<1x16xf32> to vector<16xf32>
        %parallel_loop3A_333 = arith.index_cast %parallel_loop3A_308 : i32 to index
        %parallel_loop3A_334 = arith.constant 16 : index
        %parallel_loop3A_335 = tpu.vector_load %arg9[%parallel_loop3A_333, %parallel_loop3A_334] {strides = array<i32>} : memref<12x64xf32, #tpu.memory_space<vmem>>, vector<1x16xf32>,
        %parallel_loop3A_336 = vector.shape_cast %parallel_loop3A_335 : vector<1x16xf32> to vector<16xf32>
        %parallel_loop3A_337 = arith.addf %parallel_loop3A_332, %parallel_loop3A_336 : vector<16xf32>
        %parallel_loop3A_338 = arith.constant 3 : i32
        %parallel_loop3A_339 = arith.addi %parallel_loop3A_80, %parallel_loop3A_338 : i32
        %parallel_loop3A_340 = arith.index_cast %parallel_loop3A_339 : i32 to index
        %parallel_loop3A_341 = arith.constant 16 : index
        %parallel_loop3A_342 = tpu.vector_load %arg13[%parallel_loop3A_340, %parallel_loop3A_341] {strides = array<i32>} : memref<400x64xf32, #tpu.memory_space<vmem>>, vector<1x16xf32>,
        %parallel_loop3A_343 = vector.shape_cast %parallel_loop3A_342 : vector<1x16xf32> to vector<16xf32>
        %parallel_loop3A_344 = vector.shape_cast %parallel_loop3A_337 : vector<16xf32> to vector<1x16xf32>
        tpu.vector_store %arg13[%parallel_loop3A_340, %parallel_loop3A_341], %parallel_loop3A_344 {strides = array<i32>} : memref<400x64xf32, #tpu.memory_space<vmem>>, vector<1x16xf32>,
        %parallel_loop3A_345 = arith.constant 3 : i32
        %parallel_loop3A_346 = arith.addi %parallel_loop3A_80, %parallel_loop3A_345 : i32
        %parallel_loop3A_347 = arith.index_cast %parallel_loop3A_346 : i32 to index
        %parallel_loop3A_348 = arith.constant 32 : index
        %parallel_loop3A_349 = tpu.vector_load %arg11[%parallel_loop3A_347, %parallel_loop3A_348] {strides = array<i32>} : memref<400x64xf32, #tpu.memory_space<vmem>>, vector<1x16xf32>,
        %parallel_loop3A_350 = vector.shape_cast %parallel_loop3A_349 : vector<1x16xf32> to vector<16xf32>
        %parallel_loop3A_351 = arith.index_cast %parallel_loop3A_308 : i32 to index
        %parallel_loop3A_352 = arith.constant 32 : index
        %parallel_loop3A_353 = tpu.vector_load %arg9[%parallel_loop3A_351, %parallel_loop3A_352] {strides = array<i32>} : memref<12x64xf32, #tpu.memory_space<vmem>>, vector<1x16xf32>,
        %parallel_loop3A_354 = vector.shape_cast %parallel_loop3A_353 : vector<1x16xf32> to vector<16xf32>
        %parallel_loop3A_355 = arith.addf %parallel_loop3A_350, %parallel_loop3A_354 : vector<16xf32>
        %parallel_loop3A_356 = arith.constant 3 : i32
        %parallel_loop3A_357 = arith.addi %parallel_loop3A_80, %parallel_loop3A_356 : i32
        %parallel_loop3A_358 = arith.index_cast %parallel_loop3A_357 : i32 to index
        %parallel_loop3A_359 = arith.constant 32 : index
        %parallel_loop3A_360 = tpu.vector_load %arg13[%parallel_loop3A_358, %parallel_loop3A_359] {strides = array<i32>} : memref<400x64xf32, #tpu.memory_space<vmem>>, vector<1x16xf32>,
        %parallel_loop3A_361 = vector.shape_cast %parallel_loop3A_360 : vector<1x16xf32> to vector<16xf32>
        %parallel_loop3A_362 = vector.shape_cast %parallel_loop3A_355 : vector<16xf32> to vector<1x16xf32>
        tpu.vector_store %arg13[%parallel_loop3A_358, %parallel_loop3A_359], %parallel_loop3A_362 {strides = array<i32>} : memref<400x64xf32, #tpu.memory_space<vmem>>, vector<1x16xf32>,
        %parallel_loop3A_363 = arith.constant 3 : i32
        %parallel_loop3A_364 = arith.addi %parallel_loop3A_80, %parallel_loop3A_363 : i32
        %parallel_loop3A_365 = arith.index_cast %parallel_loop3A_364 : i32 to index
        %parallel_loop3A_366 = arith.constant 48 : index
        %parallel_loop3A_367 = tpu.vector_load %arg11[%parallel_loop3A_365, %parallel_loop3A_366] {strides = array<i32>} : memref<400x64xf32, #tpu.memory_space<vmem>>, vector<1x16xf32>,
        %parallel_loop3A_368 = vector.shape_cast %parallel_loop3A_367 : vector<1x16xf32> to vector<16xf32>
        %parallel_loop3A_369 = arith.index_cast %parallel_loop3A_308 : i32 to index
        %parallel_loop3A_370 = arith.constant 48 : index
        %parallel_loop3A_371 = tpu.vector_load %arg9[%parallel_loop3A_369, %parallel_loop3A_370] {strides = array<i32>} : memref<12x64xf32, #tpu.memory_space<vmem>>, vector<1x16xf32>,
        %parallel_loop3A_372 = vector.shape_cast %parallel_loop3A_371 : vector<1x16xf32> to vector<16xf32>
        %parallel_loop3A_373 = arith.addf %parallel_loop3A_368, %parallel_loop3A_372 : vector<16xf32>
        %parallel_loop3A_374 = arith.constant 3 : i32
        %parallel_loop3A_375 = arith.addi %parallel_loop3A_80, %parallel_loop3A_374 : i32
        %parallel_loop3A_376 = arith.index_cast %parallel_loop3A_375 : i32 to index
        %parallel_loop3A_377 = arith.constant 48 : index
        %parallel_loop3A_378 = tpu.vector_load %arg13[%parallel_loop3A_376, %parallel_loop3A_377] {strides = array<i32>} : memref<400x64xf32, #tpu.memory_space<vmem>>, vector<1x16xf32>,
        %parallel_loop3A_379 = vector.shape_cast %parallel_loop3A_378 : vector<1x16xf32> to vector<16xf32>
        %parallel_loop3A_380 = vector.shape_cast %parallel_loop3A_373 : vector<16xf32> to vector<1x16xf32>
        tpu.vector_store %arg13[%parallel_loop3A_376, %parallel_loop3A_377], %parallel_loop3A_380 {strides = array<i32>} : memref<400x64xf32, #tpu.memory_space<vmem>>, vector<1x16xf32>,
        %parallel_loop3A_381 = vector.extract_strided_slice %parallel_loop3A_84 {offsets = [4], sizes = [1], strides = [1]} : vector<16xi32> to vector<1xi32>
        %parallel_loop3A_382 = vector.extract %parallel_loop3A_381[0] : i32 from vector<1xi32>
        %parallel_loop3A_383 = arith.constant 4 : i32
        %parallel_loop3A_384 = arith.addi %parallel_loop3A_80, %parallel_loop3A_383 : i32
        %parallel_loop3A_385 = arith.index_cast %parallel_loop3A_384 : i32 to index
        %parallel_loop3A_386 = arith.constant 0 : index
        %parallel_loop3A_387 = tpu.vector_load %arg11[%parallel_loop3A_385, %parallel_loop3A_386] {strides = array<i32>} : memref<400x64xf32, #tpu.memory_space<vmem>>, vector<1x16xf32>,
        %parallel_loop3A_388 = vector.shape_cast %parallel_loop3A_387 : vector<1x16xf32> to vector<16xf32>
        %parallel_loop3A_389 = arith.index_cast %parallel_loop3A_382 : i32 to index
        %parallel_loop3A_390 = arith.constant 0 : index
        %parallel_loop3A_391 = tpu.vector_load %arg9[%parallel_loop3A_389, %parallel_loop3A_390] {strides = array<i32>} : memref<12x64xf32, #tpu.memory_space<vmem>>, vector<1x16xf32>,
        %parallel_loop3A_392 = vector.shape_cast %parallel_loop3A_391 : vector<1x16xf32> to vector<16xf32>
        %parallel_loop3A_393 = arith.addf %parallel_loop3A_388, %parallel_loop3A_392 : vector<16xf32>
        %parallel_loop3A_394 = arith.constant 4 : i32
        %parallel_loop3A_395 = arith.addi %parallel_loop3A_80, %parallel_loop3A_394 : i32
        %parallel_loop3A_396 = arith.index_cast %parallel_loop3A_395 : i32 to index
        %parallel_loop3A_397 = arith.constant 0 : index
        %parallel_loop3A_398 = tpu.vector_load %arg13[%parallel_loop3A_396, %parallel_loop3A_397] {strides = array<i32>} : memref<400x64xf32, #tpu.memory_space<vmem>>, vector<1x16xf32>,
        %parallel_loop3A_399 = vector.shape_cast %parallel_loop3A_398 : vector<1x16xf32> to vector<16xf32>
        %parallel_loop3A_400 = vector.shape_cast %parallel_loop3A_393 : vector<16xf32> to vector<1x16xf32>
        tpu.vector_store %arg13[%parallel_loop3A_396, %parallel_loop3A_397], %parallel_loop3A_400 {strides = array<i32>} : memref<400x64xf32, #tpu.memory_space<vmem>>, vector<1x16xf32>,
        %parallel_loop3A_401 = arith.constant 4 : i32
        %parallel_loop3A_402 = arith.addi %parallel_loop3A_80, %parallel_loop3A_401 : i32
        %parallel_loop3A_403 = arith.index_cast %parallel_loop3A_402 : i32 to index
        %parallel_loop3A_404 = arith.constant 16 : index
        %parallel_loop3A_405 = tpu.vector_load %arg11[%parallel_loop3A_403, %parallel_loop3A_404] {strides = array<i32>} : memref<400x64xf32, #tpu.memory_space<vmem>>, vector<1x16xf32>,
        %parallel_loop3A_406 = vector.shape_cast %parallel_loop3A_405 : vector<1x16xf32> to vector<16xf32>
        %parallel_loop3A_407 = arith.index_cast %parallel_loop3A_382 : i32 to index
        %parallel_loop3A_408 = arith.constant 16 : index
        %parallel_loop3A_409 = tpu.vector_load %arg9[%parallel_loop3A_407, %parallel_loop3A_408] {strides = array<i32>} : memref<12x64xf32, #tpu.memory_space<vmem>>, vector<1x16xf32>,
        %parallel_loop3A_410 = vector.shape_cast %parallel_loop3A_409 : vector<1x16xf32> to vector<16xf32>
        %parallel_loop3A_411 = arith.addf %parallel_loop3A_406, %parallel_loop3A_410 : vector<16xf32>
        %parallel_loop3A_412 = arith.constant 4 : i32
        %parallel_loop3A_413 = arith.addi %parallel_loop3A_80, %parallel_loop3A_412 : i32
        %parallel_loop3A_414 = arith.index_cast %parallel_loop3A_413 : i32 to index
        %parallel_loop3A_415 = arith.constant 16 : index
        %parallel_loop3A_416 = tpu.vector_load %arg13[%parallel_loop3A_414, %parallel_loop3A_415] {strides = array<i32>} : memref<400x64xf32, #tpu.memory_space<vmem>>, vector<1x16xf32>,
        %parallel_loop3A_417 = vector.shape_cast %parallel_loop3A_416 : vector<1x16xf32> to vector<16xf32>
        %parallel_loop3A_418 = vector.shape_cast %parallel_loop3A_411 : vector<16xf32> to vector<1x16xf32>
        tpu.vector_store %arg13[%parallel_loop3A_414, %parallel_loop3A_415], %parallel_loop3A_418 {strides = array<i32>} : memref<400x64xf32, #tpu.memory_space<vmem>>, vector<1x16xf32>,
        %parallel_loop3A_419 = arith.constant 4 : i32
        %parallel_loop3A_420 = arith.addi %parallel_loop3A_80, %parallel_loop3A_419 : i32
        %parallel_loop3A_421 = arith.index_cast %parallel_loop3A_420 : i32 to index
        %parallel_loop3A_422 = arith.constant 32 : index
        %parallel_loop3A_423 = tpu.vector_load %arg11[%parallel_loop3A_421, %parallel_loop3A_422] {strides = array<i32>} : memref<400x64xf32, #tpu.memory_space<vmem>>, vector<1x16xf32>,
        %parallel_loop3A_424 = vector.shape_cast %parallel_loop3A_423 : vector<1x16xf32> to vector<16xf32>
        %parallel_loop3A_425 = arith.index_cast %parallel_loop3A_382 : i32 to index
        %parallel_loop3A_426 = arith.constant 32 : index
        %parallel_loop3A_427 = tpu.vector_load %arg9[%parallel_loop3A_425, %parallel_loop3A_426] {strides = array<i32>} : memref<12x64xf32, #tpu.memory_space<vmem>>, vector<1x16xf32>,
        %parallel_loop3A_428 = vector.shape_cast %parallel_loop3A_427 : vector<1x16xf32> to vector<16xf32>
        %parallel_loop3A_429 = arith.addf %parallel_loop3A_424, %parallel_loop3A_428 : vector<16xf32>
        %parallel_loop3A_430 = arith.constant 4 : i32
        %parallel_loop3A_431 = arith.addi %parallel_loop3A_80, %parallel_loop3A_430 : i32
        %parallel_loop3A_432 = arith.index_cast %parallel_loop3A_431 : i32 to index
        %parallel_loop3A_433 = arith.constant 32 : index
        %parallel_loop3A_434 = tpu.vector_load %arg13[%parallel_loop3A_432, %parallel_loop3A_433] {strides = array<i32>} : memref<400x64xf32, #tpu.memory_space<vmem>>, vector<1x16xf32>,
        %parallel_loop3A_435 = vector.shape_cast %parallel_loop3A_434 : vector<1x16xf32> to vector<16xf32>
        %parallel_loop3A_436 = vector.shape_cast %parallel_loop3A_429 : vector<16xf32> to vector<1x16xf32>
        tpu.vector_store %arg13[%parallel_loop3A_432, %parallel_loop3A_433], %parallel_loop3A_436 {strides = array<i32>} : memref<400x64xf32, #tpu.memory_space<vmem>>, vector<1x16xf32>,
        %parallel_loop3A_437 = arith.constant 4 : i32
        %parallel_loop3A_438 = arith.addi %parallel_loop3A_80, %parallel_loop3A_437 : i32
        %parallel_loop3A_439 = arith.index_cast %parallel_loop3A_438 : i32 to index
        %parallel_loop3A_440 = arith.constant 48 : index
        %parallel_loop3A_441 = tpu.vector_load %arg11[%parallel_loop3A_439, %parallel_loop3A_440] {strides = array<i32>} : memref<400x64xf32, #tpu.memory_space<vmem>>, vector<1x16xf32>,
        %parallel_loop3A_442 = vector.shape_cast %parallel_loop3A_441 : vector<1x16xf32> to vector<16xf32>
        %parallel_loop3A_443 = arith.index_cast %parallel_loop3A_382 : i32 to index
        %parallel_loop3A_444 = arith.constant 48 : index
        %parallel_loop3A_445 = tpu.vector_load %arg9[%parallel_loop3A_443, %parallel_loop3A_444] {strides = array<i32>} : memref<12x64xf32, #tpu.memory_space<vmem>>, vector<1x16xf32>,
        %parallel_loop3A_446 = vector.shape_cast %parallel_loop3A_445 : vector<1x16xf32> to vector<16xf32>
        %parallel_loop3A_447 = arith.addf %parallel_loop3A_442, %parallel_loop3A_446 : vector<16xf32>
        %parallel_loop3A_448 = arith.constant 4 : i32
        %parallel_loop3A_449 = arith.addi %parallel_loop3A_80, %parallel_loop3A_448 : i32
        %parallel_loop3A_450 = arith.index_cast %parallel_loop3A_449 : i32 to index
        %parallel_loop3A_451 = arith.constant 48 : index
        %parallel_loop3A_452 = tpu.vector_load %arg13[%parallel_loop3A_450, %parallel_loop3A_451] {strides = array<i32>} : memref<400x64xf32, #tpu.memory_space<vmem>>, vector<1x16xf32>,
        %parallel_loop3A_453 = vector.shape_cast %parallel_loop3A_452 : vector<1x16xf32> to vector<16xf32>
        %parallel_loop3A_454 = vector.shape_cast %parallel_loop3A_447 : vector<16xf32> to vector<1x16xf32>
        tpu.vector_store %arg13[%parallel_loop3A_450, %parallel_loop3A_451], %parallel_loop3A_454 {strides = array<i32>} : memref<400x64xf32, #tpu.memory_space<vmem>>, vector<1x16xf32>,
        %parallel_loop3A_455 = vector.extract_strided_slice %parallel_loop3A_84 {offsets = [5], sizes = [1], strides = [1]} : vector<16xi32> to vector<1xi32>
        %parallel_loop3A_456 = vector.extract %parallel_loop3A_455[0] : i32 from vector<1xi32>
        %parallel_loop3A_457 = arith.constant 5 : i32
        %parallel_loop3A_458 = arith.addi %parallel_loop3A_80, %parallel_loop3A_457 : i32
        %parallel_loop3A_459 = arith.index_cast %parallel_loop3A_458 : i32 to index
        %parallel_loop3A_460 = arith.constant 0 : index
        %parallel_loop3A_461 = tpu.vector_load %arg11[%parallel_loop3A_459, %parallel_loop3A_460] {strides = array<i32>} : memref<400x64xf32, #tpu.memory_space<vmem>>, vector<1x16xf32>,
        %parallel_loop3A_462 = vector.shape_cast %parallel_loop3A_461 : vector<1x16xf32> to vector<16xf32>
        %parallel_loop3A_463 = arith.index_cast %parallel_loop3A_456 : i32 to index
        %parallel_loop3A_464 = arith.constant 0 : index
        %parallel_loop3A_465 = tpu.vector_load %arg9[%parallel_loop3A_463, %parallel_loop3A_464] {strides = array<i32>} : memref<12x64xf32, #tpu.memory_space<vmem>>, vector<1x16xf32>,
        %parallel_loop3A_466 = vector.shape_cast %parallel_loop3A_465 : vector<1x16xf32> to vector<16xf32>
        %parallel_loop3A_467 = arith.addf %parallel_loop3A_462, %parallel_loop3A_466 : vector<16xf32>
        %parallel_loop3A_468 = arith.constant 5 : i32
        %parallel_loop3A_469 = arith.addi %parallel_loop3A_80, %parallel_loop3A_468 : i32
        %parallel_loop3A_470 = arith.index_cast %parallel_loop3A_469 : i32 to index
        %parallel_loop3A_471 = arith.constant 0 : index
        %parallel_loop3A_472 = tpu.vector_load %arg13[%parallel_loop3A_470, %parallel_loop3A_471] {strides = array<i32>} : memref<400x64xf32, #tpu.memory_space<vmem>>, vector<1x16xf32>,
        %parallel_loop3A_473 = vector.shape_cast %parallel_loop3A_472 : vector<1x16xf32> to vector<16xf32>
        %parallel_loop3A_474 = vector.shape_cast %parallel_loop3A_467 : vector<16xf32> to vector<1x16xf32>
        tpu.vector_store %arg13[%parallel_loop3A_470, %parallel_loop3A_471], %parallel_loop3A_474 {strides = array<i32>} : memref<400x64xf32, #tpu.memory_space<vmem>>, vector<1x16xf32>,
        %parallel_loop3A_475 = arith.constant 5 : i32
        %parallel_loop3A_476 = arith.addi %parallel_loop3A_80, %parallel_loop3A_475 : i32
        %parallel_loop3A_477 = arith.index_cast %parallel_loop3A_476 : i32 to index
        %parallel_loop3A_478 = arith.constant 16 : index
        %parallel_loop3A_479 = tpu.vector_load %arg11[%parallel_loop3A_477, %parallel_loop3A_478] {strides = array<i32>} : memref<400x64xf32, #tpu.memory_space<vmem>>, vector<1x16xf32>,
        %parallel_loop3A_480 = vector.shape_cast %parallel_loop3A_479 : vector<1x16xf32> to vector<16xf32>
        %parallel_loop3A_481 = arith.index_cast %parallel_loop3A_456 : i32 to index
        %parallel_loop3A_482 = arith.constant 16 : index
        %parallel_loop3A_483 = tpu.vector_load %arg9[%parallel_loop3A_481, %parallel_loop3A_482] {strides = array<i32>} : memref<12x64xf32, #tpu.memory_space<vmem>>, vector<1x16xf32>,
        %parallel_loop3A_484 = vector.shape_cast %parallel_loop3A_483 : vector<1x16xf32> to vector<16xf32>
        %parallel_loop3A_485 = arith.addf %parallel_loop3A_480, %parallel_loop3A_484 : vector<16xf32>
        %parallel_loop3A_486 = arith.constant 5 : i32
        %parallel_loop3A_487 = arith.addi %parallel_loop3A_80, %parallel_loop3A_486 : i32
        %parallel_loop3A_488 = arith.index_cast %parallel_loop3A_487 : i32 to index
        %parallel_loop3A_489 = arith.constant 16 : index
        %parallel_loop3A_490 = tpu.vector_load %arg13[%parallel_loop3A_488, %parallel_loop3A_489] {strides = array<i32>} : memref<400x64xf32, #tpu.memory_space<vmem>>, vector<1x16xf32>,
        %parallel_loop3A_491 = vector.shape_cast %parallel_loop3A_490 : vector<1x16xf32> to vector<16xf32>
        %parallel_loop3A_492 = vector.shape_cast %parallel_loop3A_485 : vector<16xf32> to vector<1x16xf32>
        tpu.vector_store %arg13[%parallel_loop3A_488, %parallel_loop3A_489], %parallel_loop3A_492 {strides = array<i32>} : memref<400x64xf32, #tpu.memory_space<vmem>>, vector<1x16xf32>,
        %parallel_loop3A_493 = arith.constant 5 : i32
        %parallel_loop3A_494 = arith.addi %parallel_loop3A_80, %parallel_loop3A_493 : i32
        %parallel_loop3A_495 = arith.index_cast %parallel_loop3A_494 : i32 to index
        %parallel_loop3A_496 = arith.constant 32 : index
        %parallel_loop3A_497 = tpu.vector_load %arg11[%parallel_loop3A_495, %parallel_loop3A_496] {strides = array<i32>} : memref<400x64xf32, #tpu.memory_space<vmem>>, vector<1x16xf32>,
        %parallel_loop3A_498 = vector.shape_cast %parallel_loop3A_497 : vector<1x16xf32> to vector<16xf32>
        %parallel_loop3A_499 = arith.index_cast %parallel_loop3A_456 : i32 to index
        %parallel_loop3A_500 = arith.constant 32 : index
        %parallel_loop3A_501 = tpu.vector_load %arg9[%parallel_loop3A_499, %parallel_loop3A_500] {strides = array<i32>} : memref<12x64xf32, #tpu.memory_space<vmem>>, vector<1x16xf32>,
        %parallel_loop3A_502 = vector.shape_cast %parallel_loop3A_501 : vector<1x16xf32> to vector<16xf32>
        %parallel_loop3A_503 = arith.addf %parallel_loop3A_498, %parallel_loop3A_502 : vector<16xf32>
        %parallel_loop3A_504 = arith.constant 5 : i32
        %parallel_loop3A_505 = arith.addi %parallel_loop3A_80, %parallel_loop3A_504 : i32
        %parallel_loop3A_506 = arith.index_cast %parallel_loop3A_505 : i32 to index
        %parallel_loop3A_507 = arith.constant 32 : index
        %parallel_loop3A_508 = tpu.vector_load %arg13[%parallel_loop3A_506, %parallel_loop3A_507] {strides = array<i32>} : memref<400x64xf32, #tpu.memory_space<vmem>>, vector<1x16xf32>,
        %parallel_loop3A_509 = vector.shape_cast %parallel_loop3A_508 : vector<1x16xf32> to vector<16xf32>
        %parallel_loop3A_510 = vector.shape_cast %parallel_loop3A_503 : vector<16xf32> to vector<1x16xf32>
        tpu.vector_store %arg13[%parallel_loop3A_506, %parallel_loop3A_507], %parallel_loop3A_510 {strides = array<i32>} : memref<400x64xf32, #tpu.memory_space<vmem>>, vector<1x16xf32>,
        %parallel_loop3A_511 = arith.constant 5 : i32
        %parallel_loop3A_512 = arith.addi %parallel_loop3A_80, %parallel_loop3A_511 : i32
        %parallel_loop3A_513 = arith.index_cast %parallel_loop3A_512 : i32 to index
        %parallel_loop3A_514 = arith.constant 48 : index
        %parallel_loop3A_515 = tpu.vector_load %arg11[%parallel_loop3A_513, %parallel_loop3A_514] {strides = array<i32>} : memref<400x64xf32, #tpu.memory_space<vmem>>, vector<1x16xf32>,
        %parallel_loop3A_516 = vector.shape_cast %parallel_loop3A_515 : vector<1x16xf32> to vector<16xf32>
        %parallel_loop3A_517 = arith.index_cast %parallel_loop3A_456 : i32 to index
        %parallel_loop3A_518 = arith.constant 48 : index
        %parallel_loop3A_519 = tpu.vector_load %arg9[%parallel_loop3A_517, %parallel_loop3A_518] {strides = array<i32>} : memref<12x64xf32, #tpu.memory_space<vmem>>, vector<1x16xf32>,
        %parallel_loop3A_520 = vector.shape_cast %parallel_loop3A_519 : vector<1x16xf32> to vector<16xf32>
        %parallel_loop3A_521 = arith.addf %parallel_loop3A_516, %parallel_loop3A_520 : vector<16xf32>
        %parallel_loop3A_522 = arith.constant 5 : i32
        %parallel_loop3A_523 = arith.addi %parallel_loop3A_80, %parallel_loop3A_522 : i32
        %parallel_loop3A_524 = arith.index_cast %parallel_loop3A_523 : i32 to index
        %parallel_loop3A_525 = arith.constant 48 : index
        %parallel_loop3A_526 = tpu.vector_load %arg13[%parallel_loop3A_524, %parallel_loop3A_525] {strides = array<i32>} : memref<400x64xf32, #tpu.memory_space<vmem>>, vector<1x16xf32>,
        %parallel_loop3A_527 = vector.shape_cast %parallel_loop3A_526 : vector<1x16xf32> to vector<16xf32>
        %parallel_loop3A_528 = vector.shape_cast %parallel_loop3A_521 : vector<16xf32> to vector<1x16xf32>
        tpu.vector_store %arg13[%parallel_loop3A_524, %parallel_loop3A_525], %parallel_loop3A_528 {strides = array<i32>} : memref<400x64xf32, #tpu.memory_space<vmem>>, vector<1x16xf32>,
        %parallel_loop3A_529 = vector.extract_strided_slice %parallel_loop3A_84 {offsets = [6], sizes = [1], strides = [1]} : vector<16xi32> to vector<1xi32>
        %parallel_loop3A_530 = vector.extract %parallel_loop3A_529[0] : i32 from vector<1xi32>
        %parallel_loop3A_531 = arith.constant 6 : i32
        %parallel_loop3A_532 = arith.addi %parallel_loop3A_80, %parallel_loop3A_531 : i32
        %parallel_loop3A_533 = arith.index_cast %parallel_loop3A_532 : i32 to index
        %parallel_loop3A_534 = arith.constant 0 : index
        %parallel_loop3A_535 = tpu.vector_load %arg11[%parallel_loop3A_533, %parallel_loop3A_534] {strides = array<i32>} : memref<400x64xf32, #tpu.memory_space<vmem>>, vector<1x16xf32>,
        %parallel_loop3A_536 = vector.shape_cast %parallel_loop3A_535 : vector<1x16xf32> to vector<16xf32>
        %parallel_loop3A_537 = arith.index_cast %parallel_loop3A_530 : i32 to index
        %parallel_loop3A_538 = arith.constant 0 : index
        %parallel_loop3A_539 = tpu.vector_load %arg9[%parallel_loop3A_537, %parallel_loop3A_538] {strides = array<i32>} : memref<12x64xf32, #tpu.memory_space<vmem>>, vector<1x16xf32>,
        %parallel_loop3A_540 = vector.shape_cast %parallel_loop3A_539 : vector<1x16xf32> to vector<16xf32>
        %parallel_loop3A_541 = arith.addf %parallel_loop3A_536, %parallel_loop3A_540 : vector<16xf32>
        %parallel_loop3A_542 = arith.constant 6 : i32
        %parallel_loop3A_543 = arith.addi %parallel_loop3A_80, %parallel_loop3A_542 : i32
        %parallel_loop3A_544 = arith.index_cast %parallel_loop3A_543 : i32 to index
        %parallel_loop3A_545 = arith.constant 0 : index
        %parallel_loop3A_546 = tpu.vector_load %arg13[%parallel_loop3A_544, %parallel_loop3A_545] {strides = array<i32>} : memref<400x64xf32, #tpu.memory_space<vmem>>, vector<1x16xf32>,
        %parallel_loop3A_547 = vector.shape_cast %parallel_loop3A_546 : vector<1x16xf32> to vector<16xf32>
        %parallel_loop3A_548 = vector.shape_cast %parallel_loop3A_541 : vector<16xf32> to vector<1x16xf32>
        tpu.vector_store %arg13[%parallel_loop3A_544, %parallel_loop3A_545], %parallel_loop3A_548 {strides = array<i32>} : memref<400x64xf32, #tpu.memory_space<vmem>>, vector<1x16xf32>,
        %parallel_loop3A_549 = arith.constant 6 : i32
        %parallel_loop3A_550 = arith.addi %parallel_loop3A_80, %parallel_loop3A_549 : i32
        %parallel_loop3A_551 = arith.index_cast %parallel_loop3A_550 : i32 to index
        %parallel_loop3A_552 = arith.constant 16 : index
        %parallel_loop3A_553 = tpu.vector_load %arg11[%parallel_loop3A_551, %parallel_loop3A_552] {strides = array<i32>} : memref<400x64xf32, #tpu.memory_space<vmem>>, vector<1x16xf32>,
        %parallel_loop3A_554 = vector.shape_cast %parallel_loop3A_553 : vector<1x16xf32> to vector<16xf32>
        %parallel_loop3A_555 = arith.index_cast %parallel_loop3A_530 : i32 to index
        %parallel_loop3A_556 = arith.constant 16 : index
        %parallel_loop3A_557 = tpu.vector_load %arg9[%parallel_loop3A_555, %parallel_loop3A_556] {strides = array<i32>} : memref<12x64xf32, #tpu.memory_space<vmem>>, vector<1x16xf32>,
        %parallel_loop3A_558 = vector.shape_cast %parallel_loop3A_557 : vector<1x16xf32> to vector<16xf32>
        %parallel_loop3A_559 = arith.addf %parallel_loop3A_554, %parallel_loop3A_558 : vector<16xf32>
        %parallel_loop3A_560 = arith.constant 6 : i32
        %parallel_loop3A_561 = arith.addi %parallel_loop3A_80, %parallel_loop3A_560 : i32
        %parallel_loop3A_562 = arith.index_cast %parallel_loop3A_561 : i32 to index
        %parallel_loop3A_563 = arith.constant 16 : index
        %parallel_loop3A_564 = tpu.vector_load %arg13[%parallel_loop3A_562, %parallel_loop3A_563] {strides = array<i32>} : memref<400x64xf32, #tpu.memory_space<vmem>>, vector<1x16xf32>,
        %parallel_loop3A_565 = vector.shape_cast %parallel_loop3A_564 : vector<1x16xf32> to vector<16xf32>
        %parallel_loop3A_566 = vector.shape_cast %parallel_loop3A_559 : vector<16xf32> to vector<1x16xf32>
        tpu.vector_store %arg13[%parallel_loop3A_562, %parallel_loop3A_563], %parallel_loop3A_566 {strides = array<i32>} : memref<400x64xf32, #tpu.memory_space<vmem>>, vector<1x16xf32>,
        %parallel_loop3A_567 = arith.constant 6 : i32
        %parallel_loop3A_568 = arith.addi %parallel_loop3A_80, %parallel_loop3A_567 : i32
        %parallel_loop3A_569 = arith.index_cast %parallel_loop3A_568 : i32 to index
        %parallel_loop3A_570 = arith.constant 32 : index
        %parallel_loop3A_571 = tpu.vector_load %arg11[%parallel_loop3A_569, %parallel_loop3A_570] {strides = array<i32>} : memref<400x64xf32, #tpu.memory_space<vmem>>, vector<1x16xf32>,
        %parallel_loop3A_572 = vector.shape_cast %parallel_loop3A_571 : vector<1x16xf32> to vector<16xf32>
        %parallel_loop3A_573 = arith.index_cast %parallel_loop3A_530 : i32 to index
        %parallel_loop3A_574 = arith.constant 32 : index
        %parallel_loop3A_575 = tpu.vector_load %arg9[%parallel_loop3A_573, %parallel_loop3A_574] {strides = array<i32>} : memref<12x64xf32, #tpu.memory_space<vmem>>, vector<1x16xf32>,
        %parallel_loop3A_576 = vector.shape_cast %parallel_loop3A_575 : vector<1x16xf32> to vector<16xf32>
        %parallel_loop3A_577 = arith.addf %parallel_loop3A_572, %parallel_loop3A_576 : vector<16xf32>
        %parallel_loop3A_578 = arith.constant 6 : i32
        %parallel_loop3A_579 = arith.addi %parallel_loop3A_80, %parallel_loop3A_578 : i32
        %parallel_loop3A_580 = arith.index_cast %parallel_loop3A_579 : i32 to index
        %parallel_loop3A_581 = arith.constant 32 : index
        %parallel_loop3A_582 = tpu.vector_load %arg13[%parallel_loop3A_580, %parallel_loop3A_581] {strides = array<i32>} : memref<400x64xf32, #tpu.memory_space<vmem>>, vector<1x16xf32>,
        %parallel_loop3A_583 = vector.shape_cast %parallel_loop3A_582 : vector<1x16xf32> to vector<16xf32>
        %parallel_loop3A_584 = vector.shape_cast %parallel_loop3A_577 : vector<16xf32> to vector<1x16xf32>
        tpu.vector_store %arg13[%parallel_loop3A_580, %parallel_loop3A_581], %parallel_loop3A_584 {strides = array<i32>} : memref<400x64xf32, #tpu.memory_space<vmem>>, vector<1x16xf32>,
        %parallel_loop3A_585 = arith.constant 6 : i32
        %parallel_loop3A_586 = arith.addi %parallel_loop3A_80, %parallel_loop3A_585 : i32
        %parallel_loop3A_587 = arith.index_cast %parallel_loop3A_586 : i32 to index
        %parallel_loop3A_588 = arith.constant 48 : index
        %parallel_loop3A_589 = tpu.vector_load %arg11[%parallel_loop3A_587, %parallel_loop3A_588] {strides = array<i32>} : memref<400x64xf32, #tpu.memory_space<vmem>>, vector<1x16xf32>,
        %parallel_loop3A_590 = vector.shape_cast %parallel_loop3A_589 : vector<1x16xf32> to vector<16xf32>
        %parallel_loop3A_591 = arith.index_cast %parallel_loop3A_530 : i32 to index
        %parallel_loop3A_592 = arith.constant 48 : index
        %parallel_loop3A_593 = tpu.vector_load %arg9[%parallel_loop3A_591, %parallel_loop3A_592] {strides = array<i32>} : memref<12x64xf32, #tpu.memory_space<vmem>>, vector<1x16xf32>,
        %parallel_loop3A_594 = vector.shape_cast %parallel_loop3A_593 : vector<1x16xf32> to vector<16xf32>
        %parallel_loop3A_595 = arith.addf %parallel_loop3A_590, %parallel_loop3A_594 : vector<16xf32>
        %parallel_loop3A_596 = arith.constant 6 : i32
        %parallel_loop3A_597 = arith.addi %parallel_loop3A_80, %parallel_loop3A_596 : i32
        %parallel_loop3A_598 = arith.index_cast %parallel_loop3A_597 : i32 to index
        %parallel_loop3A_599 = arith.constant 48 : index
        %parallel_loop3A_600 = tpu.vector_load %arg13[%parallel_loop3A_598, %parallel_loop3A_599] {strides = array<i32>} : memref<400x64xf32, #tpu.memory_space<vmem>>, vector<1x16xf32>,
        %parallel_loop3A_601 = vector.shape_cast %parallel_loop3A_600 : vector<1x16xf32> to vector<16xf32>
        %parallel_loop3A_602 = vector.shape_cast %parallel_loop3A_595 : vector<16xf32> to vector<1x16xf32>
        tpu.vector_store %arg13[%parallel_loop3A_598, %parallel_loop3A_599], %parallel_loop3A_602 {strides = array<i32>} : memref<400x64xf32, #tpu.memory_space<vmem>>, vector<1x16xf32>,
        %parallel_loop3A_603 = vector.extract_strided_slice %parallel_loop3A_84 {offsets = [7], sizes = [1], strides = [1]} : vector<16xi32> to vector<1xi32>
        %parallel_loop3A_604 = vector.extract %parallel_loop3A_603[0] : i32 from vector<1xi32>
        %parallel_loop3A_605 = arith.constant 7 : i32
        %parallel_loop3A_606 = arith.addi %parallel_loop3A_80, %parallel_loop3A_605 : i32
        %parallel_loop3A_607 = arith.index_cast %parallel_loop3A_606 : i32 to index
        %parallel_loop3A_608 = arith.constant 0 : index
        %parallel_loop3A_609 = tpu.vector_load %arg11[%parallel_loop3A_607, %parallel_loop3A_608] {strides = array<i32>} : memref<400x64xf32, #tpu.memory_space<vmem>>, vector<1x16xf32>,
        %parallel_loop3A_610 = vector.shape_cast %parallel_loop3A_609 : vector<1x16xf32> to vector<16xf32>
        %parallel_loop3A_611 = arith.index_cast %parallel_loop3A_604 : i32 to index
        %parallel_loop3A_612 = arith.constant 0 : index
        %parallel_loop3A_613 = tpu.vector_load %arg9[%parallel_loop3A_611, %parallel_loop3A_612] {strides = array<i32>} : memref<12x64xf32, #tpu.memory_space<vmem>>, vector<1x16xf32>,
        %parallel_loop3A_614 = vector.shape_cast %parallel_loop3A_613 : vector<1x16xf32> to vector<16xf32>
        %parallel_loop3A_615 = arith.addf %parallel_loop3A_610, %parallel_loop3A_614 : vector<16xf32>
        %parallel_loop3A_616 = arith.constant 7 : i32
        %parallel_loop3A_617 = arith.addi %parallel_loop3A_80, %parallel_loop3A_616 : i32
        %parallel_loop3A_618 = arith.index_cast %parallel_loop3A_617 : i32 to index
        %parallel_loop3A_619 = arith.constant 0 : index
        %parallel_loop3A_620 = tpu.vector_load %arg13[%parallel_loop3A_618, %parallel_loop3A_619] {strides = array<i32>} : memref<400x64xf32, #tpu.memory_space<vmem>>, vector<1x16xf32>,
        %parallel_loop3A_621 = vector.shape_cast %parallel_loop3A_620 : vector<1x16xf32> to vector<16xf32>
        %parallel_loop3A_622 = vector.shape_cast %parallel_loop3A_615 : vector<16xf32> to vector<1x16xf32>
        tpu.vector_store %arg13[%parallel_loop3A_618, %parallel_loop3A_619], %parallel_loop3A_622 {strides = array<i32>} : memref<400x64xf32, #tpu.memory_space<vmem>>, vector<1x16xf32>,
        %parallel_loop3A_623 = arith.constant 7 : i32
        %parallel_loop3A_624 = arith.addi %parallel_loop3A_80, %parallel_loop3A_623 : i32
        %parallel_loop3A_625 = arith.index_cast %parallel_loop3A_624 : i32 to index
        %parallel_loop3A_626 = arith.constant 16 : index
        %parallel_loop3A_627 = tpu.vector_load %arg11[%parallel_loop3A_625, %parallel_loop3A_626] {strides = array<i32>} : memref<400x64xf32, #tpu.memory_space<vmem>>, vector<1x16xf32>,
        %parallel_loop3A_628 = vector.shape_cast %parallel_loop3A_627 : vector<1x16xf32> to vector<16xf32>
        %parallel_loop3A_629 = arith.index_cast %parallel_loop3A_604 : i32 to index
        %parallel_loop3A_630 = arith.constant 16 : index
        %parallel_loop3A_631 = tpu.vector_load %arg9[%parallel_loop3A_629, %parallel_loop3A_630] {strides = array<i32>} : memref<12x64xf32, #tpu.memory_space<vmem>>, vector<1x16xf32>,
        %parallel_loop3A_632 = vector.shape_cast %parallel_loop3A_631 : vector<1x16xf32> to vector<16xf32>
        %parallel_loop3A_633 = arith.addf %parallel_loop3A_628, %parallel_loop3A_632 : vector<16xf32>
        %parallel_loop3A_634 = arith.constant 7 : i32
        %parallel_loop3A_635 = arith.addi %parallel_loop3A_80, %parallel_loop3A_634 : i32
        %parallel_loop3A_636 = arith.index_cast %parallel_loop3A_635 : i32 to index
        %parallel_loop3A_637 = arith.constant 16 : index
        %parallel_loop3A_638 = tpu.vector_load %arg13[%parallel_loop3A_636, %parallel_loop3A_637] {strides = array<i32>} : memref<400x64xf32, #tpu.memory_space<vmem>>, vector<1x16xf32>,
        %parallel_loop3A_639 = vector.shape_cast %parallel_loop3A_638 : vector<1x16xf32> to vector<16xf32>
        %parallel_loop3A_640 = vector.shape_cast %parallel_loop3A_633 : vector<16xf32> to vector<1x16xf32>
        tpu.vector_store %arg13[%parallel_loop3A_636, %parallel_loop3A_637], %parallel_loop3A_640 {strides = array<i32>} : memref<400x64xf32, #tpu.memory_space<vmem>>, vector<1x16xf32>,
        %parallel_loop3A_641 = arith.constant 7 : i32
        %parallel_loop3A_642 = arith.addi %parallel_loop3A_80, %parallel_loop3A_641 : i32
        %parallel_loop3A_643 = arith.index_cast %parallel_loop3A_642 : i32 to index
        %parallel_loop3A_644 = arith.constant 32 : index
        %parallel_loop3A_645 = tpu.vector_load %arg11[%parallel_loop3A_643, %parallel_loop3A_644] {strides = array<i32>} : memref<400x64xf32, #tpu.memory_space<vmem>>, vector<1x16xf32>,
        %parallel_loop3A_646 = vector.shape_cast %parallel_loop3A_645 : vector<1x16xf32> to vector<16xf32>
        %parallel_loop3A_647 = arith.index_cast %parallel_loop3A_604 : i32 to index
        %parallel_loop3A_648 = arith.constant 32 : index
        %parallel_loop3A_649 = tpu.vector_load %arg9[%parallel_loop3A_647, %parallel_loop3A_648] {strides = array<i32>} : memref<12x64xf32, #tpu.memory_space<vmem>>, vector<1x16xf32>,
        %parallel_loop3A_650 = vector.shape_cast %parallel_loop3A_649 : vector<1x16xf32> to vector<16xf32>
        %parallel_loop3A_651 = arith.addf %parallel_loop3A_646, %parallel_loop3A_650 : vector<16xf32>
        %parallel_loop3A_652 = arith.constant 7 : i32
        %parallel_loop3A_653 = arith.addi %parallel_loop3A_80, %parallel_loop3A_652 : i32
        %parallel_loop3A_654 = arith.index_cast %parallel_loop3A_653 : i32 to index
        %parallel_loop3A_655 = arith.constant 32 : index
        %parallel_loop3A_656 = tpu.vector_load %arg13[%parallel_loop3A_654, %parallel_loop3A_655] {strides = array<i32>} : memref<400x64xf32, #tpu.memory_space<vmem>>, vector<1x16xf32>,
        %parallel_loop3A_657 = vector.shape_cast %parallel_loop3A_656 : vector<1x16xf32> to vector<16xf32>
        %parallel_loop3A_658 = vector.shape_cast %parallel_loop3A_651 : vector<16xf32> to vector<1x16xf32>
        tpu.vector_store %arg13[%parallel_loop3A_654, %parallel_loop3A_655], %parallel_loop3A_658 {strides = array<i32>} : memref<400x64xf32, #tpu.memory_space<vmem>>, vector<1x16xf32>,
        %parallel_loop3A_659 = arith.constant 7 : i32
        %parallel_loop3A_660 = arith.addi %parallel_loop3A_80, %parallel_loop3A_659 : i32
        %parallel_loop3A_661 = arith.index_cast %parallel_loop3A_660 : i32 to index
        %parallel_loop3A_662 = arith.constant 48 : index
        %parallel_loop3A_663 = tpu.vector_load %arg11[%parallel_loop3A_661, %parallel_loop3A_662] {strides = array<i32>} : memref<400x64xf32, #tpu.memory_space<vmem>>, vector<1x16xf32>,
        %parallel_loop3A_664 = vector.shape_cast %parallel_loop3A_663 : vector<1x16xf32> to vector<16xf32>
        %parallel_loop3A_665 = arith.index_cast %parallel_loop3A_604 : i32 to index
        %parallel_loop3A_666 = arith.constant 48 : index
        %parallel_loop3A_667 = tpu.vector_load %arg9[%parallel_loop3A_665, %parallel_loop3A_666] {strides = array<i32>} : memref<12x64xf32, #tpu.memory_space<vmem>>, vector<1x16xf32>,
        %parallel_loop3A_668 = vector.shape_cast %parallel_loop3A_667 : vector<1x16xf32> to vector<16xf32>
        %parallel_loop3A_669 = arith.addf %parallel_loop3A_664, %parallel_loop3A_668 : vector<16xf32>
        %parallel_loop3A_670 = arith.constant 7 : i32
        %parallel_loop3A_671 = arith.addi %parallel_loop3A_80, %parallel_loop3A_670 : i32
        %parallel_loop3A_672 = arith.index_cast %parallel_loop3A_671 : i32 to index
        %parallel_loop3A_673 = arith.constant 48 : index
        %parallel_loop3A_674 = tpu.vector_load %arg13[%parallel_loop3A_672, %parallel_loop3A_673] {strides = array<i32>} : memref<400x64xf32, #tpu.memory_space<vmem>>, vector<1x16xf32>,
        %parallel_loop3A_675 = vector.shape_cast %parallel_loop3A_674 : vector<1x16xf32> to vector<16xf32>
        %parallel_loop3A_676 = vector.shape_cast %parallel_loop3A_669 : vector<16xf32> to vector<1x16xf32>
        tpu.vector_store %arg13[%parallel_loop3A_672, %parallel_loop3A_673], %parallel_loop3A_676 {strides = array<i32>} : memref<400x64xf32, #tpu.memory_space<vmem>>, vector<1x16xf32>,
        %parallel_loop3A_677 = vector.extract_strided_slice %parallel_loop3A_84 {offsets = [8], sizes = [1], strides = [1]} : vector<16xi32> to vector<1xi32>
        %parallel_loop3A_678 = vector.extract %parallel_loop3A_677[0] : i32 from vector<1xi32>
        %parallel_loop3A_679 = arith.constant 8 : i32
        %parallel_loop3A_680 = arith.addi %parallel_loop3A_80, %parallel_loop3A_679 : i32
        %parallel_loop3A_681 = arith.index_cast %parallel_loop3A_680 : i32 to index
        %parallel_loop3A_682 = arith.constant 0 : index
        %parallel_loop3A_683 = tpu.vector_load %arg11[%parallel_loop3A_681, %parallel_loop3A_682] {strides = array<i32>} : memref<400x64xf32, #tpu.memory_space<vmem>>, vector<1x16xf32>,
        %parallel_loop3A_684 = vector.shape_cast %parallel_loop3A_683 : vector<1x16xf32> to vector<16xf32>
        %parallel_loop3A_685 = arith.index_cast %parallel_loop3A_678 : i32 to index
        %parallel_loop3A_686 = arith.constant 0 : index
        %parallel_loop3A_687 = tpu.vector_load %arg9[%parallel_loop3A_685, %parallel_loop3A_686] {strides = array<i32>} : memref<12x64xf32, #tpu.memory_space<vmem>>, vector<1x16xf32>,
        %parallel_loop3A_688 = vector.shape_cast %parallel_loop3A_687 : vector<1x16xf32> to vector<16xf32>
        %parallel_loop3A_689 = arith.addf %parallel_loop3A_684, %parallel_loop3A_688 : vector<16xf32>
        %parallel_loop3A_690 = arith.constant 8 : i32
        %parallel_loop3A_691 = arith.addi %parallel_loop3A_80, %parallel_loop3A_690 : i32
        %parallel_loop3A_692 = arith.index_cast %parallel_loop3A_691 : i32 to index
        %parallel_loop3A_693 = arith.constant 0 : index
        %parallel_loop3A_694 = tpu.vector_load %arg13[%parallel_loop3A_692, %parallel_loop3A_693] {strides = array<i32>} : memref<400x64xf32, #tpu.memory_space<vmem>>, vector<1x16xf32>,
        %parallel_loop3A_695 = vector.shape_cast %parallel_loop3A_694 : vector<1x16xf32> to vector<16xf32>
        %parallel_loop3A_696 = vector.shape_cast %parallel_loop3A_689 : vector<16xf32> to vector<1x16xf32>
        tpu.vector_store %arg13[%parallel_loop3A_692, %parallel_loop3A_693], %parallel_loop3A_696 {strides = array<i32>} : memref<400x64xf32, #tpu.memory_space<vmem>>, vector<1x16xf32>,
        %parallel_loop3A_697 = arith.constant 8 : i32
        %parallel_loop3A_698 = arith.addi %parallel_loop3A_80, %parallel_loop3A_697 : i32
        %parallel_loop3A_699 = arith.index_cast %parallel_loop3A_698 : i32 to index
        %parallel_loop3A_700 = arith.constant 16 : index
        %parallel_loop3A_701 = tpu.vector_load %arg11[%parallel_loop3A_699, %parallel_loop3A_700] {strides = array<i32>} : memref<400x64xf32, #tpu.memory_space<vmem>>, vector<1x16xf32>,
        %parallel_loop3A_702 = vector.shape_cast %parallel_loop3A_701 : vector<1x16xf32> to vector<16xf32>
        %parallel_loop3A_703 = arith.index_cast %parallel_loop3A_678 : i32 to index
        %parallel_loop3A_704 = arith.constant 16 : index
        %parallel_loop3A_705 = tpu.vector_load %arg9[%parallel_loop3A_703, %parallel_loop3A_704] {strides = array<i32>} : memref<12x64xf32, #tpu.memory_space<vmem>>, vector<1x16xf32>,
        %parallel_loop3A_706 = vector.shape_cast %parallel_loop3A_705 : vector<1x16xf32> to vector<16xf32>
        %parallel_loop3A_707 = arith.addf %parallel_loop3A_702, %parallel_loop3A_706 : vector<16xf32>
        %parallel_loop3A_708 = arith.constant 8 : i32
        %parallel_loop3A_709 = arith.addi %parallel_loop3A_80, %parallel_loop3A_708 : i32
        %parallel_loop3A_710 = arith.index_cast %parallel_loop3A_709 : i32 to index
        %parallel_loop3A_711 = arith.constant 16 : index
        %parallel_loop3A_712 = tpu.vector_load %arg13[%parallel_loop3A_710, %parallel_loop3A_711] {strides = array<i32>} : memref<400x64xf32, #tpu.memory_space<vmem>>, vector<1x16xf32>,
        %parallel_loop3A_713 = vector.shape_cast %parallel_loop3A_712 : vector<1x16xf32> to vector<16xf32>
        %parallel_loop3A_714 = vector.shape_cast %parallel_loop3A_707 : vector<16xf32> to vector<1x16xf32>
        tpu.vector_store %arg13[%parallel_loop3A_710, %parallel_loop3A_711], %parallel_loop3A_714 {strides = array<i32>} : memref<400x64xf32, #tpu.memory_space<vmem>>, vector<1x16xf32>,
        %parallel_loop3A_715 = arith.constant 8 : i32
        %parallel_loop3A_716 = arith.addi %parallel_loop3A_80, %parallel_loop3A_715 : i32
        %parallel_loop3A_717 = arith.index_cast %parallel_loop3A_716 : i32 to index
        %parallel_loop3A_718 = arith.constant 32 : index
        %parallel_loop3A_719 = tpu.vector_load %arg11[%parallel_loop3A_717, %parallel_loop3A_718] {strides = array<i32>} : memref<400x64xf32, #tpu.memory_space<vmem>>, vector<1x16xf32>,
        %parallel_loop3A_720 = vector.shape_cast %parallel_loop3A_719 : vector<1x16xf32> to vector<16xf32>
        %parallel_loop3A_721 = arith.index_cast %parallel_loop3A_678 : i32 to index
        %parallel_loop3A_722 = arith.constant 32 : index
        %parallel_loop3A_723 = tpu.vector_load %arg9[%parallel_loop3A_721, %parallel_loop3A_722] {strides = array<i32>} : memref<12x64xf32, #tpu.memory_space<vmem>>, vector<1x16xf32>,
        %parallel_loop3A_724 = vector.shape_cast %parallel_loop3A_723 : vector<1x16xf32> to vector<16xf32>
        %parallel_loop3A_725 = arith.addf %parallel_loop3A_720, %parallel_loop3A_724 : vector<16xf32>
        %parallel_loop3A_726 = arith.constant 8 : i32
        %parallel_loop3A_727 = arith.addi %parallel_loop3A_80, %parallel_loop3A_726 : i32
        %parallel_loop3A_728 = arith.index_cast %parallel_loop3A_727 : i32 to index
        %parallel_loop3A_729 = arith.constant 32 : index
        %parallel_loop3A_730 = tpu.vector_load %arg13[%parallel_loop3A_728, %parallel_loop3A_729] {strides = array<i32>} : memref<400x64xf32, #tpu.memory_space<vmem>>, vector<1x16xf32>,
        %parallel_loop3A_731 = vector.shape_cast %parallel_loop3A_730 : vector<1x16xf32> to vector<16xf32>
        %parallel_loop3A_732 = vector.shape_cast %parallel_loop3A_725 : vector<16xf32> to vector<1x16xf32>
        tpu.vector_store %arg13[%parallel_loop3A_728, %parallel_loop3A_729], %parallel_loop3A_732 {strides = array<i32>} : memref<400x64xf32, #tpu.memory_space<vmem>>, vector<1x16xf32>,
        %parallel_loop3A_733 = arith.constant 8 : i32
        %parallel_loop3A_734 = arith.addi %parallel_loop3A_80, %parallel_loop3A_733 : i32
        %parallel_loop3A_735 = arith.index_cast %parallel_loop3A_734 : i32 to index
        %parallel_loop3A_736 = arith.constant 48 : index
        %parallel_loop3A_737 = tpu.vector_load %arg11[%parallel_loop3A_735, %parallel_loop3A_736] {strides = array<i32>} : memref<400x64xf32, #tpu.memory_space<vmem>>, vector<1x16xf32>,
        %parallel_loop3A_738 = vector.shape_cast %parallel_loop3A_737 : vector<1x16xf32> to vector<16xf32>
        %parallel_loop3A_739 = arith.index_cast %parallel_loop3A_678 : i32 to index
        %parallel_loop3A_740 = arith.constant 48 : index
        %parallel_loop3A_741 = tpu.vector_load %arg9[%parallel_loop3A_739, %parallel_loop3A_740] {strides = array<i32>} : memref<12x64xf32, #tpu.memory_space<vmem>>, vector<1x16xf32>,
        %parallel_loop3A_742 = vector.shape_cast %parallel_loop3A_741 : vector<1x16xf32> to vector<16xf32>
        %parallel_loop3A_743 = arith.addf %parallel_loop3A_738, %parallel_loop3A_742 : vector<16xf32>
        %parallel_loop3A_744 = arith.constant 8 : i32
        %parallel_loop3A_745 = arith.addi %parallel_loop3A_80, %parallel_loop3A_744 : i32
        %parallel_loop3A_746 = arith.index_cast %parallel_loop3A_745 : i32 to index
        %parallel_loop3A_747 = arith.constant 48 : index
        %parallel_loop3A_748 = tpu.vector_load %arg13[%parallel_loop3A_746, %parallel_loop3A_747] {strides = array<i32>} : memref<400x64xf32, #tpu.memory_space<vmem>>, vector<1x16xf32>,
        %parallel_loop3A_749 = vector.shape_cast %parallel_loop3A_748 : vector<1x16xf32> to vector<16xf32>
        %parallel_loop3A_750 = vector.shape_cast %parallel_loop3A_743 : vector<16xf32> to vector<1x16xf32>
        tpu.vector_store %arg13[%parallel_loop3A_746, %parallel_loop3A_747], %parallel_loop3A_750 {strides = array<i32>} : memref<400x64xf32, #tpu.memory_space<vmem>>, vector<1x16xf32>,
        %parallel_loop3A_751 = vector.extract_strided_slice %parallel_loop3A_84 {offsets = [9], sizes = [1], strides = [1]} : vector<16xi32> to vector<1xi32>
        %parallel_loop3A_752 = vector.extract %parallel_loop3A_751[0] : i32 from vector<1xi32>
        %parallel_loop3A_753 = arith.constant 9 : i32
        %parallel_loop3A_754 = arith.addi %parallel_loop3A_80, %parallel_loop3A_753 : i32
        %parallel_loop3A_755 = arith.index_cast %parallel_loop3A_754 : i32 to index
        %parallel_loop3A_756 = arith.constant 0 : index
        %parallel_loop3A_757 = tpu.vector_load %arg11[%parallel_loop3A_755, %parallel_loop3A_756] {strides = array<i32>} : memref<400x64xf32, #tpu.memory_space<vmem>>, vector<1x16xf32>,
        %parallel_loop3A_758 = vector.shape_cast %parallel_loop3A_757 : vector<1x16xf32> to vector<16xf32>
        %parallel_loop3A_759 = arith.index_cast %parallel_loop3A_752 : i32 to index
        %parallel_loop3A_760 = arith.constant 0 : index
        %parallel_loop3A_761 = tpu.vector_load %arg9[%parallel_loop3A_759, %parallel_loop3A_760] {strides = array<i32>} : memref<12x64xf32, #tpu.memory_space<vmem>>, vector<1x16xf32>,
        %parallel_loop3A_762 = vector.shape_cast %parallel_loop3A_761 : vector<1x16xf32> to vector<16xf32>
        %parallel_loop3A_763 = arith.addf %parallel_loop3A_758, %parallel_loop3A_762 : vector<16xf32>
        %parallel_loop3A_764 = arith.constant 9 : i32
        %parallel_loop3A_765 = arith.addi %parallel_loop3A_80, %parallel_loop3A_764 : i32
        %parallel_loop3A_766 = arith.index_cast %parallel_loop3A_765 : i32 to index
        %parallel_loop3A_767 = arith.constant 0 : index
        %parallel_loop3A_768 = tpu.vector_load %arg13[%parallel_loop3A_766, %parallel_loop3A_767] {strides = array<i32>} : memref<400x64xf32, #tpu.memory_space<vmem>>, vector<1x16xf32>,
        %parallel_loop3A_769 = vector.shape_cast %parallel_loop3A_768 : vector<1x16xf32> to vector<16xf32>
        %parallel_loop3A_770 = vector.shape_cast %parallel_loop3A_763 : vector<16xf32> to vector<1x16xf32>
        tpu.vector_store %arg13[%parallel_loop3A_766, %parallel_loop3A_767], %parallel_loop3A_770 {strides = array<i32>} : memref<400x64xf32, #tpu.memory_space<vmem>>, vector<1x16xf32>,
        %parallel_loop3A_771 = arith.constant 9 : i32
        %parallel_loop3A_772 = arith.addi %parallel_loop3A_80, %parallel_loop3A_771 : i32
        %parallel_loop3A_773 = arith.index_cast %parallel_loop3A_772 : i32 to index
        %parallel_loop3A_774 = arith.constant 16 : index
        %parallel_loop3A_775 = tpu.vector_load %arg11[%parallel_loop3A_773, %parallel_loop3A_774] {strides = array<i32>} : memref<400x64xf32, #tpu.memory_space<vmem>>, vector<1x16xf32>,
        %parallel_loop3A_776 = vector.shape_cast %parallel_loop3A_775 : vector<1x16xf32> to vector<16xf32>
        %parallel_loop3A_777 = arith.index_cast %parallel_loop3A_752 : i32 to index
        %parallel_loop3A_778 = arith.constant 16 : index
        %parallel_loop3A_779 = tpu.vector_load %arg9[%parallel_loop3A_777, %parallel_loop3A_778] {strides = array<i32>} : memref<12x64xf32, #tpu.memory_space<vmem>>, vector<1x16xf32>,
        %parallel_loop3A_780 = vector.shape_cast %parallel_loop3A_779 : vector<1x16xf32> to vector<16xf32>
        %parallel_loop3A_781 = arith.addf %parallel_loop3A_776, %parallel_loop3A_780 : vector<16xf32>
        %parallel_loop3A_782 = arith.constant 9 : i32
        %parallel_loop3A_783 = arith.addi %parallel_loop3A_80, %parallel_loop3A_782 : i32
        %parallel_loop3A_784 = arith.index_cast %parallel_loop3A_783 : i32 to index
        %parallel_loop3A_785 = arith.constant 16 : index
        %parallel_loop3A_786 = tpu.vector_load %arg13[%parallel_loop3A_784, %parallel_loop3A_785] {strides = array<i32>} : memref<400x64xf32, #tpu.memory_space<vmem>>, vector<1x16xf32>,
        %parallel_loop3A_787 = vector.shape_cast %parallel_loop3A_786 : vector<1x16xf32> to vector<16xf32>
        %parallel_loop3A_788 = vector.shape_cast %parallel_loop3A_781 : vector<16xf32> to vector<1x16xf32>
        tpu.vector_store %arg13[%parallel_loop3A_784, %parallel_loop3A_785], %parallel_loop3A_788 {strides = array<i32>} : memref<400x64xf32, #tpu.memory_space<vmem>>, vector<1x16xf32>,
        %parallel_loop3A_789 = arith.constant 9 : i32
        %parallel_loop3A_790 = arith.addi %parallel_loop3A_80, %parallel_loop3A_789 : i32
        %parallel_loop3A_791 = arith.index_cast %parallel_loop3A_790 : i32 to index
        %parallel_loop3A_792 = arith.constant 32 : index
        %parallel_loop3A_793 = tpu.vector_load %arg11[%parallel_loop3A_791, %parallel_loop3A_792] {strides = array<i32>} : memref<400x64xf32, #tpu.memory_space<vmem>>, vector<1x16xf32>,
        %parallel_loop3A_794 = vector.shape_cast %parallel_loop3A_793 : vector<1x16xf32> to vector<16xf32>
        %parallel_loop3A_795 = arith.index_cast %parallel_loop3A_752 : i32 to index
        %parallel_loop3A_796 = arith.constant 32 : index
        %parallel_loop3A_797 = tpu.vector_load %arg9[%parallel_loop3A_795, %parallel_loop3A_796] {strides = array<i32>} : memref<12x64xf32, #tpu.memory_space<vmem>>, vector<1x16xf32>,
        %parallel_loop3A_798 = vector.shape_cast %parallel_loop3A_797 : vector<1x16xf32> to vector<16xf32>
        %parallel_loop3A_799 = arith.addf %parallel_loop3A_794, %parallel_loop3A_798 : vector<16xf32>
        %parallel_loop3A_800 = arith.constant 9 : i32
        %parallel_loop3A_801 = arith.addi %parallel_loop3A_80, %parallel_loop3A_800 : i32
        %parallel_loop3A_802 = arith.index_cast %parallel_loop3A_801 : i32 to index
        %parallel_loop3A_803 = arith.constant 32 : index
        %parallel_loop3A_804 = tpu.vector_load %arg13[%parallel_loop3A_802, %parallel_loop3A_803] {strides = array<i32>} : memref<400x64xf32, #tpu.memory_space<vmem>>, vector<1x16xf32>,
        %parallel_loop3A_805 = vector.shape_cast %parallel_loop3A_804 : vector<1x16xf32> to vector<16xf32>
        %parallel_loop3A_806 = vector.shape_cast %parallel_loop3A_799 : vector<16xf32> to vector<1x16xf32>
        tpu.vector_store %arg13[%parallel_loop3A_802, %parallel_loop3A_803], %parallel_loop3A_806 {strides = array<i32>} : memref<400x64xf32, #tpu.memory_space<vmem>>, vector<1x16xf32>,
        %parallel_loop3A_807 = arith.constant 9 : i32
        %parallel_loop3A_808 = arith.addi %parallel_loop3A_80, %parallel_loop3A_807 : i32
        %parallel_loop3A_809 = arith.index_cast %parallel_loop3A_808 : i32 to index
        %parallel_loop3A_810 = arith.constant 48 : index
        %parallel_loop3A_811 = tpu.vector_load %arg11[%parallel_loop3A_809, %parallel_loop3A_810] {strides = array<i32>} : memref<400x64xf32, #tpu.memory_space<vmem>>, vector<1x16xf32>,
        %parallel_loop3A_812 = vector.shape_cast %parallel_loop3A_811 : vector<1x16xf32> to vector<16xf32>
        %parallel_loop3A_813 = arith.index_cast %parallel_loop3A_752 : i32 to index
        %parallel_loop3A_814 = arith.constant 48 : index
        %parallel_loop3A_815 = tpu.vector_load %arg9[%parallel_loop3A_813, %parallel_loop3A_814] {strides = array<i32>} : memref<12x64xf32, #tpu.memory_space<vmem>>, vector<1x16xf32>,
        %parallel_loop3A_816 = vector.shape_cast %parallel_loop3A_815 : vector<1x16xf32> to vector<16xf32>
        %parallel_loop3A_817 = arith.addf %parallel_loop3A_812, %parallel_loop3A_816 : vector<16xf32>
        %parallel_loop3A_818 = arith.constant 9 : i32
        %parallel_loop3A_819 = arith.addi %parallel_loop3A_80, %parallel_loop3A_818 : i32
        %parallel_loop3A_820 = arith.index_cast %parallel_loop3A_819 : i32 to index
        %parallel_loop3A_821 = arith.constant 48 : index
        %parallel_loop3A_822 = tpu.vector_load %arg13[%parallel_loop3A_820, %parallel_loop3A_821] {strides = array<i32>} : memref<400x64xf32, #tpu.memory_space<vmem>>, vector<1x16xf32>,
        %parallel_loop3A_823 = vector.shape_cast %parallel_loop3A_822 : vector<1x16xf32> to vector<16xf32>
        %parallel_loop3A_824 = vector.shape_cast %parallel_loop3A_817 : vector<16xf32> to vector<1x16xf32>
        tpu.vector_store %arg13[%parallel_loop3A_820, %parallel_loop3A_821], %parallel_loop3A_824 {strides = array<i32>} : memref<400x64xf32, #tpu.memory_space<vmem>>, vector<1x16xf32>,
        %parallel_loop3A_825 = vector.extract_strided_slice %parallel_loop3A_84 {offsets = [10], sizes = [1], strides = [1]} : vector<16xi32> to vector<1xi32>
        %parallel_loop3A_826 = vector.extract %parallel_loop3A_825[0] : i32 from vector<1xi32>
        %parallel_loop3A_827 = arith.constant 10 : i32
        %parallel_loop3A_828 = arith.addi %parallel_loop3A_80, %parallel_loop3A_827 : i32
        %parallel_loop3A_829 = arith.index_cast %parallel_loop3A_828 : i32 to index
        %parallel_loop3A_830 = arith.constant 0 : index
        %parallel_loop3A_831 = tpu.vector_load %arg11[%parallel_loop3A_829, %parallel_loop3A_830] {strides = array<i32>} : memref<400x64xf32, #tpu.memory_space<vmem>>, vector<1x16xf32>,
        %parallel_loop3A_832 = vector.shape_cast %parallel_loop3A_831 : vector<1x16xf32> to vector<16xf32>
        %parallel_loop3A_833 = arith.index_cast %parallel_loop3A_826 : i32 to index
        %parallel_loop3A_834 = arith.constant 0 : index
        %parallel_loop3A_835 = tpu.vector_load %arg9[%parallel_loop3A_833, %parallel_loop3A_834] {strides = array<i32>} : memref<12x64xf32, #tpu.memory_space<vmem>>, vector<1x16xf32>,
        %parallel_loop3A_836 = vector.shape_cast %parallel_loop3A_835 : vector<1x16xf32> to vector<16xf32>
        %parallel_loop3A_837 = arith.addf %parallel_loop3A_832, %parallel_loop3A_836 : vector<16xf32>
        %parallel_loop3A_838 = arith.constant 10 : i32
        %parallel_loop3A_839 = arith.addi %parallel_loop3A_80, %parallel_loop3A_838 : i32
        %parallel_loop3A_840 = arith.index_cast %parallel_loop3A_839 : i32 to index
        %parallel_loop3A_841 = arith.constant 0 : index
        %parallel_loop3A_842 = tpu.vector_load %arg13[%parallel_loop3A_840, %parallel_loop3A_841] {strides = array<i32>} : memref<400x64xf32, #tpu.memory_space<vmem>>, vector<1x16xf32>,
        %parallel_loop3A_843 = vector.shape_cast %parallel_loop3A_842 : vector<1x16xf32> to vector<16xf32>
        %parallel_loop3A_844 = vector.shape_cast %parallel_loop3A_837 : vector<16xf32> to vector<1x16xf32>
        tpu.vector_store %arg13[%parallel_loop3A_840, %parallel_loop3A_841], %parallel_loop3A_844 {strides = array<i32>} : memref<400x64xf32, #tpu.memory_space<vmem>>, vector<1x16xf32>,
        %parallel_loop3A_845 = arith.constant 10 : i32
        %parallel_loop3A_846 = arith.addi %parallel_loop3A_80, %parallel_loop3A_845 : i32
        %parallel_loop3A_847 = arith.index_cast %parallel_loop3A_846 : i32 to index
        %parallel_loop3A_848 = arith.constant 16 : index
        %parallel_loop3A_849 = tpu.vector_load %arg11[%parallel_loop3A_847, %parallel_loop3A_848] {strides = array<i32>} : memref<400x64xf32, #tpu.memory_space<vmem>>, vector<1x16xf32>,
        %parallel_loop3A_850 = vector.shape_cast %parallel_loop3A_849 : vector<1x16xf32> to vector<16xf32>
        %parallel_loop3A_851 = arith.index_cast %parallel_loop3A_826 : i32 to index
        %parallel_loop3A_852 = arith.constant 16 : index
        %parallel_loop3A_853 = tpu.vector_load %arg9[%parallel_loop3A_851, %parallel_loop3A_852] {strides = array<i32>} : memref<12x64xf32, #tpu.memory_space<vmem>>, vector<1x16xf32>,
        %parallel_loop3A_854 = vector.shape_cast %parallel_loop3A_853 : vector<1x16xf32> to vector<16xf32>
        %parallel_loop3A_855 = arith.addf %parallel_loop3A_850, %parallel_loop3A_854 : vector<16xf32>
        %parallel_loop3A_856 = arith.constant 10 : i32
        %parallel_loop3A_857 = arith.addi %parallel_loop3A_80, %parallel_loop3A_856 : i32
        %parallel_loop3A_858 = arith.index_cast %parallel_loop3A_857 : i32 to index
        %parallel_loop3A_859 = arith.constant 16 : index
        %parallel_loop3A_860 = tpu.vector_load %arg13[%parallel_loop3A_858, %parallel_loop3A_859] {strides = array<i32>} : memref<400x64xf32, #tpu.memory_space<vmem>>, vector<1x16xf32>,
        %parallel_loop3A_861 = vector.shape_cast %parallel_loop3A_860 : vector<1x16xf32> to vector<16xf32>
        %parallel_loop3A_862 = vector.shape_cast %parallel_loop3A_855 : vector<16xf32> to vector<1x16xf32>
        tpu.vector_store %arg13[%parallel_loop3A_858, %parallel_loop3A_859], %parallel_loop3A_862 {strides = array<i32>} : memref<400x64xf32, #tpu.memory_space<vmem>>, vector<1x16xf32>,
        %parallel_loop3A_863 = arith.constant 10 : i32
        %parallel_loop3A_864 = arith.addi %parallel_loop3A_80, %parallel_loop3A_863 : i32
        %parallel_loop3A_865 = arith.index_cast %parallel_loop3A_864 : i32 to index
        %parallel_loop3A_866 = arith.constant 32 : index
        %parallel_loop3A_867 = tpu.vector_load %arg11[%parallel_loop3A_865, %parallel_loop3A_866] {strides = array<i32>} : memref<400x64xf32, #tpu.memory_space<vmem>>, vector<1x16xf32>,
        %parallel_loop3A_868 = vector.shape_cast %parallel_loop3A_867 : vector<1x16xf32> to vector<16xf32>
        %parallel_loop3A_869 = arith.index_cast %parallel_loop3A_826 : i32 to index
        %parallel_loop3A_870 = arith.constant 32 : index
        %parallel_loop3A_871 = tpu.vector_load %arg9[%parallel_loop3A_869, %parallel_loop3A_870] {strides = array<i32>} : memref<12x64xf32, #tpu.memory_space<vmem>>, vector<1x16xf32>,
        %parallel_loop3A_872 = vector.shape_cast %parallel_loop3A_871 : vector<1x16xf32> to vector<16xf32>
        %parallel_loop3A_873 = arith.addf %parallel_loop3A_868, %parallel_loop3A_872 : vector<16xf32>
        %parallel_loop3A_874 = arith.constant 10 : i32
        %parallel_loop3A_875 = arith.addi %parallel_loop3A_80, %parallel_loop3A_874 : i32
        %parallel_loop3A_876 = arith.index_cast %parallel_loop3A_875 : i32 to index
        %parallel_loop3A_877 = arith.constant 32 : index
        %parallel_loop3A_878 = tpu.vector_load %arg13[%parallel_loop3A_876, %parallel_loop3A_877] {strides = array<i32>} : memref<400x64xf32, #tpu.memory_space<vmem>>, vector<1x16xf32>,
        %parallel_loop3A_879 = vector.shape_cast %parallel_loop3A_878 : vector<1x16xf32> to vector<16xf32>
        %parallel_loop3A_880 = vector.shape_cast %parallel_loop3A_873 : vector<16xf32> to vector<1x16xf32>
        tpu.vector_store %arg13[%parallel_loop3A_876, %parallel_loop3A_877], %parallel_loop3A_880 {strides = array<i32>} : memref<400x64xf32, #tpu.memory_space<vmem>>, vector<1x16xf32>,
        %parallel_loop3A_881 = arith.constant 10 : i32
        %parallel_loop3A_882 = arith.addi %parallel_loop3A_80, %parallel_loop3A_881 : i32
        %parallel_loop3A_883 = arith.index_cast %parallel_loop3A_882 : i32 to index
        %parallel_loop3A_884 = arith.constant 48 : index
        %parallel_loop3A_885 = tpu.vector_load %arg11[%parallel_loop3A_883, %parallel_loop3A_884] {strides = array<i32>} : memref<400x64xf32, #tpu.memory_space<vmem>>, vector<1x16xf32>,
        %parallel_loop3A_886 = vector.shape_cast %parallel_loop3A_885 : vector<1x16xf32> to vector<16xf32>
        %parallel_loop3A_887 = arith.index_cast %parallel_loop3A_826 : i32 to index
        %parallel_loop3A_888 = arith.constant 48 : index
        %parallel_loop3A_889 = tpu.vector_load %arg9[%parallel_loop3A_887, %parallel_loop3A_888] {strides = array<i32>} : memref<12x64xf32, #tpu.memory_space<vmem>>, vector<1x16xf32>,
        %parallel_loop3A_890 = vector.shape_cast %parallel_loop3A_889 : vector<1x16xf32> to vector<16xf32>
        %parallel_loop3A_891 = arith.addf %parallel_loop3A_886, %parallel_loop3A_890 : vector<16xf32>
        %parallel_loop3A_892 = arith.constant 10 : i32
        %parallel_loop3A_893 = arith.addi %parallel_loop3A_80, %parallel_loop3A_892 : i32
        %parallel_loop3A_894 = arith.index_cast %parallel_loop3A_893 : i32 to index
        %parallel_loop3A_895 = arith.constant 48 : index
        %parallel_loop3A_896 = tpu.vector_load %arg13[%parallel_loop3A_894, %parallel_loop3A_895] {strides = array<i32>} : memref<400x64xf32, #tpu.memory_space<vmem>>, vector<1x16xf32>,
        %parallel_loop3A_897 = vector.shape_cast %parallel_loop3A_896 : vector<1x16xf32> to vector<16xf32>
        %parallel_loop3A_898 = vector.shape_cast %parallel_loop3A_891 : vector<16xf32> to vector<1x16xf32>
        tpu.vector_store %arg13[%parallel_loop3A_894, %parallel_loop3A_895], %parallel_loop3A_898 {strides = array<i32>} : memref<400x64xf32, #tpu.memory_space<vmem>>, vector<1x16xf32>,
        %parallel_loop3A_899 = vector.extract_strided_slice %parallel_loop3A_84 {offsets = [11], sizes = [1], strides = [1]} : vector<16xi32> to vector<1xi32>
        %parallel_loop3A_900 = vector.extract %parallel_loop3A_899[0] : i32 from vector<1xi32>
        %parallel_loop3A_901 = arith.constant 11 : i32
        %parallel_loop3A_902 = arith.addi %parallel_loop3A_80, %parallel_loop3A_901 : i32
        %parallel_loop3A_903 = arith.index_cast %parallel_loop3A_902 : i32 to index
        %parallel_loop3A_904 = arith.constant 0 : index
        %parallel_loop3A_905 = tpu.vector_load %arg11[%parallel_loop3A_903, %parallel_loop3A_904] {strides = array<i32>} : memref<400x64xf32, #tpu.memory_space<vmem>>, vector<1x16xf32>,
        %parallel_loop3A_906 = vector.shape_cast %parallel_loop3A_905 : vector<1x16xf32> to vector<16xf32>
        %parallel_loop3A_907 = arith.index_cast %parallel_loop3A_900 : i32 to index
        %parallel_loop3A_908 = arith.constant 0 : index
        %parallel_loop3A_909 = tpu.vector_load %arg9[%parallel_loop3A_907, %parallel_loop3A_908] {strides = array<i32>} : memref<12x64xf32, #tpu.memory_space<vmem>>, vector<1x16xf32>,
        %parallel_loop3A_910 = vector.shape_cast %parallel_loop3A_909 : vector<1x16xf32> to vector<16xf32>
        %parallel_loop3A_911 = arith.addf %parallel_loop3A_906, %parallel_loop3A_910 : vector<16xf32>
        %parallel_loop3A_912 = arith.constant 11 : i32
        %parallel_loop3A_913 = arith.addi %parallel_loop3A_80, %parallel_loop3A_912 : i32
        %parallel_loop3A_914 = arith.index_cast %parallel_loop3A_913 : i32 to index
        %parallel_loop3A_915 = arith.constant 0 : index
        %parallel_loop3A_916 = tpu.vector_load %arg13[%parallel_loop3A_914, %parallel_loop3A_915] {strides = array<i32>} : memref<400x64xf32, #tpu.memory_space<vmem>>, vector<1x16xf32>,
        %parallel_loop3A_917 = vector.shape_cast %parallel_loop3A_916 : vector<1x16xf32> to vector<16xf32>
        %parallel_loop3A_918 = vector.shape_cast %parallel_loop3A_911 : vector<16xf32> to vector<1x16xf32>
        tpu.vector_store %arg13[%parallel_loop3A_914, %parallel_loop3A_915], %parallel_loop3A_918 {strides = array<i32>} : memref<400x64xf32, #tpu.memory_space<vmem>>, vector<1x16xf32>,
        %parallel_loop3A_919 = arith.constant 11 : i32
        %parallel_loop3A_920 = arith.addi %parallel_loop3A_80, %parallel_loop3A_919 : i32
        %parallel_loop3A_921 = arith.index_cast %parallel_loop3A_920 : i32 to index
        %parallel_loop3A_922 = arith.constant 16 : index
        %parallel_loop3A_923 = tpu.vector_load %arg11[%parallel_loop3A_921, %parallel_loop3A_922] {strides = array<i32>} : memref<400x64xf32, #tpu.memory_space<vmem>>, vector<1x16xf32>,
        %parallel_loop3A_924 = vector.shape_cast %parallel_loop3A_923 : vector<1x16xf32> to vector<16xf32>
        %parallel_loop3A_925 = arith.index_cast %parallel_loop3A_900 : i32 to index
        %parallel_loop3A_926 = arith.constant 16 : index
        %parallel_loop3A_927 = tpu.vector_load %arg9[%parallel_loop3A_925, %parallel_loop3A_926] {strides = array<i32>} : memref<12x64xf32, #tpu.memory_space<vmem>>, vector<1x16xf32>,
        %parallel_loop3A_928 = vector.shape_cast %parallel_loop3A_927 : vector<1x16xf32> to vector<16xf32>
        %parallel_loop3A_929 = arith.addf %parallel_loop3A_924, %parallel_loop3A_928 : vector<16xf32>
        %parallel_loop3A_930 = arith.constant 11 : i32
        %parallel_loop3A_931 = arith.addi %parallel_loop3A_80, %parallel_loop3A_930 : i32
        %parallel_loop3A_932 = arith.index_cast %parallel_loop3A_931 : i32 to index
        %parallel_loop3A_933 = arith.constant 16 : index
        %parallel_loop3A_934 = tpu.vector_load %arg13[%parallel_loop3A_932, %parallel_loop3A_933] {strides = array<i32>} : memref<400x64xf32, #tpu.memory_space<vmem>>, vector<1x16xf32>,
        %parallel_loop3A_935 = vector.shape_cast %parallel_loop3A_934 : vector<1x16xf32> to vector<16xf32>
        %parallel_loop3A_936 = vector.shape_cast %parallel_loop3A_929 : vector<16xf32> to vector<1x16xf32>
        tpu.vector_store %arg13[%parallel_loop3A_932, %parallel_loop3A_933], %parallel_loop3A_936 {strides = array<i32>} : memref<400x64xf32, #tpu.memory_space<vmem>>, vector<1x16xf32>,
        %parallel_loop3A_937 = arith.constant 11 : i32
        %parallel_loop3A_938 = arith.addi %parallel_loop3A_80, %parallel_loop3A_937 : i32
        %parallel_loop3A_939 = arith.index_cast %parallel_loop3A_938 : i32 to index
        %parallel_loop3A_940 = arith.constant 32 : index
        %parallel_loop3A_941 = tpu.vector_load %arg11[%parallel_loop3A_939, %parallel_loop3A_940] {strides = array<i32>} : memref<400x64xf32, #tpu.memory_space<vmem>>, vector<1x16xf32>,
        %parallel_loop3A_942 = vector.shape_cast %parallel_loop3A_941 : vector<1x16xf32> to vector<16xf32>
        %parallel_loop3A_943 = arith.index_cast %parallel_loop3A_900 : i32 to index
        %parallel_loop3A_944 = arith.constant 32 : index
        %parallel_loop3A_945 = tpu.vector_load %arg9[%parallel_loop3A_943, %parallel_loop3A_944] {strides = array<i32>} : memref<12x64xf32, #tpu.memory_space<vmem>>, vector<1x16xf32>,
        %parallel_loop3A_946 = vector.shape_cast %parallel_loop3A_945 : vector<1x16xf32> to vector<16xf32>
        %parallel_loop3A_947 = arith.addf %parallel_loop3A_942, %parallel_loop3A_946 : vector<16xf32>
        %parallel_loop3A_948 = arith.constant 11 : i32
        %parallel_loop3A_949 = arith.addi %parallel_loop3A_80, %parallel_loop3A_948 : i32
        %parallel_loop3A_950 = arith.index_cast %parallel_loop3A_949 : i32 to index
        %parallel_loop3A_951 = arith.constant 32 : index
        %parallel_loop3A_952 = tpu.vector_load %arg13[%parallel_loop3A_950, %parallel_loop3A_951] {strides = array<i32>} : memref<400x64xf32, #tpu.memory_space<vmem>>, vector<1x16xf32>,
        %parallel_loop3A_953 = vector.shape_cast %parallel_loop3A_952 : vector<1x16xf32> to vector<16xf32>
        %parallel_loop3A_954 = vector.shape_cast %parallel_loop3A_947 : vector<16xf32> to vector<1x16xf32>
        tpu.vector_store %arg13[%parallel_loop3A_950, %parallel_loop3A_951], %parallel_loop3A_954 {strides = array<i32>} : memref<400x64xf32, #tpu.memory_space<vmem>>, vector<1x16xf32>,
        %parallel_loop3A_955 = arith.constant 11 : i32
        %parallel_loop3A_956 = arith.addi %parallel_loop3A_80, %parallel_loop3A_955 : i32
        %parallel_loop3A_957 = arith.index_cast %parallel_loop3A_956 : i32 to index
        %parallel_loop3A_958 = arith.constant 48 : index
        %parallel_loop3A_959 = tpu.vector_load %arg11[%parallel_loop3A_957, %parallel_loop3A_958] {strides = array<i32>} : memref<400x64xf32, #tpu.memory_space<vmem>>, vector<1x16xf32>,
        %parallel_loop3A_960 = vector.shape_cast %parallel_loop3A_959 : vector<1x16xf32> to vector<16xf32>
        %parallel_loop3A_961 = arith.index_cast %parallel_loop3A_900 : i32 to index
        %parallel_loop3A_962 = arith.constant 48 : index
        %parallel_loop3A_963 = tpu.vector_load %arg9[%parallel_loop3A_961, %parallel_loop3A_962] {strides = array<i32>} : memref<12x64xf32, #tpu.memory_space<vmem>>, vector<1x16xf32>,
        %parallel_loop3A_964 = vector.shape_cast %parallel_loop3A_963 : vector<1x16xf32> to vector<16xf32>
        %parallel_loop3A_965 = arith.addf %parallel_loop3A_960, %parallel_loop3A_964 : vector<16xf32>
        %parallel_loop3A_966 = arith.constant 11 : i32
        %parallel_loop3A_967 = arith.addi %parallel_loop3A_80, %parallel_loop3A_966 : i32
        %parallel_loop3A_968 = arith.index_cast %parallel_loop3A_967 : i32 to index
        %parallel_loop3A_969 = arith.constant 48 : index
        %parallel_loop3A_970 = tpu.vector_load %arg13[%parallel_loop3A_968, %parallel_loop3A_969] {strides = array<i32>} : memref<400x64xf32, #tpu.memory_space<vmem>>, vector<1x16xf32>,
        %parallel_loop3A_971 = vector.shape_cast %parallel_loop3A_970 : vector<1x16xf32> to vector<16xf32>
        %parallel_loop3A_972 = vector.shape_cast %parallel_loop3A_965 : vector<16xf32> to vector<1x16xf32>
        tpu.vector_store %arg13[%parallel_loop3A_968, %parallel_loop3A_969], %parallel_loop3A_972 {strides = array<i32>} : memref<400x64xf32, #tpu.memory_space<vmem>>, vector<1x16xf32>,
        %parallel_loop3A_973 = vector.extract_strided_slice %parallel_loop3A_84 {offsets = [12], sizes = [1], strides = [1]} : vector<16xi32> to vector<1xi32>
        %parallel_loop3A_974 = vector.extract %parallel_loop3A_973[0] : i32 from vector<1xi32>
        %parallel_loop3A_975 = arith.constant 12 : i32
        %parallel_loop3A_976 = arith.addi %parallel_loop3A_80, %parallel_loop3A_975 : i32
        %parallel_loop3A_977 = arith.index_cast %parallel_loop3A_976 : i32 to index
        %parallel_loop3A_978 = arith.constant 0 : index
        %parallel_loop3A_979 = tpu.vector_load %arg11[%parallel_loop3A_977, %parallel_loop3A_978] {strides = array<i32>} : memref<400x64xf32, #tpu.memory_space<vmem>>, vector<1x16xf32>,
        %parallel_loop3A_980 = vector.shape_cast %parallel_loop3A_979 : vector<1x16xf32> to vector<16xf32>
        %parallel_loop3A_981 = arith.index_cast %parallel_loop3A_974 : i32 to index
        %parallel_loop3A_982 = arith.constant 0 : index
        %parallel_loop3A_983 = tpu.vector_load %arg9[%parallel_loop3A_981, %parallel_loop3A_982] {strides = array<i32>} : memref<12x64xf32, #tpu.memory_space<vmem>>, vector<1x16xf32>,
        %parallel_loop3A_984 = vector.shape_cast %parallel_loop3A_983 : vector<1x16xf32> to vector<16xf32>
        %parallel_loop3A_985 = arith.addf %parallel_loop3A_980, %parallel_loop3A_984 : vector<16xf32>
        %parallel_loop3A_986 = arith.constant 12 : i32
        %parallel_loop3A_987 = arith.addi %parallel_loop3A_80, %parallel_loop3A_986 : i32
        %parallel_loop3A_988 = arith.index_cast %parallel_loop3A_987 : i32 to index
        %parallel_loop3A_989 = arith.constant 0 : index
        %parallel_loop3A_990 = tpu.vector_load %arg13[%parallel_loop3A_988, %parallel_loop3A_989] {strides = array<i32>} : memref<400x64xf32, #tpu.memory_space<vmem>>, vector<1x16xf32>,
        %parallel_loop3A_991 = vector.shape_cast %parallel_loop3A_990 : vector<1x16xf32> to vector<16xf32>
        %parallel_loop3A_992 = vector.shape_cast %parallel_loop3A_985 : vector<16xf32> to vector<1x16xf32>
        tpu.vector_store %arg13[%parallel_loop3A_988, %parallel_loop3A_989], %parallel_loop3A_992 {strides = array<i32>} : memref<400x64xf32, #tpu.memory_space<vmem>>, vector<1x16xf32>,
        %parallel_loop3A_993 = arith.constant 12 : i32
        %parallel_loop3A_994 = arith.addi %parallel_loop3A_80, %parallel_loop3A_993 : i32
        %parallel_loop3A_995 = arith.index_cast %parallel_loop3A_994 : i32 to index
        %parallel_loop3A_996 = arith.constant 16 : index
        %parallel_loop3A_997 = tpu.vector_load %arg11[%parallel_loop3A_995, %parallel_loop3A_996] {strides = array<i32>} : memref<400x64xf32, #tpu.memory_space<vmem>>, vector<1x16xf32>,
        %parallel_loop3A_998 = vector.shape_cast %parallel_loop3A_997 : vector<1x16xf32> to vector<16xf32>
        %parallel_loop3A_999 = arith.index_cast %parallel_loop3A_974 : i32 to index
        %parallel_loop3A_1000 = arith.constant 16 : index
        %parallel_loop3A_1001 = tpu.vector_load %arg9[%parallel_loop3A_999, %parallel_loop3A_1000] {strides = array<i32>} : memref<12x64xf32, #tpu.memory_space<vmem>>, vector<1x16xf32>,
        %parallel_loop3A_1002 = vector.shape_cast %parallel_loop3A_1001 : vector<1x16xf32> to vector<16xf32>
        %parallel_loop3A_1003 = arith.addf %parallel_loop3A_998, %parallel_loop3A_1002 : vector<16xf32>
        %parallel_loop3A_1004 = arith.constant 12 : i32
        %parallel_loop3A_1005 = arith.addi %parallel_loop3A_80, %parallel_loop3A_1004 : i32
        %parallel_loop3A_1006 = arith.index_cast %parallel_loop3A_1005 : i32 to index
        %parallel_loop3A_1007 = arith.constant 16 : index
        %parallel_loop3A_1008 = tpu.vector_load %arg13[%parallel_loop3A_1006, %parallel_loop3A_1007] {strides = array<i32>} : memref<400x64xf32, #tpu.memory_space<vmem>>, vector<1x16xf32>,
        %parallel_loop3A_1009 = vector.shape_cast %parallel_loop3A_1008 : vector<1x16xf32> to vector<16xf32>
        %parallel_loop3A_1010 = vector.shape_cast %parallel_loop3A_1003 : vector<16xf32> to vector<1x16xf32>
        tpu.vector_store %arg13[%parallel_loop3A_1006, %parallel_loop3A_1007], %parallel_loop3A_1010 {strides = array<i32>} : memref<400x64xf32, #tpu.memory_space<vmem>>, vector<1x16xf32>,
        %parallel_loop3A_1011 = arith.constant 12 : i32
        %parallel_loop3A_1012 = arith.addi %parallel_loop3A_80, %parallel_loop3A_1011 : i32
        %parallel_loop3A_1013 = arith.index_cast %parallel_loop3A_1012 : i32 to index
        %parallel_loop3A_1014 = arith.constant 32 : index
        %parallel_loop3A_1015 = tpu.vector_load %arg11[%parallel_loop3A_1013, %parallel_loop3A_1014] {strides = array<i32>} : memref<400x64xf32, #tpu.memory_space<vmem>>, vector<1x16xf32>,
        %parallel_loop3A_1016 = vector.shape_cast %parallel_loop3A_1015 : vector<1x16xf32> to vector<16xf32>
        %parallel_loop3A_1017 = arith.index_cast %parallel_loop3A_974 : i32 to index
        %parallel_loop3A_1018 = arith.constant 32 : index
        %parallel_loop3A_1019 = tpu.vector_load %arg9[%parallel_loop3A_1017, %parallel_loop3A_1018] {strides = array<i32>} : memref<12x64xf32, #tpu.memory_space<vmem>>, vector<1x16xf32>,
        %parallel_loop3A_1020 = vector.shape_cast %parallel_loop3A_1019 : vector<1x16xf32> to vector<16xf32>
        %parallel_loop3A_1021 = arith.addf %parallel_loop3A_1016, %parallel_loop3A_1020 : vector<16xf32>
        %parallel_loop3A_1022 = arith.constant 12 : i32
        %parallel_loop3A_1023 = arith.addi %parallel_loop3A_80, %parallel_loop3A_1022 : i32
        %parallel_loop3A_1024 = arith.index_cast %parallel_loop3A_1023 : i32 to index
        %parallel_loop3A_1025 = arith.constant 32 : index
        %parallel_loop3A_1026 = tpu.vector_load %arg13[%parallel_loop3A_1024, %parallel_loop3A_1025] {strides = array<i32>} : memref<400x64xf32, #tpu.memory_space<vmem>>, vector<1x16xf32>,
        %parallel_loop3A_1027 = vector.shape_cast %parallel_loop3A_1026 : vector<1x16xf32> to vector<16xf32>
        %parallel_loop3A_1028 = vector.shape_cast %parallel_loop3A_1021 : vector<16xf32> to vector<1x16xf32>
        tpu.vector_store %arg13[%parallel_loop3A_1024, %parallel_loop3A_1025], %parallel_loop3A_1028 {strides = array<i32>} : memref<400x64xf32, #tpu.memory_space<vmem>>, vector<1x16xf32>,
        %parallel_loop3A_1029 = arith.constant 12 : i32
        %parallel_loop3A_1030 = arith.addi %parallel_loop3A_80, %parallel_loop3A_1029 : i32
        %parallel_loop3A_1031 = arith.index_cast %parallel_loop3A_1030 : i32 to index
        %parallel_loop3A_1032 = arith.constant 48 : index
        %parallel_loop3A_1033 = tpu.vector_load %arg11[%parallel_loop3A_1031, %parallel_loop3A_1032] {strides = array<i32>} : memref<400x64xf32, #tpu.memory_space<vmem>>, vector<1x16xf32>,
        %parallel_loop3A_1034 = vector.shape_cast %parallel_loop3A_1033 : vector<1x16xf32> to vector<16xf32>
        %parallel_loop3A_1035 = arith.index_cast %parallel_loop3A_974 : i32 to index
        %parallel_loop3A_1036 = arith.constant 48 : index
        %parallel_loop3A_1037 = tpu.vector_load %arg9[%parallel_loop3A_1035, %parallel_loop3A_1036] {strides = array<i32>} : memref<12x64xf32, #tpu.memory_space<vmem>>, vector<1x16xf32>,
        %parallel_loop3A_1038 = vector.shape_cast %parallel_loop3A_1037 : vector<1x16xf32> to vector<16xf32>
        %parallel_loop3A_1039 = arith.addf %parallel_loop3A_1034, %parallel_loop3A_1038 : vector<16xf32>
        %parallel_loop3A_1040 = arith.constant 12 : i32
        %parallel_loop3A_1041 = arith.addi %parallel_loop3A_80, %parallel_loop3A_1040 : i32
        %parallel_loop3A_1042 = arith.index_cast %parallel_loop3A_1041 : i32 to index
        %parallel_loop3A_1043 = arith.constant 48 : index
        %parallel_loop3A_1044 = tpu.vector_load %arg13[%parallel_loop3A_1042, %parallel_loop3A_1043] {strides = array<i32>} : memref<400x64xf32, #tpu.memory_space<vmem>>, vector<1x16xf32>,
        %parallel_loop3A_1045 = vector.shape_cast %parallel_loop3A_1044 : vector<1x16xf32> to vector<16xf32>
        %parallel_loop3A_1046 = vector.shape_cast %parallel_loop3A_1039 : vector<16xf32> to vector<1x16xf32>
        tpu.vector_store %arg13[%parallel_loop3A_1042, %parallel_loop3A_1043], %parallel_loop3A_1046 {strides = array<i32>} : memref<400x64xf32, #tpu.memory_space<vmem>>, vector<1x16xf32>,
        %parallel_loop3A_1047 = vector.extract_strided_slice %parallel_loop3A_84 {offsets = [13], sizes = [1], strides = [1]} : vector<16xi32> to vector<1xi32>
        %parallel_loop3A_1048 = vector.extract %parallel_loop3A_1047[0] : i32 from vector<1xi32>
        %parallel_loop3A_1049 = arith.constant 13 : i32
        %parallel_loop3A_1050 = arith.addi %parallel_loop3A_80, %parallel_loop3A_1049 : i32
        %parallel_loop3A_1051 = arith.index_cast %parallel_loop3A_1050 : i32 to index
        %parallel_loop3A_1052 = arith.constant 0 : index
        %parallel_loop3A_1053 = tpu.vector_load %arg11[%parallel_loop3A_1051, %parallel_loop3A_1052] {strides = array<i32>} : memref<400x64xf32, #tpu.memory_space<vmem>>, vector<1x16xf32>,
        %parallel_loop3A_1054 = vector.shape_cast %parallel_loop3A_1053 : vector<1x16xf32> to vector<16xf32>
        %parallel_loop3A_1055 = arith.index_cast %parallel_loop3A_1048 : i32 to index
        %parallel_loop3A_1056 = arith.constant 0 : index
        %parallel_loop3A_1057 = tpu.vector_load %arg9[%parallel_loop3A_1055, %parallel_loop3A_1056] {strides = array<i32>} : memref<12x64xf32, #tpu.memory_space<vmem>>, vector<1x16xf32>,
        %parallel_loop3A_1058 = vector.shape_cast %parallel_loop3A_1057 : vector<1x16xf32> to vector<16xf32>
        %parallel_loop3A_1059 = arith.addf %parallel_loop3A_1054, %parallel_loop3A_1058 : vector<16xf32>
        %parallel_loop3A_1060 = arith.constant 13 : i32
        %parallel_loop3A_1061 = arith.addi %parallel_loop3A_80, %parallel_loop3A_1060 : i32
        %parallel_loop3A_1062 = arith.index_cast %parallel_loop3A_1061 : i32 to index
        %parallel_loop3A_1063 = arith.constant 0 : index
        %parallel_loop3A_1064 = tpu.vector_load %arg13[%parallel_loop3A_1062, %parallel_loop3A_1063] {strides = array<i32>} : memref<400x64xf32, #tpu.memory_space<vmem>>, vector<1x16xf32>,
        %parallel_loop3A_1065 = vector.shape_cast %parallel_loop3A_1064 : vector<1x16xf32> to vector<16xf32>
        %parallel_loop3A_1066 = vector.shape_cast %parallel_loop3A_1059 : vector<16xf32> to vector<1x16xf32>
        tpu.vector_store %arg13[%parallel_loop3A_1062, %parallel_loop3A_1063], %parallel_loop3A_1066 {strides = array<i32>} : memref<400x64xf32, #tpu.memory_space<vmem>>, vector<1x16xf32>,
        %parallel_loop3A_1067 = arith.constant 13 : i32
        %parallel_loop3A_1068 = arith.addi %parallel_loop3A_80, %parallel_loop3A_1067 : i32
        %parallel_loop3A_1069 = arith.index_cast %parallel_loop3A_1068 : i32 to index
        %parallel_loop3A_1070 = arith.constant 16 : index
        %parallel_loop3A_1071 = tpu.vector_load %arg11[%parallel_loop3A_1069, %parallel_loop3A_1070] {strides = array<i32>} : memref<400x64xf32, #tpu.memory_space<vmem>>, vector<1x16xf32>,
        %parallel_loop3A_1072 = vector.shape_cast %parallel_loop3A_1071 : vector<1x16xf32> to vector<16xf32>
        %parallel_loop3A_1073 = arith.index_cast %parallel_loop3A_1048 : i32 to index
        %parallel_loop3A_1074 = arith.constant 16 : index
        %parallel_loop3A_1075 = tpu.vector_load %arg9[%parallel_loop3A_1073, %parallel_loop3A_1074] {strides = array<i32>} : memref<12x64xf32, #tpu.memory_space<vmem>>, vector<1x16xf32>,
        %parallel_loop3A_1076 = vector.shape_cast %parallel_loop3A_1075 : vector<1x16xf32> to vector<16xf32>
        %parallel_loop3A_1077 = arith.addf %parallel_loop3A_1072, %parallel_loop3A_1076 : vector<16xf32>
        %parallel_loop3A_1078 = arith.constant 13 : i32
        %parallel_loop3A_1079 = arith.addi %parallel_loop3A_80, %parallel_loop3A_1078 : i32
        %parallel_loop3A_1080 = arith.index_cast %parallel_loop3A_1079 : i32 to index
        %parallel_loop3A_1081 = arith.constant 16 : index
        %parallel_loop3A_1082 = tpu.vector_load %arg13[%parallel_loop3A_1080, %parallel_loop3A_1081] {strides = array<i32>} : memref<400x64xf32, #tpu.memory_space<vmem>>, vector<1x16xf32>,
        %parallel_loop3A_1083 = vector.shape_cast %parallel_loop3A_1082 : vector<1x16xf32> to vector<16xf32>
        %parallel_loop3A_1084 = vector.shape_cast %parallel_loop3A_1077 : vector<16xf32> to vector<1x16xf32>
        tpu.vector_store %arg13[%parallel_loop3A_1080, %parallel_loop3A_1081], %parallel_loop3A_1084 {strides = array<i32>} : memref<400x64xf32, #tpu.memory_space<vmem>>, vector<1x16xf32>,
        %parallel_loop3A_1085 = arith.constant 13 : i32
        %parallel_loop3A_1086 = arith.addi %parallel_loop3A_80, %parallel_loop3A_1085 : i32
        %parallel_loop3A_1087 = arith.index_cast %parallel_loop3A_1086 : i32 to index
        %parallel_loop3A_1088 = arith.constant 32 : index
        %parallel_loop3A_1089 = tpu.vector_load %arg11[%parallel_loop3A_1087, %parallel_loop3A_1088] {strides = array<i32>} : memref<400x64xf32, #tpu.memory_space<vmem>>, vector<1x16xf32>,
        %parallel_loop3A_1090 = vector.shape_cast %parallel_loop3A_1089 : vector<1x16xf32> to vector<16xf32>
        %parallel_loop3A_1091 = arith.index_cast %parallel_loop3A_1048 : i32 to index
        %parallel_loop3A_1092 = arith.constant 32 : index
        %parallel_loop3A_1093 = tpu.vector_load %arg9[%parallel_loop3A_1091, %parallel_loop3A_1092] {strides = array<i32>} : memref<12x64xf32, #tpu.memory_space<vmem>>, vector<1x16xf32>,
        %parallel_loop3A_1094 = vector.shape_cast %parallel_loop3A_1093 : vector<1x16xf32> to vector<16xf32>
        %parallel_loop3A_1095 = arith.addf %parallel_loop3A_1090, %parallel_loop3A_1094 : vector<16xf32>
        %parallel_loop3A_1096 = arith.constant 13 : i32
        %parallel_loop3A_1097 = arith.addi %parallel_loop3A_80, %parallel_loop3A_1096 : i32
        %parallel_loop3A_1098 = arith.index_cast %parallel_loop3A_1097 : i32 to index
        %parallel_loop3A_1099 = arith.constant 32 : index
        %parallel_loop3A_1100 = tpu.vector_load %arg13[%parallel_loop3A_1098, %parallel_loop3A_1099] {strides = array<i32>} : memref<400x64xf32, #tpu.memory_space<vmem>>, vector<1x16xf32>,
        %parallel_loop3A_1101 = vector.shape_cast %parallel_loop3A_1100 : vector<1x16xf32> to vector<16xf32>
        %parallel_loop3A_1102 = vector.shape_cast %parallel_loop3A_1095 : vector<16xf32> to vector<1x16xf32>
        tpu.vector_store %arg13[%parallel_loop3A_1098, %parallel_loop3A_1099], %parallel_loop3A_1102 {strides = array<i32>} : memref<400x64xf32, #tpu.memory_space<vmem>>, vector<1x16xf32>,
        %parallel_loop3A_1103 = arith.constant 13 : i32
        %parallel_loop3A_1104 = arith.addi %parallel_loop3A_80, %parallel_loop3A_1103 : i32
        %parallel_loop3A_1105 = arith.index_cast %parallel_loop3A_1104 : i32 to index
        %parallel_loop3A_1106 = arith.constant 48 : index
        %parallel_loop3A_1107 = tpu.vector_load %arg11[%parallel_loop3A_1105, %parallel_loop3A_1106] {strides = array<i32>} : memref<400x64xf32, #tpu.memory_space<vmem>>, vector<1x16xf32>,
        %parallel_loop3A_1108 = vector.shape_cast %parallel_loop3A_1107 : vector<1x16xf32> to vector<16xf32>
        %parallel_loop3A_1109 = arith.index_cast %parallel_loop3A_1048 : i32 to index
        %parallel_loop3A_1110 = arith.constant 48 : index
        %parallel_loop3A_1111 = tpu.vector_load %arg9[%parallel_loop3A_1109, %parallel_loop3A_1110] {strides = array<i32>} : memref<12x64xf32, #tpu.memory_space<vmem>>, vector<1x16xf32>,
        %parallel_loop3A_1112 = vector.shape_cast %parallel_loop3A_1111 : vector<1x16xf32> to vector<16xf32>
        %parallel_loop3A_1113 = arith.addf %parallel_loop3A_1108, %parallel_loop3A_1112 : vector<16xf32>
        %parallel_loop3A_1114 = arith.constant 13 : i32
        %parallel_loop3A_1115 = arith.addi %parallel_loop3A_80, %parallel_loop3A_1114 : i32
        %parallel_loop3A_1116 = arith.index_cast %parallel_loop3A_1115 : i32 to index
        %parallel_loop3A_1117 = arith.constant 48 : index
        %parallel_loop3A_1118 = tpu.vector_load %arg13[%parallel_loop3A_1116, %parallel_loop3A_1117] {strides = array<i32>} : memref<400x64xf32, #tpu.memory_space<vmem>>, vector<1x16xf32>,
        %parallel_loop3A_1119 = vector.shape_cast %parallel_loop3A_1118 : vector<1x16xf32> to vector<16xf32>
        %parallel_loop3A_1120 = vector.shape_cast %parallel_loop3A_1113 : vector<16xf32> to vector<1x16xf32>
        tpu.vector_store %arg13[%parallel_loop3A_1116, %parallel_loop3A_1117], %parallel_loop3A_1120 {strides = array<i32>} : memref<400x64xf32, #tpu.memory_space<vmem>>, vector<1x16xf32>,
        %parallel_loop3A_1121 = vector.extract_strided_slice %parallel_loop3A_84 {offsets = [14], sizes = [1], strides = [1]} : vector<16xi32> to vector<1xi32>
        %parallel_loop3A_1122 = vector.extract %parallel_loop3A_1121[0] : i32 from vector<1xi32>
        %parallel_loop3A_1123 = arith.constant 14 : i32
        %parallel_loop3A_1124 = arith.addi %parallel_loop3A_80, %parallel_loop3A_1123 : i32
        %parallel_loop3A_1125 = arith.index_cast %parallel_loop3A_1124 : i32 to index
        %parallel_loop3A_1126 = arith.constant 0 : index
        %parallel_loop3A_1127 = tpu.vector_load %arg11[%parallel_loop3A_1125, %parallel_loop3A_1126] {strides = array<i32>} : memref<400x64xf32, #tpu.memory_space<vmem>>, vector<1x16xf32>,
        %parallel_loop3A_1128 = vector.shape_cast %parallel_loop3A_1127 : vector<1x16xf32> to vector<16xf32>
        %parallel_loop3A_1129 = arith.index_cast %parallel_loop3A_1122 : i32 to index
        %parallel_loop3A_1130 = arith.constant 0 : index
        %parallel_loop3A_1131 = tpu.vector_load %arg9[%parallel_loop3A_1129, %parallel_loop3A_1130] {strides = array<i32>} : memref<12x64xf32, #tpu.memory_space<vmem>>, vector<1x16xf32>,
        %parallel_loop3A_1132 = vector.shape_cast %parallel_loop3A_1131 : vector<1x16xf32> to vector<16xf32>
        %parallel_loop3A_1133 = arith.addf %parallel_loop3A_1128, %parallel_loop3A_1132 : vector<16xf32>
        %parallel_loop3A_1134 = arith.constant 14 : i32
        %parallel_loop3A_1135 = arith.addi %parallel_loop3A_80, %parallel_loop3A_1134 : i32
        %parallel_loop3A_1136 = arith.index_cast %parallel_loop3A_1135 : i32 to index
        %parallel_loop3A_1137 = arith.constant 0 : index
        %parallel_loop3A_1138 = tpu.vector_load %arg13[%parallel_loop3A_1136, %parallel_loop3A_1137] {strides = array<i32>} : memref<400x64xf32, #tpu.memory_space<vmem>>, vector<1x16xf32>,
        %parallel_loop3A_1139 = vector.shape_cast %parallel_loop3A_1138 : vector<1x16xf32> to vector<16xf32>
        %parallel_loop3A_1140 = vector.shape_cast %parallel_loop3A_1133 : vector<16xf32> to vector<1x16xf32>
        tpu.vector_store %arg13[%parallel_loop3A_1136, %parallel_loop3A_1137], %parallel_loop3A_1140 {strides = array<i32>} : memref<400x64xf32, #tpu.memory_space<vmem>>, vector<1x16xf32>,
        %parallel_loop3A_1141 = arith.constant 14 : i32
        %parallel_loop3A_1142 = arith.addi %parallel_loop3A_80, %parallel_loop3A_1141 : i32
        %parallel_loop3A_1143 = arith.index_cast %parallel_loop3A_1142 : i32 to index
        %parallel_loop3A_1144 = arith.constant 16 : index
        %parallel_loop3A_1145 = tpu.vector_load %arg11[%parallel_loop3A_1143, %parallel_loop3A_1144] {strides = array<i32>} : memref<400x64xf32, #tpu.memory_space<vmem>>, vector<1x16xf32>,
        %parallel_loop3A_1146 = vector.shape_cast %parallel_loop3A_1145 : vector<1x16xf32> to vector<16xf32>
        %parallel_loop3A_1147 = arith.index_cast %parallel_loop3A_1122 : i32 to index
        %parallel_loop3A_1148 = arith.constant 16 : index
        %parallel_loop3A_1149 = tpu.vector_load %arg9[%parallel_loop3A_1147, %parallel_loop3A_1148] {strides = array<i32>} : memref<12x64xf32, #tpu.memory_space<vmem>>, vector<1x16xf32>,
        %parallel_loop3A_1150 = vector.shape_cast %parallel_loop3A_1149 : vector<1x16xf32> to vector<16xf32>
        %parallel_loop3A_1151 = arith.addf %parallel_loop3A_1146, %parallel_loop3A_1150 : vector<16xf32>
        %parallel_loop3A_1152 = arith.constant 14 : i32
        %parallel_loop3A_1153 = arith.addi %parallel_loop3A_80, %parallel_loop3A_1152 : i32
        %parallel_loop3A_1154 = arith.index_cast %parallel_loop3A_1153 : i32 to index
        %parallel_loop3A_1155 = arith.constant 16 : index
        %parallel_loop3A_1156 = tpu.vector_load %arg13[%parallel_loop3A_1154, %parallel_loop3A_1155] {strides = array<i32>} : memref<400x64xf32, #tpu.memory_space<vmem>>, vector<1x16xf32>,
        %parallel_loop3A_1157 = vector.shape_cast %parallel_loop3A_1156 : vector<1x16xf32> to vector<16xf32>
        %parallel_loop3A_1158 = vector.shape_cast %parallel_loop3A_1151 : vector<16xf32> to vector<1x16xf32>
        tpu.vector_store %arg13[%parallel_loop3A_1154, %parallel_loop3A_1155], %parallel_loop3A_1158 {strides = array<i32>} : memref<400x64xf32, #tpu.memory_space<vmem>>, vector<1x16xf32>,
        %parallel_loop3A_1159 = arith.constant 14 : i32
        %parallel_loop3A_1160 = arith.addi %parallel_loop3A_80, %parallel_loop3A_1159 : i32
        %parallel_loop3A_1161 = arith.index_cast %parallel_loop3A_1160 : i32 to index
        %parallel_loop3A_1162 = arith.constant 32 : index
        %parallel_loop3A_1163 = tpu.vector_load %arg11[%parallel_loop3A_1161, %parallel_loop3A_1162] {strides = array<i32>} : memref<400x64xf32, #tpu.memory_space<vmem>>, vector<1x16xf32>,
        %parallel_loop3A_1164 = vector.shape_cast %parallel_loop3A_1163 : vector<1x16xf32> to vector<16xf32>
        %parallel_loop3A_1165 = arith.index_cast %parallel_loop3A_1122 : i32 to index
        %parallel_loop3A_1166 = arith.constant 32 : index
        %parallel_loop3A_1167 = tpu.vector_load %arg9[%parallel_loop3A_1165, %parallel_loop3A_1166] {strides = array<i32>} : memref<12x64xf32, #tpu.memory_space<vmem>>, vector<1x16xf32>,
        %parallel_loop3A_1168 = vector.shape_cast %parallel_loop3A_1167 : vector<1x16xf32> to vector<16xf32>
        %parallel_loop3A_1169 = arith.addf %parallel_loop3A_1164, %parallel_loop3A_1168 : vector<16xf32>
        %parallel_loop3A_1170 = arith.constant 14 : i32
        %parallel_loop3A_1171 = arith.addi %parallel_loop3A_80, %parallel_loop3A_1170 : i32
        %parallel_loop3A_1172 = arith.index_cast %parallel_loop3A_1171 : i32 to index
        %parallel_loop3A_1173 = arith.constant 32 : index
        %parallel_loop3A_1174 = tpu.vector_load %arg13[%parallel_loop3A_1172, %parallel_loop3A_1173] {strides = array<i32>} : memref<400x64xf32, #tpu.memory_space<vmem>>, vector<1x16xf32>,
        %parallel_loop3A_1175 = vector.shape_cast %parallel_loop3A_1174 : vector<1x16xf32> to vector<16xf32>
        %parallel_loop3A_1176 = vector.shape_cast %parallel_loop3A_1169 : vector<16xf32> to vector<1x16xf32>
        tpu.vector_store %arg13[%parallel_loop3A_1172, %parallel_loop3A_1173], %parallel_loop3A_1176 {strides = array<i32>} : memref<400x64xf32, #tpu.memory_space<vmem>>, vector<1x16xf32>,
        %parallel_loop3A_1177 = arith.constant 14 : i32
        %parallel_loop3A_1178 = arith.addi %parallel_loop3A_80, %parallel_loop3A_1177 : i32
        %parallel_loop3A_1179 = arith.index_cast %parallel_loop3A_1178 : i32 to index
        %parallel_loop3A_1180 = arith.constant 48 : index
        %parallel_loop3A_1181 = tpu.vector_load %arg11[%parallel_loop3A_1179, %parallel_loop3A_1180] {strides = array<i32>} : memref<400x64xf32, #tpu.memory_space<vmem>>, vector<1x16xf32>,
        %parallel_loop3A_1182 = vector.shape_cast %parallel_loop3A_1181 : vector<1x16xf32> to vector<16xf32>
        %parallel_loop3A_1183 = arith.index_cast %parallel_loop3A_1122 : i32 to index
        %parallel_loop3A_1184 = arith.constant 48 : index
        %parallel_loop3A_1185 = tpu.vector_load %arg9[%parallel_loop3A_1183, %parallel_loop3A_1184] {strides = array<i32>} : memref<12x64xf32, #tpu.memory_space<vmem>>, vector<1x16xf32>,
        %parallel_loop3A_1186 = vector.shape_cast %parallel_loop3A_1185 : vector<1x16xf32> to vector<16xf32>
        %parallel_loop3A_1187 = arith.addf %parallel_loop3A_1182, %parallel_loop3A_1186 : vector<16xf32>
        %parallel_loop3A_1188 = arith.constant 14 : i32
        %parallel_loop3A_1189 = arith.addi %parallel_loop3A_80, %parallel_loop3A_1188 : i32
        %parallel_loop3A_1190 = arith.index_cast %parallel_loop3A_1189 : i32 to index
        %parallel_loop3A_1191 = arith.constant 48 : index
        %parallel_loop3A_1192 = tpu.vector_load %arg13[%parallel_loop3A_1190, %parallel_loop3A_1191] {strides = array<i32>} : memref<400x64xf32, #tpu.memory_space<vmem>>, vector<1x16xf32>,
        %parallel_loop3A_1193 = vector.shape_cast %parallel_loop3A_1192 : vector<1x16xf32> to vector<16xf32>
        %parallel_loop3A_1194 = vector.shape_cast %parallel_loop3A_1187 : vector<16xf32> to vector<1x16xf32>
        tpu.vector_store %arg13[%parallel_loop3A_1190, %parallel_loop3A_1191], %parallel_loop3A_1194 {strides = array<i32>} : memref<400x64xf32, #tpu.memory_space<vmem>>, vector<1x16xf32>,
        %parallel_loop3A_1195 = vector.extract_strided_slice %parallel_loop3A_84 {offsets = [15], sizes = [1], strides = [1]} : vector<16xi32> to vector<1xi32>
        %parallel_loop3A_1196 = vector.extract %parallel_loop3A_1195[0] : i32 from vector<1xi32>
        %parallel_loop3A_1197 = arith.constant 15 : i32
        %parallel_loop3A_1198 = arith.addi %parallel_loop3A_80, %parallel_loop3A_1197 : i32
        %parallel_loop3A_1199 = arith.index_cast %parallel_loop3A_1198 : i32 to index
        %parallel_loop3A_1200 = arith.constant 0 : index
        %parallel_loop3A_1201 = tpu.vector_load %arg11[%parallel_loop3A_1199, %parallel_loop3A_1200] {strides = array<i32>} : memref<400x64xf32, #tpu.memory_space<vmem>>, vector<1x16xf32>,
        %parallel_loop3A_1202 = vector.shape_cast %parallel_loop3A_1201 : vector<1x16xf32> to vector<16xf32>
        %parallel_loop3A_1203 = arith.index_cast %parallel_loop3A_1196 : i32 to index
        %parallel_loop3A_1204 = arith.constant 0 : index
        %parallel_loop3A_1205 = tpu.vector_load %arg9[%parallel_loop3A_1203, %parallel_loop3A_1204] {strides = array<i32>} : memref<12x64xf32, #tpu.memory_space<vmem>>, vector<1x16xf32>,
        %parallel_loop3A_1206 = vector.shape_cast %parallel_loop3A_1205 : vector<1x16xf32> to vector<16xf32>
        %parallel_loop3A_1207 = arith.addf %parallel_loop3A_1202, %parallel_loop3A_1206 : vector<16xf32>
        %parallel_loop3A_1208 = arith.constant 15 : i32
        %parallel_loop3A_1209 = arith.addi %parallel_loop3A_80, %parallel_loop3A_1208 : i32
        %parallel_loop3A_1210 = arith.index_cast %parallel_loop3A_1209 : i32 to index
        %parallel_loop3A_1211 = arith.constant 0 : index
        %parallel_loop3A_1212 = tpu.vector_load %arg13[%parallel_loop3A_1210, %parallel_loop3A_1211] {strides = array<i32>} : memref<400x64xf32, #tpu.memory_space<vmem>>, vector<1x16xf32>,
        %parallel_loop3A_1213 = vector.shape_cast %parallel_loop3A_1212 : vector<1x16xf32> to vector<16xf32>
        %parallel_loop3A_1214 = vector.shape_cast %parallel_loop3A_1207 : vector<16xf32> to vector<1x16xf32>
        tpu.vector_store %arg13[%parallel_loop3A_1210, %parallel_loop3A_1211], %parallel_loop3A_1214 {strides = array<i32>} : memref<400x64xf32, #tpu.memory_space<vmem>>, vector<1x16xf32>,
        %parallel_loop3A_1215 = arith.constant 15 : i32
        %parallel_loop3A_1216 = arith.addi %parallel_loop3A_80, %parallel_loop3A_1215 : i32
        %parallel_loop3A_1217 = arith.index_cast %parallel_loop3A_1216 : i32 to index
        %parallel_loop3A_1218 = arith.constant 16 : index
        %parallel_loop3A_1219 = tpu.vector_load %arg11[%parallel_loop3A_1217, %parallel_loop3A_1218] {strides = array<i32>} : memref<400x64xf32, #tpu.memory_space<vmem>>, vector<1x16xf32>,
        %parallel_loop3A_1220 = vector.shape_cast %parallel_loop3A_1219 : vector<1x16xf32> to vector<16xf32>
        %parallel_loop3A_1221 = arith.index_cast %parallel_loop3A_1196 : i32 to index
        %parallel_loop3A_1222 = arith.constant 16 : index
        %parallel_loop3A_1223 = tpu.vector_load %arg9[%parallel_loop3A_1221, %parallel_loop3A_1222] {strides = array<i32>} : memref<12x64xf32, #tpu.memory_space<vmem>>, vector<1x16xf32>,
        %parallel_loop3A_1224 = vector.shape_cast %parallel_loop3A_1223 : vector<1x16xf32> to vector<16xf32>
        %parallel_loop3A_1225 = arith.addf %parallel_loop3A_1220, %parallel_loop3A_1224 : vector<16xf32>
        %parallel_loop3A_1226 = arith.constant 15 : i32
        %parallel_loop3A_1227 = arith.addi %parallel_loop3A_80, %parallel_loop3A_1226 : i32
        %parallel_loop3A_1228 = arith.index_cast %parallel_loop3A_1227 : i32 to index
        %parallel_loop3A_1229 = arith.constant 16 : index
        %parallel_loop3A_1230 = tpu.vector_load %arg13[%parallel_loop3A_1228, %parallel_loop3A_1229] {strides = array<i32>} : memref<400x64xf32, #tpu.memory_space<vmem>>, vector<1x16xf32>,
        %parallel_loop3A_1231 = vector.shape_cast %parallel_loop3A_1230 : vector<1x16xf32> to vector<16xf32>
        %parallel_loop3A_1232 = vector.shape_cast %parallel_loop3A_1225 : vector<16xf32> to vector<1x16xf32>
        tpu.vector_store %arg13[%parallel_loop3A_1228, %parallel_loop3A_1229], %parallel_loop3A_1232 {strides = array<i32>} : memref<400x64xf32, #tpu.memory_space<vmem>>, vector<1x16xf32>,
        %parallel_loop3A_1233 = arith.constant 15 : i32
        %parallel_loop3A_1234 = arith.addi %parallel_loop3A_80, %parallel_loop3A_1233 : i32
        %parallel_loop3A_1235 = arith.index_cast %parallel_loop3A_1234 : i32 to index
        %parallel_loop3A_1236 = arith.constant 32 : index
        %parallel_loop3A_1237 = tpu.vector_load %arg11[%parallel_loop3A_1235, %parallel_loop3A_1236] {strides = array<i32>} : memref<400x64xf32, #tpu.memory_space<vmem>>, vector<1x16xf32>,
        %parallel_loop3A_1238 = vector.shape_cast %parallel_loop3A_1237 : vector<1x16xf32> to vector<16xf32>
        %parallel_loop3A_1239 = arith.index_cast %parallel_loop3A_1196 : i32 to index
        %parallel_loop3A_1240 = arith.constant 32 : index
        %parallel_loop3A_1241 = tpu.vector_load %arg9[%parallel_loop3A_1239, %parallel_loop3A_1240] {strides = array<i32>} : memref<12x64xf32, #tpu.memory_space<vmem>>, vector<1x16xf32>,
        %parallel_loop3A_1242 = vector.shape_cast %parallel_loop3A_1241 : vector<1x16xf32> to vector<16xf32>
        %parallel_loop3A_1243 = arith.addf %parallel_loop3A_1238, %parallel_loop3A_1242 : vector<16xf32>
        %parallel_loop3A_1244 = arith.constant 15 : i32
        %parallel_loop3A_1245 = arith.addi %parallel_loop3A_80, %parallel_loop3A_1244 : i32
        %parallel_loop3A_1246 = arith.index_cast %parallel_loop3A_1245 : i32 to index
        %parallel_loop3A_1247 = arith.constant 32 : index
        %parallel_loop3A_1248 = tpu.vector_load %arg13[%parallel_loop3A_1246, %parallel_loop3A_1247] {strides = array<i32>} : memref<400x64xf32, #tpu.memory_space<vmem>>, vector<1x16xf32>,
        %parallel_loop3A_1249 = vector.shape_cast %parallel_loop3A_1248 : vector<1x16xf32> to vector<16xf32>
        %parallel_loop3A_1250 = vector.shape_cast %parallel_loop3A_1243 : vector<16xf32> to vector<1x16xf32>
        tpu.vector_store %arg13[%parallel_loop3A_1246, %parallel_loop3A_1247], %parallel_loop3A_1250 {strides = array<i32>} : memref<400x64xf32, #tpu.memory_space<vmem>>, vector<1x16xf32>,
        %parallel_loop3A_1251 = arith.constant 15 : i32
        %parallel_loop3A_1252 = arith.addi %parallel_loop3A_80, %parallel_loop3A_1251 : i32
        %parallel_loop3A_1253 = arith.index_cast %parallel_loop3A_1252 : i32 to index
        %parallel_loop3A_1254 = arith.constant 48 : index
        %parallel_loop3A_1255 = tpu.vector_load %arg11[%parallel_loop3A_1253, %parallel_loop3A_1254] {strides = array<i32>} : memref<400x64xf32, #tpu.memory_space<vmem>>, vector<1x16xf32>,
        %parallel_loop3A_1256 = vector.shape_cast %parallel_loop3A_1255 : vector<1x16xf32> to vector<16xf32>
        %parallel_loop3A_1257 = arith.index_cast %parallel_loop3A_1196 : i32 to index
        %parallel_loop3A_1258 = arith.constant 48 : index
        %parallel_loop3A_1259 = tpu.vector_load %arg9[%parallel_loop3A_1257, %parallel_loop3A_1258] {strides = array<i32>} : memref<12x64xf32, #tpu.memory_space<vmem>>, vector<1x16xf32>,
        %parallel_loop3A_1260 = vector.shape_cast %parallel_loop3A_1259 : vector<1x16xf32> to vector<16xf32>
        %parallel_loop3A_1261 = arith.addf %parallel_loop3A_1256, %parallel_loop3A_1260 : vector<16xf32>
        %parallel_loop3A_1262 = arith.constant 15 : i32
        %parallel_loop3A_1263 = arith.addi %parallel_loop3A_80, %parallel_loop3A_1262 : i32
        %parallel_loop3A_1264 = arith.index_cast %parallel_loop3A_1263 : i32 to index
        %parallel_loop3A_1265 = arith.constant 48 : index
        %parallel_loop3A_1266 = tpu.vector_load %arg13[%parallel_loop3A_1264, %parallel_loop3A_1265] {strides = array<i32>} : memref<400x64xf32, #tpu.memory_space<vmem>>, vector<1x16xf32>,
        %parallel_loop3A_1267 = vector.shape_cast %parallel_loop3A_1266 : vector<1x16xf32> to vector<16xf32>
        %parallel_loop3A_1268 = vector.shape_cast %parallel_loop3A_1261 : vector<16xf32> to vector<1x16xf32>
        tpu.vector_store %arg13[%parallel_loop3A_1264, %parallel_loop3A_1265], %parallel_loop3A_1268 {strides = array<i32>} : memref<400x64xf32, #tpu.memory_space<vmem>>, vector<1x16xf32>,
      } {sc.loop_unroll_factor = 1 : i64, sc.parallel_access}
      %add3A_70 = arith.addi %mul3A_2, %mul3A_57 : i32
      %dma_start3A_71 = arith.constant 0 : i32
      %dma_start3A_72 = tpu.memref_slice %arg6[%add3A_70, %dma_start3A_71] : memref<204800x64xf32, #tpu.memory_space<hbm>> -> memref<400x64xf32, #tpu.memory_space<hbm>>
      %dma_start3A_73 = arith.constant 0 : i32
      %dma_start3A_74 = tpu.memref_slice %arg6[%add3A_70, %dma_start3A_73] : memref<204800x64xf32, #tpu.memory_space<hbm>> -> memref<400x64xf32, #tpu.memory_space<hbm>>
      tpu.enqueue_dma source(%arg13 : memref<400x64xf32, #tpu.memory_space<vmem>>) target(%dma_start3A_74 : memref<400x64xf32, #tpu.memory_space<hbm>>) target_semaphore(%arg17 : memref<!tpu.dma_semaphore, #tpu.memory_space<semaphore_mem>>)
      %lt3A_75 = arith.constant 7 : i32
      %lt3A_76 = arith.cmpi slt, %scan3A_28, %lt3A_75 : i32
      %convert_element_type3A_77 = arith.extui %lt3A_76 : i1 to i32
      %cond3A_78 = arith.constant 0 : i32
      %cond3A_79 = arith.cmpi ne, %convert_element_type3A_77, %cond3A_78 : i32
      scf.if %cond3A_79 {
        %add3A_80 = arith.constant 2 : i32
        %add3A_81 = arith.addi %add3A_55, %add3A_80 : i32
        %mul3A_82 = arith.constant 400 : i32
        %mul3A_83 = arith.muli %add3A_81, %mul3A_82 : i32
        %dma_start3A_84 = tpu.memref_slice %arg7[%mul3A_83] : memref<6400xi32, #tpu.memory_space<vmem>> -> memref<400xi32, #tpu.memory_space<vmem>>
        %dma_start3A_85 = arith.constant 0 : i32
        %dma_start3A_86 = arith.constant 0 : i32
        %dma_start3A_87 = tpu.memref_slice %arg4[%dma_start3A_85, %dma_start3A_86] : memref<100000x64xf32, #tpu.memory_space<hbm>> -> memref<100000x64xf32, #tpu.memory_space<hbm>>
        tpu.enqueue_indirect_dma source(%dma_start3A_87 : memref<100000x64xf32, #tpu.memory_space<hbm>>) target(%arg11 : memref<400x64xf32, #tpu.memory_space<vmem>>) offsets(%dma_start3A_84 : memref<400xi32, #tpu.memory_space<vmem>>) semaphore(%arg15 : memref<!tpu.dma_semaphore, #tpu.memory_space<semaphore_mem>>)
      } else {
      }
    }
    %scan3A_16 = arith.constant 8 : i32
    %add3A_17 = arith.constant 5600 : i32
    %add3A_18 = arith.addi %mul3A_2, %add3A_17 : i32
    %dma_wait3A = arith.constant 0 : i32
    %dma_wait3A_19 = tpu.memref_slice %arg6[%add3A_18, %dma_wait3A] : memref<204800x64xf32, #tpu.memory_space<hbm>> -> memref<400x64xf32, #tpu.memory_space<hbm>>
    %dma_wait3A_20 = arith.constant 0 : i32
    %dma_wait3A_21 = tpu.memref_slice %arg6[%add3A_18, %dma_wait3A_20] : memref<204800x64xf32, #tpu.memory_space<hbm>> -> memref<400x64xf32, #tpu.memory_space<hbm>>
    tpu.wait_dma2 semaphore(%arg16 : memref<!tpu.dma_semaphore, #tpu.memory_space<semaphore_mem>>) src(%arg12 : memref<400x64xf32, #tpu.memory_space<vmem>>) dst(%dma_wait3A_21 : memref<400x64xf32, #tpu.memory_space<hbm>>)
    %add3A_22 = arith.constant 6000 : i32
    %add3A_23 = arith.addi %mul3A_2, %add3A_22 : i32
    %dma_wait3A_24 = arith.constant 0 : i32
    %dma_wait3A_25 = tpu.memref_slice %arg6[%add3A_23, %dma_wait3A_24] : memref<204800x64xf32, #tpu.memory_space<hbm>> -> memref<400x64xf32, #tpu.memory_space<hbm>>
    %dma_wait3A_26 = arith.constant 0 : i32
    %dma_wait3A_27 = tpu.memref_slice %arg6[%add3A_23, %dma_wait3A_26] : memref<204800x64xf32, #tpu.memory_space<hbm>> -> memref<400x64xf32, #tpu.memory_space<hbm>>
    tpu.wait_dma2 semaphore(%arg17 : memref<!tpu.dma_semaphore, #tpu.memory_space<semaphore_mem>>) src(%arg13 : memref<400x64xf32, #tpu.memory_space<vmem>>) dst(%dma_wait3A_27 : memref<400x64xf32, #tpu.memory_space<hbm>>)
    return
  }
}

</mosaic_0001>

<sc_bundles>
// kernel: kernel.3.cloned.1.call-start
scs
__scs_entry_jumppad:
0x0: {  	(pc) =	sbr.rel $0x88, $3  }
0x1: {  	(tag) =	ssettag $0x0;
	lr =	simm.s32 $0x1  }
0x2: {  	[smem:$0x3F9D] =	sst lr;
	_ =	strace $0xD0000000  }
0x3: {  	_ = 	snop  }
0x4: {  	_ = 	snop  }
0x5: {  	_ = 	snop  }
0x6: {  	_ = 	snop  }
0x7: {  	_ = 	snop  }
__scs_overlays_trampoline_lowered:
0x8: {  	[smem:$0x3FAC] =	sst s0  }
0x9: {  	[smem:$0x3FAD] =	sst s1  }
0xa: {  	[smem:$0x3FAE] =	sst s2  }
0xb: {  	[smem:$0x3FAF] =	sst s3  }
0xc: {  	[smem:$0x3FB0] =	sst s4  }
0xd: {  	[smem:$0x3FB1] =	sst s5  }
0xe: {  	[smem:$0x3FB2] =	sst s6  }
0xf: {  	[smem:$0x3FB3] =	sst s7  }
0x10: {  	[smem:$0x3FB4] =	sst s8  }
0x11: {  	[smem:$0x3FB5] =	sst s9;
	s0 =	simm.s32 @!p0 $0x0  }
0x12: {  	s1 =	sld [smem:$0x3F9B];
	s0 =	simm.s32 @p0 $0x1  }
0x13: {  	[smem:$0x3FB6] =	sst s0;
	s0 =	simm.s32 @!p1 $0x0  }
0x14: {  	s2 =	sld [smem:$0x3F9A];
	s0 =	simm.s32 @p1 $0x1  }
0x15: {  	[smem:$0x3FB7] =	sst s0;
	s0 =	simm.s32 @!p2 $0x0  }
0x16: {  	s3 =	sld [smem:$0x3FDB];
	s0 =	simm.s32 @p2 $0x1  }
0x17: {  	s4 =	simm.s32 $0x1BF5;
	[smem:$0x3FB9] =	sst s0  }
0x18: {  	s0 =	sld [smem:$0x3F9C];
	_ =	swait.ge [sflag:s4], $0x0  }
0x19: {  	s7 =	sld [smem:$0x3F9D]  }
0x1a: {  	s8 =	sadd.s32 $0xFFFFE003, lr  }
0x1b: {  	s9 =	sadd.s32 $0xFFFFFEF7, lr;
	s5 =	simm.s32 $0xFFFFFFFF;
	p2 =	slt.u32 s8, $0xFFFFF086  }
0x1c: {  	p1 =	slt.u32 s9, $0xF7A;
	s5 =	simm.s32 @!p2 $0x0  }
0x1d: {  	s5 =	simm.s32 @p1 $0x1;
	p0 =	seq.s32 s7, s2  }
0x1e: {  	s7 =	smul.u32 @!p0 $0xF7A, s2;
	p2 =	seq.s32 @!p0 s5, $0x0  }
0x1f: {  	s9 =	smul.u32 $0xF7A, s1;
	s8 =	simm.s32 @!p0 $0x1BF5;
	p2 =	por !p2, p0  }
0x20: {  	[sflag:s8] =	ssyncset.s32 @!p0 $0xFFFFF086;
	s6 =	sadd.s32 @!p0 s3, s7;
	s7 =	simm.s32 @!p0 $0x108  }
0x21: {  	s3 =	sadd.s32 s3, s9;
	s6 =	sadd.s32 @!p0 $0x88, s6;
	s7 =	simm.s32 @p2 $0x1082  }
0x22: {  	[simem:s7], [sflag:s8] =	dma.local @!p0 [hbm:s6], $0xF7A  }
0x23: {  	s9 =	sor.u32 $0xD0000000, s2;
	s6 =	simm.s32 $0x108;
	_ =	swait.ge @!p0 [sflag:s8], $0x0  }
0x24: {  	s3 =	sadd.s32 $0x88, s3;
	s6 =	simm.s32 @!p1 $0x1082;
	[sflag:s4] =	ssyncset.s32 $0xFFFFF086  }
0x25: {  	[simem:s6], [sflag:s4] =	dma.local [hbm:s3], $0xF7A  }
0x26: {  	[smem:$0x3F9D] =	sst s1;
	(tag) =	ssettag s2;
	_ =	strace s9  }
0x27: {  	s1 =	sld [smem:$0x3FAD]  }
0x28: {  	s2 =	sld [smem:$0x3FAE]  }
0x29: {  	s4 =	sld [smem:$0x3FB0]  }
0x2a: {  	p0 =	seq.s32 s5, $0x0;
	s5 =	sld [smem:$0x3FB1]  }
0x2b: {  	s6 =	sld [smem:$0x3FB2]  }
0x2c: {  	s7 =	sld [smem:$0x3FB3]  }
0x2d: {  	s3 =	simm.s32 $0x108;
	s8 =	sld [smem:$0x3FB4]  }
0x2e: {  	s3 =	simm.s32 @!p0 $0x1082;
	s9 =	sld [smem:$0x3FB5]  }
0x2f: {  	lr =	sadd.s32 s0, s3;
	s0 =	sld [smem:$0x3FAC]  }
0x30: {  	s3 =	sld [smem:$0x3FAF]  }
0x31: {  	[smem:$0x3FB8] =	sst s10  }
0x32: {  	s10 =	sld [smem:$0x3FB6];
	_ =	sdelay $0x3  }
0x33: {  	p0 =	seq.s32 s10, $0x1;
	s10 =	sld [smem:$0x3FB8];
	_ =	sdelay $0x3  }
0x34: {  	[smem:$0x3FB8] =	sst s10  }
0x35: {  	s10 =	sld [smem:$0x3FB7];
	_ =	sdelay $0x3  }
0x36: {  	p1 =	seq.s32 s10, $0x1;
	s10 =	sld [smem:$0x3FB8];
	_ =	sdelay $0x3  }
0x37: {  	[smem:$0x3FB8] =	sst s10  }
0x38: {  	s10 =	sld [smem:$0x3FB9]  }
0x39: {  	_ = 	snop;
	(pc) =	sbr.ind lr, $3  }
0x3a: {  	_ = 	snop  }
0x3b: {  	_ = 	snop  }
0x3c: {  	p2 =	seq.s32 s10, $0x1;
	s10 =	sld [smem:$0x3FB8]  }
0x3d: {  	_ =	shalt  }
0x3e: {  	_ =	shalt  }
0x3f: {  	_ =	shalt  }
0x40: {  	_ =	shalt  }
0x41: {  	_ =	shalt  }
0x42: {  	_ =	shalt  }
0x43: {  	_ =	shalt  }
0x44: {  	_ =	shalt  }
0x45: {  	_ =	shalt  }
0x46: {  	_ =	shalt  }
0x47: {  	_ =	shalt  }
0x48: {  	_ =	shalt  }
0x49: {  	_ =	shalt  }
0x4a: {  	_ =	shalt  }
0x4b: {  	_ =	shalt  }
0x4c: {  	_ =	shalt  }
0x4d: {  	_ =	shalt  }
0x4e: {  	_ =	shalt  }
0x4f: {  	_ =	shalt  }
0x50: {  	_ =	shalt  }
0x51: {  	_ =	shalt  }
0x52: {  	_ =	shalt  }
0x53: {  	_ =	shalt  }
0x54: {  	_ =	shalt  }
0x55: {  	_ =	shalt  }
0x56: {  	_ =	shalt  }
0x57: {  	_ =	shalt  }
0x58: {  	_ =	shalt  }
0x59: {  	_ =	shalt  }
0x5a: {  	_ =	shalt  }
0x5b: {  	_ =	shalt  }
0x5c: {  	_ =	shalt  }
0x5d: {  	_ =	shalt  }
0x5e: {  	_ =	shalt  }
0x5f: {  	_ =	shalt  }
0x60: {  	_ =	shalt  }
0x61: {  	_ =	shalt  }
0x62: {  	_ =	shalt  }
0x63: {  	_ =	shalt  }
0x64: {  	_ =	shalt  }
0x65: {  	_ =	shalt  }
0x66: {  	_ =	shalt  }
0x67: {  	_ =	shalt  }
0x68: {  	_ =	shalt  }
0x69: {  	_ =	shalt  }
0x6a: {  	_ =	shalt  }
0x6b: {  	_ =	shalt  }
0x6c: {  	_ =	shalt  }
0x6d: {  	_ =	shalt  }
0x6e: {  	_ =	shalt  }
0x6f: {  	_ =	shalt  }
0x70: {  	_ =	shalt  }
0x71: {  	_ =	shalt  }
0x72: {  	_ =	shalt  }
0x73: {  	_ =	shalt  }
0x74: {  	_ =	shalt  }
0x75: {  	_ =	shalt  }
0x76: {  	_ =	shalt  }
0x77: {  	_ =	shalt  }
0x78: {  	_ =	shalt  }
0x79: {  	_ =	shalt  }
0x7a: {  	_ =	shalt  }
0x7b: {  	_ =	shalt  }
0x7c: {  	_ =	shalt  }
0x7d: {  	_ =	shalt  }
0x7e: {  	_ =	shalt  }
0x7f: {  	_ =	shalt  }
0x80: {  	_ =	shalt  }
0x81: {  	_ =	shalt  }
0x82: {  	_ =	shalt  }
0x83: {  	_ =	shalt  }
0x84: {  	_ =	shalt  }
0x85: {  	_ =	shalt  }
0x86: {  	_ =	shalt  }
0x87: {  	_ =	shalt  }
.Lfunc_end0:
.L_simem_size_0:
called_computation.1_lowered:
.L_overlay_start_0:
0x88: {  	s2 =	sld [smem:$0x3FD9]  }
0x89: {  	s3 =	sld [smem:$0x3FFE];
	_ =	sdelay $0x1  }
0x8a: {  	s1 =	srdreg.scid  }
0x8b: {  	s0 =	sand.u32 $0x1, s1  }
0x8c: {  	s17 =	sshll.u32 s0, $0xA;
	s2 =	sadd.s32 s3, s2  }
0x8d: {  	s2 =	sadd.s32 s2, s17  }
0x8e: {  	[smem:$0x3FC4] =	sst s2  }
0x8f: {  	_ = 	snop  }
0x90: {  	s2 =	sld [smem:$0x3FD0];
	(tm) =	ssettm $0x1  }
0x91: {  	s18 =	sld [smem:$0x3FFB];
	_ =	sdelay $0x3  }
0x92: {  	_ =	strace s18  }
0x93: {  	s3 =	sld [smem:$0x3FFC];
	_ =	sdelay $0x3  }
0x94: {  	_ =	strace s3  }
0x95: {  	s3 =	sld [smem:$0x3FFD];
	_ =	sdelay $0x3  }
0x96: {  	_ =	strace s3  }
0x97: {  	_ =	strace $0x8FFFFFFF  }
0x98: {  	s19 =	sld [smem:$0x3FDB];
	_ =	sdelay $0x1  }
0x99: {  	s4 =	simm.s32 $_scs_section_size  }
0x9a: {  	s5 =	simm.s32 $_size__tile_overlayer_lowered;
	s6 =	simm.s32 $_tile_overlayer_lowered  }
0x9b: {  	s22 =	simm.s32 $0x1BFF;
	s21 =	sshll.u32 s6, $0x1;
	s3 =	sadd.s32 s4, s19  }
0x9c: {  	s7 =	simm.s32 $0x0;
	s20 =	sshll.u32 s5, $0x1;
	s5 =	sadd.s32 s21, s3  }
0x9d: {  	[timem:s7], [sflag:s22] =	dma.local [hbm:s5], s20  }
0x9e: {  	_ =	swait.ge [sflag:s22], s20  }
0x9f: {  	s4 =	ssub.s32 $0x0, s20;
	[sflag:s22] =	ssyncset.done $0x0  }
0xa0: {  	[sflag:s22] =	ssyncadd.s32 s4;
	_ =	sdelay $0x1  }
0xa1: {  	s23 =	simm.s32 $0x1B8B  }
0xa2: {  	_ =	swait.ge [sflag:s23], $0x1  }
0xa3: {  	[sflag:s23] =	ssyncset.done $0x0  }
0xa4: {  	s25 =	simm.s32 $0x1B8E;
	s24 =	sld [smem:$0x3FFE];
	[sflag:s23] =	ssyncadd.s32 $0xFFFFFFFF  }
0xa5: {  	s26 =	simm.s32 $execute0_lowered;
	[smem:$0x3FD2] =	sst s25  }
0xa6: {  	s5 =	sshll.u32 s26, $0x1;
	_ =	strace $0x80000046;
	[dreg:$0x1] =	wrdreg $0xFFFFFFFF  }
0xa7: {  	s28 =	simm.s32 $_size_execute0_lowered;
	s3 =	sadd.s32 s3, s5;
	[dreg:$0x0] =	wrdreg $0x0  }
0xa8: {  	s5 =	sshll.u32 s28, $0x1;
	[dreg:$0x2] =	wrdreg s3  }
0xa9: {  	[dreg:$0x3] =	wrdreg s5  }
0xaa: {  	[dreg:$0x4] =	wrdreg $0xC0  }
0xab: {  	_ =	task [dreg:s7], $0x5FFFF  }
0xac: {  	[dreg:$0x1] =	wrdreg $0xFFFFFFFF  }
0xad: {  	[dreg:$0x0] =	wrdreg $0x60  }
0xae: {  	[dreg:$0x2] =	wrdreg s24  }
0xaf: {  	[dreg:$0x3] =	wrdreg s2  }
0xb0: {  	[dreg:$0x4] =	wrdreg $0x9  }
0xb1: {  	_ =	task.clear_ibuf [dreg:s7], $0x5FFFF;
	_ =	strace $0x90000046  }
0xb2: {  	s29 =	simm.s32 $0x9;
	_ =	strace $0x80000048  }
0xb3: {  	_ =	swait.ge [sflag:s29], $0x1  }
0xb4: {  	[sflag:s29] =	ssyncadd.s32 $0xFFFFFFFF  }
0xb5: {  	_ =	strace $0x90000048  }
0xb6: {  	_ =	sfence  }
0xb7: {  	s30 =	sld [smem:$0x0];
	_ =	sdelay $0x2  }
0xb8: {  	s31 =	sshll.u32 s1, $0xD;
	s1 =	sshrl.u32 s1, $0x2  }
0xb9: {  	s3 =	sand.u32 $0x4000, s31;
	s1 =	sadd.s32 s1, s30  }
0xba: {  	s0 =	sor.u32 s3, s0;
	s1 =	sshll.u32 s1, $0x11  }
0xbb: {  	s0 =	sor.u32 s1, s0  }
0xbc: {  	s0 =	sadd.s32 $0x8F2B, s0  }
0xbd: {  	[sflag:s0] =	ssyncadd.remote.s32 $0x1  }
0xbe: {  	_ =	sfence.sel $0xFFFF  }
0xbf: {  	[dreg:$0x0] =	wrdreg $0xFFFFFFFF;
	(pc) =	sbr.abs _section_cstart, $3  }
0xc0: {  	[dreg:$0x1] =	wrdreg $0xFFFFFFFF  }
0xc1: {  	_ =	task.clear_ibuf [dreg:s7], $0x2FFFF;
	_ =	strace $0x9FFFFFFF  }
0xc2: {  	(tm) =	ssettm $0x7FFFFFFF  }
0xc3: {  	_ =	shalt  }
tec
execute0_lowered:
.L_overlay_start_1:
0x0: {  	(tag) =	ssettag $0x1  }
0x1: {  	s0 =	srdreg.scid  }
0x2: {  	s1 =	stileid.u32;
	s2 =	rddreg [dreg:$0x0]  }
0x3: {  	s14 =	rddreg [dreg:$0x1];
	s0 =	sand.u32 $0x1, s0;
	s1 =	sshll.u32 s1, $0x1  }
0x4: {  	s15 =	simm.s32 $0x0;
	s1 =	sor.u32 s0, s1;
	s0 =	ssub.s32 $0x2, s0  }
0x5: {  	[smem:$0x7FF] =	sst s15;
	s3 =	smul.u32 $0x1900, s1;
	s4 =	sshrl.u32 s0, $0x1  }
0x6: {  	s5 =	sadd.s32 $0xD200, s2;
	_ =	strace $0x80000047;
	s0 =	ssub.s32 s0, s4  }
.Ltmp0:
0x7: {  	s1 =	sshrl.u32 s3, $0x3;
	s0 =	smax.u32 s0, $0x1;
	(pc) =	sbr.rel .LBB2_1-.Ltmp0, $4  }
0x8: {  	s1 =	sadd.s32 s1, s2;
	s2 =	sadd.s32 $0x800, s2;
	[dreg:$0x6] =	wrdreg s0  }
0x9: {  	[dreg:$0x3] =	wrdreg s2;
	s31 =	sadd.s32 $0xA00, s1  }
0xa: {  	s1 =	sadd.s32 $0x6E00, s1;
	[dreg:$0x4] =	wrdreg s31  }
0xb: {  	s2 =	simm.s32 $0x0;
	[dreg:$0x5] =	wrdreg s1  }
.LBB2_8:
0xc: {  	s0 =	simm.s32 $0x3  }
0xd: {  	_ =	swait.ge [sflag:s0], $0x6400  }
0xe: {  	[sflag:s0] =	ssyncset.done $0x0  }
0xf: {  	s1 =	simm.s32 $0x4;
	[sflag:s0] =	ssyncadd.s32 $0xFFFF9C00  }
0x10: {  	_ =	swait.ge [sflag:s1], $0x6400  }
0x11: {  	s2 =	rddreg [dreg:$0x7]  }
0x12: {  	s31 =	rddreg [dreg:$0x6];
	s2 =	sadd.s32 $0x1, s2  }
0x13: {  	p0 =	sne.s32 s2, s31  }
.Ltmp1:
0x14: {  	_ = 	snop;
	(pc) =	sbr.rel @!p0 .LBB2_9-.Ltmp1, $3  }
0x15: {  	_ =	sdelay $0x1  }
0x16: {  	[sflag:s1] =	ssyncset.done $0x0  }
0x17: {  	[sflag:s1] =	ssyncadd.s32 $0xFFFF9C00  }
.LBB2_1:
0x18: {  	[dreg:$0x7] =	wrdreg s2  }
0x19: {  	s0 =	rddreg [dreg:$0x4];
	s1 =	simm.s32 $0x5  }
0x1a: {  	[tilespmem:s15], [sflag:$0x5] =	stream.linear.gather [hbm4b:s0+s15], $0x1900, $0x38;
	[tilespmem:$0x1C500] =	vst v63  }
0x1b: {  	_ =	swait.ge [sflag:s1], $0x1900  }
0x1c: {  	[sflag:s1] =	ssyncset.done $0x0  }
0x1d: {  	s22 =	simm.s32 $0x1900;
	s25 =	rddreg [dreg:$0x5];
	[sflag:s1] =	ssyncadd.s32 $0xFFFFE700  }
0x1e: {  	[tilespmem:s22], [sflag:$0x5] =	stream.linear.gather [hbm4b:s25+s15], $0x1900, $0x38;
	[tilespmem:$0x1C500] =	vst v63  }
0x1f: {  	_ =	swait.ge [sflag:s1], $0x1900  }
0x20: {  	[sflag:s1] =	ssyncset.done $0x0  }
0x21: {  	s28 =	simm.s32 $0x3200;
	s26 =	rddreg [dreg:$0x3];
	[sflag:s1] =	ssyncadd.s32 $0xFFFFE700  }
0x22: {  	[tilespmem:s28], [sflag:$0x5] =	stream.linear.gather [hbm4b:s26+s15], $0x300, $0x38;
	[tilespmem:$0x1C500] =	vst v63  }
0x23: {  	_ =	swait.ge [sflag:s1], $0x300  }
0x24: {  	[sflag:s1] =	ssyncset.done $0x0  }
0x25: {  	s29 =	simm.s32 $0x190;
	s30 =	simm.s32 $0x3500;
	[sflag:s1] =	ssyncadd.s32 $0xFFFFFD00  }
0x26: {  	[tilespmem:s30], [sflag:$0x1] =	stream.indirect.gather [hbm4b:s5+s29], $0x40, s15, s29, $0xb8;
	[tilespmem:$0x1C500] =	vst v63  }
0x27: {  	s31 =	simm.s32 $0x9900;
	s23 =	simm.s32 $0x1A90;
	s24 =	simm.s32 $0x0  }
0x28: {  	[tilespmem:s31], [sflag:$0x2] =	stream.indirect.gather [hbm4b:s5+s29], $0x40, s29, s29, $0xb8;
	[tilespmem:$0x1C500] =	vst v63  }
.LBB2_2:
0x29: {  	s0 =	simm.s32 $0x1  }
0x2a: {  	_ =	swait.ge [sflag:s0], $0x6400  }
0x2b: {  	p0 =	seq.s32 s24, $0x0;
	[sflag:s0] =	ssyncset.done $0x0  }
0x2c: {  	[sflag:s0] =	ssyncadd.s32 $0xFFFF9C00;
	s0 =	simm.s32 @!p0 $0x3  }
0x2d: {  	_ =	swait.ge @!p0 [sflag:s0], $0x6400  }
0x2e: {  	[sflag:s0] =	ssyncset.done @!p0 $0x0  }
0x2f: {  	[sflag:s0] =	ssyncadd.s32 @!p0 $0xFFFF9C00  }
0x30: {  	v0 =	vld [tilespmem:s22+$0x0];
	_ =	sdelay $0x4  }
0x31: {  	v0 =	vshll.u32 v0, $0x8  }
0x32: {  	v3 =	vshra.s32 v0, $0x2  }
0x33: {  	(v2sf) =	vpush v3, $0x0;
	_ =	sdelay $0xd  }
0x34: {  	s28 =	simm.s32 $0x3700  }
0x35: {  	v0 =	vld [tilespmem:s28+$0xFFFFFE00];
	s18 =	spop (v2sf)  }
0x36: {  	v1 =	vld [tilespmem:s18+$0x3200];
	_ =	sdelay $0x4  }
0x37: {  	v0 =	vadd.f32 v1, v0  }
0x38: {  	s26 =	simm.s32 $0xFF00  }
0x39: {  	[tilespmem:s26+$0xFFFFFE00] =	vst v0  }
0x3a: {  	v0 =	vld [tilespmem:s28+$0xFFFFFE10]  }
0x3b: {  	v1 =	vld [tilespmem:s18+$0x3210];
	_ =	sdelay $0x4  }
0x3c: {  	v0 =	vadd.f32 v1, v0;
	_ =	sdelay $0x1  }
0x3d: {  	[tilespmem:s26+$0xFFFFFE10] =	vst v0  }
0x3e: {  	v0 =	vld [tilespmem:s28+$0xFFFFFE20]  }
0x3f: {  	v1 =	vld [tilespmem:s18+$0x3220];
	_ =	sdelay $0x1  }
0x40: {  	(v2sf) =	vpush v3, $0x1;
	_ =	sdelay $0x2  }
0x41: {  	v0 =	vadd.f32 v1, v0;
	_ =	sdelay $0x1  }
0x42: {  	[tilespmem:s26+$0xFFFFFE20] =	vst v0  }
0x43: {  	v0 =	vld [tilespmem:s28+$0xFFFFFE30]  }
0x44: {  	v1 =	vld [tilespmem:s18+$0x3230];
	_ =	sdelay $0x4  }
0x45: {  	v0 =	vadd.f32 v1, v0;
	_ =	sdelay $0x1  }
0x46: {  	[tilespmem:s26+$0xFFFFFE30] =	vst v0  }
0x47: {  	s19 =	spop (v2sf);
	v0 =	vld [tilespmem:s28+$0xFFFFFE40]  }
0x48: {  	v1 =	vld [tilespmem:s19+$0x3200];
	_ =	sdelay $0x4  }
0x49: {  	v0 =	vadd.f32 v1, v0;
	_ =	sdelay $0x1  }
0x4a: {  	[tilespmem:s26+$0xFFFFFE40] =	vst v0  }
0x4b: {  	v0 =	vld [tilespmem:s28+$0xFFFFFE50]  }
0x4c: {  	v1 =	vld [tilespmem:s19+$0x3210];
	_ =	sdelay $0x4  }
0x4d: {  	v0 =	vadd.f32 v1, v0;
	_ =	sdelay $0x1  }
0x4e: {  	[tilespmem:s26+$0xFFFFFE50] =	vst v0  }
0x4f: {  	v0 =	vld [tilespmem:s28+$0xFFFFFE60]  }
0x50: {  	v1 =	vld [tilespmem:s19+$0x3220];
	_ =	sdelay $0x1  }
0x51: {  	(v2sf) =	vpush v3, $0x2;
	_ =	sdelay $0x2  }
0x52: {  	v0 =	vadd.f32 v1, v0;
	_ =	sdelay $0x1  }
0x53: {  	[tilespmem:s26+$0xFFFFFE60] =	vst v0  }
0x54: {  	v0 =	vld [tilespmem:s28+$0xFFFFFE70]  }
0x55: {  	v1 =	vld [tilespmem:s19+$0x3230];
	_ =	sdelay $0x4  }
0x56: {  	v0 =	vadd.f32 v1, v0;
	_ =	sdelay $0x1  }
0x57: {  	[tilespmem:s26+$0xFFFFFE70] =	vst v0  }
0x58: {  	s1 =	spop (v2sf);
	v0 =	vld [tilespmem:s28+$0xFFFFFE80]  }
0x59: {  	v1 =	vld [tilespmem:s1+$0x3200];
	_ =	sdelay $0x4  }
0x5a: {  	v0 =	vadd.f32 v1, v0;
	_ =	sdelay $0x1  }
0x5b: {  	[tilespmem:s26+$0xFFFFFE80] =	vst v0  }
0x5c: {  	v0 =	vld [tilespmem:s28+$0xFFFFFE90]  }
0x5d: {  	v1 =	vld [tilespmem:s1+$0x3210];
	_ =	sdelay $0x1  }
0x5e: {  	s20 =	sadd.s32 $0x10, s22  }
0x5f: {  	v2 =	vld [tilespmem:s20+$0x0];
	_ =	sdelay $0x1  }
0x60: {  	v0 =	vadd.f32 v1, v0;
	_ =	sdelay $0x1  }
0x61: {  	[tilespmem:s26+$0xFFFFFE90] =	vst v0  }
0x62: {  	v0 =	vshll.u32 v2, $0x8;
	v1 =	vld [tilespmem:s28+$0xFFFFFEA0]  }
0x63: {  	v2 =	vshra.s32 v0, $0x2;
	v0 =	vld [tilespmem:s1+$0x3220]  }
0x64: {  	(v2sf) =	vpush v2, $0x0  }
0x65: {  	(v2sf) =	vpush v3, $0x3;
	_ =	sdelay $0x2  }
0x66: {  	v0 =	vadd.f32 v0, v1;
	_ =	sdelay $0x1  }
0x67: {  	[tilespmem:s26+$0xFFFFFEA0] =	vst v0  }
0x68: {  	v0 =	vld [tilespmem:s28+$0xFFFFFEB0]  }
0x69: {  	v1 =	vld [tilespmem:s1+$0x3230];
	_ =	sdelay $0x4  }
0x6a: {  	v0 =	vadd.f32 v1, v0;
	_ =	sdelay $0x1  }
0x6b: {  	[tilespmem:s26+$0xFFFFFEB0] =	vst v0;
	s21 =	spop (v2sf)  }
0x6c: {  	v0 =	vld [tilespmem:s28+$0xFFFFFEC0];
	s2 =	spop (v2sf)  }
0x6d: {  	v1 =	vld [tilespmem:s2+$0x3200];
	_ =	sdelay $0x4  }
0x6e: {  	v0 =	vadd.f32 v1, v0;
	_ =	sdelay $0x1  }
0x6f: {  	[tilespmem:s26+$0xFFFFFEC0] =	vst v0  }
0x70: {  	v0 =	vld [tilespmem:s28+$0xFFFFFED0]  }
0x71: {  	v1 =	vld [tilespmem:s2+$0x3210];
	_ =	sdelay $0x4  }
0x72: {  	v0 =	vadd.f32 v1, v0;
	_ =	sdelay $0x1  }
0x73: {  	[tilespmem:s26+$0xFFFFFED0] =	vst v0  }
0x74: {  	v0 =	vld [tilespmem:s28+$0xFFFFFEE0]  }
0x75: {  	v1 =	vld [tilespmem:s2+$0x3220];
	_ =	sdelay $0x1  }
0x76: {  	s30 =	simm.s32 $0x3B00;
	(v2sf) =	vpush v3, $0x4  }
0x77: {  	v4 =	vld [tilespmem:s30+$0xFFFFFE00]  }
0x78: {  	v5 =	vld [tilespmem:s21+$0x3200]  }
0x79: {  	v0 =	vadd.f32 v1, v0;
	_ =	sdelay $0x1  }
0x7a: {  	[tilespmem:s26+$0xFFFFFEE0] =	vst v0  }
0x7b: {  	v0 =	vld [tilespmem:s28+$0xFFFFFEF0]  }
0x7c: {  	v1 =	vadd.f32 v5, v4;
	v4 =	vld [tilespmem:s2+$0x3230]  }
0x7d: {  	s29 =	simm.s32 $0x10300  }
0x7e: {  	[tilespmem:s29+$0xFFFFFE00] =	vst v1  }
0x7f: {  	v1 =	vld [tilespmem:s30+$0xFFFFFE10]  }
0x80: {  	v5 =	vld [tilespmem:s21+$0x3210]  }
0x81: {  	v0 =	vadd.f32 v4, v0;
	_ =	sdelay $0x1  }
0x82: {  	[tilespmem:s26+$0xFFFFFEF0] =	vst v0  }
0x83: {  	s25 =	spop (v2sf);
	v0 =	vld [tilespmem:s28+$0xFFFFFF00]  }
0x84: {  	v1 =	vadd.f32 v5, v1;
	v4 =	vld [tilespmem:s25+$0x3200];
	_ =	sdelay $0x1  }
0x85: {  	[tilespmem:s29+$0xFFFFFE10] =	vst v1  }
0x86: {  	v1 =	vld [tilespmem:s30+$0xFFFFFE20]  }
0x87: {  	v5 =	vld [tilespmem:s21+$0x3220]  }
0x88: {  	v0 =	vadd.f32 v4, v0  }
0x89: {  	(v2sf) =	vpush v2, $0x1  }
0x8a: {  	[tilespmem:s26+$0xFFFFFF00] =	vst v0  }
0x8b: {  	v0 =	vld [tilespmem:s28+$0xFFFFFF10]  }
0x8c: {  	v1 =	vadd.f32 v5, v1;
	v4 =	vld [tilespmem:s25+$0x3210];
	_ =	sdelay $0x1  }
0x8d: {  	[tilespmem:s29+$0xFFFFFE20] =	vst v1  }
0x8e: {  	v1 =	vld [tilespmem:s30+$0xFFFFFE30]  }
0x8f: {  	v5 =	vld [tilespmem:s21+$0x3230]  }
0x90: {  	v0 =	vadd.f32 v4, v0;
	_ =	sdelay $0x1  }
0x91: {  	[tilespmem:s26+$0xFFFFFF10] =	vst v0  }
0x92: {  	v0 =	vld [tilespmem:s28+$0xFFFFFF20]  }
0x93: {  	v1 =	vadd.f32 v5, v1;
	v4 =	vld [tilespmem:s25+$0x3220];
	_ =	sdelay $0x1  }
0x94: {  	(v2sf) =	vpush v3, $0x5;
	[tilespmem:s29+$0xFFFFFE30] =	vst v1  }
0x95: {  	s4 =	spop (v2sf);
	v1 =	vld [tilespmem:s30+$0xFFFFFE40]  }
0x96: {  	v5 =	vld [tilespmem:s4+$0x3200]  }
0x97: {  	v0 =	vadd.f32 v4, v0;
	_ =	sdelay $0x1  }
0x98: {  	[tilespmem:s26+$0xFFFFFF20] =	vst v0  }
0x99: {  	v0 =	vld [tilespmem:s28+$0xFFFFFF30]  }
0x9a: {  	v1 =	vadd.f32 v5, v1;
	v4 =	vld [tilespmem:s25+$0x3230];
	_ =	sdelay $0x1  }
0x9b: {  	[tilespmem:s29+$0xFFFFFE40] =	vst v1  }
0x9c: {  	v1 =	vld [tilespmem:s30+$0xFFFFFE50]  }
0x9d: {  	v5 =	vld [tilespmem:s4+$0x3210]  }
0x9e: {  	v0 =	vadd.f32 v4, v0;
	_ =	sdelay $0x1  }
0x9f: {  	[tilespmem:s26+$0xFFFFFF30] =	vst v0  }
0xa0: {  	s6 =	spop (v2sf);
	v0 =	vld [tilespmem:s28+$0xFFFFFF40]  }
0xa1: {  	v1 =	vadd.f32 v5, v1;
	v4 =	vld [tilespmem:s6+$0x3200];
	_ =	sdelay $0x1  }
0xa2: {  	[tilespmem:s29+$0xFFFFFE50] =	vst v1  }
0xa3: {  	v1 =	vld [tilespmem:s30+$0xFFFFFE60]  }
0xa4: {  	v5 =	vld [tilespmem:s4+$0x3220]  }
0xa5: {  	v0 =	vadd.f32 v4, v0  }
0xa6: {  	(v2sf) =	vpush v2, $0x2  }
0xa7: {  	[tilespmem:s26+$0xFFFFFF40] =	vst v0  }
0xa8: {  	v0 =	vld [tilespmem:s28+$0xFFFFFF50]  }
0xa9: {  	v1 =	vadd.f32 v5, v1;
	v4 =	vld [tilespmem:s6+$0x3210]  }
0xaa: {  	s0 =	sadd.s32 $0x10, s20  }
0xab: {  	v5 =	vld [tilespmem:s0+$0x0];
	[tilespmem:s29+$0xFFFFFE60] =	vst v1  }
0xac: {  	v1 =	vld [tilespmem:s30+$0xFFFFFE70]  }
0xad: {  	v6 =	vld [tilespmem:s4+$0x3230]  }
0xae: {  	v0 =	vadd.f32 v4, v0;
	_ =	sdelay $0x1  }
0xaf: {  	[tilespmem:s26+$0xFFFFFF50] =	vst v0  }
0xb0: {  	v0 =	vshll.u32 v5, $0x8;
	v4 =	vld [tilespmem:s28+$0xFFFFFF60]  }
0xb1: {  	v1 =	vadd.f32 v6, v1;
	v0 =	vshra.s32 v0, $0x2;
	v5 =	vld [tilespmem:s6+$0x3220]  }
0xb2: {  	(v2sf) =	vpush v0, $0x0  }
0xb3: {  	[tilespmem:s29+$0xFFFFFE70] =	vst v1;
	(v2sf) =	vpush v3, $0x6  }
0xb4: {  	s7 =	spop (v2sf);
	v1 =	vld [tilespmem:s30+$0xFFFFFE80]  }
0xb5: {  	v6 =	vld [tilespmem:s7+$0x3200]  }
0xb6: {  	v4 =	vadd.f32 v5, v4;
	_ =	sdelay $0x1  }
0xb7: {  	[tilespmem:s26+$0xFFFFFF60] =	vst v4  }
0xb8: {  	v4 =	vld [tilespmem:s28+$0xFFFFFF70]  }
0xb9: {  	v1 =	vadd.f32 v6, v1;
	v5 =	vld [tilespmem:s6+$0x3230];
	_ =	sdelay $0x1  }
0xba: {  	[tilespmem:s29+$0xFFFFFE80] =	vst v1  }
0xbb: {  	v1 =	vld [tilespmem:s30+$0xFFFFFE90]  }
0xbc: {  	v6 =	vld [tilespmem:s7+$0x3210]  }
0xbd: {  	v4 =	vadd.f32 v5, v4;
	_ =	sdelay $0x1  }
0xbe: {  	[tilespmem:s26+$0xFFFFFF70] =	vst v4;
	s8 =	spop (v2sf)  }
0xbf: {  	v4 =	vld [tilespmem:s28+$0xFFFFFF80];
	s4 =	spop (v2sf)  }
0xc0: {  	v1 =	vadd.f32 v6, v1;
	v5 =	vld [tilespmem:s4+$0x3200];
	_ =	sdelay $0x1  }
0xc1: {  	[tilespmem:s29+$0xFFFFFE90] =	vst v1  }
0xc2: {  	v1 =	vld [tilespmem:s30+$0xFFFFFEA0]  }
0xc3: {  	v6 =	vld [tilespmem:s7+$0x3220]  }
0xc4: {  	v4 =	vadd.f32 v5, v4  }
0xc5: {  	(v2sf) =	vpush v2, $0x3  }
0xc6: {  	[tilespmem:s26+$0xFFFFFF80] =	vst v4  }
0xc7: {  	v4 =	vld [tilespmem:s28+$0xFFFFFF90]  }
0xc8: {  	v1 =	vadd.f32 v6, v1;
	v5 =	vld [tilespmem:s4+$0x3210];
	_ =	sdelay $0x1  }
0xc9: {  	[tilespmem:s29+$0xFFFFFEA0] =	vst v1  }
0xca: {  	v1 =	vld [tilespmem:s30+$0xFFFFFEB0]  }
0xcb: {  	v6 =	vld [tilespmem:s7+$0x3230]  }
0xcc: {  	v4 =	vadd.f32 v5, v4;
	_ =	sdelay $0x1  }
0xcd: {  	[tilespmem:s26+$0xFFFFFF90] =	vst v4  }
0xce: {  	v4 =	vld [tilespmem:s28+$0xFFFFFFA0]  }
0xcf: {  	v1 =	vadd.f32 v6, v1;
	v5 =	vld [tilespmem:s4+$0x3220];
	_ =	sdelay $0x1  }
0xd0: {  	(v2sf) =	vpush v3, $0x7;
	[tilespmem:s29+$0xFFFFFEB0] =	vst v1  }
0xd1: {  	s6 =	spop (v2sf);
	v1 =	vld [tilespmem:s30+$0xFFFFFEC0]  }
0xd2: {  	v6 =	vld [tilespmem:s6+$0x3200]  }
0xd3: {  	v4 =	vadd.f32 v5, v4;
	_ =	sdelay $0x1  }
0xd4: {  	[tilespmem:s26+$0xFFFFFFA0] =	vst v4  }
0xd5: {  	v4 =	vld [tilespmem:s28+$0xFFFFFFB0]  }
0xd6: {  	v1 =	vadd.f32 v6, v1;
	v5 =	vld [tilespmem:s4+$0x3230];
	_ =	sdelay $0x1  }
0xd7: {  	[tilespmem:s29+$0xFFFFFEC0] =	vst v1  }
0xd8: {  	v1 =	vld [tilespmem:s30+$0xFFFFFED0]  }
0xd9: {  	v6 =	vld [tilespmem:s6+$0x3210]  }
0xda: {  	v4 =	vadd.f32 v5, v4;
	_ =	sdelay $0x1  }
0xdb: {  	[tilespmem:s26+$0xFFFFFFB0] =	vst v4  }
0xdc: {  	s9 =	spop (v2sf);
	v4 =	vld [tilespmem:s28+$0xFFFFFFC0]  }
0xdd: {  	v1 =	vadd.f32 v6, v1;
	v5 =	vld [tilespmem:s9+$0x3200];
	_ =	sdelay $0x1  }
0xde: {  	[tilespmem:s29+$0xFFFFFED0] =	vst v1  }
0xdf: {  	v1 =	vld [tilespmem:s30+$0xFFFFFEE0]  }
0xe0: {  	v6 =	vld [tilespmem:s6+$0x3220]  }
0xe1: {  	v4 =	vadd.f32 v5, v4  }
0xe2: {  	s31 =	simm.s32 $0x3F00;
	v7 =	vld [tilespmem:s8+$0x3200];
	(v2sf) =	vpush v2, $0x4  }
0xe3: {  	v5 =	vld [tilespmem:s31+$0xFFFFFE00];
	[tilespmem:s26+$0xFFFFFFC0] =	vst v4  }
0xe4: {  	v4 =	vld [tilespmem:s28+$0xFFFFFFD0]  }
0xe5: {  	v1 =	vadd.f32 v6, v1;
	v6 =	vld [tilespmem:s9+$0x3210];
	_ =	sdelay $0x1  }
0xe6: {  	[tilespmem:s29+$0xFFFFFEE0] =	vst v1  }
0xe7: {  	v1 =	vadd.f32 v7, v5;
	v5 =	vld [tilespmem:s30+$0xFFFFFEF0]  }
0xe8: {  	s1 =	simm.s32 $0x10700;
	v7 =	vld [tilespmem:s6+$0x3230]  }
0xe9: {  	[tilespmem:s1+$0xFFFFFE00] =	vst v1;
	v1 =	vadd.f32 v6, v4  }
0xea: {  	v4 =	vld [tilespmem:s31+$0xFFFFFE10]  }
0xeb: {  	v6 =	vld [tilespmem:s8+$0x3210];
	[tilespmem:s26+$0xFFFFFFD0] =	vst v1  }
0xec: {  	v1 =	vld [tilespmem:s28+$0xFFFFFFE0]  }
0xed: {  	v5 =	vadd.f32 v7, v5;
	v7 =	vld [tilespmem:s9+$0x3220]  }
0xee: {  	(v2sf) =	vpush v0, $0x1  }
0xef: {  	(v2sf) =	vpush v3, $0x8;
	[tilespmem:s29+$0xFFFFFEF0] =	vst v5  }
0xf0: {  	s10 =	spop (v2sf);
	v4 =	vadd.f32 v6, v4;
	v5 =	vld [tilespmem:s30+$0xFFFFFF00]  }
0xf1: {  	v6 =	vld [tilespmem:s10+$0x3200]  }
0xf2: {  	[tilespmem:s1+$0xFFFFFE10] =	vst v4;
	v1 =	vadd.f32 v7, v1  }
0xf3: {  	v4 =	vld [tilespmem:s31+$0xFFFFFE20]  }
0xf4: {  	v7 =	vld [tilespmem:s8+$0x3220];
	[tilespmem:s26+$0xFFFFFFE0] =	vst v1  }
0xf5: {  	v1 =	vld [tilespmem:s28+$0xFFFFFFF0]  }
0xf6: {  	v5 =	vadd.f32 v6, v5;
	v6 =	vld [tilespmem:s9+$0x3230];
	_ =	sdelay $0x1  }
0xf7: {  	[tilespmem:s29+$0xFFFFFF00] =	vst v5  }
0xf8: {  	v4 =	vadd.f32 v7, v4;
	v5 =	vld [tilespmem:s30+$0xFFFFFF10]  }
0xf9: {  	v7 =	vld [tilespmem:s10+$0x3210]  }
0xfa: {  	[tilespmem:s1+$0xFFFFFE20] =	vst v4;
	v1 =	vadd.f32 v6, v1  }
0xfb: {  	v4 =	vld [tilespmem:s31+$0xFFFFFE30]  }
0xfc: {  	s11 =	spop (v2sf);
	v6 =	vld [tilespmem:s8+$0x3230];
	[tilespmem:s26+$0xFFFFFFF0] =	vst v1  }
0xfd: {  	s12 =	spop (v2sf);
	v1 =	vld [tilespmem:s28+$0x0]  }
0xfe: {  	v5 =	vadd.f32 v7, v5;
	v7 =	vld [tilespmem:s12+$0x3200];
	_ =	sdelay $0x1  }
0xff: {  	[tilespmem:s29+$0xFFFFFF10] =	vst v5  }
0x100: {  	v4 =	vadd.f32 v6, v4;
	v5 =	vld [tilespmem:s30+$0xFFFFFF20]  }
0x101: {  	v6 =	vld [tilespmem:s10+$0x3220]  }
0x102: {  	[tilespmem:s1+$0xFFFFFE30] =	vst v4;
	v1 =	vadd.f32 v7, v1  }
0x103: {  	(v2sf) =	vpush v2, $0x5;
	v4 =	vld [tilespmem:s31+$0xFFFFFE40]  }
0x104: {  	v7 =	vld [tilespmem:s11+$0x3200];
	[tilespmem:s26+$0x0] =	vst v1  }
0x105: {  	v1 =	vld [tilespmem:s28+$0x10]  }
0x106: {  	v5 =	vadd.f32 v6, v5;
	v6 =	vld [tilespmem:s12+$0x3210];
	_ =	sdelay $0x1  }
0x107: {  	[tilespmem:s29+$0xFFFFFF20] =	vst v5  }
0x108: {  	v4 =	vadd.f32 v7, v4;
	v5 =	vld [tilespmem:s30+$0xFFFFFF30]  }
0x109: {  	v7 =	vld [tilespmem:s10+$0x3230]  }
0x10a: {  	[tilespmem:s1+$0xFFFFFE40] =	vst v4;
	v1 =	vadd.f32 v6, v1  }
0x10b: {  	v4 =	vld [tilespmem:s31+$0xFFFFFE50]  }
0x10c: {  	v6 =	vld [tilespmem:s11+$0x3210];
	[tilespmem:s26+$0x10] =	vst v1  }
0x10d: {  	v1 =	vld [tilespmem:s28+$0x20]  }
0x10e: {  	v5 =	vadd.f32 v7, v5;
	v7 =	vld [tilespmem:s12+$0x3220];
	_ =	sdelay $0x1  }
0x10f: {  	(v2sf) =	vpush v3, $0x9;
	[tilespmem:s29+$0xFFFFFF30] =	vst v5  }
0x110: {  	s13 =	spop (v2sf);
	v5 =	vld [tilespmem:s30+$0xFFFFFF40];
	v4 =	vadd.f32 v6, v4  }
0x111: {  	v6 =	vld [tilespmem:s13+$0x3200]  }
0x112: {  	[tilespmem:s1+$0xFFFFFE50] =	vst v4;
	v1 =	vadd.f32 v7, v1  }
0x113: {  	v4 =	vld [tilespmem:s31+$0xFFFFFE60]  }
0x114: {  	v7 =	vld [tilespmem:s11+$0x3220];
	[tilespmem:s26+$0x20] =	vst v1  }
0x115: {  	v1 =	vld [tilespmem:s28+$0x30]  }
0x116: {  	(v2sf) =	vpush v0, $0x2;
	v5 =	vadd.f32 v6, v5;
	v6 =	vld [tilespmem:s12+$0x3230];
	_ =	sdelay $0x1  }
0x117: {  	[tilespmem:s29+$0xFFFFFF40] =	vst v5  }
0x118: {  	v5 =	vld [tilespmem:s30+$0xFFFFFF50];
	v4 =	vadd.f32 v7, v4  }
0x119: {  	s0 =	sadd.s32 $0x10, s0;
	v7 =	vld [tilespmem:s13+$0x3210]  }
0x11a: {  	v8 =	vld [tilespmem:s0+$0x0];
	[tilespmem:s1+$0xFFFFFE60] =	vst v4;
	v1 =	vadd.f32 v6, v1  }
0x11b: {  	v4 =	vld [tilespmem:s31+$0xFFFFFE70]  }
0x11c: {  	v6 =	vld [tilespmem:s11+$0x3230];
	[tilespmem:s26+$0x30] =	vst v1  }
0x11d: {  	s16 =	spop (v2sf);
	v9 =	vld [tilespmem:s28+$0x40]  }
0x11e: {  	v1 =	vadd.f32 v7, v5;
	v5 =	vld [tilespmem:s16+$0x3200];
	_ =	sdelay $0x1  }
0x11f: {  	[tilespmem:s29+$0xFFFFFF50] =	vst v1  }
0x120: {  	v1 =	vshll.u32 v8, $0x8;
	v7 =	vld [tilespmem:s30+$0xFFFFFF60];
	v4 =	vadd.f32 v6, v4  }
0x121: {  	v1 =	vshra.s32 v1, $0x2;
	v6 =	vld [tilespmem:s13+$0x3220]  }
0x122: {  	(v2sf) =	vpush v1, $0x0;
	[tilespmem:s1+$0xFFFFFE70] =	vst v4;
	v4 =	vadd.f32 v5, v9  }
0x123: {  	s7 =	spop (v2sf);
	(v2sf) =	vpush v2, $0x6;
	v5 =	vld [tilespmem:s31+$0xFFFFFE80]  }
0x124: {  	v8 =	vld [tilespmem:s7+$0x3200];
	[tilespmem:s26+$0x40] =	vst v4  }
0x125: {  	v4 =	vld [tilespmem:s28+$0x50]  }
0x126: {  	v6 =	vadd.f32 v6, v7;
	v7 =	vld [tilespmem:s16+$0x3210];
	_ =	sdelay $0x1  }
0x127: {  	[tilespmem:s29+$0xFFFFFF60] =	vst v6  }
0x128: {  	v6 =	vld [tilespmem:s30+$0xFFFFFF70];
	v5 =	vadd.f32 v8, v5  }
0x129: {  	v8 =	vld [tilespmem:s13+$0x3230]  }
0x12a: {  	[tilespmem:s1+$0xFFFFFE80] =	vst v5;
	v4 =	vadd.f32 v7, v4  }
0x12b: {  	v5 =	vld [tilespmem:s31+$0xFFFFFE90]  }
0x12c: {  	v7 =	vld [tilespmem:s7+$0x3210];
	[tilespmem:s26+$0x50] =	vst v4  }
0x12d: {  	v4 =	vld [tilespmem:s28+$0x60]  }
0x12e: {  	v6 =	vadd.f32 v8, v6;
	v8 =	vld [tilespmem:s16+$0x3220];
	_ =	sdelay $0x1  }
0x12f: {  	[tilespmem:s29+$0xFFFFFF70] =	vst v6;
	s17 =	spop (v2sf);
	(v2sf) =	vpush v3, $0xA  }
0x130: {  	v6 =	vld [tilespmem:s30+$0xFFFFFF80];
	v5 =	vadd.f32 v7, v5;
	s18 =	spop (v2sf)  }
0x131: {  	v7 =	vld [tilespmem:s18+$0x3200]  }
0x132: {  	[tilespmem:s1+$0xFFFFFE90] =	vst v5;
	v4 =	vadd.f32 v8, v4  }
0x133: {  	v5 =	vld [tilespmem:s31+$0xFFFFFEA0]  }
0x134: {  	v8 =	vld [tilespmem:s7+$0x3220];
	[tilespmem:s26+$0x60] =	vst v4  }
0x135: {  	v4 =	vld [tilespmem:s28+$0x70]  }
0x136: {  	(v2sf) =	vpush v0, $0x3;
	v6 =	vadd.f32 v7, v6;
	v7 =	vld [tilespmem:s16+$0x3230];
	_ =	sdelay $0x1  }
0x137: {  	[tilespmem:s29+$0xFFFFFF80] =	vst v6  }
0x138: {  	v5 =	vadd.f32 v8, v5;
	v6 =	vld [tilespmem:s30+$0xFFFFFF90]  }
0x139: {  	v8 =	vld [tilespmem:s18+$0x3210]  }
0x13a: {  	[tilespmem:s1+$0xFFFFFEA0] =	vst v5;
	v4 =	vadd.f32 v7, v4  }
0x13b: {  	v5 =	vld [tilespmem:s31+$0xFFFFFEB0]  }
0x13c: {  	v7 =	vld [tilespmem:s7+$0x3230];
	[tilespmem:s26+$0x70] =	vst v4  }
0x13d: {  	v4 =	vld [tilespmem:s28+$0x80];
	s19 =	spop (v2sf)  }
0x13e: {  	v6 =	vadd.f32 v8, v6;
	v8 =	vld [tilespmem:s19+$0x3200];
	_ =	sdelay $0x1  }
0x13f: {  	[tilespmem:s29+$0xFFFFFF90] =	vst v6  }
0x140: {  	v5 =	vadd.f32 v7, v5;
	v6 =	vld [tilespmem:s30+$0xFFFFFFA0]  }
0x141: {  	v7 =	vld [tilespmem:s18+$0x3220]  }
0x142: {  	[tilespmem:s1+$0xFFFFFEB0] =	vst v5;
	v4 =	vadd.f32 v8, v4  }
0x143: {  	(v2sf) =	vpush v2, $0x7;
	s20 =	spop (v2sf);
	v5 =	vld [tilespmem:s31+$0xFFFFFEC0]  }
0x144: {  	v8 =	vld [tilespmem:s20+$0x3200];
	[tilespmem:s26+$0x80] =	vst v4  }
0x145: {  	v4 =	vld [tilespmem:s28+$0x90]  }
0x146: {  	v6 =	vadd.f32 v7, v6;
	v7 =	vld [tilespmem:s19+$0x3210];
	_ =	sdelay $0x1  }
0x147: {  	[tilespmem:s29+$0xFFFFFFA0] =	vst v6  }
0x148: {  	v6 =	vld [tilespmem:s30+$0xFFFFFFB0];
	v5 =	vadd.f32 v8, v5  }
0x149: {  	v8 =	vld [tilespmem:s18+$0x3230]  }
0x14a: {  	[tilespmem:s1+$0xFFFFFEC0] =	vst v5;
	v4 =	vadd.f32 v7, v4  }
0x14b: {  	v5 =	vld [tilespmem:s31+$0xFFFFFED0]  }
0x14c: {  	v7 =	vld [tilespmem:s20+$0x3210];
	[tilespmem:s26+$0x90] =	vst v4  }
0x14d: {  	v4 =	vld [tilespmem:s28+$0xA0]  }
0x14e: {  	v6 =	vadd.f32 v8, v6;
	v8 =	vld [tilespmem:s19+$0x3220];
	_ =	sdelay $0x1  }
0x14f: {  	(v2sf) =	vpush v3, $0xB;
	[tilespmem:s29+$0xFFFFFFB0] =	vst v6  }
0x150: {  	s8 =	spop (v2sf);
	v6 =	vld [tilespmem:s30+$0xFFFFFFC0];
	v5 =	vadd.f32 v7, v5  }
0x151: {  	v7 =	vld [tilespmem:s8+$0x3200]  }
0x152: {  	[tilespmem:s1+$0xFFFFFED0] =	vst v5;
	v4 =	vadd.f32 v8, v4  }
0x153: {  	v5 =	vld [tilespmem:s31+$0xFFFFFEE0]  }
0x154: {  	v8 =	vld [tilespmem:s20+$0x3220];
	[tilespmem:s26+$0xA0] =	vst v4  }
0x155: {  	v4 =	vld [tilespmem:s28+$0xB0]  }
0x156: {  	s6 =	simm.s32 $0x4300;
	(v2sf) =	vpush v0, $0x4;
	v6 =	vadd.f32 v7, v6;
	v7 =	vld [tilespmem:s19+$0x3230]  }
0x157: {  	v9 =	vld [tilespmem:s6+$0xFFFFFE00]  }
0x158: {  	v10 =	vld [tilespmem:s17+$0x3200];
	[tilespmem:s29+$0xFFFFFFC0] =	vst v6  }
0x159: {  	v6 =	vld [tilespmem:s30+$0xFFFFFFD0];
	v5 =	vadd.f32 v8, v5  }
0x15a: {  	v8 =	vld [tilespmem:s8+$0x3210]  }
0x15b: {  	[tilespmem:s1+$0xFFFFFEE0] =	vst v5;
	v4 =	vadd.f32 v7, v4  }
0x15c: {  	v5 =	vld [tilespmem:s31+$0xFFFFFEF0]  }
0x15d: {  	v7 =	vadd.f32 v10, v9;
	v9 =	vld [tilespmem:s20+$0x3230];
	[tilespmem:s26+$0xB0] =	vst v4  }
0x15e: {  	s13 =	simm.s32 $0x10B00;
	s21 =	spop (v2sf);
	v4 =	vld [tilespmem:s28+$0xC0]  }
0x15f: {  	[tilespmem:s13+$0xFFFFFE00] =	vst v7;
	v6 =	vadd.f32 v8, v6;
	v7 =	vld [tilespmem:s21+$0x3200]  }
0x160: {  	v8 =	vld [tilespmem:s6+$0xFFFFFE10]  }
0x161: {  	v10 =	vld [tilespmem:s17+$0x3210];
	[tilespmem:s29+$0xFFFFFFD0] =	vst v6  }
0x162: {  	v6 =	vld [tilespmem:s30+$0xFFFFFFE0];
	v5 =	vadd.f32 v9, v5  }
0x163: {  	v9 =	vld [tilespmem:s8+$0x3220]  }
0x164: {  	(v2sf) =	vpush v1, $0x1;
	[tilespmem:s1+$0xFFFFFEF0] =	vst v5;
	v4 =	vadd.f32 v7, v4  }
0x165: {  	(v2sf) =	vpush v2, $0x8;
	s25 =	spop (v2sf);
	v5 =	vld [tilespmem:s31+$0xFFFFFF00]  }
0x166: {  	v7 =	vadd.f32 v10, v8;
	v8 =	vld [tilespmem:s25+$0x3200];
	[tilespmem:s26+$0xC0] =	vst v4  }
0x167: {  	v4 =	vld [tilespmem:s28+$0xD0]  }
0x168: {  	[tilespmem:s13+$0xFFFFFE10] =	vst v7;
	v6 =	vadd.f32 v9, v6;
	v7 =	vld [tilespmem:s21+$0x3210]  }
0x169: {  	v9 =	vld [tilespmem:s6+$0xFFFFFE20]  }
0x16a: {  	v10 =	vld [tilespmem:s17+$0x3220];
	[tilespmem:s29+$0xFFFFFFE0] =	vst v6  }
0x16b: {  	v6 =	vld [tilespmem:s30+$0xFFFFFFF0];
	v5 =	vadd.f32 v8, v5  }
0x16c: {  	v8 =	vld [tilespmem:s8+$0x3230]  }
0x16d: {  	[tilespmem:s1+$0xFFFFFF00] =	vst v5;
	v4 =	vadd.f32 v7, v4  }
0x16e: {  	v5 =	vld [tilespmem:s31+$0xFFFFFF10]  }
0x16f: {  	v7 =	vadd.f32 v10, v9;
	v9 =	vld [tilespmem:s25+$0x3210];
	[tilespmem:s26+$0xD0] =	vst v4  }
0x170: {  	v4 =	vld [tilespmem:s28+$0xE0]  }
0x171: {  	[tilespmem:s13+$0xFFFFFE20] =	vst v7;
	v6 =	vadd.f32 v8, v6;
	v7 =	vld [tilespmem:s21+$0x3220]  }
0x172: {  	v8 =	vld [tilespmem:s6+$0xFFFFFE30]  }
0x173: {  	(v2sf) =	vpush v3, $0xC;
	s10 =	spop (v2sf);
	v10 =	vld [tilespmem:s17+$0x3230];
	[tilespmem:s29+$0xFFFFFFF0] =	vst v6  }
0x174: {  	s11 =	spop (v2sf);
	v6 =	vld [tilespmem:s30+$0x0];
	v5 =	vadd.f32 v9, v5  }
0x175: {  	v9 =	vld [tilespmem:s11+$0x3200]  }
0x176: {  	[tilespmem:s1+$0xFFFFFF10] =	vst v5;
	v4 =	vadd.f32 v7, v4  }
0x177: {  	v5 =	vld [tilespmem:s31+$0xFFFFFF20]  }
0x178: {  	v7 =	vadd.f32 v10, v8;
	v8 =	vld [tilespmem:s25+$0x3220];
	[tilespmem:s26+$0xE0] =	vst v4  }
0x179: {  	v4 =	vld [tilespmem:s28+$0xF0]  }
0x17a: {  	(v2sf) =	vpush v0, $0x5;
	[tilespmem:s13+$0xFFFFFE30] =	vst v7;
	v6 =	vadd.f32 v9, v6;
	v7 =	vld [tilespmem:s21+$0x3230]  }
0x17b: {  	v9 =	vld [tilespmem:s6+$0xFFFFFE40]  }
0x17c: {  	v10 =	vld [tilespmem:s10+$0x3200];
	[tilespmem:s29+$0x0] =	vst v6  }
0x17d: {  	v6 =	vld [tilespmem:s30+$0x10];
	v5 =	vadd.f32 v8, v5  }
0x17e: {  	v8 =	vld [tilespmem:s11+$0x3210]  }
0x17f: {  	[tilespmem:s1+$0xFFFFFF20] =	vst v5;
	v4 =	vadd.f32 v7, v4  }
0x180: {  	v5 =	vld [tilespmem:s31+$0xFFFFFF30]  }
0x181: {  	v7 =	vadd.f32 v10, v9;
	v9 =	vld [tilespmem:s25+$0x3230];
	[tilespmem:s26+$0xF0] =	vst v4  }
0x182: {  	s9 =	spop (v2sf);
	v4 =	vld [tilespmem:s28+$0x100]  }
0x183: {  	[tilespmem:s13+$0xFFFFFE40] =	vst v7;
	v6 =	vadd.f32 v8, v6;
	v7 =	vld [tilespmem:s9+$0x3200]  }
0x184: {  	v8 =	vld [tilespmem:s6+$0xFFFFFE50]  }
0x185: {  	v10 =	vld [tilespmem:s10+$0x3210];
	[tilespmem:s29+$0x10] =	vst v6  }
0x186: {  	v6 =	vld [tilespmem:s30+$0x20];
	v5 =	vadd.f32 v9, v5  }
0x187: {  	v9 =	vld [tilespmem:s11+$0x3220]  }
0x188: {  	[tilespmem:s1+$0xFFFFFF30] =	vst v5;
	v4 =	vadd.f32 v7, v4  }
0x189: {  	(v2sf) =	vpush v2, $0x9;
	s2 =	spop (v2sf);
	v7 =	vld [tilespmem:s31+$0xFFFFFF40]  }
0x18a: {  	v5 =	vadd.f32 v10, v8;
	v10 =	vld [tilespmem:s2+$0x3200];
	[tilespmem:s26+$0x100] =	vst v4  }
0x18b: {  	v4 =	vld [tilespmem:s28+$0x110]  }
0x18c: {  	[tilespmem:s13+$0xFFFFFE50] =	vst v5;
	v6 =	vadd.f32 v9, v6;
	v5 =	vld [tilespmem:s9+$0x3210]  }
0x18d: {  	v8 =	vld [tilespmem:s6+$0xFFFFFE60]  }
0x18e: {  	v9 =	vld [tilespmem:s10+$0x3220];
	[tilespmem:s29+$0x20] =	vst v6  }
0x18f: {  	s7 =	simm.s32 $0x30;
	s8 =	sadd.s32 $0x10, s0;
	v6 =	vld [tilespmem:s30+$0x30];
	v10 =	vadd.f32 v10, v7  }
0x190: {  	(v2sf) =	vpush v1, $0x2;
	s0 =	simm.s32 $0x10B00;
	s25 =	smul.u32 $0x320, s24;
	v7 =	vld [tilespmem:s11+$0x3230];
	s11 =	simm.s32 $0x4300  }
.LBB2_3:
0x191: {  	v11 =	vld [tilespmem:s8+$0x0];
	[tilespmem:s1+$0xFFFFFF40] =	vst v10;
	v4 =	vadd.f32 v5, v4  }
0x192: {  	v5 =	vld [tilespmem:s31+$0xFFFFFF50]  }
0x193: {  	v8 =	vadd.f32 v9, v8;
	v9 =	vld [tilespmem:s2+$0x3210];
	[tilespmem:s26+$0x110] =	vst v4  }
0x194: {  	v4 =	vld [tilespmem:s28+$0x120]  }
0x195: {  	[tilespmem:s13+$0xFFFFFE60] =	vst v8;
	v6 =	vadd.f32 v7, v6;
	v7 =	vld [tilespmem:s9+$0x3220]  }
0x196: {  	v8 =	vld [tilespmem:s6+$0xFFFFFE70]  }
0x197: {  	v10 =	vld [tilespmem:s10+$0x3230];
	[tilespmem:s29+$0x30] =	vst v6;
	(v2sf) =	vpush v3, $0xD  }
0x198: {  	v5 =	vadd.f32 v9, v5;
	v6 =	vld [tilespmem:s30+$0x40];
	s4 =	spop (v2sf)  }
0x199: {  	v9 =	vld [tilespmem:s4+$0x3200]  }
0x19a: {  	v11 =	vshll.u32 v11, $0x8;
	[tilespmem:s1+$0xFFFFFF50] =	vst v5;
	v5 =	vadd.f32 v7, v4  }
0x19b: {  	v4 =	vshra.s32 v11, $0x2;
	v7 =	vld [tilespmem:s31+$0xFFFFFF60]  }
0x19c: {  	(v2sf) =	vpush v4, $0x0;
	v8 =	vadd.f32 v10, v8;
	v10 =	vld [tilespmem:s2+$0x3220];
	[tilespmem:s26+$0x120] =	vst v5  }
0x19d: {  	v5 =	vld [tilespmem:s28+$0x130]  }
0x19e: {  	[tilespmem:s13+$0xFFFFFE70] =	vst v8;
	(v2sf) =	vpush v0, $0x6;
	v6 =	vadd.f32 v9, v6;
	v8 =	vld [tilespmem:s9+$0x3230]  }
0x19f: {  	v9 =	vld [tilespmem:s6+$0xFFFFFE80];
	s12 =	spop (v2sf)  }
0x1a0: {  	v11 =	vld [tilespmem:s12+$0x3200];
	[tilespmem:s29+$0x40] =	vst v6  }
0x1a1: {  	v6 =	vadd.f32 v10, v7;
	v7 =	vld [tilespmem:s30+$0x50]  }
0x1a2: {  	s6 =	sadd.s32 $0x400, s6;
	v10 =	vld [tilespmem:s4+$0x3210]  }
0x1a3: {  	v12 =	vld [tilespmem:s6+$0xFFFFFE00];
	[tilespmem:s1+$0xFFFFFF60] =	vst v6;
	v5 =	vadd.f32 v8, v5  }
0x1a4: {  	v6 =	vld [tilespmem:s31+$0xFFFFFF70]  }
0x1a5: {  	v8 =	vadd.f32 v11, v9;
	v9 =	vld [tilespmem:s2+$0x3230];
	[tilespmem:s26+$0x130] =	vst v5  }
0x1a6: {  	v5 =	vld [tilespmem:s28+$0x140];
	s10 =	spop (v2sf)  }
0x1a7: {  	[tilespmem:s13+$0xFFFFFE80] =	vst v8;
	v7 =	vadd.f32 v10, v7;
	v8 =	vld [tilespmem:s10+$0x3200]  }
0x1a8: {  	v10 =	vld [tilespmem:s11+$0xFFFFFE90]  }
0x1a9: {  	v11 =	vld [tilespmem:s12+$0x3210];
	[tilespmem:s29+$0x50] =	vst v7  }
0x1aa: {  	v6 =	vadd.f32 v9, v6;
	v7 =	vld [tilespmem:s30+$0x60]  }
0x1ab: {  	s2 =	spop (v2sf);
	v9 =	vld [tilespmem:s4+$0x3220]  }
0x1ac: {  	v13 =	vld [tilespmem:s2+$0x3200];
	[tilespmem:s1+$0xFFFFFF70] =	vst v6;
	v5 =	vadd.f32 v8, v5  }
0x1ad: {  	v6 =	vld [tilespmem:s31+$0xFFFFFF80];
	s9 =	spop (v2sf);
	(v2sf) =	vpush v2, $0xA  }
0x1ae: {  	v8 =	vadd.f32 v11, v10;
	v10 =	vld [tilespmem:s9+$0x3200];
	[tilespmem:s26+$0x140] =	vst v5  }
0x1af: {  	v5 =	vld [tilespmem:s28+$0x150]  }
0x1b0: {  	[tilespmem:s13+$0xFFFFFE90] =	vst v8;
	v7 =	vadd.f32 v9, v7;
	v8 =	vld [tilespmem:s10+$0x3210]  }
0x1b1: {  	v9 =	vld [tilespmem:s11+$0xFFFFFEA0]  }
0x1b2: {  	v11 =	vadd.f32 v13, v12;
	v12 =	vld [tilespmem:s12+$0x3220];
	[tilespmem:s29+$0x60] =	vst v7  }
0x1b3: {  	s13 =	sadd.s32 $0x400, s13;
	v6 =	vadd.f32 v10, v6;
	v7 =	vld [tilespmem:s30+$0x70]  }
0x1b4: {  	[tilespmem:s13+$0xFFFFFE00] =	vst v11;
	(v2sf) =	vpush v1, $0x3;
	v10 =	vld [tilespmem:s4+$0x3230]  }
0x1b5: {  	v11 =	vld [tilespmem:s6+$0xFFFFFE10];
	[tilespmem:s1+$0xFFFFFF80] =	vst v6;
	v5 =	vadd.f32 v8, v5  }
0x1b6: {  	v6 =	vld [tilespmem:s31+$0xFFFFFF90]  }
0x1b7: {  	v8 =	vadd.f32 v12, v9;
	v9 =	vld [tilespmem:s9+$0x3210];
	[tilespmem:s26+$0x150] =	vst v5  }
0x1b8: {  	v5 =	vld [tilespmem:s28+$0x160]  }
0x1b9: {  	[tilespmem:s0+$0xFFFFFEA0] =	vst v8;
	v7 =	vadd.f32 v10, v7;
	v8 =	vld [tilespmem:s10+$0x3220]  }
0x1ba: {  	v10 =	vld [tilespmem:s11+$0xFFFFFEB0]  }
0x1bb: {  	v12 =	vld [tilespmem:s12+$0x3230];
	[tilespmem:s29+$0x70] =	vst v7;
	(v2sf) =	vpush v3, $0xE  }
0x1bc: {  	v6 =	vadd.f32 v9, v6;
	v7 =	vld [tilespmem:s30+$0x80];
	s12 =	spop (v2sf)  }
0x1bd: {  	v9 =	vld [tilespmem:s12+$0x3200]  }
0x1be: {  	v13 =	vld [tilespmem:s2+$0x3210];
	[tilespmem:s1+$0xFFFFFF90] =	vst v6;
	v5 =	vadd.f32 v8, v5  }
0x1bf: {  	v6 =	vld [tilespmem:s31+$0xFFFFFFA0]  }
0x1c0: {  	v8 =	vadd.f32 v12, v10;
	v10 =	vld [tilespmem:s9+$0x3220];
	[tilespmem:s26+$0x160] =	vst v5  }
0x1c1: {  	v5 =	vld [tilespmem:s28+$0x170]  }
0x1c2: {  	[tilespmem:s0+$0xFFFFFEB0] =	vst v8;
	(v2sf) =	vpush v0, $0x7;
	v7 =	vadd.f32 v9, v7;
	v8 =	vld [tilespmem:s10+$0x3230]  }
0x1c3: {  	v9 =	vld [tilespmem:s11+$0xFFFFFEC0];
	s10 =	spop (v2sf)  }
0x1c4: {  	v11 =	vadd.f32 v13, v11;
	v12 =	vld [tilespmem:s10+$0x3200];
	[tilespmem:s29+$0x80] =	vst v7  }
0x1c5: {  	v6 =	vadd.f32 v10, v6;
	v7 =	vld [tilespmem:s30+$0x90]  }
0x1c6: {  	[tilespmem:s13+$0xFFFFFE10] =	vst v11;
	v10 =	vld [tilespmem:s12+$0x3210]  }
0x1c7: {  	v11 =	vld [tilespmem:s6+$0xFFFFFE20];
	[tilespmem:s1+$0xFFFFFFA0] =	vst v6;
	v5 =	vadd.f32 v8, v5  }
0x1c8: {  	v6 =	vld [tilespmem:s31+$0xFFFFFFB0]  }
0x1c9: {  	v8 =	vadd.f32 v12, v9;
	v9 =	vld [tilespmem:s9+$0x3230];
	[tilespmem:s26+$0x170] =	vst v5  }
0x1ca: {  	v5 =	vld [tilespmem:s28+$0x180];
	s9 =	spop (v2sf)  }
0x1cb: {  	[tilespmem:s0+$0xFFFFFEC0] =	vst v8;
	v7 =	vadd.f32 v10, v7;
	v8 =	vld [tilespmem:s9+$0x3200]  }
0x1cc: {  	v10 =	vld [tilespmem:s11+$0xFFFFFED0]  }
0x1cd: {  	v12 =	vld [tilespmem:s10+$0x3210];
	[tilespmem:s29+$0x90] =	vst v7  }
0x1ce: {  	v6 =	vadd.f32 v9, v6;
	v7 =	vld [tilespmem:s30+$0xA0]  }
0x1cf: {  	v9 =	vld [tilespmem:s12+$0x3220]  }
0x1d0: {  	v13 =	vld [tilespmem:s2+$0x3220];
	[tilespmem:s1+$0xFFFFFFB0] =	vst v6;
	v5 =	vadd.f32 v8, v5  }
0x1d1: {  	v6 =	vld [tilespmem:s31+$0xFFFFFFC0];
	s4 =	spop (v2sf);
	(v2sf) =	vpush v2, $0xB  }
0x1d2: {  	v8 =	vadd.f32 v12, v10;
	v10 =	vld [tilespmem:s4+$0x3200];
	[tilespmem:s26+$0x180] =	vst v5  }
0x1d3: {  	v5 =	vld [tilespmem:s28+$0x190]  }
0x1d4: {  	[tilespmem:s0+$0xFFFFFED0] =	vst v8;
	v7 =	vadd.f32 v9, v7;
	v8 =	vld [tilespmem:s9+$0x3210]  }
0x1d5: {  	v9 =	vld [tilespmem:s11+$0xFFFFFEE0]  }
0x1d6: {  	v11 =	vadd.f32 v13, v11;
	v12 =	vld [tilespmem:s10+$0x3220];
	[tilespmem:s29+$0xA0] =	vst v7  }
0x1d7: {  	v6 =	vadd.f32 v10, v6;
	v7 =	vld [tilespmem:s30+$0xB0]  }
0x1d8: {  	[tilespmem:s13+$0xFFFFFE20] =	vst v11;
	(v2sf) =	vpush v1, $0x4;
	v10 =	vld [tilespmem:s12+$0x3230]  }
0x1d9: {  	v11 =	vld [tilespmem:s6+$0xFFFFFE30];
	[tilespmem:s1+$0xFFFFFFC0] =	vst v6;
	v5 =	vadd.f32 v8, v5  }
0x1da: {  	v6 =	vld [tilespmem:s31+$0xFFFFFFD0]  }
0x1db: {  	v8 =	vadd.f32 v12, v9;
	v9 =	vld [tilespmem:s4+$0x3210];
	[tilespmem:s26+$0x190] =	vst v5  }
0x1dc: {  	v5 =	vld [tilespmem:s28+$0x1A0]  }
0x1dd: {  	[tilespmem:s0+$0xFFFFFEE0] =	vst v8;
	v7 =	vadd.f32 v10, v7;
	v8 =	vld [tilespmem:s9+$0x3220]  }
0x1de: {  	v10 =	vld [tilespmem:s11+$0xFFFFFEF0]  }
0x1df: {  	v12 =	vld [tilespmem:s10+$0x3230];
	[tilespmem:s29+$0xB0] =	vst v7;
	(v2sf) =	vpush v3, $0xF;
	v3 =	vmovc v2;
	v2 =	vmovc v0;
	v0 =	vmov v1;
	v1 =	vmov v4  }
0x1e0: {  	v4 =	vadd.f32 v9, v6;
	v6 =	vld [tilespmem:s30+$0xC0];
	s12 =	spop (v2sf)  }
0x1e1: {  	v7 =	vld [tilespmem:s12+$0x3200]  }
0x1e2: {  	v9 =	vld [tilespmem:s2+$0x3230];
	[tilespmem:s1+$0xFFFFFFD0] =	vst v4;
	v4 =	vadd.f32 v8, v5  }
0x1e3: {  	v5 =	vld [tilespmem:s31+$0xFFFFFFE0]  }
0x1e4: {  	(v2sf) =	vpush v1, $0x1;
	v8 =	vadd.f32 v12, v10;
	v10 =	vld [tilespmem:s4+$0x3220];
	[tilespmem:s26+$0x1A0] =	vst v4  }
0x1e5: {  	v4 =	vld [tilespmem:s28+$0x1B0]  }
0x1e6: {  	[tilespmem:s0+$0xFFFFFEF0] =	vst v8;
	(v2sf) =	vpush v2, $0x8;
	v6 =	vadd.f32 v7, v6;
	v7 =	vld [tilespmem:s9+$0x3230]  }
0x1e7: {  	v8 =	vld [tilespmem:s11+$0xFFFFFF00];
	s9 =	spop (v2sf)  }
0x1e8: {  	v9 =	vadd.f32 v9, v11;
	v11 =	vld [tilespmem:s9+$0x3200];
	[tilespmem:s29+$0xC0] =	vst v6  }
0x1e9: {  	v5 =	vadd.f32 v10, v5;
	v6 =	vld [tilespmem:s30+$0xD0]  }
0x1ea: {  	[tilespmem:s13+$0xFFFFFE30] =	vst v9;
	v9 =	vld [tilespmem:s12+$0x3210]  }
0x1eb: {  	v10 =	vld [tilespmem:s6+$0xFFFFFE40];
	[tilespmem:s1+$0xFFFFFFE0] =	vst v5;
	v4 =	vadd.f32 v7, v4  }
0x1ec: {  	v5 =	vld [tilespmem:s31+$0xFFFFFFF0]  }
0x1ed: {  	v7 =	vadd.f32 v11, v8;
	v8 =	vld [tilespmem:s4+$0x3230];
	[tilespmem:s26+$0x1B0] =	vst v4  }
0x1ee: {  	v4 =	vld [tilespmem:s28+$0x1C0];
	s2 =	spop (v2sf)  }
0x1ef: {  	[tilespmem:s0+$0xFFFFFF00] =	vst v7;
	v6 =	vadd.f32 v9, v6;
	v7 =	vld [tilespmem:s2+$0x3200]  }
0x1f0: {  	v9 =	vld [tilespmem:s11+$0xFFFFFF10]  }
0x1f1: {  	v11 =	vld [tilespmem:s9+$0x3210];
	[tilespmem:s29+$0xD0] =	vst v6  }
0x1f2: {  	v5 =	vadd.f32 v8, v5;
	v6 =	vld [tilespmem:s30+$0xE0]  }
0x1f3: {  	s10 =	spop (v2sf);
	v8 =	vld [tilespmem:s12+$0x3220]  }
0x1f4: {  	v12 =	vld [tilespmem:s10+$0x3200];
	[tilespmem:s1+$0xFFFFFFF0] =	vst v5;
	v4 =	vadd.f32 v7, v4  }
0x1f5: {  	v5 =	vld [tilespmem:s31+$0x0];
	s4 =	spop (v2sf);
	(v2sf) =	vpush v3, $0xC  }
0x1f6: {  	v7 =	vadd.f32 v11, v9;
	v9 =	vld [tilespmem:s4+$0x3200];
	[tilespmem:s26+$0x1C0] =	vst v4  }
0x1f7: {  	v4 =	vld [tilespmem:s28+$0x1D0]  }
0x1f8: {  	[tilespmem:s0+$0xFFFFFF10] =	vst v7;
	v6 =	vadd.f32 v8, v6;
	v7 =	vld [tilespmem:s2+$0x3210]  }
0x1f9: {  	v8 =	vld [tilespmem:s11+$0xFFFFFF20]  }
0x1fa: {  	v10 =	vadd.f32 v12, v10;
	v11 =	vld [tilespmem:s9+$0x3220];
	[tilespmem:s29+$0xE0] =	vst v6  }
0x1fb: {  	v5 =	vadd.f32 v9, v5;
	v6 =	vld [tilespmem:s30+$0xF0]  }
0x1fc: {  	[tilespmem:s13+$0xFFFFFE40] =	vst v10;
	(v2sf) =	vpush v0, $0x5;
	v9 =	vld [tilespmem:s12+$0x3230]  }
0x1fd: {  	v10 =	vld [tilespmem:s6+$0xFFFFFE50];
	[tilespmem:s1+$0x0] =	vst v5;
	v4 =	vadd.f32 v7, v4  }
0x1fe: {  	v5 =	vld [tilespmem:s31+$0x10]  }
0x1ff: {  	v7 =	vadd.f32 v11, v8;
	v8 =	vld [tilespmem:s4+$0x3210];
	[tilespmem:s26+$0x1D0] =	vst v4  }
0x200: {  	v4 =	vld [tilespmem:s28+$0x1E0]  }
0x201: {  	[tilespmem:s0+$0xFFFFFF20] =	vst v7;
	v6 =	vadd.f32 v9, v6;
	v7 =	vld [tilespmem:s2+$0x3220]  }
0x202: {  	v9 =	vld [tilespmem:s11+$0xFFFFFF30]  }
0x203: {  	s7 =	sadd.s32 $0x10, s7;
	v11 =	vld [tilespmem:s9+$0x3230];
	[tilespmem:s29+$0xF0] =	vst v6  }
0x204: {  	p1 =	slt.u32 s7, $0x180;
	v5 =	vadd.f32 v8, v5;
	v6 =	vld [tilespmem:s30+$0x100];
	s9 =	spop (v2sf)  }
0x205: {  	v8 =	vld [tilespmem:s9+$0x3200]  }
0x206: {  	v12 =	vld [tilespmem:s10+$0x3210];
	[tilespmem:s1+$0x10] =	vst v5;
	v4 =	vadd.f32 v7, v4  }
0x207: {  	v5 =	vld [tilespmem:s31+$0x20]  }
0x208: {  	v7 =	vadd.f32 v11, v9;
	v9 =	vld [tilespmem:s4+$0x3220];
	[tilespmem:s26+$0x1E0] =	vst v4  }
0x209: {  	v11 =	vld [tilespmem:s28+$0x1F0];
	s28 =	smov.u32 s30;
	s30 =	smov.u32 s31;
	s31 =	smov.u32 s11  }
0x20a: {  	s11 =	smov.u32 s6;
	[tilespmem:s0+$0xFFFFFF30] =	vst v7;
	v4 =	vadd.f32 v8, v6;
	v6 =	vld [tilespmem:s2+$0x3230]  }
0x20b: {  	v7 =	vld [tilespmem:s31+$0xFFFFFF40];
	s2 =	spop (v2sf);
	(v2sf) =	vpush v2, $0x9  }
0x20c: {  	v8 =	vadd.f32 v12, v10;
	v10 =	vld [tilespmem:s2+$0x3200];
	[tilespmem:s29+$0x100] =	vst v4  }
0x20d: {  	v4 =	vld [tilespmem:s28+$0x110]  }
.Ltmp2:
0x20e: {  	v12 =	vadd.f32 v9, v5;
	[tilespmem:s13+$0xFFFFFE50] =	vst v8;
	v5 =	vld [tilespmem:s9+$0x3210];
	(pc) =	sbr.rel @p1 .LBB2_3-.Ltmp2, $4  }
0x20f: {  	v8 =	vld [tilespmem:s6+$0xFFFFFE60];
	v11 =	vadd.f32 v6, v11  }
0x210: {  	v9 =	vld [tilespmem:s10+$0x3220];
	[tilespmem:s1+$0x20] =	vst v12  }
0x211: {  	v10 =	vadd.f32 v10, v7;
	v6 =	vld [tilespmem:s30+$0x30];
	[tilespmem:s26+$0x1F0] =	vst v11;
	s26 =	smov.u32 s29;
	s29 =	smov.u32 s1;
	s1 =	smov.u32 s0  }
0x212: {  	s8 =	sadd.s32 $0x10, s8;
	s0 =	smov.u32 s13;
	(v2sf) =	vpush v1, $0x2;
	v7 =	vld [tilespmem:s4+$0x3230]  }
0x213: {  	_ =	sdelay $0x1  }
0x214: {  	[tilespmem:s1+$0xFFFFFF40] =	vst v10;
	v8 =	vadd.f32 v9, v8  }
0x215: {  	v10 =	vld [tilespmem:s2+$0x3210]  }
0x216: {  	v9 =	vld [tilespmem:s31+$0xFFFFFF50];
	[tilespmem:s13+$0xFFFFFE60] =	vst v8  }
0x217: {  	v8 =	vld [tilespmem:s6+$0xFFFFFE70]  }
0x218: {  	v11 =	vld [tilespmem:s10+$0x3230];
	_ =	sdelay $0x2  }
0x219: {  	v9 =	vadd.f32 v10, v9;
	_ =	sdelay $0x1  }
0x21a: {  	[tilespmem:s1+$0xFFFFFF50] =	vst v9;
	v8 =	vadd.f32 v11, v8  }
0x21b: {  	v9 =	vld [tilespmem:s31+$0xFFFFFF60]  }
0x21c: {  	s17 =	spop (v2sf);
	v10 =	vld [tilespmem:s2+$0x3220];
	[tilespmem:s13+$0xFFFFFE70] =	vst v8  }
0x21d: {  	(v2sf) =	vpush v3, $0xD;
	v8 =	vld [tilespmem:s6+$0xFFFFFE80];
	s4 =	spop (v2sf)  }
0x21e: {  	(v2sf) =	vpush v0, $0x6;
	v11 =	vld [tilespmem:s4+$0x3200];
	_ =	sdelay $0x2  }
0x21f: {  	v9 =	vadd.f32 v10, v9;
	_ =	sdelay $0x1  }
0x220: {  	[tilespmem:s1+$0xFFFFFF60] =	vst v9;
	v8 =	vadd.f32 v11, v8  }
0x221: {  	v9 =	vld [tilespmem:s31+$0xFFFFFF70]  }
0x222: {  	v10 =	vld [tilespmem:s2+$0x3230];
	[tilespmem:s13+$0xFFFFFE80] =	vst v8  }
0x223: {  	v8 =	vld [tilespmem:s11+$0xFFFFFE90]  }
0x224: {  	v11 =	vld [tilespmem:s4+$0x3210];
	_ =	sdelay $0x2  }
0x225: {  	v9 =	vadd.f32 v10, v9;
	_ =	sdelay $0x1  }
0x226: {  	s8 =	spop (v2sf);
	[tilespmem:s1+$0xFFFFFF70] =	vst v9;
	v8 =	vadd.f32 v11, v8  }
0x227: {  	s18 =	spop (v2sf);
	v9 =	vld [tilespmem:s31+$0xFFFFFF80]  }
0x228: {  	v10 =	vld [tilespmem:s18+$0x3200];
	[tilespmem:s13+$0xFFFFFE90] =	vst v8  }
0x229: {  	v8 =	vld [tilespmem:s11+$0xFFFFFEA0]  }
0x22a: {  	v11 =	vld [tilespmem:s4+$0x3220]  }
0x22b: {  	(v2sf) =	vpush v2, $0xA  }
0x22c: {  	(v2sf) =	vpush v1, $0x3  }
0x22d: {  	v9 =	vadd.f32 v10, v9;
	_ =	sdelay $0x1  }
0x22e: {  	[tilespmem:s1+$0xFFFFFF80] =	vst v9;
	v8 =	vadd.f32 v11, v8  }
0x22f: {  	v9 =	vld [tilespmem:s31+$0xFFFFFF90]  }
0x230: {  	v10 =	vld [tilespmem:s18+$0x3210];
	[tilespmem:s0+$0xFFFFFEA0] =	vst v8  }
0x231: {  	v8 =	vld [tilespmem:s11+$0xFFFFFEB0]  }
0x232: {  	v11 =	vld [tilespmem:s4+$0x3230];
	_ =	sdelay $0x2  }
0x233: {  	v9 =	vadd.f32 v10, v9;
	_ =	sdelay $0x1  }
0x234: {  	[tilespmem:s1+$0xFFFFFF90] =	vst v9;
	v8 =	vadd.f32 v11, v8  }
0x235: {  	v9 =	vld [tilespmem:s31+$0xFFFFFFA0]  }
0x236: {  	s19 =	spop (v2sf);
	v10 =	vld [tilespmem:s18+$0x3220];
	[tilespmem:s0+$0xFFFFFEB0] =	vst v8  }
0x237: {  	(v2sf) =	vpush v3, $0xE;
	s20 =	spop (v2sf);
	v8 =	vld [tilespmem:s11+$0xFFFFFEC0]  }
0x238: {  	(v2sf) =	vpush v0, $0x7;
	v11 =	vld [tilespmem:s20+$0x3200];
	_ =	sdelay $0x2  }
0x239: {  	v9 =	vadd.f32 v10, v9;
	_ =	sdelay $0x1  }
0x23a: {  	[tilespmem:s1+$0xFFFFFFA0] =	vst v9;
	v8 =	vadd.f32 v11, v8  }
0x23b: {  	v9 =	vld [tilespmem:s31+$0xFFFFFFB0]  }
0x23c: {  	v10 =	vld [tilespmem:s18+$0x3230];
	[tilespmem:s0+$0xFFFFFEC0] =	vst v8  }
0x23d: {  	v8 =	vld [tilespmem:s11+$0xFFFFFED0]  }
0x23e: {  	v11 =	vld [tilespmem:s20+$0x3210];
	_ =	sdelay $0x2  }
0x23f: {  	v9 =	vadd.f32 v10, v9;
	_ =	sdelay $0x1  }
0x240: {  	s7 =	spop (v2sf);
	[tilespmem:s1+$0xFFFFFFB0] =	vst v9;
	v8 =	vadd.f32 v11, v8  }
0x241: {  	s12 =	spop (v2sf);
	v9 =	vld [tilespmem:s31+$0xFFFFFFC0]  }
0x242: {  	v10 =	vld [tilespmem:s12+$0x3200];
	[tilespmem:s0+$0xFFFFFED0] =	vst v8  }
0x243: {  	v8 =	vld [tilespmem:s11+$0xFFFFFEE0]  }
0x244: {  	v11 =	vld [tilespmem:s20+$0x3220]  }
0x245: {  	(v2sf) =	vpush v2, $0xB  }
0x246: {  	(v2sf) =	vpush v1, $0x4  }
0x247: {  	v9 =	vadd.f32 v10, v9;
	_ =	sdelay $0x1  }
0x248: {  	[tilespmem:s1+$0xFFFFFFC0] =	vst v9;
	v8 =	vadd.f32 v11, v8  }
0x249: {  	v9 =	vld [tilespmem:s31+$0xFFFFFFD0]  }
0x24a: {  	v10 =	vld [tilespmem:s12+$0x3210];
	[tilespmem:s0+$0xFFFFFEE0] =	vst v8  }
0x24b: {  	v8 =	vld [tilespmem:s11+$0xFFFFFEF0]  }
0x24c: {  	v11 =	vld [tilespmem:s20+$0x3230]  }
0x24d: {  	v6 =	vadd.f32 v7, v6;
	_ =	sdelay $0x1  }
0x24e: {  	[tilespmem:s29+$0x30] =	vst v6;
	v6 =	vadd.f32 v10, v9  }
0x24f: {  	v7 =	vld [tilespmem:s30+$0x40]  }
0x250: {  	v9 =	vld [tilespmem:s17+$0x3200];
	[tilespmem:s1+$0xFFFFFFD0] =	vst v6;
	v6 =	vadd.f32 v11, v8  }
0x251: {  	v10 =	vld [tilespmem:s12+$0x3220]  }
0x252: {  	s2 =	spop (v2sf);
	v8 =	vld [tilespmem:s31+$0xFFFFFFE0];
	[tilespmem:s0+$0xFFFFFEF0] =	vst v6  }
0x253: {  	(v2sf) =	vpush v3, $0xF;
	s21 =	spop (v2sf);
	v3 =	vld [tilespmem:s11+$0xFFFFFF00]  }
0x254: {  	(v2sf) =	vpush v0, $0x8;
	v6 =	vld [tilespmem:s21+$0x3200]  }
0x255: {  	v7 =	vadd.f32 v9, v7;
	_ =	sdelay $0x1  }
0x256: {  	[tilespmem:s29+$0x40] =	vst v7;
	v7 =	vadd.f32 v10, v8  }
0x257: {  	v9 =	vld [tilespmem:s17+$0x3210]  }
0x258: {  	v8 =	vld [tilespmem:s30+$0x50];
	[tilespmem:s1+$0xFFFFFFE0] =	vst v7;
	v3 =	vadd.f32 v6, v3  }
0x259: {  	v6 =	vld [tilespmem:s31+$0xFFFFFFF0]  }
0x25a: {  	v7 =	vld [tilespmem:s12+$0x3230];
	[tilespmem:s0+$0xFFFFFF00] =	vst v3  }
0x25b: {  	v3 =	vld [tilespmem:s11+$0xFFFFFF10]  }
0x25c: {  	v10 =	vld [tilespmem:s21+$0x3210]  }
0x25d: {  	v8 =	vadd.f32 v9, v8;
	_ =	sdelay $0x1  }
0x25e: {  	[tilespmem:s29+$0x50] =	vst v8;
	v6 =	vadd.f32 v7, v6  }
0x25f: {  	v7 =	vld [tilespmem:s30+$0x60]  }
0x260: {  	s6 =	spop (v2sf);
	v8 =	vld [tilespmem:s17+$0x3220];
	[tilespmem:s1+$0xFFFFFFF0] =	vst v6;
	v3 =	vadd.f32 v10, v3  }
0x261: {  	s16 =	spop (v2sf);
	v6 =	vld [tilespmem:s31+$0x0]  }
0x262: {  	v9 =	vld [tilespmem:s16+$0x3200];
	[tilespmem:s0+$0xFFFFFF10] =	vst v3  }
0x263: {  	v3 =	vld [tilespmem:s11+$0xFFFFFF20]  }
0x264: {  	v10 =	vld [tilespmem:s21+$0x3220]  }
0x265: {  	(v2sf) =	vpush v2, $0xC;
	v7 =	vadd.f32 v8, v7  }
0x266: {  	(v2sf) =	vpush v1, $0x5  }
0x267: {  	[tilespmem:s29+$0x60] =	vst v7;
	v6 =	vadd.f32 v9, v6  }
0x268: {  	v7 =	vld [tilespmem:s30+$0x70]  }
0x269: {  	v8 =	vld [tilespmem:s17+$0x3230];
	[tilespmem:s1+$0x0] =	vst v6;
	v3 =	vadd.f32 v10, v3  }
0x26a: {  	v6 =	vld [tilespmem:s31+$0x10]  }
0x26b: {  	v9 =	vld [tilespmem:s16+$0x3210];
	[tilespmem:s0+$0xFFFFFF20] =	vst v3  }
0x26c: {  	v3 =	vld [tilespmem:s11+$0xFFFFFF30]  }
0x26d: {  	v10 =	vld [tilespmem:s21+$0x3230]  }
0x26e: {  	v7 =	vadd.f32 v8, v7;
	_ =	sdelay $0x1  }
0x26f: {  	[tilespmem:s29+$0x70] =	vst v7;
	v6 =	vadd.f32 v9, v6  }
0x270: {  	v7 =	vld [tilespmem:s30+$0x80]  }
0x271: {  	v8 =	vld [tilespmem:s19+$0x3200];
	[tilespmem:s1+$0x10] =	vst v6;
	v3 =	vadd.f32 v10, v3  }
0x272: {  	v6 =	vld [tilespmem:s31+$0x20]  }
0x273: {  	s10 =	spop (v2sf);
	v9 =	vld [tilespmem:s16+$0x3220];
	[tilespmem:s0+$0xFFFFFF30] =	vst v3  }
0x274: {  	s17 =	spop (v2sf);
	v3 =	vld [tilespmem:s11+$0xFFFFFF40]  }
0x275: {  	(v2sf) =	vpush v0, $0x9;
	v10 =	vld [tilespmem:s17+$0x3200]  }
0x276: {  	v7 =	vadd.f32 v8, v7;
	_ =	sdelay $0x1  }
0x277: {  	[tilespmem:s29+$0x80] =	vst v7;
	v6 =	vadd.f32 v9, v6  }
0x278: {  	v7 =	vld [tilespmem:s30+$0x90]  }
0x279: {  	v8 =	vld [tilespmem:s19+$0x3210];
	[tilespmem:s1+$0x20] =	vst v6;
	v3 =	vadd.f32 v10, v3  }
0x27a: {  	v6 =	vld [tilespmem:s31+$0x30]  }
0x27b: {  	v9 =	vld [tilespmem:s16+$0x3230];
	[tilespmem:s0+$0xFFFFFF40] =	vst v3  }
0x27c: {  	v3 =	vld [tilespmem:s11+$0xFFFFFF50]  }
0x27d: {  	v10 =	vld [tilespmem:s17+$0x3210]  }
0x27e: {  	v7 =	vadd.f32 v8, v7;
	_ =	sdelay $0x1  }
0x27f: {  	[tilespmem:s29+$0x90] =	vst v7;
	v6 =	vadd.f32 v9, v6  }
0x280: {  	v7 =	vld [tilespmem:s30+$0xA0]  }
0x281: {  	v8 =	vld [tilespmem:s19+$0x3220];
	[tilespmem:s1+$0x30] =	vst v6;
	v3 =	vadd.f32 v10, v3  }
0x282: {  	s18 =	spop (v2sf);
	v6 =	vld [tilespmem:s31+$0x40]  }
0x283: {  	v9 =	vld [tilespmem:s18+$0x3200];
	[tilespmem:s0+$0xFFFFFF50] =	vst v3  }
0x284: {  	v3 =	vld [tilespmem:s11+$0xFFFFFF60]  }
0x285: {  	v10 =	vld [tilespmem:s17+$0x3220]  }
0x286: {  	(v2sf) =	vpush v2, $0xD;
	v7 =	vadd.f32 v8, v7  }
0x287: {  	(v2sf) =	vpush v1, $0x6  }
0x288: {  	[tilespmem:s29+$0xA0] =	vst v7;
	v6 =	vadd.f32 v9, v6  }
0x289: {  	v7 =	vld [tilespmem:s30+$0xB0]  }
0x28a: {  	v8 =	vld [tilespmem:s19+$0x3230];
	[tilespmem:s1+$0x40] =	vst v6;
	v3 =	vadd.f32 v10, v3  }
0x28b: {  	v6 =	vld [tilespmem:s31+$0x50]  }
0x28c: {  	v9 =	vld [tilespmem:s18+$0x3210];
	[tilespmem:s0+$0xFFFFFF60] =	vst v3  }
0x28d: {  	v3 =	vld [tilespmem:s11+$0xFFFFFF70]  }
0x28e: {  	v10 =	vld [tilespmem:s17+$0x3230]  }
0x28f: {  	v7 =	vadd.f32 v8, v7;
	_ =	sdelay $0x1  }
0x290: {  	[tilespmem:s29+$0xB0] =	vst v7;
	v6 =	vadd.f32 v9, v6  }
0x291: {  	v7 =	vld [tilespmem:s30+$0xC0]  }
0x292: {  	v8 =	vld [tilespmem:s2+$0x3200];
	[tilespmem:s1+$0x50] =	vst v6;
	v3 =	vadd.f32 v10, v3  }
0x293: {  	v6 =	vld [tilespmem:s31+$0x60]  }
0x294: {  	s4 =	spop (v2sf);
	v9 =	vld [tilespmem:s18+$0x3220];
	[tilespmem:s0+$0xFFFFFF70] =	vst v3  }
0x295: {  	s19 =	spop (v2sf);
	v3 =	vld [tilespmem:s11+$0xFFFFFF80]  }
0x296: {  	(v2sf) =	vpush v0, $0xA;
	v10 =	vld [tilespmem:s19+$0x3200]  }
0x297: {  	v7 =	vadd.f32 v8, v7;
	_ =	sdelay $0x1  }
0x298: {  	[tilespmem:s29+$0xC0] =	vst v7;
	v6 =	vadd.f32 v9, v6  }
0x299: {  	v7 =	vld [tilespmem:s30+$0xD0]  }
0x29a: {  	v8 =	vld [tilespmem:s2+$0x3210];
	[tilespmem:s1+$0x60] =	vst v6;
	v3 =	vadd.f32 v10, v3  }
0x29b: {  	v6 =	vld [tilespmem:s31+$0x70]  }
0x29c: {  	v9 =	vld [tilespmem:s18+$0x3230];
	[tilespmem:s0+$0xFFFFFF80] =	vst v3  }
0x29d: {  	v3 =	vld [tilespmem:s11+$0xFFFFFF90]  }
0x29e: {  	v10 =	vld [tilespmem:s19+$0x3210]  }
0x29f: {  	v7 =	vadd.f32 v8, v7;
	_ =	sdelay $0x1  }
0x2a0: {  	[tilespmem:s29+$0xD0] =	vst v7;
	v6 =	vadd.f32 v9, v6  }
0x2a1: {  	v7 =	vld [tilespmem:s30+$0xE0]  }
0x2a2: {  	v8 =	vld [tilespmem:s2+$0x3220];
	[tilespmem:s1+$0x70] =	vst v6;
	v3 =	vadd.f32 v10, v3  }
0x2a3: {  	s20 =	spop (v2sf);
	v6 =	vld [tilespmem:s31+$0x80]  }
0x2a4: {  	v9 =	vld [tilespmem:s20+$0x3200];
	[tilespmem:s0+$0xFFFFFF90] =	vst v3  }
0x2a5: {  	v3 =	vld [tilespmem:s11+$0xFFFFFFA0]  }
0x2a6: {  	v10 =	vld [tilespmem:s19+$0x3220]  }
0x2a7: {  	(v2sf) =	vpush v2, $0xE;
	v7 =	vadd.f32 v8, v7  }
0x2a8: {  	(v2sf) =	vpush v1, $0x7  }
0x2a9: {  	[tilespmem:s29+$0xE0] =	vst v7;
	v6 =	vadd.f32 v9, v6  }
0x2aa: {  	v7 =	vld [tilespmem:s30+$0xF0]  }
0x2ab: {  	v8 =	vld [tilespmem:s2+$0x3230];
	[tilespmem:s1+$0x80] =	vst v6;
	v3 =	vadd.f32 v10, v3  }
0x2ac: {  	v6 =	vld [tilespmem:s31+$0x90]  }
0x2ad: {  	v9 =	vld [tilespmem:s20+$0x3210];
	[tilespmem:s0+$0xFFFFFFA0] =	vst v3  }
0x2ae: {  	v3 =	vld [tilespmem:s11+$0xFFFFFFB0]  }
0x2af: {  	v10 =	vld [tilespmem:s19+$0x3230]  }
0x2b0: {  	v7 =	vadd.f32 v8, v7;
	_ =	sdelay $0x1  }
0x2b1: {  	[tilespmem:s29+$0xF0] =	vst v7;
	v6 =	vadd.f32 v9, v6  }
0x2b2: {  	v7 =	vld [tilespmem:s30+$0x100]  }
0x2b3: {  	v8 =	vld [tilespmem:s10+$0x3200];
	[tilespmem:s1+$0x90] =	vst v6;
	v3 =	vadd.f32 v10, v3  }
0x2b4: {  	v6 =	vld [tilespmem:s31+$0xA0]  }
0x2b5: {  	s2 =	spop (v2sf);
	v9 =	vld [tilespmem:s20+$0x3220];
	[tilespmem:s0+$0xFFFFFFB0] =	vst v3  }
0x2b6: {  	s21 =	spop (v2sf);
	v3 =	vld [tilespmem:s11+$0xFFFFFFC0]  }
0x2b7: {  	(v2sf) =	vpush v0, $0xB;
	v10 =	vld [tilespmem:s21+$0x3200]  }
0x2b8: {  	v7 =	vadd.f32 v8, v7;
	_ =	sdelay $0x1  }
0x2b9: {  	[tilespmem:s29+$0x100] =	vst v7;
	v6 =	vadd.f32 v9, v6  }
0x2ba: {  	v7 =	vld [tilespmem:s30+$0x110]  }
0x2bb: {  	v8 =	vld [tilespmem:s10+$0x3210];
	[tilespmem:s1+$0xA0] =	vst v6;
	v3 =	vadd.f32 v10, v3  }
0x2bc: {  	v6 =	vld [tilespmem:s31+$0xB0]  }
0x2bd: {  	v9 =	vld [tilespmem:s20+$0x3230];
	[tilespmem:s0+$0xFFFFFFC0] =	vst v3  }
0x2be: {  	v3 =	vadd.f32 v5, v4;
	v4 =	vld [tilespmem:s11+$0xFFFFFFD0]  }
0x2bf: {  	v5 =	vld [tilespmem:s21+$0x3210]  }
0x2c0: {  	[tilespmem:s26+$0x110] =	vst v3;
	v3 =	vadd.f32 v8, v7  }
0x2c1: {  	v7 =	vld [tilespmem:s28+$0x120]  }
0x2c2: {  	v8 =	vld [tilespmem:s9+$0x3220];
	[tilespmem:s29+$0x110] =	vst v3;
	v3 =	vadd.f32 v9, v6  }
0x2c3: {  	v6 =	vld [tilespmem:s30+$0x120]  }
0x2c4: {  	v9 =	vld [tilespmem:s10+$0x3220];
	[tilespmem:s1+$0xB0] =	vst v3;
	v3 =	vadd.f32 v5, v4  }
0x2c5: {  	s16 =	spop (v2sf);
	v4 =	vld [tilespmem:s31+$0xC0]  }
0x2c6: {  	v5 =	vld [tilespmem:s16+$0x3200];
	[tilespmem:s0+$0xFFFFFFD0] =	vst v3  }
0x2c7: {  	v3 =	vadd.f32 v8, v7;
	v7 =	vld [tilespmem:s11+$0xFFFFFFE0]  }
0x2c8: {  	v8 =	vld [tilespmem:s21+$0x3220]  }
0x2c9: {  	(v2sf) =	vpush v2, $0xF;
	[tilespmem:s26+$0x120] =	vst v3;
	v3 =	vadd.f32 v9, v6  }
0x2ca: {  	(v2sf) =	vpush v1, $0x8;
	v2 =	vld [tilespmem:s9+$0x3230]  }
0x2cb: {  	v6 =	vld [tilespmem:s28+$0x130];
	[tilespmem:s29+$0x120] =	vst v3;
	v3 =	vadd.f32 v5, v4  }
0x2cc: {  	v4 =	vld [tilespmem:s30+$0x130]  }
0x2cd: {  	v5 =	vld [tilespmem:s10+$0x3230];
	[tilespmem:s1+$0xC0] =	vst v3;
	v3 =	vadd.f32 v8, v7  }
0x2ce: {  	v7 =	vld [tilespmem:s31+$0xD0]  }
0x2cf: {  	v8 =	vld [tilespmem:s16+$0x3210];
	[tilespmem:s0+$0xFFFFFFE0] =	vst v3  }
0x2d0: {  	v2 =	vadd.f32 v2, v6;
	v3 =	vld [tilespmem:s11+$0xFFFFFFF0]  }
0x2d1: {  	v6 =	vld [tilespmem:s21+$0x3230]  }
0x2d2: {  	[tilespmem:s26+$0x130] =	vst v2;
	v2 =	vadd.f32 v5, v4  }
0x2d3: {  	v4 =	vld [tilespmem:s28+$0x140]  }
0x2d4: {  	v5 =	vld [tilespmem:s8+$0x3200];
	[tilespmem:s29+$0x130] =	vst v2;
	v2 =	vadd.f32 v8, v7  }
0x2d5: {  	v7 =	vld [tilespmem:s30+$0x140]  }
0x2d6: {  	v8 =	vld [tilespmem:s4+$0x3200];
	[tilespmem:s1+$0xD0] =	vst v2;
	v2 =	vadd.f32 v6, v3  }
0x2d7: {  	v3 =	vld [tilespmem:s31+$0xE0]  }
0x2d8: {  	s17 =	spop (v2sf);
	v6 =	vld [tilespmem:s16+$0x3220];
	[tilespmem:s0+$0xFFFFFFF0] =	vst v2  }
0x2d9: {  	s18 =	spop (v2sf);
	v2 =	vadd.f32 v5, v4;
	v4 =	vld [tilespmem:s11+$0x0]  }
0x2da: {  	(v2sf) =	vpush v0, $0xC;
	v5 =	vld [tilespmem:s18+$0x3200]  }
0x2db: {  	[tilespmem:s26+$0x140] =	vst v2;
	v2 =	vadd.f32 v8, v7  }
0x2dc: {  	v7 =	vld [tilespmem:s28+$0x150]  }
0x2dd: {  	v8 =	vld [tilespmem:s8+$0x3210];
	[tilespmem:s29+$0x140] =	vst v2;
	v2 =	vadd.f32 v6, v3  }
0x2de: {  	v3 =	vld [tilespmem:s30+$0x150]  }
0x2df: {  	v6 =	vld [tilespmem:s4+$0x3210];
	[tilespmem:s1+$0xE0] =	vst v2;
	v2 =	vadd.f32 v5, v4  }
0x2e0: {  	v4 =	vld [tilespmem:s31+$0xF0]  }
0x2e1: {  	v5 =	vld [tilespmem:s16+$0x3230];
	[tilespmem:s0+$0x0] =	vst v2  }
0x2e2: {  	v2 =	vadd.f32 v8, v7;
	v7 =	vld [tilespmem:s11+$0x10]  }
0x2e3: {  	v8 =	vld [tilespmem:s18+$0x3210]  }
0x2e4: {  	[tilespmem:s26+$0x150] =	vst v2;
	v2 =	vadd.f32 v6, v3  }
0x2e5: {  	v3 =	vld [tilespmem:s28+$0x160]  }
0x2e6: {  	v6 =	vld [tilespmem:s8+$0x3220];
	[tilespmem:s29+$0x150] =	vst v2;
	v2 =	vadd.f32 v5, v4  }
0x2e7: {  	v4 =	vld [tilespmem:s30+$0x160]  }
0x2e8: {  	v5 =	vld [tilespmem:s4+$0x3220];
	[tilespmem:s1+$0xF0] =	vst v2;
	v2 =	vadd.f32 v8, v7  }
0x2e9: {  	s19 =	spop (v2sf);
	v7 =	vld [tilespmem:s31+$0x100]  }
0x2ea: {  	v8 =	vld [tilespmem:s19+$0x3200];
	[tilespmem:s0+$0x10] =	vst v2  }
0x2eb: {  	v2 =	vadd.f32 v6, v3;
	v3 =	vld [tilespmem:s11+$0x20]  }
0x2ec: {  	v6 =	vld [tilespmem:s18+$0x3220]  }
0x2ed: {  	[tilespmem:s26+$0x160] =	vst v2;
	v2 =	vadd.f32 v5, v4  }
0x2ee: {  	(v2sf) =	vpush v1, $0x9;
	v4 =	vld [tilespmem:s8+$0x3230]  }
0x2ef: {  	v5 =	vld [tilespmem:s28+$0x170];
	[tilespmem:s29+$0x160] =	vst v2;
	v2 =	vadd.f32 v8, v7  }
0x2f0: {  	v7 =	vld [tilespmem:s30+$0x170]  }
0x2f1: {  	v8 =	vld [tilespmem:s4+$0x3230];
	[tilespmem:s1+$0x100] =	vst v2;
	v2 =	vadd.f32 v6, v3  }
0x2f2: {  	v3 =	vld [tilespmem:s31+$0x110]  }
0x2f3: {  	v6 =	vld [tilespmem:s19+$0x3210];
	[tilespmem:s0+$0x20] =	vst v2  }
0x2f4: {  	v2 =	vadd.f32 v4, v5;
	v4 =	vld [tilespmem:s11+$0x30]  }
0x2f5: {  	v5 =	vld [tilespmem:s18+$0x3230]  }
0x2f6: {  	[tilespmem:s26+$0x170] =	vst v2;
	v2 =	vadd.f32 v8, v7  }
0x2f7: {  	v7 =	vld [tilespmem:s28+$0x180]  }
0x2f8: {  	v8 =	vld [tilespmem:s7+$0x3200];
	[tilespmem:s29+$0x170] =	vst v2;
	v2 =	vadd.f32 v6, v3  }
0x2f9: {  	v3 =	vld [tilespmem:s30+$0x180]  }
0x2fa: {  	v6 =	vld [tilespmem:s2+$0x3200];
	[tilespmem:s1+$0x110] =	vst v2;
	v2 =	vadd.f32 v5, v4  }
0x2fb: {  	v4 =	vld [tilespmem:s31+$0x120]  }
0x2fc: {  	v5 =	vld [tilespmem:s19+$0x3220];
	[tilespmem:s0+$0x30] =	vst v2  }
0x2fd: {  	s20 =	spop (v2sf);
	v2 =	vadd.f32 v8, v7;
	v7 =	vld [tilespmem:s11+$0x40]  }
0x2fe: {  	(v2sf) =	vpush v0, $0xD;
	v8 =	vld [tilespmem:s20+$0x3200]  }
0x2ff: {  	[tilespmem:s26+$0x180] =	vst v2;
	v2 =	vadd.f32 v6, v3  }
0x300: {  	v3 =	vld [tilespmem:s28+$0x190]  }
0x301: {  	v6 =	vld [tilespmem:s7+$0x3210];
	[tilespmem:s29+$0x180] =	vst v2;
	v2 =	vadd.f32 v5, v4  }
0x302: {  	v4 =	vld [tilespmem:s30+$0x190]  }
0x303: {  	v5 =	vld [tilespmem:s2+$0x3210];
	[tilespmem:s1+$0x120] =	vst v2;
	v2 =	vadd.f32 v8, v7  }
0x304: {  	v7 =	vld [tilespmem:s31+$0x130]  }
0x305: {  	v8 =	vld [tilespmem:s19+$0x3230];
	[tilespmem:s0+$0x40] =	vst v2  }
0x306: {  	v2 =	vadd.f32 v6, v3;
	v3 =	vld [tilespmem:s11+$0x50]  }
0x307: {  	v6 =	vld [tilespmem:s20+$0x3210]  }
0x308: {  	[tilespmem:s26+$0x190] =	vst v2;
	v2 =	vadd.f32 v5, v4  }
0x309: {  	v4 =	vld [tilespmem:s28+$0x1A0]  }
0x30a: {  	v5 =	vld [tilespmem:s7+$0x3220];
	[tilespmem:s29+$0x190] =	vst v2;
	v2 =	vadd.f32 v8, v7  }
0x30b: {  	v7 =	vld [tilespmem:s30+$0x1A0]  }
0x30c: {  	v8 =	vld [tilespmem:s2+$0x3220];
	[tilespmem:s1+$0x130] =	vst v2;
	v2 =	vadd.f32 v6, v3  }
0x30d: {  	s21 =	spop (v2sf);
	v3 =	vld [tilespmem:s31+$0x140]  }
0x30e: {  	v6 =	vld [tilespmem:s21+$0x3200];
	[tilespmem:s0+$0x50] =	vst v2  }
0x30f: {  	v2 =	vadd.f32 v5, v4;
	v4 =	vld [tilespmem:s11+$0x60]  }
0x310: {  	v5 =	vld [tilespmem:s20+$0x3220]  }
0x311: {  	[tilespmem:s26+$0x1A0] =	vst v2;
	v2 =	vadd.f32 v8, v7  }
0x312: {  	(v2sf) =	vpush v1, $0xA;
	v7 =	vld [tilespmem:s28+$0x1B0]  }
0x313: {  	v8 =	vld [tilespmem:s7+$0x3230];
	[tilespmem:s29+$0x1A0] =	vst v2;
	v2 =	vadd.f32 v6, v3  }
0x314: {  	v3 =	vld [tilespmem:s30+$0x1B0]  }
0x315: {  	v6 =	vld [tilespmem:s2+$0x3230];
	[tilespmem:s1+$0x140] =	vst v2;
	v2 =	vadd.f32 v5, v4  }
0x316: {  	v4 =	vld [tilespmem:s31+$0x150]  }
0x317: {  	v5 =	vld [tilespmem:s21+$0x3210];
	[tilespmem:s0+$0x60] =	vst v2  }
0x318: {  	v2 =	vadd.f32 v8, v7;
	v7 =	vld [tilespmem:s11+$0x70]  }
0x319: {  	v8 =	vld [tilespmem:s20+$0x3230]  }
0x31a: {  	[tilespmem:s26+$0x1B0] =	vst v2;
	v2 =	vadd.f32 v6, v3  }
0x31b: {  	v3 =	vld [tilespmem:s28+$0x1C0]  }
0x31c: {  	v6 =	vld [tilespmem:s6+$0x3200];
	[tilespmem:s29+$0x1B0] =	vst v2;
	v2 =	vadd.f32 v5, v4  }
0x31d: {  	v4 =	vld [tilespmem:s30+$0x1C0]  }
0x31e: {  	v5 =	vld [tilespmem:s17+$0x3200];
	[tilespmem:s1+$0x150] =	vst v2;
	v2 =	vadd.f32 v8, v7  }
0x31f: {  	v7 =	vld [tilespmem:s31+$0x160]  }
0x320: {  	v8 =	vld [tilespmem:s21+$0x3220];
	[tilespmem:s0+$0x70] =	vst v2  }
0x321: {  	s7 =	spop (v2sf);
	v2 =	vadd.f32 v6, v3;
	v3 =	vld [tilespmem:s11+$0x80]  }
0x322: {  	(v2sf) =	vpush v0, $0xE;
	v6 =	vld [tilespmem:s7+$0x3200]  }
0x323: {  	[tilespmem:s26+$0x1C0] =	vst v2;
	v2 =	vadd.f32 v5, v4  }
0x324: {  	v4 =	vld [tilespmem:s28+$0x1D0]  }
0x325: {  	v5 =	vld [tilespmem:s6+$0x3210];
	[tilespmem:s29+$0x1C0] =	vst v2;
	v2 =	vadd.f32 v8, v7  }
0x326: {  	v7 =	vld [tilespmem:s30+$0x1D0]  }
0x327: {  	v8 =	vld [tilespmem:s17+$0x3210];
	[tilespmem:s1+$0x160] =	vst v2;
	v2 =	vadd.f32 v6, v3  }
0x328: {  	v3 =	vld [tilespmem:s31+$0x170]  }
0x329: {  	v6 =	vld [tilespmem:s21+$0x3230];
	[tilespmem:s0+$0x80] =	vst v2  }
0x32a: {  	v2 =	vadd.f32 v5, v4;
	v4 =	vld [tilespmem:s11+$0x90]  }
0x32b: {  	v5 =	vld [tilespmem:s7+$0x3210]  }
0x32c: {  	[tilespmem:s26+$0x1D0] =	vst v2;
	v2 =	vadd.f32 v8, v7  }
0x32d: {  	v7 =	vld [tilespmem:s28+$0x1E0]  }
0x32e: {  	v8 =	vld [tilespmem:s6+$0x3220];
	[tilespmem:s29+$0x1D0] =	vst v2;
	v2 =	vadd.f32 v6, v3  }
0x32f: {  	v3 =	vld [tilespmem:s30+$0x1E0]  }
0x330: {  	v6 =	vld [tilespmem:s17+$0x3220];
	[tilespmem:s1+$0x170] =	vst v2;
	v2 =	vadd.f32 v5, v4  }
0x331: {  	s8 =	spop (v2sf);
	v4 =	vld [tilespmem:s31+$0x180]  }
0x332: {  	v5 =	vld [tilespmem:s8+$0x3200];
	[tilespmem:s0+$0x90] =	vst v2  }
0x333: {  	v2 =	vadd.f32 v8, v7;
	v7 =	vld [tilespmem:s11+$0xA0]  }
0x334: {  	v8 =	vld [tilespmem:s7+$0x3220]  }
0x335: {  	[tilespmem:s26+$0x1E0] =	vst v2;
	v2 =	vadd.f32 v6, v3  }
0x336: {  	(v2sf) =	vpush v1, $0xB;
	v3 =	vld [tilespmem:s28+$0x1F0]  }
0x337: {  	v6 =	vld [tilespmem:s6+$0x3230];
	[tilespmem:s29+$0x1E0] =	vst v2;
	v2 =	vadd.f32 v5, v4  }
0x338: {  	v4 =	vld [tilespmem:s30+$0x1F0]  }
0x339: {  	v5 =	vld [tilespmem:s17+$0x3230];
	[tilespmem:s1+$0x180] =	vst v2;
	v2 =	vadd.f32 v8, v7  }
0x33a: {  	v7 =	vld [tilespmem:s31+$0x190]  }
0x33b: {  	v8 =	vld [tilespmem:s8+$0x3210];
	[tilespmem:s0+$0xA0] =	vst v2  }
0x33c: {  	v2 =	vld [tilespmem:s11+$0xB0]  }
0x33d: {  	v9 =	vld [tilespmem:s7+$0x3230];
	_ =	sdelay $0x1  }
0x33e: {  	v3 =	vadd.f32 v6, v3  }
0x33f: {  	v4 =	vadd.f32 v5, v4  }
0x340: {  	[tilespmem:s26+$0x1F0] =	vst v3;
	v3 =	vadd.f32 v8, v7  }
0x341: {  	[tilespmem:s29+$0x1F0] =	vst v4;
	v2 =	vadd.f32 v9, v2  }
0x342: {  	[tilespmem:s1+$0x190] =	vst v3  }
0x343: {  	v3 =	vld [tilespmem:s31+$0x1A0];
	[tilespmem:s0+$0xB0] =	vst v2  }
0x344: {  	s10 =	spop (v2sf);
	v2 =	vld [tilespmem:s11+$0xC0]  }
0x345: {  	v4 =	vld [tilespmem:s10+$0x3200];
	_ =	sdelay $0x4  }
0x346: {  	v2 =	vadd.f32 v4, v2;
	_ =	sdelay $0x1  }
0x347: {  	[tilespmem:s0+$0xC0] =	vst v2  }
0x348: {  	v2 =	vld [tilespmem:s11+$0xD0]  }
0x349: {  	v4 =	vld [tilespmem:s10+$0x3210];
	_ =	sdelay $0x4  }
0x34a: {  	v2 =	vadd.f32 v4, v2;
	_ =	sdelay $0x1  }
0x34b: {  	[tilespmem:s0+$0xD0] =	vst v2  }
0x34c: {  	v2 =	vld [tilespmem:s11+$0xE0]  }
0x34d: {  	v4 =	vld [tilespmem:s10+$0x3220]  }
0x34e: {  	(v2sf) =	vpush v0, $0xF  }
0x34f: {  	(v2sf) =	vpush v1, $0xC;
	_ =	sdelay $0x2  }
0x350: {  	v0 =	vadd.f32 v4, v2;
	_ =	sdelay $0x1  }
0x351: {  	[tilespmem:s0+$0xE0] =	vst v0  }
0x352: {  	v0 =	vld [tilespmem:s11+$0xF0]  }
0x353: {  	v2 =	vld [tilespmem:s10+$0x3230];
	_ =	sdelay $0x4  }
0x354: {  	v0 =	vadd.f32 v2, v0;
	_ =	sdelay $0x1  }
0x355: {  	s12 =	spop (v2sf);
	[tilespmem:s0+$0xF0] =	vst v0  }
0x356: {  	s13 =	spop (v2sf);
	v0 =	vld [tilespmem:s11+$0x100]  }
0x357: {  	v2 =	vld [tilespmem:s13+$0x3200];
	_ =	sdelay $0x4  }
0x358: {  	v0 =	vadd.f32 v2, v0;
	_ =	sdelay $0x1  }
0x359: {  	[tilespmem:s0+$0x100] =	vst v0  }
0x35a: {  	v0 =	vld [tilespmem:s11+$0x110]  }
0x35b: {  	v2 =	vld [tilespmem:s13+$0x3210];
	_ =	sdelay $0x4  }
0x35c: {  	v0 =	vadd.f32 v2, v0;
	_ =	sdelay $0x1  }
0x35d: {  	[tilespmem:s0+$0x110] =	vst v0  }
0x35e: {  	v0 =	vld [tilespmem:s11+$0x120]  }
0x35f: {  	v2 =	vld [tilespmem:s13+$0x3220];
	_ =	sdelay $0x1  }
0x360: {  	(v2sf) =	vpush v1, $0xD;
	_ =	sdelay $0x2  }
0x361: {  	v0 =	vadd.f32 v2, v0;
	_ =	sdelay $0x1  }
0x362: {  	[tilespmem:s0+$0x120] =	vst v0  }
0x363: {  	v0 =	vld [tilespmem:s11+$0x130]  }
0x364: {  	v2 =	vld [tilespmem:s13+$0x3230];
	_ =	sdelay $0x4  }
0x365: {  	v0 =	vadd.f32 v2, v0;
	_ =	sdelay $0x1  }
0x366: {  	[tilespmem:s0+$0x130] =	vst v0  }
0x367: {  	s16 =	spop (v2sf);
	v0 =	vld [tilespmem:s11+$0x140]  }
0x368: {  	v2 =	vld [tilespmem:s16+$0x3200];
	_ =	sdelay $0x4  }
0x369: {  	v0 =	vadd.f32 v2, v0;
	_ =	sdelay $0x1  }
0x36a: {  	[tilespmem:s0+$0x140] =	vst v0  }
0x36b: {  	v0 =	vld [tilespmem:s11+$0x150]  }
0x36c: {  	v2 =	vld [tilespmem:s16+$0x3210];
	_ =	sdelay $0x4  }
0x36d: {  	v0 =	vadd.f32 v2, v0;
	_ =	sdelay $0x1  }
0x36e: {  	[tilespmem:s0+$0x150] =	vst v0  }
0x36f: {  	v0 =	vld [tilespmem:s11+$0x160]  }
0x370: {  	v2 =	vld [tilespmem:s16+$0x3220];
	_ =	sdelay $0x1  }
0x371: {  	(v2sf) =	vpush v1, $0xE;
	_ =	sdelay $0x2  }
0x372: {  	v0 =	vadd.f32 v2, v0;
	_ =	sdelay $0x1  }
0x373: {  	[tilespmem:s0+$0x160] =	vst v0  }
0x374: {  	v0 =	vld [tilespmem:s11+$0x170]  }
0x375: {  	v2 =	vld [tilespmem:s16+$0x3230];
	_ =	sdelay $0x4  }
0x376: {  	v0 =	vadd.f32 v2, v0;
	_ =	sdelay $0x1  }
0x377: {  	[tilespmem:s0+$0x170] =	vst v0  }
0x378: {  	s17 =	spop (v2sf);
	v0 =	vld [tilespmem:s11+$0x180]  }
0x379: {  	v2 =	vld [tilespmem:s17+$0x3200];
	_ =	sdelay $0x4  }
0x37a: {  	v0 =	vadd.f32 v2, v0;
	_ =	sdelay $0x1  }
0x37b: {  	[tilespmem:s0+$0x180] =	vst v0  }
0x37c: {  	v0 =	vld [tilespmem:s11+$0x190]  }
0x37d: {  	v2 =	vld [tilespmem:s17+$0x3210];
	_ =	sdelay $0x4  }
0x37e: {  	v0 =	vadd.f32 v2, v0;
	_ =	sdelay $0x1  }
0x37f: {  	v2 =	vld [tilespmem:s8+$0x3220];
	[tilespmem:s0+$0x190] =	vst v0  }
0x380: {  	v0 =	vld [tilespmem:s11+$0x1A0]  }
0x381: {  	v4 =	vld [tilespmem:s17+$0x3220];
	_ =	sdelay $0x1  }
0x382: {  	(v2sf) =	vpush v1, $0xF  }
0x383: {  	v1 =	vadd.f32 v2, v3;
	_ =	sdelay $0x1  }
0x384: {  	[tilespmem:s1+$0x1A0] =	vst v1;
	v0 =	vadd.f32 v4, v0  }
0x385: {  	v1 =	vld [tilespmem:s31+$0x1B0]  }
0x386: {  	v2 =	vld [tilespmem:s8+$0x3230];
	[tilespmem:s0+$0x1A0] =	vst v0  }
0x387: {  	v0 =	vld [tilespmem:s11+$0x1B0]  }
0x388: {  	v3 =	vld [tilespmem:s17+$0x3230];
	_ =	sdelay $0x2  }
0x389: {  	v1 =	vadd.f32 v2, v1;
	_ =	sdelay $0x1  }
0x38a: {  	[tilespmem:s1+$0x1B0] =	vst v1;
	v0 =	vadd.f32 v3, v0  }
0x38b: {  	v1 =	vld [tilespmem:s31+$0x1C0]  }
0x38c: {  	v2 =	vld [tilespmem:s12+$0x3200];
	[tilespmem:s0+$0x1B0] =	vst v0  }
0x38d: {  	s18 =	spop (v2sf);
	v0 =	vld [tilespmem:s11+$0x1C0]  }
0x38e: {  	v3 =	vld [tilespmem:s18+$0x3200];
	_ =	sdelay $0x2  }
0x38f: {  	v1 =	vadd.f32 v2, v1;
	_ =	sdelay $0x1  }
0x390: {  	[tilespmem:s1+$0x1C0] =	vst v1;
	v0 =	vadd.f32 v3, v0  }
0x391: {  	v1 =	vld [tilespmem:s31+$0x1D0]  }
0x392: {  	v2 =	vld [tilespmem:s12+$0x3210];
	[tilespmem:s0+$0x1C0] =	vst v0  }
0x393: {  	v0 =	vld [tilespmem:s11+$0x1D0]  }
0x394: {  	v3 =	vld [tilespmem:s18+$0x3210];
	_ =	sdelay $0x2  }
0x395: {  	v1 =	vadd.f32 v2, v1;
	_ =	sdelay $0x1  }
0x396: {  	[tilespmem:s1+$0x1D0] =	vst v1;
	v0 =	vadd.f32 v3, v0  }
0x397: {  	v1 =	vld [tilespmem:s31+$0x1E0]  }
0x398: {  	v2 =	vld [tilespmem:s12+$0x3220];
	[tilespmem:s0+$0x1D0] =	vst v0  }
0x399: {  	v0 =	vld [tilespmem:s11+$0x1E0]  }
0x39a: {  	v3 =	vld [tilespmem:s18+$0x3220];
	_ =	sdelay $0x2  }
0x39b: {  	v1 =	vadd.f32 v2, v1;
	_ =	sdelay $0x1  }
0x39c: {  	[tilespmem:s1+$0x1E0] =	vst v1;
	v0 =	vadd.f32 v3, v0  }
0x39d: {  	v1 =	vld [tilespmem:s31+$0x1F0]  }
0x39e: {  	v2 =	vld [tilespmem:s12+$0x3230];
	[tilespmem:s0+$0x1E0] =	vst v0  }
0x39f: {  	v0 =	vld [tilespmem:s11+$0x1F0]  }
0x3a0: {  	v3 =	vld [tilespmem:s18+$0x3230];
	_ =	sdelay $0x2  }
0x3a1: {  	v1 =	vadd.f32 v2, v1  }
0x3a2: {  	p1 =	seq.s32 s24, $0x7  }
0x3a3: {  	s19 =	sadd.s32 s3, s25;
	[tilespmem:s1+$0x1F0] =	vst v1;
	s1 =	smul.u32 @!p1 $0xC80, s24;
	v0 =	vadd.f32 v3, v0  }
0x3a4: {  	s4 =	simm.s32 $0x2;
	s20 =	sshll.u32 s19, $0x3  }
0x3a5: {  	s21 =	sadd.s32 s14, s20;
	s26 =	simm.s32 $0xFD00;
	[tilespmem:s0+$0x1F0] =	vst v0;
	s0 =	sshra.s32 @!p1 s1, $0x2  }
0x3a6: {  	[hbm4b:s21+s15] =	stream.linear.scatter [tilespmem:s26], [sflag:$0x3], $0x6400, $0x38;
	[tilespmem:$0x1C500] =	vst v63  }
0x3a7: {  	s2 =	simm.s32 @!p1 $0x3500;
	s1 =	simm.s32 @!p1 $0x190;
	s0 =	sadd.s32 @!p1 $0x320, s0  }
0x3a8: {  	[tilespmem:s2], [sflag:$0x1] =	stream.indirect.gather @!p1 [hbm4b:s5+s1], $0x40, s0, s1, $0xb8;
	[tilespmem:$0x1C500] =	vst v63  }
0x3a9: {  	_ =	swait.ge [sflag:s4], $0x6400  }
0x3aa: {  	[sflag:s4] =	ssyncset.done $0x0  }
0x3ab: {  	s0 =	simm.s32 @!p0 $0x4;
	[sflag:s4] =	ssyncadd.s32 $0xFFFF9C00  }
0x3ac: {  	_ =	swait.ge @!p0 [sflag:s0], $0x6400  }
0x3ad: {  	[sflag:s0] =	ssyncset.done @!p0 $0x0  }
0x3ae: {  	[sflag:s0] =	ssyncadd.s32 @!p0 $0xFFFF9C00  }
0x3af: {  	v0 =	vld [tilespmem:s23+$0x0];
	_ =	sdelay $0x4  }
0x3b0: {  	v0 =	vshll.u32 v0, $0x8  }
0x3b1: {  	v3 =	vshra.s32 v0, $0x2  }
0x3b2: {  	(v2sf) =	vpush v3, $0x0;
	_ =	sdelay $0xd  }
0x3b3: {  	s28 =	simm.s32 $0x9B00  }
0x3b4: {  	v0 =	vld [tilespmem:s28+$0xFFFFFE00];
	s6 =	spop (v2sf)  }
0x3b5: {  	v1 =	vld [tilespmem:s6+$0x3200];
	_ =	sdelay $0x4  }
0x3b6: {  	v0 =	vadd.f32 v1, v0  }
0x3b7: {  	s26 =	simm.s32 $0x16300  }
0x3b8: {  	[tilespmem:s26+$0xFFFFFE00] =	vst v0  }
0x3b9: {  	v0 =	vld [tilespmem:s28+$0xFFFFFE10]  }
0x3ba: {  	v1 =	vld [tilespmem:s6+$0x3210];
	_ =	sdelay $0x4  }
0x3bb: {  	v0 =	vadd.f32 v1, v0;
	_ =	sdelay $0x1  }
0x3bc: {  	[tilespmem:s26+$0xFFFFFE10] =	vst v0  }
0x3bd: {  	v0 =	vld [tilespmem:s28+$0xFFFFFE20]  }
0x3be: {  	v1 =	vld [tilespmem:s6+$0x3220];
	_ =	sdelay $0x1  }
0x3bf: {  	(v2sf) =	vpush v3, $0x1;
	_ =	sdelay $0x2  }
0x3c0: {  	v0 =	vadd.f32 v1, v0;
	_ =	sdelay $0x1  }
0x3c1: {  	[tilespmem:s26+$0xFFFFFE20] =	vst v0  }
0x3c2: {  	v0 =	vld [tilespmem:s28+$0xFFFFFE30]  }
0x3c3: {  	v1 =	vld [tilespmem:s6+$0x3230];
	_ =	sdelay $0x4  }
0x3c4: {  	v0 =	vadd.f32 v1, v0;
	_ =	sdelay $0x1  }
0x3c5: {  	[tilespmem:s26+$0xFFFFFE30] =	vst v0  }
0x3c6: {  	s7 =	spop (v2sf);
	v0 =	vld [tilespmem:s28+$0xFFFFFE40]  }
0x3c7: {  	v1 =	vld [tilespmem:s7+$0x3200];
	_ =	sdelay $0x4  }
0x3c8: {  	v0 =	vadd.f32 v1, v0;
	_ =	sdelay $0x1  }
0x3c9: {  	[tilespmem:s26+$0xFFFFFE40] =	vst v0  }
0x3ca: {  	v0 =	vld [tilespmem:s28+$0xFFFFFE50]  }
0x3cb: {  	v1 =	vld [tilespmem:s7+$0x3210];
	_ =	sdelay $0x4  }
0x3cc: {  	v0 =	vadd.f32 v1, v0;
	_ =	sdelay $0x1  }
0x3cd: {  	[tilespmem:s26+$0xFFFFFE50] =	vst v0  }
0x3ce: {  	v0 =	vld [tilespmem:s28+$0xFFFFFE60]  }
0x3cf: {  	v1 =	vld [tilespmem:s7+$0x3220];
	_ =	sdelay $0x1  }
0x3d0: {  	(v2sf) =	vpush v3, $0x2;
	_ =	sdelay $0x2  }
0x3d1: {  	v0 =	vadd.f32 v1, v0;
	_ =	sdelay $0x1  }
0x3d2: {  	[tilespmem:s26+$0xFFFFFE60] =	vst v0  }
0x3d3: {  	v0 =	vld [tilespmem:s28+$0xFFFFFE70]  }
0x3d4: {  	v1 =	vld [tilespmem:s7+$0x3230];
	_ =	sdelay $0x4  }
0x3d5: {  	v0 =	vadd.f32 v1, v0;
	_ =	sdelay $0x1  }
0x3d6: {  	[tilespmem:s26+$0xFFFFFE70] =	vst v0  }
0x3d7: {  	s8 =	spop (v2sf);
	v0 =	vld [tilespmem:s28+$0xFFFFFE80]  }
0x3d8: {  	v1 =	vld [tilespmem:s8+$0x3200];
	_ =	sdelay $0x4  }
0x3d9: {  	v0 =	vadd.f32 v1, v0;
	_ =	sdelay $0x1  }
0x3da: {  	[tilespmem:s26+$0xFFFFFE80] =	vst v0  }
0x3db: {  	v0 =	vld [tilespmem:s28+$0xFFFFFE90]  }
0x3dc: {  	v1 =	vld [tilespmem:s8+$0x3210];
	_ =	sdelay $0x1  }
0x3dd: {  	s9 =	sadd.s32 $0x10, s23  }
0x3de: {  	v2 =	vld [tilespmem:s9+$0x0];
	_ =	sdelay $0x1  }
0x3df: {  	v0 =	vadd.f32 v1, v0;
	_ =	sdelay $0x1  }
0x3e0: {  	[tilespmem:s26+$0xFFFFFE90] =	vst v0  }
0x3e1: {  	v0 =	vshll.u32 v2, $0x8;
	v1 =	vld [tilespmem:s28+$0xFFFFFEA0]  }
0x3e2: {  	v2 =	vshra.s32 v0, $0x2;
	v0 =	vld [tilespmem:s8+$0x3220]  }
0x3e3: {  	(v2sf) =	vpush v2, $0x0  }
0x3e4: {  	(v2sf) =	vpush v3, $0x3;
	_ =	sdelay $0x2  }
0x3e5: {  	v0 =	vadd.f32 v0, v1;
	_ =	sdelay $0x1  }
0x3e6: {  	[tilespmem:s26+$0xFFFFFEA0] =	vst v0  }
0x3e7: {  	v0 =	vld [tilespmem:s28+$0xFFFFFEB0]  }
0x3e8: {  	v1 =	vld [tilespmem:s8+$0x3230];
	_ =	sdelay $0x4  }
0x3e9: {  	v0 =	vadd.f32 v1, v0;
	_ =	sdelay $0x1  }
0x3ea: {  	[tilespmem:s26+$0xFFFFFEB0] =	vst v0;
	s10 =	spop (v2sf)  }
0x3eb: {  	v0 =	vld [tilespmem:s28+$0xFFFFFEC0];
	s11 =	spop (v2sf)  }
0x3ec: {  	v1 =	vld [tilespmem:s11+$0x3200];
	_ =	sdelay $0x4  }
0x3ed: {  	v0 =	vadd.f32 v1, v0;
	_ =	sdelay $0x1  }
0x3ee: {  	[tilespmem:s26+$0xFFFFFEC0] =	vst v0  }
0x3ef: {  	v0 =	vld [tilespmem:s28+$0xFFFFFED0]  }
0x3f0: {  	v1 =	vld [tilespmem:s11+$0x3210];
	_ =	sdelay $0x4  }
0x3f1: {  	v0 =	vadd.f32 v1, v0;
	_ =	sdelay $0x1  }
0x3f2: {  	[tilespmem:s26+$0xFFFFFED0] =	vst v0  }
0x3f3: {  	v0 =	vld [tilespmem:s28+$0xFFFFFEE0]  }
0x3f4: {  	v1 =	vld [tilespmem:s11+$0x3220];
	_ =	sdelay $0x1  }
0x3f5: {  	s30 =	simm.s32 $0x9F00;
	(v2sf) =	vpush v3, $0x4  }
0x3f6: {  	v4 =	vld [tilespmem:s30+$0xFFFFFE00]  }
0x3f7: {  	v5 =	vld [tilespmem:s10+$0x3200]  }
0x3f8: {  	v0 =	vadd.f32 v1, v0;
	_ =	sdelay $0x1  }
0x3f9: {  	[tilespmem:s26+$0xFFFFFEE0] =	vst v0  }
0x3fa: {  	v0 =	vld [tilespmem:s28+$0xFFFFFEF0]  }
0x3fb: {  	v1 =	vadd.f32 v5, v4;
	v4 =	vld [tilespmem:s11+$0x3230]  }
0x3fc: {  	s29 =	simm.s32 $0x16700  }
0x3fd: {  	[tilespmem:s29+$0xFFFFFE00] =	vst v1  }
0x3fe: {  	v1 =	vld [tilespmem:s30+$0xFFFFFE10]  }
0x3ff: {  	v5 =	vld [tilespmem:s10+$0x3210]  }
0x400: {  	v0 =	vadd.f32 v4, v0;
	_ =	sdelay $0x1  }
0x401: {  	[tilespmem:s26+$0xFFFFFEF0] =	vst v0  }
0x402: {  	s12 =	spop (v2sf);
	v0 =	vld [tilespmem:s28+$0xFFFFFF00]  }
0x403: {  	v1 =	vadd.f32 v5, v1;
	v4 =	vld [tilespmem:s12+$0x3200];
	_ =	sdelay $0x1  }
0x404: {  	[tilespmem:s29+$0xFFFFFE10] =	vst v1  }
0x405: {  	v1 =	vld [tilespmem:s30+$0xFFFFFE20]  }
0x406: {  	v5 =	vld [tilespmem:s10+$0x3220]  }
0x407: {  	v0 =	vadd.f32 v4, v0  }
0x408: {  	(v2sf) =	vpush v2, $0x1  }
0x409: {  	[tilespmem:s26+$0xFFFFFF00] =	vst v0  }
0x40a: {  	v0 =	vld [tilespmem:s28+$0xFFFFFF10]  }
0x40b: {  	v1 =	vadd.f32 v5, v1;
	v4 =	vld [tilespmem:s12+$0x3210];
	_ =	sdelay $0x1  }
0x40c: {  	[tilespmem:s29+$0xFFFFFE20] =	vst v1  }
0x40d: {  	v1 =	vld [tilespmem:s30+$0xFFFFFE30]  }
0x40e: {  	v5 =	vld [tilespmem:s10+$0x3230]  }
0x40f: {  	v0 =	vadd.f32 v4, v0;
	_ =	sdelay $0x1  }
0x410: {  	[tilespmem:s26+$0xFFFFFF10] =	vst v0  }
0x411: {  	v0 =	vld [tilespmem:s28+$0xFFFFFF20]  }
0x412: {  	v1 =	vadd.f32 v5, v1;
	v4 =	vld [tilespmem:s12+$0x3220];
	_ =	sdelay $0x1  }
0x413: {  	(v2sf) =	vpush v3, $0x5;
	[tilespmem:s29+$0xFFFFFE30] =	vst v1  }
0x414: {  	s13 =	spop (v2sf);
	v1 =	vld [tilespmem:s30+$0xFFFFFE40]  }
0x415: {  	v5 =	vld [tilespmem:s13+$0x3200]  }
0x416: {  	v0 =	vadd.f32 v4, v0;
	_ =	sdelay $0x1  }
0x417: {  	[tilespmem:s26+$0xFFFFFF20] =	vst v0  }
0x418: {  	v0 =	vld [tilespmem:s28+$0xFFFFFF30]  }
0x419: {  	v1 =	vadd.f32 v5, v1;
	v4 =	vld [tilespmem:s12+$0x3230];
	_ =	sdelay $0x1  }
0x41a: {  	[tilespmem:s29+$0xFFFFFE40] =	vst v1  }
0x41b: {  	v1 =	vld [tilespmem:s30+$0xFFFFFE50]  }
0x41c: {  	v5 =	vld [tilespmem:s13+$0x3210]  }
0x41d: {  	v0 =	vadd.f32 v4, v0;
	_ =	sdelay $0x1  }
0x41e: {  	[tilespmem:s26+$0xFFFFFF30] =	vst v0  }
0x41f: {  	s17 =	smov.u32 s14;
	s14 =	spop (v2sf);
	v0 =	vld [tilespmem:s28+$0xFFFFFF40]  }
0x420: {  	v1 =	vadd.f32 v5, v1;
	v4 =	vld [tilespmem:s14+$0x3200];
	_ =	sdelay $0x1  }
0x421: {  	[tilespmem:s29+$0xFFFFFE50] =	vst v1  }
0x422: {  	v1 =	vld [tilespmem:s30+$0xFFFFFE60]  }
0x423: {  	v5 =	vld [tilespmem:s13+$0x3220]  }
0x424: {  	v0 =	vadd.f32 v4, v0  }
0x425: {  	(v2sf) =	vpush v2, $0x2  }
0x426: {  	[tilespmem:s26+$0xFFFFFF40] =	vst v0  }
0x427: {  	v0 =	vld [tilespmem:s28+$0xFFFFFF50]  }
0x428: {  	v1 =	vadd.f32 v5, v1;
	v4 =	vld [tilespmem:s14+$0x3210]  }
0x429: {  	s0 =	sadd.s32 $0x10, s9  }
0x42a: {  	v5 =	vld [tilespmem:s0+$0x0];
	[tilespmem:s29+$0xFFFFFE60] =	vst v1  }
0x42b: {  	v6 =	vld [tilespmem:s30+$0xFFFFFE70]  }
0x42c: {  	v7 =	vld [tilespmem:s13+$0x3230]  }
0x42d: {  	v0 =	vadd.f32 v4, v0;
	_ =	sdelay $0x1  }
0x42e: {  	[tilespmem:s26+$0xFFFFFF50] =	vst v0  }
0x42f: {  	v0 =	vshll.u32 v5, $0x8;
	v4 =	vld [tilespmem:s28+$0xFFFFFF60]  }
0x430: {  	v1 =	vshra.s32 v0, $0x2;
	v0 =	vadd.f32 v7, v6;
	v5 =	vld [tilespmem:s14+$0x3220]  }
0x431: {  	(v2sf) =	vpush v1, $0x0  }
0x432: {  	[tilespmem:s29+$0xFFFFFE70] =	vst v0;
	(v2sf) =	vpush v3, $0x6  }
0x433: {  	s15 =	spop (v2sf);
	v0 =	vld [tilespmem:s30+$0xFFFFFE80]  }
0x434: {  	v6 =	vld [tilespmem:s15+$0x3200]  }
0x435: {  	v4 =	vadd.f32 v5, v4;
	_ =	sdelay $0x1  }
0x436: {  	[tilespmem:s26+$0xFFFFFF60] =	vst v4  }
0x437: {  	v4 =	vld [tilespmem:s28+$0xFFFFFF70]  }
0x438: {  	v0 =	vadd.f32 v6, v0;
	v5 =	vld [tilespmem:s14+$0x3230];
	_ =	sdelay $0x1  }
0x439: {  	[tilespmem:s29+$0xFFFFFE80] =	vst v0  }
0x43a: {  	v0 =	vld [tilespmem:s30+$0xFFFFFE90]  }
0x43b: {  	v6 =	vld [tilespmem:s15+$0x3210]  }
0x43c: {  	v4 =	vadd.f32 v5, v4;
	_ =	sdelay $0x1  }
0x43d: {  	[tilespmem:s26+$0xFFFFFF70] =	vst v4;
	s16 =	spop (v2sf)  }
0x43e: {  	v4 =	vld [tilespmem:s28+$0xFFFFFF80];
	s18 =	spop (v2sf)  }
0x43f: {  	v0 =	vadd.f32 v6, v0;
	v5 =	vld [tilespmem:s18+$0x3200];
	_ =	sdelay $0x1  }
0x440: {  	[tilespmem:s29+$0xFFFFFE90] =	vst v0  }
0x441: {  	v0 =	vld [tilespmem:s30+$0xFFFFFEA0]  }
0x442: {  	v6 =	vld [tilespmem:s15+$0x3220]  }
0x443: {  	v4 =	vadd.f32 v5, v4  }
0x444: {  	(v2sf) =	vpush v2, $0x3  }
0x445: {  	[tilespmem:s26+$0xFFFFFF80] =	vst v4  }
0x446: {  	v4 =	vld [tilespmem:s28+$0xFFFFFF90]  }
0x447: {  	v0 =	vadd.f32 v6, v0;
	v5 =	vld [tilespmem:s18+$0x3210];
	_ =	sdelay $0x1  }
0x448: {  	[tilespmem:s29+$0xFFFFFEA0] =	vst v0  }
0x449: {  	v0 =	vld [tilespmem:s30+$0xFFFFFEB0]  }
0x44a: {  	v6 =	vld [tilespmem:s15+$0x3230]  }
0x44b: {  	v4 =	vadd.f32 v5, v4;
	_ =	sdelay $0x1  }
0x44c: {  	[tilespmem:s26+$0xFFFFFF90] =	vst v4  }
0x44d: {  	v4 =	vld [tilespmem:s28+$0xFFFFFFA0]  }
0x44e: {  	v0 =	vadd.f32 v6, v0;
	v5 =	vld [tilespmem:s18+$0x3220];
	_ =	sdelay $0x1  }
0x44f: {  	(v2sf) =	vpush v3, $0x7;
	[tilespmem:s29+$0xFFFFFEB0] =	vst v0  }
0x450: {  	s19 =	spop (v2sf);
	v0 =	vld [tilespmem:s30+$0xFFFFFEC0]  }
0x451: {  	v6 =	vld [tilespmem:s19+$0x3200]  }
0x452: {  	v4 =	vadd.f32 v5, v4;
	_ =	sdelay $0x1  }
0x453: {  	[tilespmem:s26+$0xFFFFFFA0] =	vst v4  }
0x454: {  	v4 =	vld [tilespmem:s28+$0xFFFFFFB0]  }
0x455: {  	v0 =	vadd.f32 v6, v0;
	v5 =	vld [tilespmem:s18+$0x3230];
	_ =	sdelay $0x1  }
0x456: {  	[tilespmem:s29+$0xFFFFFEC0] =	vst v0  }
0x457: {  	v0 =	vld [tilespmem:s30+$0xFFFFFED0]  }
0x458: {  	v6 =	vld [tilespmem:s19+$0x3210]  }
0x459: {  	v4 =	vadd.f32 v5, v4;
	_ =	sdelay $0x1  }
0x45a: {  	[tilespmem:s26+$0xFFFFFFB0] =	vst v4  }
0x45b: {  	s20 =	spop (v2sf);
	v4 =	vld [tilespmem:s28+$0xFFFFFFC0]  }
0x45c: {  	v0 =	vadd.f32 v6, v0;
	v5 =	vld [tilespmem:s20+$0x3200];
	_ =	sdelay $0x1  }
0x45d: {  	[tilespmem:s29+$0xFFFFFED0] =	vst v0  }
0x45e: {  	v0 =	vld [tilespmem:s30+$0xFFFFFEE0]  }
0x45f: {  	v6 =	vld [tilespmem:s19+$0x3220]  }
0x460: {  	v4 =	vadd.f32 v5, v4  }
0x461: {  	s1 =	simm.s32 $0xA300;
	v7 =	vld [tilespmem:s16+$0x3200];
	(v2sf) =	vpush v2, $0x4  }
0x462: {  	v5 =	vld [tilespmem:s1+$0xFFFFFE00];
	[tilespmem:s26+$0xFFFFFFC0] =	vst v4  }
0x463: {  	v4 =	vld [tilespmem:s28+$0xFFFFFFD0]  }
0x464: {  	v0 =	vadd.f32 v6, v0;
	v6 =	vld [tilespmem:s20+$0x3210];
	_ =	sdelay $0x1  }
0x465: {  	[tilespmem:s29+$0xFFFFFEE0] =	vst v0  }
0x466: {  	v0 =	vadd.f32 v7, v5;
	v5 =	vld [tilespmem:s30+$0xFFFFFEF0]  }
0x467: {  	s31 =	simm.s32 $0x16B00;
	v7 =	vld [tilespmem:s19+$0x3230]  }
0x468: {  	[tilespmem:s31+$0xFFFFFE00] =	vst v0;
	v0 =	vadd.f32 v6, v4  }
0x469: {  	v4 =	vld [tilespmem:s1+$0xFFFFFE10]  }
0x46a: {  	v6 =	vld [tilespmem:s16+$0x3210];
	[tilespmem:s26+$0xFFFFFFD0] =	vst v0  }
0x46b: {  	v0 =	vld [tilespmem:s28+$0xFFFFFFE0]  }
0x46c: {  	v5 =	vadd.f32 v7, v5;
	v7 =	vld [tilespmem:s20+$0x3220]  }
0x46d: {  	(v2sf) =	vpush v1, $0x1  }
0x46e: {  	(v2sf) =	vpush v3, $0x8;
	[tilespmem:s29+$0xFFFFFEF0] =	vst v5  }
0x46f: {  	s21 =	spop (v2sf);
	v4 =	vadd.f32 v6, v4;
	v5 =	vld [tilespmem:s30+$0xFFFFFF00]  }
0x470: {  	v6 =	vld [tilespmem:s21+$0x3200]  }
0x471: {  	[tilespmem:s31+$0xFFFFFE10] =	vst v4;
	v0 =	vadd.f32 v7, v0  }
0x472: {  	v4 =	vld [tilespmem:s1+$0xFFFFFE20]  }
0x473: {  	v7 =	vld [tilespmem:s16+$0x3220];
	[tilespmem:s26+$0xFFFFFFE0] =	vst v0  }
0x474: {  	v0 =	vld [tilespmem:s28+$0xFFFFFFF0]  }
0x475: {  	v5 =	vadd.f32 v6, v5;
	v6 =	vld [tilespmem:s20+$0x3230];
	_ =	sdelay $0x1  }
0x476: {  	[tilespmem:s29+$0xFFFFFF00] =	vst v5  }
0x477: {  	v4 =	vadd.f32 v7, v4;
	v5 =	vld [tilespmem:s30+$0xFFFFFF10]  }
0x478: {  	v7 =	vld [tilespmem:s21+$0x3210]  }
0x479: {  	[tilespmem:s31+$0xFFFFFE20] =	vst v4;
	v0 =	vadd.f32 v6, v0  }
0x47a: {  	v4 =	vld [tilespmem:s1+$0xFFFFFE30]  }
0x47b: {  	s7 =	spop (v2sf);
	v6 =	vld [tilespmem:s16+$0x3230];
	[tilespmem:s26+$0xFFFFFFF0] =	vst v0  }
0x47c: {  	s8 =	spop (v2sf);
	v0 =	vld [tilespmem:s28+$0x0]  }
0x47d: {  	v5 =	vadd.f32 v7, v5;
	v7 =	vld [tilespmem:s8+$0x3200];
	_ =	sdelay $0x1  }
0x47e: {  	[tilespmem:s29+$0xFFFFFF10] =	vst v5  }
0x47f: {  	v4 =	vadd.f32 v6, v4;
	v5 =	vld [tilespmem:s30+$0xFFFFFF20]  }
0x480: {  	v6 =	vld [tilespmem:s21+$0x3220]  }
0x481: {  	[tilespmem:s31+$0xFFFFFE30] =	vst v4;
	v0 =	vadd.f32 v7, v0  }
0x482: {  	(v2sf) =	vpush v2, $0x5;
	v4 =	vld [tilespmem:s1+$0xFFFFFE40]  }
0x483: {  	v7 =	vld [tilespmem:s7+$0x3200];
	[tilespmem:s26+$0x0] =	vst v0  }
0x484: {  	v0 =	vld [tilespmem:s28+$0x10]  }
0x485: {  	v5 =	vadd.f32 v6, v5;
	v6 =	vld [tilespmem:s8+$0x3210];
	_ =	sdelay $0x1  }
0x486: {  	[tilespmem:s29+$0xFFFFFF20] =	vst v5  }
0x487: {  	v4 =	vadd.f32 v7, v4;
	v5 =	vld [tilespmem:s30+$0xFFFFFF30]  }
0x488: {  	v7 =	vld [tilespmem:s21+$0x3230]  }
0x489: {  	[tilespmem:s31+$0xFFFFFE40] =	vst v4;
	v0 =	vadd.f32 v6, v0  }
0x48a: {  	v4 =	vld [tilespmem:s1+$0xFFFFFE50]  }
0x48b: {  	v6 =	vld [tilespmem:s7+$0x3210];
	[tilespmem:s26+$0x10] =	vst v0  }
0x48c: {  	v0 =	vld [tilespmem:s28+$0x20]  }
0x48d: {  	v5 =	vadd.f32 v7, v5;
	v7 =	vld [tilespmem:s8+$0x3220];
	_ =	sdelay $0x1  }
0x48e: {  	(v2sf) =	vpush v3, $0x9;
	[tilespmem:s29+$0xFFFFFF30] =	vst v5  }
0x48f: {  	s9 =	spop (v2sf);
	v5 =	vld [tilespmem:s30+$0xFFFFFF40];
	v4 =	vadd.f32 v6, v4  }
0x490: {  	v6 =	vld [tilespmem:s9+$0x3200]  }
0x491: {  	[tilespmem:s31+$0xFFFFFE50] =	vst v4;
	v0 =	vadd.f32 v7, v0  }
0x492: {  	v4 =	vld [tilespmem:s1+$0xFFFFFE60]  }
0x493: {  	v7 =	vld [tilespmem:s7+$0x3220];
	[tilespmem:s26+$0x20] =	vst v0  }
0x494: {  	v0 =	vld [tilespmem:s28+$0x30]  }
0x495: {  	(v2sf) =	vpush v1, $0x2;
	v5 =	vadd.f32 v6, v5;
	v6 =	vld [tilespmem:s8+$0x3230];
	_ =	sdelay $0x1  }
0x496: {  	[tilespmem:s29+$0xFFFFFF40] =	vst v5  }
0x497: {  	v5 =	vld [tilespmem:s30+$0xFFFFFF50];
	v4 =	vadd.f32 v7, v4  }
0x498: {  	s0 =	sadd.s32 $0x10, s0;
	v7 =	vld [tilespmem:s9+$0x3210]  }
0x499: {  	v8 =	vld [tilespmem:s0+$0x0];
	[tilespmem:s31+$0xFFFFFE60] =	vst v4;
	v0 =	vadd.f32 v6, v0  }
0x49a: {  	v4 =	vld [tilespmem:s1+$0xFFFFFE70]  }
0x49b: {  	v6 =	vld [tilespmem:s7+$0x3230];
	[tilespmem:s26+$0x30] =	vst v0  }
0x49c: {  	s10 =	spop (v2sf);
	v9 =	vld [tilespmem:s28+$0x40]  }
0x49d: {  	v0 =	vadd.f32 v7, v5;
	v5 =	vld [tilespmem:s10+$0x3200];
	_ =	sdelay $0x1  }
0x49e: {  	[tilespmem:s29+$0xFFFFFF50] =	vst v0  }
0x49f: {  	v0 =	vshll.u32 v8, $0x8;
	v7 =	vld [tilespmem:s30+$0xFFFFFF60];
	v4 =	vadd.f32 v6, v4  }
0x4a0: {  	v0 =	vshra.s32 v0, $0x2;
	v6 =	vld [tilespmem:s9+$0x3220]  }
0x4a1: {  	(v2sf) =	vpush v0, $0x0;
	[tilespmem:s31+$0xFFFFFE70] =	vst v4;
	v4 =	vadd.f32 v5, v9  }
0x4a2: {  	s11 =	spop (v2sf);
	(v2sf) =	vpush v2, $0x6;
	v5 =	vld [tilespmem:s1+$0xFFFFFE80]  }
0x4a3: {  	v8 =	vld [tilespmem:s11+$0x3200];
	[tilespmem:s26+$0x40] =	vst v4  }
0x4a4: {  	v4 =	vld [tilespmem:s28+$0x50]  }
0x4a5: {  	v6 =	vadd.f32 v6, v7;
	v7 =	vld [tilespmem:s10+$0x3210];
	_ =	sdelay $0x1  }
0x4a6: {  	[tilespmem:s29+$0xFFFFFF60] =	vst v6  }
0x4a7: {  	v6 =	vld [tilespmem:s30+$0xFFFFFF70];
	v5 =	vadd.f32 v8, v5  }
0x4a8: {  	v8 =	vld [tilespmem:s9+$0x3230]  }
0x4a9: {  	[tilespmem:s31+$0xFFFFFE80] =	vst v5;
	v4 =	vadd.f32 v7, v4  }
0x4aa: {  	v5 =	vld [tilespmem:s1+$0xFFFFFE90]  }
0x4ab: {  	v7 =	vld [tilespmem:s11+$0x3210];
	[tilespmem:s26+$0x50] =	vst v4  }
0x4ac: {  	v4 =	vld [tilespmem:s28+$0x60]  }
0x4ad: {  	v6 =	vadd.f32 v8, v6;
	v8 =	vld [tilespmem:s10+$0x3220];
	_ =	sdelay $0x1  }
0x4ae: {  	[tilespmem:s29+$0xFFFFFF70] =	vst v6;
	s12 =	spop (v2sf);
	(v2sf) =	vpush v3, $0xA  }
0x4af: {  	v6 =	vld [tilespmem:s30+$0xFFFFFF80];
	v5 =	vadd.f32 v7, v5;
	s14 =	spop (v2sf)  }
0x4b0: {  	v7 =	vld [tilespmem:s14+$0x3200]  }
0x4b1: {  	[tilespmem:s31+$0xFFFFFE90] =	vst v5;
	v4 =	vadd.f32 v8, v4  }
0x4b2: {  	v5 =	vld [tilespmem:s1+$0xFFFFFEA0]  }
0x4b3: {  	v8 =	vld [tilespmem:s11+$0x3220];
	[tilespmem:s26+$0x60] =	vst v4  }
0x4b4: {  	v4 =	vld [tilespmem:s28+$0x70]  }
0x4b5: {  	(v2sf) =	vpush v1, $0x3;
	v6 =	vadd.f32 v7, v6;
	v7 =	vld [tilespmem:s10+$0x3230];
	_ =	sdelay $0x1  }
0x4b6: {  	[tilespmem:s29+$0xFFFFFF80] =	vst v6  }
0x4b7: {  	v5 =	vadd.f32 v8, v5;
	v6 =	vld [tilespmem:s30+$0xFFFFFF90]  }
0x4b8: {  	v8 =	vld [tilespmem:s14+$0x3210]  }
0x4b9: {  	[tilespmem:s31+$0xFFFFFEA0] =	vst v5;
	v4 =	vadd.f32 v7, v4  }
0x4ba: {  	v5 =	vld [tilespmem:s1+$0xFFFFFEB0]  }
0x4bb: {  	v7 =	vld [tilespmem:s11+$0x3230];
	[tilespmem:s26+$0x70] =	vst v4  }
0x4bc: {  	v4 =	vld [tilespmem:s28+$0x80];
	s15 =	spop (v2sf)  }
0x4bd: {  	v6 =	vadd.f32 v8, v6;
	v8 =	vld [tilespmem:s15+$0x3200];
	_ =	sdelay $0x1  }
0x4be: {  	[tilespmem:s29+$0xFFFFFF90] =	vst v6  }
0x4bf: {  	v5 =	vadd.f32 v7, v5;
	v6 =	vld [tilespmem:s30+$0xFFFFFFA0]  }
0x4c0: {  	v7 =	vld [tilespmem:s14+$0x3220]  }
0x4c1: {  	[tilespmem:s31+$0xFFFFFEB0] =	vst v5;
	v4 =	vadd.f32 v8, v4  }
0x4c2: {  	(v2sf) =	vpush v2, $0x7;
	s16 =	spop (v2sf);
	v5 =	vld [tilespmem:s1+$0xFFFFFEC0]  }
0x4c3: {  	v8 =	vld [tilespmem:s16+$0x3200];
	[tilespmem:s26+$0x80] =	vst v4  }
0x4c4: {  	v4 =	vld [tilespmem:s28+$0x90]  }
0x4c5: {  	v6 =	vadd.f32 v7, v6;
	v7 =	vld [tilespmem:s15+$0x3210];
	_ =	sdelay $0x1  }
0x4c6: {  	[tilespmem:s29+$0xFFFFFFA0] =	vst v6  }
0x4c7: {  	v6 =	vld [tilespmem:s30+$0xFFFFFFB0];
	v5 =	vadd.f32 v8, v5  }
0x4c8: {  	v8 =	vld [tilespmem:s14+$0x3230]  }
0x4c9: {  	[tilespmem:s31+$0xFFFFFEC0] =	vst v5;
	v4 =	vadd.f32 v7, v4  }
0x4ca: {  	v5 =	vld [tilespmem:s1+$0xFFFFFED0]  }
0x4cb: {  	v7 =	vld [tilespmem:s16+$0x3210];
	[tilespmem:s26+$0x90] =	vst v4  }
0x4cc: {  	v4 =	vld [tilespmem:s28+$0xA0]  }
0x4cd: {  	v6 =	vadd.f32 v8, v6;
	v8 =	vld [tilespmem:s15+$0x3220];
	_ =	sdelay $0x1  }
0x4ce: {  	(v2sf) =	vpush v3, $0xB;
	[tilespmem:s29+$0xFFFFFFB0] =	vst v6  }
0x4cf: {  	s18 =	spop (v2sf);
	v6 =	vld [tilespmem:s30+$0xFFFFFFC0];
	v5 =	vadd.f32 v7, v5  }
0x4d0: {  	v7 =	vld [tilespmem:s18+$0x3200]  }
0x4d1: {  	[tilespmem:s31+$0xFFFFFED0] =	vst v5;
	v4 =	vadd.f32 v8, v4  }
0x4d2: {  	v5 =	vld [tilespmem:s1+$0xFFFFFEE0]  }
0x4d3: {  	v8 =	vld [tilespmem:s16+$0x3220];
	[tilespmem:s26+$0xA0] =	vst v4  }
0x4d4: {  	v4 =	vld [tilespmem:s28+$0xB0]  }
0x4d5: {  	s6 =	simm.s32 $0xA700;
	(v2sf) =	vpush v1, $0x4;
	v6 =	vadd.f32 v7, v6;
	v7 =	vld [tilespmem:s15+$0x3230]  }
0x4d6: {  	v9 =	vld [tilespmem:s6+$0xFFFFFE00]  }
0x4d7: {  	v10 =	vld [tilespmem:s12+$0x3200];
	[tilespmem:s29+$0xFFFFFFC0] =	vst v6  }
0x4d8: {  	v6 =	vld [tilespmem:s30+$0xFFFFFFD0];
	v5 =	vadd.f32 v8, v5  }
0x4d9: {  	v8 =	vld [tilespmem:s18+$0x3210]  }
0x4da: {  	[tilespmem:s31+$0xFFFFFEE0] =	vst v5;
	v4 =	vadd.f32 v7, v4  }
0x4db: {  	v5 =	vld [tilespmem:s1+$0xFFFFFEF0]  }
0x4dc: {  	v7 =	vadd.f32 v10, v9;
	v9 =	vld [tilespmem:s16+$0x3230];
	[tilespmem:s26+$0xB0] =	vst v4  }
0x4dd: {  	s13 =	simm.s32 $0x16F00;
	s19 =	spop (v2sf);
	v4 =	vld [tilespmem:s28+$0xC0]  }
0x4de: {  	[tilespmem:s13+$0xFFFFFE00] =	vst v7;
	v6 =	vadd.f32 v8, v6;
	v7 =	vld [tilespmem:s19+$0x3200]  }
0x4df: {  	v8 =	vld [tilespmem:s6+$0xFFFFFE10]  }
0x4e0: {  	v10 =	vld [tilespmem:s12+$0x3210];
	[tilespmem:s29+$0xFFFFFFD0] =	vst v6  }
0x4e1: {  	v6 =	vld [tilespmem:s30+$0xFFFFFFE0];
	v5 =	vadd.f32 v9, v5  }
0x4e2: {  	v9 =	vld [tilespmem:s18+$0x3220]  }
0x4e3: {  	(v2sf) =	vpush v0, $0x1;
	[tilespmem:s31+$0xFFFFFEF0] =	vst v5;
	v4 =	vadd.f32 v7, v4  }
0x4e4: {  	(v2sf) =	vpush v2, $0x8;
	s20 =	spop (v2sf);
	v5 =	vld [tilespmem:s1+$0xFFFFFF00]  }
0x4e5: {  	v7 =	vadd.f32 v10, v8;
	v8 =	vld [tilespmem:s20+$0x3200];
	[tilespmem:s26+$0xC0] =	vst v4  }
0x4e6: {  	v4 =	vld [tilespmem:s28+$0xD0]  }
0x4e7: {  	[tilespmem:s13+$0xFFFFFE10] =	vst v7;
	v6 =	vadd.f32 v9, v6;
	v7 =	vld [tilespmem:s19+$0x3210]  }
0x4e8: {  	v9 =	vld [tilespmem:s6+$0xFFFFFE20]  }
0x4e9: {  	v10 =	vld [tilespmem:s12+$0x3220];
	[tilespmem:s29+$0xFFFFFFE0] =	vst v6  }
0x4ea: {  	v6 =	vld [tilespmem:s30+$0xFFFFFFF0];
	v5 =	vadd.f32 v8, v5  }
0x4eb: {  	v8 =	vld [tilespmem:s18+$0x3230]  }
0x4ec: {  	[tilespmem:s31+$0xFFFFFF00] =	vst v5;
	v4 =	vadd.f32 v7, v4  }
0x4ed: {  	v5 =	vld [tilespmem:s1+$0xFFFFFF10]  }
0x4ee: {  	v7 =	vadd.f32 v10, v9;
	v9 =	vld [tilespmem:s20+$0x3210];
	[tilespmem:s26+$0xD0] =	vst v4  }
0x4ef: {  	v4 =	vld [tilespmem:s28+$0xE0]  }
0x4f0: {  	[tilespmem:s13+$0xFFFFFE20] =	vst v7;
	v6 =	vadd.f32 v8, v6;
	v7 =	vld [tilespmem:s19+$0x3220]  }
0x4f1: {  	v8 =	vld [tilespmem:s6+$0xFFFFFE30]  }
0x4f2: {  	(v2sf) =	vpush v3, $0xC;
	s10 =	spop (v2sf);
	v10 =	vld [tilespmem:s12+$0x3230];
	[tilespmem:s29+$0xFFFFFFF0] =	vst v6  }
0x4f3: {  	s21 =	spop (v2sf);
	v6 =	vld [tilespmem:s30+$0x0];
	v5 =	vadd.f32 v9, v5  }
0x4f4: {  	v9 =	vld [tilespmem:s21+$0x3200]  }
0x4f5: {  	[tilespmem:s31+$0xFFFFFF10] =	vst v5;
	v4 =	vadd.f32 v7, v4  }
0x4f6: {  	v5 =	vld [tilespmem:s1+$0xFFFFFF20]  }
0x4f7: {  	v7 =	vadd.f32 v10, v8;
	v8 =	vld [tilespmem:s20+$0x3220];
	[tilespmem:s26+$0xE0] =	vst v4  }
0x4f8: {  	v4 =	vld [tilespmem:s28+$0xF0]  }
0x4f9: {  	(v2sf) =	vpush v1, $0x5;
	[tilespmem:s13+$0xFFFFFE30] =	vst v7;
	v6 =	vadd.f32 v9, v6;
	v7 =	vld [tilespmem:s19+$0x3230]  }
0x4fa: {  	v9 =	vld [tilespmem:s6+$0xFFFFFE40]  }
0x4fb: {  	v10 =	vld [tilespmem:s10+$0x3200];
	[tilespmem:s29+$0x0] =	vst v6  }
0x4fc: {  	v6 =	vld [tilespmem:s30+$0x10];
	v5 =	vadd.f32 v8, v5  }
0x4fd: {  	v8 =	vld [tilespmem:s21+$0x3210]  }
0x4fe: {  	[tilespmem:s31+$0xFFFFFF20] =	vst v5;
	v4 =	vadd.f32 v7, v4  }
0x4ff: {  	v5 =	vld [tilespmem:s1+$0xFFFFFF30]  }
0x500: {  	v7 =	vadd.f32 v10, v9;
	v9 =	vld [tilespmem:s20+$0x3230];
	[tilespmem:s26+$0xF0] =	vst v4  }
0x501: {  	s7 =	spop (v2sf);
	v4 =	vld [tilespmem:s28+$0x100]  }
0x502: {  	[tilespmem:s13+$0xFFFFFE40] =	vst v7;
	v6 =	vadd.f32 v8, v6;
	v7 =	vld [tilespmem:s7+$0x3200]  }
0x503: {  	v8 =	vld [tilespmem:s6+$0xFFFFFE50]  }
0x504: {  	v10 =	vld [tilespmem:s10+$0x3210];
	[tilespmem:s29+$0x10] =	vst v6  }
0x505: {  	v6 =	vld [tilespmem:s30+$0x20];
	v5 =	vadd.f32 v9, v5  }
0x506: {  	v9 =	vld [tilespmem:s21+$0x3220]  }
0x507: {  	[tilespmem:s31+$0xFFFFFF30] =	vst v5;
	v4 =	vadd.f32 v7, v4  }
0x508: {  	(v2sf) =	vpush v2, $0x9;
	s19 =	spop (v2sf);
	v7 =	vld [tilespmem:s1+$0xFFFFFF40]  }
0x509: {  	v5 =	vadd.f32 v10, v8;
	v8 =	vld [tilespmem:s19+$0x3200];
	[tilespmem:s26+$0x100] =	vst v4  }
0x50a: {  	v4 =	vld [tilespmem:s28+$0x110]  }
0x50b: {  	[tilespmem:s13+$0xFFFFFE50] =	vst v5;
	v6 =	vadd.f32 v9, v6;
	v5 =	vld [tilespmem:s7+$0x3210]  }
0x50c: {  	v9 =	vld [tilespmem:s6+$0xFFFFFE60]  }
0x50d: {  	v10 =	vld [tilespmem:s10+$0x3220];
	[tilespmem:s29+$0x20] =	vst v6  }
0x50e: {  	s25 =	sadd.s32 $0x190, s25;
	s8 =	simm.s32 $0x30;
	v6 =	vld [tilespmem:s30+$0x30];
	v8 =	vadd.f32 v8, v7  }
0x50f: {  	s9 =	sadd.s32 $0x10, s0;
	s0 =	simm.s32 $0x16F00;
	s11 =	simm.s32 $0xA700;
	(v2sf) =	vpush v0, $0x2;
	v7 =	vld [tilespmem:s21+$0x3230]  }
.LBB2_5:
0x510: {  	v11 =	vld [tilespmem:s9+$0x0];
	[tilespmem:s31+$0xFFFFFF40] =	vst v8;
	v4 =	vadd.f32 v5, v4  }
0x511: {  	v5 =	vld [tilespmem:s1+$0xFFFFFF50]  }
0x512: {  	v8 =	vadd.f32 v10, v9;
	v9 =	vld [tilespmem:s19+$0x3210];
	[tilespmem:s26+$0x110] =	vst v4  }
0x513: {  	v4 =	vld [tilespmem:s28+$0x120]  }
0x514: {  	[tilespmem:s13+$0xFFFFFE60] =	vst v8;
	v6 =	vadd.f32 v7, v6;
	v7 =	vld [tilespmem:s7+$0x3220]  }
0x515: {  	v8 =	vld [tilespmem:s6+$0xFFFFFE70]  }
0x516: {  	v10 =	vld [tilespmem:s10+$0x3230];
	[tilespmem:s29+$0x30] =	vst v6;
	(v2sf) =	vpush v3, $0xD  }
0x517: {  	v5 =	vadd.f32 v9, v5;
	v6 =	vld [tilespmem:s30+$0x40];
	s4 =	spop (v2sf)  }
0x518: {  	v9 =	vld [tilespmem:s4+$0x3200]  }
0x519: {  	v11 =	vshll.u32 v11, $0x8;
	[tilespmem:s31+$0xFFFFFF50] =	vst v5;
	v5 =	vadd.f32 v7, v4  }
0x51a: {  	v4 =	vshra.s32 v11, $0x2;
	v7 =	vld [tilespmem:s1+$0xFFFFFF60]  }
0x51b: {  	(v2sf) =	vpush v4, $0x0;
	v8 =	vadd.f32 v10, v8;
	v10 =	vld [tilespmem:s19+$0x3220];
	[tilespmem:s26+$0x120] =	vst v5  }
0x51c: {  	v5 =	vld [tilespmem:s28+$0x130]  }
0x51d: {  	[tilespmem:s13+$0xFFFFFE70] =	vst v8;
	(v2sf) =	vpush v1, $0x6;
	v6 =	vadd.f32 v9, v6;
	v8 =	vld [tilespmem:s7+$0x3230]  }
0x51e: {  	v9 =	vld [tilespmem:s6+$0xFFFFFE80];
	s12 =	spop (v2sf)  }
0x51f: {  	v11 =	vld [tilespmem:s12+$0x3200];
	[tilespmem:s29+$0x40] =	vst v6  }
0x520: {  	v6 =	vadd.f32 v10, v7;
	v7 =	vld [tilespmem:s30+$0x50]  }
0x521: {  	s6 =	sadd.s32 $0x400, s6;
	v10 =	vld [tilespmem:s4+$0x3210]  }
0x522: {  	v12 =	vld [tilespmem:s6+$0xFFFFFE00];
	[tilespmem:s31+$0xFFFFFF60] =	vst v6;
	v5 =	vadd.f32 v8, v5  }
0x523: {  	v6 =	vld [tilespmem:s1+$0xFFFFFF70]  }
0x524: {  	v8 =	vadd.f32 v11, v9;
	v9 =	vld [tilespmem:s19+$0x3230];
	[tilespmem:s26+$0x130] =	vst v5  }
0x525: {  	v5 =	vld [tilespmem:s28+$0x140];
	s10 =	spop (v2sf)  }
0x526: {  	[tilespmem:s13+$0xFFFFFE80] =	vst v8;
	v7 =	vadd.f32 v10, v7;
	v8 =	vld [tilespmem:s10+$0x3200]  }
0x527: {  	v10 =	vld [tilespmem:s11+$0xFFFFFE90]  }
0x528: {  	v11 =	vld [tilespmem:s12+$0x3210];
	[tilespmem:s29+$0x50] =	vst v7  }
0x529: {  	v6 =	vadd.f32 v9, v6;
	v7 =	vld [tilespmem:s30+$0x60]  }
0x52a: {  	s2 =	spop (v2sf);
	v9 =	vld [tilespmem:s4+$0x3220]  }
0x52b: {  	v13 =	vld [tilespmem:s2+$0x3200];
	[tilespmem:s31+$0xFFFFFF70] =	vst v6;
	v5 =	vadd.f32 v8, v5  }
0x52c: {  	v6 =	vld [tilespmem:s1+$0xFFFFFF80];
	s7 =	spop (v2sf);
	(v2sf) =	vpush v2, $0xA  }
0x52d: {  	v8 =	vadd.f32 v11, v10;
	v10 =	vld [tilespmem:s7+$0x3200];
	[tilespmem:s26+$0x140] =	vst v5  }
0x52e: {  	v5 =	vld [tilespmem:s28+$0x150]  }
0x52f: {  	[tilespmem:s13+$0xFFFFFE90] =	vst v8;
	v7 =	vadd.f32 v9, v7;
	v8 =	vld [tilespmem:s10+$0x3210]  }
0x530: {  	v9 =	vld [tilespmem:s11+$0xFFFFFEA0]  }
0x531: {  	v11 =	vadd.f32 v13, v12;
	v12 =	vld [tilespmem:s12+$0x3220];
	[tilespmem:s29+$0x60] =	vst v7  }
0x532: {  	s13 =	sadd.s32 $0x400, s13;
	v6 =	vadd.f32 v10, v6;
	v7 =	vld [tilespmem:s30+$0x70]  }
0x533: {  	[tilespmem:s13+$0xFFFFFE00] =	vst v11;
	(v2sf) =	vpush v0, $0x3;
	v10 =	vld [tilespmem:s4+$0x3230]  }
0x534: {  	v11 =	vld [tilespmem:s6+$0xFFFFFE10];
	[tilespmem:s31+$0xFFFFFF80] =	vst v6;
	v5 =	vadd.f32 v8, v5  }
0x535: {  	v6 =	vld [tilespmem:s1+$0xFFFFFF90]  }
0x536: {  	v8 =	vadd.f32 v12, v9;
	v9 =	vld [tilespmem:s7+$0x3210];
	[tilespmem:s26+$0x150] =	vst v5  }
0x537: {  	v5 =	vld [tilespmem:s28+$0x160]  }
0x538: {  	[tilespmem:s0+$0xFFFFFEA0] =	vst v8;
	v7 =	vadd.f32 v10, v7;
	v8 =	vld [tilespmem:s10+$0x3220]  }
0x539: {  	v10 =	vld [tilespmem:s11+$0xFFFFFEB0]  }
0x53a: {  	v12 =	vld [tilespmem:s12+$0x3230];
	[tilespmem:s29+$0x70] =	vst v7;
	(v2sf) =	vpush v3, $0xE  }
0x53b: {  	v6 =	vadd.f32 v9, v6;
	v7 =	vld [tilespmem:s30+$0x80];
	s12 =	spop (v2sf)  }
0x53c: {  	v9 =	vld [tilespmem:s12+$0x3200]  }
0x53d: {  	v13 =	vld [tilespmem:s2+$0x3210];
	[tilespmem:s31+$0xFFFFFF90] =	vst v6;
	v5 =	vadd.f32 v8, v5  }
0x53e: {  	v6 =	vld [tilespmem:s1+$0xFFFFFFA0]  }
0x53f: {  	v8 =	vadd.f32 v12, v10;
	v10 =	vld [tilespmem:s7+$0x3220];
	[tilespmem:s26+$0x160] =	vst v5  }
0x540: {  	v5 =	vld [tilespmem:s28+$0x170]  }
0x541: {  	[tilespmem:s0+$0xFFFFFEB0] =	vst v8;
	(v2sf) =	vpush v1, $0x7;
	v7 =	vadd.f32 v9, v7;
	v8 =	vld [tilespmem:s10+$0x3230]  }
0x542: {  	v9 =	vld [tilespmem:s11+$0xFFFFFEC0];
	s10 =	spop (v2sf)  }
0x543: {  	v11 =	vadd.f32 v13, v11;
	v12 =	vld [tilespmem:s10+$0x3200];
	[tilespmem:s29+$0x80] =	vst v7  }
0x544: {  	v6 =	vadd.f32 v10, v6;
	v7 =	vld [tilespmem:s30+$0x90]  }
0x545: {  	[tilespmem:s13+$0xFFFFFE10] =	vst v11;
	v10 =	vld [tilespmem:s12+$0x3210]  }
0x546: {  	v11 =	vld [tilespmem:s6+$0xFFFFFE20];
	[tilespmem:s31+$0xFFFFFFA0] =	vst v6;
	v5 =	vadd.f32 v8, v5  }
0x547: {  	v6 =	vld [tilespmem:s1+$0xFFFFFFB0]  }
0x548: {  	v8 =	vadd.f32 v12, v9;
	v9 =	vld [tilespmem:s7+$0x3230];
	[tilespmem:s26+$0x170] =	vst v5  }
0x549: {  	v5 =	vld [tilespmem:s28+$0x180];
	s7 =	spop (v2sf)  }
0x54a: {  	[tilespmem:s0+$0xFFFFFEC0] =	vst v8;
	v7 =	vadd.f32 v10, v7;
	v8 =	vld [tilespmem:s7+$0x3200]  }
0x54b: {  	v10 =	vld [tilespmem:s11+$0xFFFFFED0]  }
0x54c: {  	v12 =	vld [tilespmem:s10+$0x3210];
	[tilespmem:s29+$0x90] =	vst v7  }
0x54d: {  	v6 =	vadd.f32 v9, v6;
	v7 =	vld [tilespmem:s30+$0xA0]  }
0x54e: {  	v9 =	vld [tilespmem:s12+$0x3220]  }
0x54f: {  	v13 =	vld [tilespmem:s2+$0x3220];
	[tilespmem:s31+$0xFFFFFFB0] =	vst v6;
	v5 =	vadd.f32 v8, v5  }
0x550: {  	v6 =	vld [tilespmem:s1+$0xFFFFFFC0];
	s4 =	spop (v2sf);
	(v2sf) =	vpush v2, $0xB  }
0x551: {  	v8 =	vadd.f32 v12, v10;
	v10 =	vld [tilespmem:s4+$0x3200];
	[tilespmem:s26+$0x180] =	vst v5  }
0x552: {  	v5 =	vld [tilespmem:s28+$0x190]  }
0x553: {  	[tilespmem:s0+$0xFFFFFED0] =	vst v8;
	v7 =	vadd.f32 v9, v7;
	v8 =	vld [tilespmem:s7+$0x3210]  }
0x554: {  	v9 =	vld [tilespmem:s11+$0xFFFFFEE0]  }
0x555: {  	v11 =	vadd.f32 v13, v11;
	v12 =	vld [tilespmem:s10+$0x3220];
	[tilespmem:s29+$0xA0] =	vst v7  }
0x556: {  	v6 =	vadd.f32 v10, v6;
	v7 =	vld [tilespmem:s30+$0xB0]  }
0x557: {  	[tilespmem:s13+$0xFFFFFE20] =	vst v11;
	(v2sf) =	vpush v0, $0x4;
	v10 =	vld [tilespmem:s12+$0x3230]  }
0x558: {  	v11 =	vld [tilespmem:s6+$0xFFFFFE30];
	[tilespmem:s31+$0xFFFFFFC0] =	vst v6;
	v5 =	vadd.f32 v8, v5  }
0x559: {  	v6 =	vld [tilespmem:s1+$0xFFFFFFD0]  }
0x55a: {  	v8 =	vadd.f32 v12, v9;
	v9 =	vld [tilespmem:s4+$0x3210];
	[tilespmem:s26+$0x190] =	vst v5  }
0x55b: {  	v5 =	vld [tilespmem:s28+$0x1A0]  }
0x55c: {  	[tilespmem:s0+$0xFFFFFEE0] =	vst v8;
	v7 =	vadd.f32 v10, v7;
	v8 =	vld [tilespmem:s7+$0x3220]  }
0x55d: {  	v10 =	vld [tilespmem:s11+$0xFFFFFEF0]  }
0x55e: {  	v12 =	vld [tilespmem:s10+$0x3230];
	[tilespmem:s29+$0xB0] =	vst v7;
	(v2sf) =	vpush v3, $0xF;
	v3 =	vmovc v2;
	v2 =	vmovc v1;
	v1 =	vmov v0;
	v0 =	vmov v4  }
0x55f: {  	v4 =	vadd.f32 v9, v6;
	v6 =	vld [tilespmem:s30+$0xC0];
	s12 =	spop (v2sf)  }
0x560: {  	v7 =	vld [tilespmem:s12+$0x3200]  }
0x561: {  	v9 =	vld [tilespmem:s2+$0x3230];
	[tilespmem:s31+$0xFFFFFFD0] =	vst v4;
	v4 =	vadd.f32 v8, v5  }
0x562: {  	v5 =	vld [tilespmem:s1+$0xFFFFFFE0]  }
0x563: {  	(v2sf) =	vpush v0, $0x1;
	v8 =	vadd.f32 v12, v10;
	v10 =	vld [tilespmem:s4+$0x3220];
	[tilespmem:s26+$0x1A0] =	vst v4  }
0x564: {  	v4 =	vld [tilespmem:s28+$0x1B0]  }
0x565: {  	[tilespmem:s0+$0xFFFFFEF0] =	vst v8;
	(v2sf) =	vpush v2, $0x8;
	v6 =	vadd.f32 v7, v6;
	v7 =	vld [tilespmem:s7+$0x3230]  }
0x566: {  	v8 =	vld [tilespmem:s11+$0xFFFFFF00];
	s7 =	spop (v2sf)  }
0x567: {  	v9 =	vadd.f32 v9, v11;
	v11 =	vld [tilespmem:s7+$0x3200];
	[tilespmem:s29+$0xC0] =	vst v6  }
0x568: {  	v5 =	vadd.f32 v10, v5;
	v6 =	vld [tilespmem:s30+$0xD0]  }
0x569: {  	[tilespmem:s13+$0xFFFFFE30] =	vst v9;
	v9 =	vld [tilespmem:s12+$0x3210]  }
0x56a: {  	v10 =	vld [tilespmem:s6+$0xFFFFFE40];
	[tilespmem:s31+$0xFFFFFFE0] =	vst v5;
	v4 =	vadd.f32 v7, v4  }
0x56b: {  	v5 =	vld [tilespmem:s1+$0xFFFFFFF0]  }
0x56c: {  	v7 =	vadd.f32 v11, v8;
	v8 =	vld [tilespmem:s4+$0x3230];
	[tilespmem:s26+$0x1B0] =	vst v4  }
0x56d: {  	v4 =	vld [tilespmem:s28+$0x1C0];
	s4 =	spop (v2sf)  }
0x56e: {  	[tilespmem:s0+$0xFFFFFF00] =	vst v7;
	v6 =	vadd.f32 v9, v6;
	v7 =	vld [tilespmem:s4+$0x3200]  }
0x56f: {  	v9 =	vld [tilespmem:s11+$0xFFFFFF10]  }
0x570: {  	v11 =	vld [tilespmem:s7+$0x3210];
	[tilespmem:s29+$0xD0] =	vst v6  }
0x571: {  	v5 =	vadd.f32 v8, v5;
	v6 =	vld [tilespmem:s30+$0xE0]  }
0x572: {  	s10 =	spop (v2sf);
	v8 =	vld [tilespmem:s12+$0x3220]  }
0x573: {  	v12 =	vld [tilespmem:s10+$0x3200];
	[tilespmem:s31+$0xFFFFFFF0] =	vst v5;
	v4 =	vadd.f32 v7, v4  }
0x574: {  	v5 =	vld [tilespmem:s1+$0x0];
	s2 =	spop (v2sf);
	(v2sf) =	vpush v3, $0xC  }
0x575: {  	v7 =	vadd.f32 v11, v9;
	v9 =	vld [tilespmem:s2+$0x3200];
	[tilespmem:s26+$0x1C0] =	vst v4  }
0x576: {  	v4 =	vld [tilespmem:s28+$0x1D0]  }
0x577: {  	[tilespmem:s0+$0xFFFFFF10] =	vst v7;
	v6 =	vadd.f32 v8, v6;
	v7 =	vld [tilespmem:s4+$0x3210]  }
0x578: {  	v8 =	vld [tilespmem:s11+$0xFFFFFF20]  }
0x579: {  	v10 =	vadd.f32 v12, v10;
	v11 =	vld [tilespmem:s7+$0x3220];
	[tilespmem:s29+$0xE0] =	vst v6  }
0x57a: {  	v5 =	vadd.f32 v9, v5;
	v6 =	vld [tilespmem:s30+$0xF0]  }
0x57b: {  	[tilespmem:s13+$0xFFFFFE40] =	vst v10;
	(v2sf) =	vpush v1, $0x5;
	v9 =	vld [tilespmem:s12+$0x3230]  }
0x57c: {  	v10 =	vld [tilespmem:s6+$0xFFFFFE50];
	[tilespmem:s31+$0x0] =	vst v5;
	v4 =	vadd.f32 v7, v4  }
0x57d: {  	v5 =	vld [tilespmem:s1+$0x10]  }
0x57e: {  	v7 =	vadd.f32 v11, v8;
	v8 =	vld [tilespmem:s2+$0x3210];
	[tilespmem:s26+$0x1D0] =	vst v4  }
0x57f: {  	v4 =	vld [tilespmem:s28+$0x1E0]  }
0x580: {  	[tilespmem:s0+$0xFFFFFF20] =	vst v7;
	v6 =	vadd.f32 v9, v6;
	v7 =	vld [tilespmem:s4+$0x3220]  }
0x581: {  	v9 =	vld [tilespmem:s11+$0xFFFFFF30]  }
0x582: {  	s8 =	sadd.s32 $0x10, s8;
	v11 =	vld [tilespmem:s7+$0x3230];
	[tilespmem:s29+$0xF0] =	vst v6  }
0x583: {  	p0 =	slt.u32 s8, $0x180;
	v5 =	vadd.f32 v8, v5;
	v6 =	vld [tilespmem:s30+$0x100];
	s7 =	spop (v2sf)  }
0x584: {  	v8 =	vld [tilespmem:s7+$0x3200]  }
0x585: {  	v12 =	vld [tilespmem:s10+$0x3210];
	[tilespmem:s31+$0x10] =	vst v5;
	v4 =	vadd.f32 v7, v4  }
0x586: {  	v5 =	vld [tilespmem:s1+$0x20]  }
0x587: {  	v7 =	vadd.f32 v11, v9;
	v9 =	vld [tilespmem:s2+$0x3220];
	[tilespmem:s26+$0x1E0] =	vst v4  }
0x588: {  	v11 =	vld [tilespmem:s28+$0x1F0];
	s28 =	smov.u32 s30;
	s30 =	smov.u32 s1;
	s1 =	smov.u32 s11  }
0x589: {  	s11 =	smov.u32 s6;
	[tilespmem:s0+$0xFFFFFF30] =	vst v7;
	v4 =	vadd.f32 v8, v6;
	v6 =	vld [tilespmem:s4+$0x3230]  }
0x58a: {  	v7 =	vld [tilespmem:s1+$0xFFFFFF40];
	s19 =	spop (v2sf);
	(v2sf) =	vpush v2, $0x9  }
0x58b: {  	v8 =	vadd.f32 v12, v10;
	v12 =	vld [tilespmem:s19+$0x3200];
	[tilespmem:s29+$0x100] =	vst v4  }
0x58c: {  	v4 =	vld [tilespmem:s28+$0x110]  }
.Ltmp3:
0x58d: {  	[tilespmem:s13+$0xFFFFFE50] =	vst v8;
	v8 =	vadd.f32 v9, v5;
	v5 =	vld [tilespmem:s7+$0x3210];
	(pc) =	sbr.rel @p0 .LBB2_5-.Ltmp3, $4  }
0x58e: {  	v9 =	vld [tilespmem:s6+$0xFFFFFE60];
	v11 =	vadd.f32 v6, v11  }
0x58f: {  	v10 =	vld [tilespmem:s10+$0x3220];
	[tilespmem:s31+$0x20] =	vst v8  }
0x590: {  	v8 =	vadd.f32 v12, v7;
	v6 =	vld [tilespmem:s30+$0x30];
	[tilespmem:s26+$0x1F0] =	vst v11;
	s26 =	smov.u32 s29;
	s29 =	smov.u32 s31;
	s31 =	smov.u32 s0  }
0x591: {  	s9 =	sadd.s32 $0x10, s9;
	s0 =	smov.u32 s13;
	(v2sf) =	vpush v0, $0x2;
	v7 =	vld [tilespmem:s2+$0x3230]  }
0x592: {  	_ =	sdelay $0x1  }
0x593: {  	v9 =	vadd.f32 v10, v9;
	_ =	sdelay $0x1  }
0x594: {  	[tilespmem:s13+$0xFFFFFE60] =	vst v9  }
0x595: {  	v9 =	vld [tilespmem:s6+$0xFFFFFE70]  }
0x596: {  	v25 =	vld [tilespmem:s10+$0x3230];
	_ =	sdelay $0x4  }
0x597: {  	v9 =	vadd.f32 v25, v9;
	_ =	sdelay $0x1  }
0x598: {  	s16 =	spop (v2sf);
	[tilespmem:s13+$0xFFFFFE70] =	vst v9  }
0x599: {  	v9 =	vld [tilespmem:s6+$0xFFFFFE80];
	s2 =	spop (v2sf)  }
0x59a: {  	v26 =	vld [tilespmem:s2+$0x3200];
	_ =	sdelay $0x4  }
0x59b: {  	v9 =	vadd.f32 v26, v9;
	_ =	sdelay $0x1  }
0x59c: {  	[tilespmem:s13+$0xFFFFFE80] =	vst v9  }
0x59d: {  	v9 =	vld [tilespmem:s11+$0xFFFFFE90]  }
0x59e: {  	v27 =	vld [tilespmem:s2+$0x3210];
	_ =	sdelay $0x4  }
0x59f: {  	v9 =	vadd.f32 v27, v9;
	_ =	sdelay $0x1  }
0x5a0: {  	[tilespmem:s13+$0xFFFFFE90] =	vst v9  }
0x5a1: {  	(v2sf) =	vpush v3, $0xD;
	v9 =	vld [tilespmem:s11+$0xFFFFFEA0]  }
0x5a2: {  	(v2sf) =	vpush v1, $0x6;
	v28 =	vld [tilespmem:s2+$0x3220]  }
0x5a3: {  	(v2sf) =	vpush v2, $0xA  }
0x5a4: {  	(v2sf) =	vpush v0, $0x3;
	_ =	sdelay $0x2  }
0x5a5: {  	v9 =	vadd.f32 v28, v9;
	_ =	sdelay $0x1  }
0x5a6: {  	[tilespmem:s0+$0xFFFFFEA0] =	vst v9  }
0x5a7: {  	v9 =	vld [tilespmem:s11+$0xFFFFFEB0]  }
0x5a8: {  	v29 =	vld [tilespmem:s2+$0x3230];
	_ =	sdelay $0x4  }
0x5a9: {  	s8 =	spop (v2sf);
	v9 =	vadd.f32 v29, v9  }
0x5aa: {  	s4 =	spop (v2sf)  }
0x5ab: {  	s14 =	spop (v2sf);
	[tilespmem:s0+$0xFFFFFEB0] =	vst v9  }
0x5ac: {  	s15 =	spop (v2sf);
	v9 =	vld [tilespmem:s11+$0xFFFFFEC0]  }
0x5ad: {  	v30 =	vld [tilespmem:s15+$0x3200];
	_ =	sdelay $0x4  }
0x5ae: {  	v9 =	vadd.f32 v30, v9;
	_ =	sdelay $0x1  }
0x5af: {  	[tilespmem:s0+$0xFFFFFEC0] =	vst v9  }
0x5b0: {  	v9 =	vld [tilespmem:s11+$0xFFFFFED0]  }
0x5b1: {  	v31 =	vld [tilespmem:s15+$0x3210];
	_ =	sdelay $0x4  }
0x5b2: {  	v9 =	vadd.f32 v31, v9;
	_ =	sdelay $0x1  }
0x5b3: {  	[tilespmem:s0+$0xFFFFFED0] =	vst v9  }
0x5b4: {  	(v2sf) =	vpush v3, $0xE;
	v9 =	vld [tilespmem:s11+$0xFFFFFEE0]  }
0x5b5: {  	(v2sf) =	vpush v1, $0x7;
	v32 =	vld [tilespmem:s15+$0x3220]  }
0x5b6: {  	(v2sf) =	vpush v2, $0xB  }
0x5b7: {  	(v2sf) =	vpush v0, $0x4;
	_ =	sdelay $0x2  }
0x5b8: {  	v9 =	vadd.f32 v32, v9;
	_ =	sdelay $0x1  }
0x5b9: {  	[tilespmem:s0+$0xFFFFFEE0] =	vst v9  }
0x5ba: {  	v9 =	vld [tilespmem:s11+$0xFFFFFEF0]  }
0x5bb: {  	v33 =	vld [tilespmem:s15+$0x3230];
	_ =	sdelay $0x4  }
0x5bc: {  	s13 =	spop (v2sf);
	v9 =	vadd.f32 v33, v9  }
0x5bd: {  	s2 =	spop (v2sf)  }
0x5be: {  	s21 =	spop (v2sf);
	[tilespmem:s0+$0xFFFFFEF0] =	vst v9  }
0x5bf: {  	s18 =	spop (v2sf);
	v9 =	vld [tilespmem:s11+$0xFFFFFF00]  }
0x5c0: {  	v34 =	vld [tilespmem:s18+$0x3200];
	_ =	sdelay $0x4  }
0x5c1: {  	v9 =	vadd.f32 v34, v9;
	_ =	sdelay $0x1  }
0x5c2: {  	[tilespmem:s0+$0xFFFFFF00] =	vst v9  }
0x5c3: {  	v9 =	vld [tilespmem:s11+$0xFFFFFF10]  }
0x5c4: {  	v35 =	vld [tilespmem:s18+$0x3210];
	_ =	sdelay $0x4  }
0x5c5: {  	v9 =	vadd.f32 v35, v9;
	_ =	sdelay $0x1  }
0x5c6: {  	[tilespmem:s0+$0xFFFFFF10] =	vst v9  }
0x5c7: {  	(v2sf) =	vpush v3, $0xF;
	v36 =	vld [tilespmem:s11+$0xFFFFFF20]  }
0x5c8: {  	(v2sf) =	vpush v1, $0x8;
	v9 =	vld [tilespmem:s18+$0x3220]  }
0x5c9: {  	(v2sf) =	vpush v2, $0xC  }
0x5ca: {  	(v2sf) =	vpush v0, $0x5;
	_ =	sdelay $0x2  }
0x5cb: {  	v3 =	vadd.f32 v9, v36;
	_ =	sdelay $0x1  }
0x5cc: {  	[tilespmem:s0+$0xFFFFFF20] =	vst v3  }
0x5cd: {  	v3 =	vld [tilespmem:s11+$0xFFFFFF30]  }
0x5ce: {  	v37 =	vld [tilespmem:s18+$0x3230];
	_ =	sdelay $0x4  }
0x5cf: {  	s6 =	spop (v2sf);
	v3 =	vadd.f32 v37, v3  }
0x5d0: {  	s12 =	spop (v2sf)  }
0x5d1: {  	s10 =	spop (v2sf);
	[tilespmem:s0+$0xFFFFFF30] =	vst v3  }
0x5d2: {  	s9 =	spop (v2sf);
	v3 =	vld [tilespmem:s11+$0xFFFFFF40]  }
0x5d3: {  	v38 =	vld [tilespmem:s9+$0x3200];
	_ =	sdelay $0x4  }
0x5d4: {  	[tilespmem:s31+$0xFFFFFF40] =	vst v8;
	v3 =	vadd.f32 v38, v3  }
0x5d5: {  	v8 =	vld [tilespmem:s1+$0xFFFFFF50]  }
0x5d6: {  	v39 =	vld [tilespmem:s19+$0x3210];
	[tilespmem:s0+$0xFFFFFF40] =	vst v3  }
0x5d7: {  	v3 =	vld [tilespmem:s11+$0xFFFFFF50]  }
0x5d8: {  	v40 =	vld [tilespmem:s9+$0x3210];
	_ =	sdelay $0x2  }
0x5d9: {  	v8 =	vadd.f32 v39, v8;
	_ =	sdelay $0x1  }
0x5da: {  	[tilespmem:s31+$0xFFFFFF50] =	vst v8;
	v3 =	vadd.f32 v40, v3  }
0x5db: {  	v8 =	vld [tilespmem:s1+$0xFFFFFF60]  }
0x5dc: {  	v41 =	vld [tilespmem:s19+$0x3220];
	[tilespmem:s0+$0xFFFFFF50] =	vst v3  }
0x5dd: {  	v3 =	vld [tilespmem:s11+$0xFFFFFF60]  }
0x5de: {  	(v2sf) =	vpush v1, $0x9;
	v42 =	vld [tilespmem:s9+$0x3220]  }
0x5df: {  	(v2sf) =	vpush v2, $0xD  }
0x5e0: {  	(v2sf) =	vpush v0, $0x6  }
0x5e1: {  	v8 =	vadd.f32 v41, v8;
	_ =	sdelay $0x1  }
0x5e2: {  	[tilespmem:s31+$0xFFFFFF60] =	vst v8;
	v3 =	vadd.f32 v42, v3  }
0x5e3: {  	v8 =	vld [tilespmem:s1+$0xFFFFFF70]  }
0x5e4: {  	v43 =	vld [tilespmem:s19+$0x3230];
	[tilespmem:s0+$0xFFFFFF60] =	vst v3  }
0x5e5: {  	v3 =	vld [tilespmem:s11+$0xFFFFFF70]  }
0x5e6: {  	v44 =	vld [tilespmem:s9+$0x3230];
	_ =	sdelay $0x2  }
0x5e7: {  	v8 =	vadd.f32 v43, v8;
	_ =	sdelay $0x1  }
0x5e8: {  	[tilespmem:s31+$0xFFFFFF70] =	vst v8;
	v3 =	vadd.f32 v44, v3  }
0x5e9: {  	v8 =	vld [tilespmem:s1+$0xFFFFFF80];
	s18 =	spop (v2sf)  }
0x5ea: {  	v45 =	vld [tilespmem:s4+$0x3200];
	s20 =	spop (v2sf);
	[tilespmem:s0+$0xFFFFFF70] =	vst v3  }
0x5eb: {  	s19 =	spop (v2sf);
	v3 =	vld [tilespmem:s11+$0xFFFFFF80]  }
0x5ec: {  	v46 =	vld [tilespmem:s19+$0x3200];
	_ =	sdelay $0x2  }
0x5ed: {  	v8 =	vadd.f32 v45, v8;
	_ =	sdelay $0x1  }
0x5ee: {  	[tilespmem:s31+$0xFFFFFF80] =	vst v8;
	v3 =	vadd.f32 v46, v3  }
0x5ef: {  	v8 =	vld [tilespmem:s1+$0xFFFFFF90]  }
0x5f0: {  	v47 =	vld [tilespmem:s4+$0x3210];
	[tilespmem:s0+$0xFFFFFF80] =	vst v3  }
0x5f1: {  	v3 =	vld [tilespmem:s11+$0xFFFFFF90]  }
0x5f2: {  	v48 =	vld [tilespmem:s19+$0x3210];
	_ =	sdelay $0x2  }
0x5f3: {  	v8 =	vadd.f32 v47, v8;
	_ =	sdelay $0x1  }
0x5f4: {  	[tilespmem:s31+$0xFFFFFF90] =	vst v8;
	v3 =	vadd.f32 v48, v3  }
0x5f5: {  	v8 =	vld [tilespmem:s1+$0xFFFFFFA0]  }
0x5f6: {  	v49 =	vld [tilespmem:s4+$0x3220];
	[tilespmem:s0+$0xFFFFFF90] =	vst v3  }
0x5f7: {  	v3 =	vld [tilespmem:s11+$0xFFFFFFA0]  }
0x5f8: {  	(v2sf) =	vpush v1, $0xA;
	v50 =	vld [tilespmem:s19+$0x3220]  }
0x5f9: {  	(v2sf) =	vpush v2, $0xE  }
0x5fa: {  	(v2sf) =	vpush v0, $0x7  }
0x5fb: {  	v8 =	vadd.f32 v49, v8;
	_ =	sdelay $0x1  }
0x5fc: {  	[tilespmem:s31+$0xFFFFFFA0] =	vst v8;
	v3 =	vadd.f32 v50, v3  }
0x5fd: {  	v8 =	vld [tilespmem:s1+$0xFFFFFFB0]  }
0x5fe: {  	v51 =	vld [tilespmem:s4+$0x3230];
	[tilespmem:s0+$0xFFFFFFA0] =	vst v3  }
0x5ff: {  	v3 =	vld [tilespmem:s11+$0xFFFFFFB0]  }
0x600: {  	v52 =	vld [tilespmem:s19+$0x3230];
	_ =	sdelay $0x2  }
0x601: {  	v8 =	vadd.f32 v51, v8;
	_ =	sdelay $0x1  }
0x602: {  	[tilespmem:s31+$0xFFFFFFB0] =	vst v8;
	v3 =	vadd.f32 v52, v3  }
0x603: {  	v8 =	vld [tilespmem:s1+$0xFFFFFFC0];
	s4 =	spop (v2sf)  }
0x604: {  	v53 =	vld [tilespmem:s2+$0x3200];
	s19 =	spop (v2sf);
	[tilespmem:s0+$0xFFFFFFB0] =	vst v3  }
0x605: {  	s15 =	spop (v2sf);
	v3 =	vld [tilespmem:s11+$0xFFFFFFC0]  }
0x606: {  	v54 =	vld [tilespmem:s15+$0x3200];
	_ =	sdelay $0x2  }
0x607: {  	v8 =	vadd.f32 v53, v8;
	_ =	sdelay $0x1  }
0x608: {  	[tilespmem:s31+$0xFFFFFFC0] =	vst v8;
	v3 =	vadd.f32 v54, v3  }
0x609: {  	v8 =	vld [tilespmem:s1+$0xFFFFFFD0]  }
0x60a: {  	v55 =	vld [tilespmem:s2+$0x3210];
	[tilespmem:s0+$0xFFFFFFC0] =	vst v3  }
0x60b: {  	v3 =	vld [tilespmem:s11+$0xFFFFFFD0]  }
0x60c: {  	v56 =	vld [tilespmem:s15+$0x3210];
	_ =	sdelay $0x2  }
0x60d: {  	v8 =	vadd.f32 v55, v8;
	_ =	sdelay $0x1  }
0x60e: {  	[tilespmem:s31+$0xFFFFFFD0] =	vst v8;
	v3 =	vadd.f32 v56, v3  }
0x60f: {  	v8 =	vld [tilespmem:s1+$0xFFFFFFE0]  }
0x610: {  	v57 =	vld [tilespmem:s2+$0x3220];
	[tilespmem:s0+$0xFFFFFFD0] =	vst v3  }
0x611: {  	v3 =	vld [tilespmem:s11+$0xFFFFFFE0]  }
0x612: {  	(v2sf) =	vpush v1, $0xB;
	v58 =	vld [tilespmem:s15+$0x3220]  }
0x613: {  	(v2sf) =	vpush v2, $0xF  }
0x614: {  	(v2sf) =	vpush v0, $0x8  }
0x615: {  	v59 =	vadd.f32 v57, v8;
	_ =	sdelay $0x1  }
0x616: {  	[tilespmem:s31+$0xFFFFFFE0] =	vst v59;
	v60 =	vadd.f32 v58, v3  }
0x617: {  	v61 =	vld [tilespmem:s1+$0xFFFFFFF0]  }
0x618: {  	v62 =	vld [tilespmem:s2+$0x3230];
	[tilespmem:s0+$0xFFFFFFE0] =	vst v60  }
0x619: {  	v2 =	vld [tilespmem:s11+$0xFFFFFFF0]  }
0x61a: {  	v63 =	vld [tilespmem:s15+$0x3230];
	_ =	sdelay $0x2  }
0x61b: {  	v3 =	vadd.f32 v62, v61;
	_ =	sdelay $0x1  }
0x61c: {  	[tilespmem:s31+$0xFFFFFFF0] =	vst v3;
	v2 =	vadd.f32 v63, v2  }
0x61d: {  	s2 =	spop (v2sf);
	v3 =	vld [tilespmem:s1+$0x0]  }
0x61e: {  	s9 =	spop (v2sf);
	v12 =	vld [tilespmem:s12+$0x3200];
	[tilespmem:s0+$0xFFFFFFF0] =	vst v2  }
0x61f: {  	s15 =	spop (v2sf);
	v2 =	vld [tilespmem:s11+$0x0]  }
0x620: {  	v13 =	vld [tilespmem:s15+$0x3200];
	_ =	sdelay $0x2  }
0x621: {  	v3 =	vadd.f32 v12, v3;
	_ =	sdelay $0x1  }
0x622: {  	[tilespmem:s31+$0x0] =	vst v3;
	v2 =	vadd.f32 v13, v2  }
0x623: {  	v3 =	vld [tilespmem:s1+$0x10]  }
0x624: {  	v14 =	vld [tilespmem:s12+$0x3210];
	[tilespmem:s0+$0x0] =	vst v2  }
0x625: {  	v2 =	vld [tilespmem:s11+$0x10]  }
0x626: {  	v15 =	vld [tilespmem:s15+$0x3210];
	_ =	sdelay $0x2  }
0x627: {  	v3 =	vadd.f32 v14, v3;
	_ =	sdelay $0x1  }
0x628: {  	[tilespmem:s31+$0x10] =	vst v3;
	v2 =	vadd.f32 v15, v2  }
0x629: {  	v3 =	vld [tilespmem:s1+$0x20]  }
0x62a: {  	v16 =	vld [tilespmem:s12+$0x3220];
	[tilespmem:s0+$0x10] =	vst v2  }
0x62b: {  	v2 =	vld [tilespmem:s11+$0x20]  }
0x62c: {  	v17 =	vld [tilespmem:s15+$0x3220]  }
0x62d: {  	(v2sf) =	vpush v1, $0xC  }
0x62e: {  	(v2sf) =	vpush v0, $0x9  }
0x62f: {  	v3 =	vadd.f32 v16, v3;
	_ =	sdelay $0x1  }
0x630: {  	[tilespmem:s31+$0x20] =	vst v3;
	v2 =	vadd.f32 v17, v2  }
0x631: {  	v3 =	vld [tilespmem:s1+$0x30]  }
0x632: {  	v18 =	vld [tilespmem:s12+$0x3230];
	[tilespmem:s0+$0x20] =	vst v2  }
0x633: {  	v2 =	vld [tilespmem:s11+$0x30]  }
0x634: {  	v19 =	vld [tilespmem:s15+$0x3230]  }
0x635: {  	v6 =	vadd.f32 v7, v6;
	_ =	sdelay $0x1  }
0x636: {  	[tilespmem:s29+$0x30] =	vst v6;
	v3 =	vadd.f32 v18, v3  }
0x637: {  	v6 =	vld [tilespmem:s30+$0x40]  }
0x638: {  	v20 =	vld [tilespmem:s16+$0x3200];
	[tilespmem:s31+$0x30] =	vst v3;
	v2 =	vadd.f32 v19, v2  }
0x639: {  	v3 =	vld [tilespmem:s1+$0x40]  }
0x63a: {  	s12 =	spop (v2sf);
	v21 =	vld [tilespmem:s18+$0x3200];
	[tilespmem:s0+$0x30] =	vst v2  }
0x63b: {  	s15 =	spop (v2sf);
	v2 =	vld [tilespmem:s11+$0x40]  }
0x63c: {  	v22 =	vld [tilespmem:s15+$0x3200]  }
0x63d: {  	v6 =	vadd.f32 v20, v6;
	_ =	sdelay $0x1  }
0x63e: {  	[tilespmem:s29+$0x40] =	vst v6;
	v3 =	vadd.f32 v21, v3  }
0x63f: {  	v6 =	vld [tilespmem:s30+$0x50]  }
0x640: {  	v23 =	vld [tilespmem:s16+$0x3210];
	[tilespmem:s31+$0x40] =	vst v3;
	v2 =	vadd.f32 v22, v2  }
0x641: {  	v3 =	vld [tilespmem:s1+$0x50]  }
0x642: {  	v24 =	vld [tilespmem:s18+$0x3210];
	[tilespmem:s0+$0x40] =	vst v2  }
0x643: {  	v2 =	vld [tilespmem:s11+$0x50]  }
0x644: {  	v25 =	vld [tilespmem:s15+$0x3210]  }
0x645: {  	v6 =	vadd.f32 v23, v6;
	_ =	sdelay $0x1  }
0x646: {  	[tilespmem:s29+$0x50] =	vst v6;
	v3 =	vadd.f32 v24, v3  }
0x647: {  	v6 =	vld [tilespmem:s30+$0x60]  }
0x648: {  	v26 =	vld [tilespmem:s16+$0x3220];
	[tilespmem:s31+$0x50] =	vst v3;
	v2 =	vadd.f32 v25, v2  }
0x649: {  	v3 =	vld [tilespmem:s1+$0x60]  }
0x64a: {  	v27 =	vld [tilespmem:s18+$0x3220];
	[tilespmem:s0+$0x50] =	vst v2  }
0x64b: {  	v2 =	vld [tilespmem:s11+$0x60]  }
0x64c: {  	v28 =	vld [tilespmem:s15+$0x3220]  }
0x64d: {  	v6 =	vadd.f32 v26, v6;
	(v2sf) =	vpush v1, $0xD  }
0x64e: {  	(v2sf) =	vpush v0, $0xA  }
0x64f: {  	[tilespmem:s29+$0x60] =	vst v6;
	v3 =	vadd.f32 v27, v3  }
0x650: {  	v6 =	vld [tilespmem:s16+$0x3230]  }
0x651: {  	v29 =	vld [tilespmem:s30+$0x70];
	[tilespmem:s31+$0x60] =	vst v3;
	v2 =	vadd.f32 v28, v2  }
0x652: {  	v3 =	vld [tilespmem:s1+$0x70]  }
0x653: {  	v30 =	vld [tilespmem:s18+$0x3230];
	[tilespmem:s0+$0x60] =	vst v2  }
0x654: {  	v2 =	vld [tilespmem:s11+$0x70]  }
0x655: {  	v31 =	vld [tilespmem:s15+$0x3230]  }
0x656: {  	v6 =	vadd.f32 v6, v29;
	_ =	sdelay $0x1  }
0x657: {  	[tilespmem:s29+$0x70] =	vst v6;
	v3 =	vadd.f32 v30, v3  }
0x658: {  	v6 =	vld [tilespmem:s30+$0x80]  }
0x659: {  	v32 =	vld [tilespmem:s14+$0x3200];
	[tilespmem:s31+$0x70] =	vst v3;
	v2 =	vadd.f32 v31, v2  }
0x65a: {  	v3 =	vld [tilespmem:s1+$0x80]  }
0x65b: {  	s18 =	spop (v2sf);
	v33 =	vld [tilespmem:s4+$0x3200];
	[tilespmem:s0+$0x70] =	vst v2  }
0x65c: {  	s16 =	spop (v2sf);
	v2 =	vld [tilespmem:s11+$0x80]  }
0x65d: {  	v34 =	vld [tilespmem:s16+$0x3200]  }
0x65e: {  	v6 =	vadd.f32 v32, v6;
	_ =	sdelay $0x1  }
0x65f: {  	[tilespmem:s29+$0x80] =	vst v6;
	v3 =	vadd.f32 v33, v3  }
0x660: {  	v6 =	vld [tilespmem:s30+$0x90]  }
0x661: {  	v35 =	vld [tilespmem:s14+$0x3210];
	[tilespmem:s31+$0x80] =	vst v3;
	v2 =	vadd.f32 v34, v2  }
0x662: {  	v3 =	vld [tilespmem:s1+$0x90]  }
0x663: {  	v36 =	vld [tilespmem:s4+$0x3210];
	[tilespmem:s0+$0x80] =	vst v2  }
0x664: {  	v2 =	vld [tilespmem:s11+$0x90]  }
0x665: {  	v37 =	vld [tilespmem:s16+$0x3210]  }
0x666: {  	v6 =	vadd.f32 v35, v6;
	_ =	sdelay $0x1  }
0x667: {  	[tilespmem:s29+$0x90] =	vst v6;
	v3 =	vadd.f32 v36, v3  }
0x668: {  	v6 =	vld [tilespmem:s30+$0xA0]  }
0x669: {  	v38 =	vld [tilespmem:s14+$0x3220];
	[tilespmem:s31+$0x90] =	vst v3;
	v2 =	vadd.f32 v37, v2  }
0x66a: {  	v3 =	vld [tilespmem:s1+$0xA0]  }
0x66b: {  	v39 =	vld [tilespmem:s4+$0x3220];
	[tilespmem:s0+$0x90] =	vst v2  }
0x66c: {  	v2 =	vld [tilespmem:s11+$0xA0]  }
0x66d: {  	v40 =	vld [tilespmem:s16+$0x3220]  }
0x66e: {  	v6 =	vadd.f32 v38, v6;
	(v2sf) =	vpush v1, $0xE  }
0x66f: {  	(v2sf) =	vpush v0, $0xB  }
0x670: {  	[tilespmem:s29+$0xA0] =	vst v6;
	v3 =	vadd.f32 v39, v3  }
0x671: {  	v6 =	vld [tilespmem:s14+$0x3230]  }
0x672: {  	v41 =	vld [tilespmem:s30+$0xB0];
	[tilespmem:s31+$0xA0] =	vst v3;
	v2 =	vadd.f32 v40, v2  }
0x673: {  	v3 =	vld [tilespmem:s1+$0xB0]  }
0x674: {  	v42 =	vld [tilespmem:s4+$0x3230];
	[tilespmem:s0+$0xA0] =	vst v2  }
0x675: {  	v2 =	vld [tilespmem:s11+$0xB0]  }
0x676: {  	v43 =	vld [tilespmem:s16+$0x3230]  }
0x677: {  	v6 =	vadd.f32 v6, v41;
	_ =	sdelay $0x1  }
0x678: {  	[tilespmem:s29+$0xB0] =	vst v6;
	v3 =	vadd.f32 v42, v3  }
0x679: {  	v6 =	vld [tilespmem:s30+$0xC0]  }
0x67a: {  	v44 =	vld [tilespmem:s21+$0x3200];
	[tilespmem:s31+$0xB0] =	vst v3;
	v2 =	vadd.f32 v43, v2  }
0x67b: {  	v3 =	vld [tilespmem:s1+$0xC0]  }
0x67c: {  	v45 =	vld [tilespmem:s2+$0x3200];
	s16 =	spop (v2sf);
	[tilespmem:s0+$0xB0] =	vst v2  }
0x67d: {  	s15 =	spop (v2sf);
	v2 =	vld [tilespmem:s11+$0xC0]  }
0x67e: {  	v46 =	vld [tilespmem:s15+$0x3200]  }
0x67f: {  	v6 =	vadd.f32 v44, v6;
	_ =	sdelay $0x1  }
0x680: {  	[tilespmem:s29+$0xC0] =	vst v6;
	v3 =	vadd.f32 v45, v3  }
0x681: {  	v6 =	vld [tilespmem:s30+$0xD0]  }
0x682: {  	v47 =	vld [tilespmem:s21+$0x3210];
	[tilespmem:s31+$0xC0] =	vst v3;
	v2 =	vadd.f32 v46, v2  }
0x683: {  	v3 =	vld [tilespmem:s1+$0xD0]  }
0x684: {  	v48 =	vld [tilespmem:s2+$0x3210];
	[tilespmem:s0+$0xC0] =	vst v2  }
0x685: {  	v2 =	vld [tilespmem:s11+$0xD0]  }
0x686: {  	v49 =	vld [tilespmem:s15+$0x3210]  }
0x687: {  	v6 =	vadd.f32 v47, v6;
	_ =	sdelay $0x1  }
0x688: {  	[tilespmem:s29+$0xD0] =	vst v6;
	v3 =	vadd.f32 v48, v3  }
0x689: {  	v6 =	vld [tilespmem:s30+$0xE0]  }
0x68a: {  	v50 =	vld [tilespmem:s21+$0x3220];
	[tilespmem:s31+$0xD0] =	vst v3;
	v2 =	vadd.f32 v49, v2  }
0x68b: {  	v3 =	vld [tilespmem:s1+$0xE0]  }
0x68c: {  	v51 =	vld [tilespmem:s2+$0x3220];
	[tilespmem:s0+$0xD0] =	vst v2  }
0x68d: {  	v2 =	vld [tilespmem:s11+$0xE0]  }
0x68e: {  	v52 =	vld [tilespmem:s15+$0x3220]  }
0x68f: {  	v6 =	vadd.f32 v50, v6;
	(v2sf) =	vpush v1, $0xF  }
0x690: {  	(v2sf) =	vpush v0, $0xC  }
0x691: {  	[tilespmem:s29+$0xE0] =	vst v6;
	v53 =	vadd.f32 v51, v3  }
0x692: {  	v6 =	vld [tilespmem:s30+$0xF0]  }
0x693: {  	v54 =	vld [tilespmem:s21+$0x3230];
	[tilespmem:s31+$0xE0] =	vst v53;
	v55 =	vadd.f32 v52, v2  }
0x694: {  	v56 =	vld [tilespmem:s1+$0xF0]  }
0x695: {  	v57 =	vld [tilespmem:s2+$0x3230];
	[tilespmem:s0+$0xE0] =	vst v55  }
0x696: {  	v1 =	vld [tilespmem:s11+$0xF0]  }
0x697: {  	v58 =	vld [tilespmem:s15+$0x3230]  }
0x698: {  	v3 =	vadd.f32 v54, v6;
	_ =	sdelay $0x1  }
0x699: {  	[tilespmem:s29+$0xF0] =	vst v3;
	v2 =	vadd.f32 v57, v56  }
0x69a: {  	v3 =	vld [tilespmem:s30+$0x100]  }
0x69b: {  	v59 =	vld [tilespmem:s10+$0x3200];
	[tilespmem:s31+$0xF0] =	vst v2;
	v1 =	vadd.f32 v58, v1  }
0x69c: {  	v2 =	vld [tilespmem:s1+$0x100]  }
0x69d: {  	s14 =	spop (v2sf);
	v60 =	vld [tilespmem:s12+$0x3200];
	[tilespmem:s0+$0xF0] =	vst v1  }
0x69e: {  	s4 =	spop (v2sf);
	v1 =	vld [tilespmem:s11+$0x100]  }
0x69f: {  	v61 =	vld [tilespmem:s4+$0x3200]  }
0x6a0: {  	v3 =	vadd.f32 v59, v3;
	_ =	sdelay $0x1  }
0x6a1: {  	[tilespmem:s29+$0x100] =	vst v3;
	v2 =	vadd.f32 v60, v2  }
0x6a2: {  	v3 =	vld [tilespmem:s30+$0x110]  }
0x6a3: {  	v62 =	vld [tilespmem:s10+$0x3210];
	[tilespmem:s31+$0x100] =	vst v2;
	v1 =	vadd.f32 v61, v1  }
0x6a4: {  	v2 =	vld [tilespmem:s1+$0x110]  }
0x6a5: {  	v63 =	vld [tilespmem:s12+$0x3210];
	[tilespmem:s0+$0x100] =	vst v1  }
0x6a6: {  	v8 =	vadd.f32 v5, v4;
	v9 =	vld [tilespmem:s11+$0x110]  }
0x6a7: {  	v10 =	vld [tilespmem:s4+$0x3210]  }
0x6a8: {  	[tilespmem:s26+$0x110] =	vst v8;
	v11 =	vadd.f32 v62, v3  }
0x6a9: {  	v12 =	vld [tilespmem:s28+$0x120]  }
0x6aa: {  	v13 =	vld [tilespmem:s7+$0x3220];
	[tilespmem:s29+$0x110] =	vst v11;
	v14 =	vadd.f32 v63, v2  }
0x6ab: {  	v15 =	vld [tilespmem:s30+$0x120]  }
0x6ac: {  	v16 =	vld [tilespmem:s10+$0x3220];
	[tilespmem:s31+$0x110] =	vst v14;
	v17 =	vadd.f32 v10, v9  }
0x6ad: {  	v18 =	vld [tilespmem:s1+$0x120]  }
0x6ae: {  	v19 =	vld [tilespmem:s12+$0x3220];
	[tilespmem:s0+$0x110] =	vst v17  }
0x6af: {  	v20 =	vadd.f32 v13, v12;
	v21 =	vld [tilespmem:s11+$0x120]  }
0x6b0: {  	v22 =	vld [tilespmem:s4+$0x3220]  }
0x6b1: {  	[tilespmem:s26+$0x120] =	vst v20;
	v23 =	vadd.f32 v16, v15  }
0x6b2: {  	v24 =	vld [tilespmem:s7+$0x3230];
	(v2sf) =	vpush v0, $0xD  }
0x6b3: {  	v25 =	vld [tilespmem:s28+$0x130];
	[tilespmem:s29+$0x120] =	vst v23;
	v26 =	vadd.f32 v19, v18  }
0x6b4: {  	v27 =	vld [tilespmem:s10+$0x3230]  }
0x6b5: {  	v28 =	vld [tilespmem:s30+$0x130];
	[tilespmem:s31+$0x120] =	vst v26;
	v29 =	vadd.f32 v22, v21  }
0x6b6: {  	v30 =	vld [tilespmem:s12+$0x3230]  }
0x6b7: {  	v31 =	vld [tilespmem:s1+$0x130];
	[tilespmem:s0+$0x120] =	vst v29  }
0x6b8: {  	v32 =	vadd.f32 v24, v25;
	v33 =	vld [tilespmem:s11+$0x130]  }
0x6b9: {  	v34 =	vld [tilespmem:s4+$0x3230]  }
0x6ba: {  	[tilespmem:s26+$0x130] =	vst v32;
	v35 =	vadd.f32 v27, v28  }
0x6bb: {  	v36 =	vld [tilespmem:s28+$0x140]  }
0x6bc: {  	v37 =	vld [tilespmem:s8+$0x3200];
	[tilespmem:s29+$0x130] =	vst v35;
	v38 =	vadd.f32 v30, v31  }
0x6bd: {  	v39 =	vld [tilespmem:s30+$0x140]  }
0x6be: {  	v40 =	vld [tilespmem:s20+$0x3200];
	[tilespmem:s31+$0x130] =	vst v38;
	v41 =	vadd.f32 v34, v33  }
0x6bf: {  	v42 =	vld [tilespmem:s1+$0x140]  }
0x6c0: {  	v43 =	vld [tilespmem:s18+$0x3200];
	[tilespmem:s0+$0x130] =	vst v41  }
0x6c1: {  	v44 =	vadd.f32 v37, v36;
	s15 =	spop (v2sf);
	v45 =	vld [tilespmem:s11+$0x140]  }
0x6c2: {  	v46 =	vld [tilespmem:s15+$0x3200]  }
0x6c3: {  	[tilespmem:s26+$0x140] =	vst v44;
	v47 =	vadd.f32 v40, v39  }
0x6c4: {  	v48 =	vld [tilespmem:s28+$0x150]  }
0x6c5: {  	v49 =	vld [tilespmem:s8+$0x3210];
	[tilespmem:s29+$0x140] =	vst v47;
	v50 =	vadd.f32 v43, v42  }
0x6c6: {  	v51 =	vld [tilespmem:s30+$0x150]  }
0x6c7: {  	v52 =	vld [tilespmem:s20+$0x3210];
	[tilespmem:s31+$0x140] =	vst v50;
	v53 =	vadd.f32 v46, v45  }
0x6c8: {  	v54 =	vld [tilespmem:s1+$0x150]  }
0x6c9: {  	v55 =	vld [tilespmem:s18+$0x3210];
	[tilespmem:s0+$0x140] =	vst v53  }
0x6ca: {  	v56 =	vadd.f32 v49, v48;
	v57 =	vld [tilespmem:s11+$0x150]  }
0x6cb: {  	v58 =	vld [tilespmem:s15+$0x3210]  }
0x6cc: {  	[tilespmem:s26+$0x150] =	vst v56;
	v59 =	vadd.f32 v52, v51  }
0x6cd: {  	v60 =	vld [tilespmem:s28+$0x160]  }
0x6ce: {  	v61 =	vld [tilespmem:s8+$0x3220];
	[tilespmem:s29+$0x150] =	vst v59;
	v62 =	vadd.f32 v55, v54  }
0x6cf: {  	v63 =	vld [tilespmem:s30+$0x160]  }
0x6d0: {  	v9 =	vld [tilespmem:s20+$0x3220];
	[tilespmem:s31+$0x150] =	vst v62;
	v10 =	vadd.f32 v58, v57  }
0x6d1: {  	v11 =	vld [tilespmem:s1+$0x160]  }
0x6d2: {  	v12 =	vld [tilespmem:s18+$0x3220];
	[tilespmem:s0+$0x150] =	vst v10  }
0x6d3: {  	v13 =	vadd.f32 v61, v60;
	v14 =	vld [tilespmem:s11+$0x160]  }
0x6d4: {  	v15 =	vld [tilespmem:s15+$0x3220]  }
0x6d5: {  	[tilespmem:s26+$0x160] =	vst v13;
	v16 =	vadd.f32 v9, v63  }
0x6d6: {  	(v2sf) =	vpush v0, $0xE;
	v18 =	vld [tilespmem:s28+$0x170]  }
0x6d7: {  	v17 =	vld [tilespmem:s8+$0x3230];
	[tilespmem:s29+$0x160] =	vst v16;
	v19 =	vadd.f32 v12, v11  }
0x6d8: {  	v20 =	vld [tilespmem:s20+$0x3230]  }
0x6d9: {  	v21 =	vld [tilespmem:s30+$0x170];
	[tilespmem:s31+$0x160] =	vst v19;
	v22 =	vadd.f32 v15, v14  }
0x6da: {  	v23 =	vld [tilespmem:s18+$0x3230]  }
0x6db: {  	v24 =	vld [tilespmem:s1+$0x170];
	[tilespmem:s0+$0x160] =	vst v22  }
0x6dc: {  	v25 =	vadd.f32 v17, v18;
	v26 =	vld [tilespmem:s11+$0x170]  }
0x6dd: {  	v27 =	vld [tilespmem:s15+$0x3230]  }
0x6de: {  	[tilespmem:s26+$0x170] =	vst v25;
	v28 =	vadd.f32 v20, v21  }
0x6df: {  	v29 =	vld [tilespmem:s28+$0x180]  }
0x6e0: {  	v30 =	vld [tilespmem:s13+$0x3200];
	[tilespmem:s29+$0x170] =	vst v28;
	v31 =	vadd.f32 v23, v24  }
0x6e1: {  	v32 =	vld [tilespmem:s30+$0x180]  }
0x6e2: {  	v33 =	vld [tilespmem:s19+$0x3200];
	[tilespmem:s31+$0x170] =	vst v31;
	v34 =	vadd.f32 v27, v26  }
0x6e3: {  	v35 =	vld [tilespmem:s1+$0x180]  }
0x6e4: {  	v36 =	vld [tilespmem:s16+$0x3200];
	[tilespmem:s0+$0x170] =	vst v34  }
0x6e5: {  	v37 =	vadd.f32 v30, v29;
	s20 =	spop (v2sf);
	v38 =	vld [tilespmem:s11+$0x180]  }
0x6e6: {  	v39 =	vld [tilespmem:s20+$0x3200]  }
0x6e7: {  	[tilespmem:s26+$0x180] =	vst v37;
	v40 =	vadd.f32 v33, v32  }
0x6e8: {  	v41 =	vld [tilespmem:s28+$0x190]  }
0x6e9: {  	v42 =	vld [tilespmem:s13+$0x3210];
	[tilespmem:s29+$0x180] =	vst v40;
	v43 =	vadd.f32 v36, v35  }
0x6ea: {  	v44 =	vld [tilespmem:s30+$0x190]  }
0x6eb: {  	v45 =	vld [tilespmem:s19+$0x3210];
	[tilespmem:s31+$0x180] =	vst v43;
	v46 =	vadd.f32 v39, v38  }
0x6ec: {  	v47 =	vld [tilespmem:s1+$0x190]  }
0x6ed: {  	v48 =	vld [tilespmem:s16+$0x3210];
	[tilespmem:s0+$0x180] =	vst v46  }
0x6ee: {  	v49 =	vadd.f32 v42, v41;
	v50 =	vld [tilespmem:s11+$0x190]  }
0x6ef: {  	v51 =	vld [tilespmem:s20+$0x3210]  }
0x6f0: {  	[tilespmem:s26+$0x190] =	vst v49;
	v52 =	vadd.f32 v45, v44  }
0x6f1: {  	v53 =	vld [tilespmem:s28+$0x1A0]  }
0x6f2: {  	v54 =	vld [tilespmem:s13+$0x3220];
	[tilespmem:s29+$0x190] =	vst v52;
	v55 =	vadd.f32 v48, v47  }
0x6f3: {  	v56 =	vld [tilespmem:s30+$0x1A0]  }
0x6f4: {  	v57 =	vld [tilespmem:s19+$0x3220];
	[tilespmem:s31+$0x190] =	vst v55;
	v58 =	vadd.f32 v51, v50  }
0x6f5: {  	v59 =	vld [tilespmem:s1+$0x1A0]  }
0x6f6: {  	v60 =	vld [tilespmem:s16+$0x3220];
	[tilespmem:s0+$0x190] =	vst v58  }
0x6f7: {  	v61 =	vadd.f32 v54, v53;
	v62 =	vld [tilespmem:s11+$0x1A0]  }
0x6f8: {  	v63 =	vld [tilespmem:s20+$0x3220]  }
0x6f9: {  	[tilespmem:s26+$0x1A0] =	vst v61;
	v8 =	vadd.f32 v57, v56  }
0x6fa: {  	(v2sf) =	vpush v0, $0xF;
	v9 =	vld [tilespmem:s13+$0x3230]  }
0x6fb: {  	v10 =	vld [tilespmem:s28+$0x1B0];
	[tilespmem:s29+$0x1A0] =	vst v8;
	v11 =	vadd.f32 v60, v59  }
0x6fc: {  	v12 =	vld [tilespmem:s19+$0x3230]  }
0x6fd: {  	v13 =	vld [tilespmem:s30+$0x1B0];
	[tilespmem:s31+$0x1A0] =	vst v11;
	v14 =	vadd.f32 v63, v62  }
0x6fe: {  	v15 =	vld [tilespmem:s1+$0x1B0]  }
0x6ff: {  	v16 =	vld [tilespmem:s16+$0x3230];
	[tilespmem:s0+$0x1A0] =	vst v14  }
0x700: {  	v0 =	vadd.f32 v9, v10;
	v1 =	vld [tilespmem:s11+$0x1B0]  }
0x701: {  	v17 =	vld [tilespmem:s20+$0x3230]  }
0x702: {  	[tilespmem:s26+$0x1B0] =	vst v0;
	v18 =	vadd.f32 v12, v13  }
0x703: {  	v19 =	vld [tilespmem:s28+$0x1C0]  }
0x704: {  	v20 =	vld [tilespmem:s6+$0x3200];
	[tilespmem:s29+$0x1B0] =	vst v18;
	v21 =	vadd.f32 v16, v15  }
0x705: {  	v22 =	vld [tilespmem:s30+$0x1C0]  }
0x706: {  	v23 =	vld [tilespmem:s9+$0x3200];
	[tilespmem:s31+$0x1B0] =	vst v21;
	v24 =	vadd.f32 v17, v1  }
0x707: {  	v25 =	vld [tilespmem:s1+$0x1C0]  }
0x708: {  	v26 =	vld [tilespmem:s14+$0x3200];
	[tilespmem:s0+$0x1B0] =	vst v24  }
0x709: {  	s21 =	spop (v2sf);
	v27 =	vadd.f32 v20, v19;
	v28 =	vld [tilespmem:s11+$0x1C0]  }
0x70a: {  	v29 =	vld [tilespmem:s21+$0x3200]  }
0x70b: {  	[tilespmem:s26+$0x1C0] =	vst v27;
	v30 =	vadd.f32 v23, v22  }
0x70c: {  	v31 =	vld [tilespmem:s28+$0x1D0]  }
0x70d: {  	v32 =	vld [tilespmem:s6+$0x3210];
	[tilespmem:s29+$0x1C0] =	vst v30;
	v33 =	vadd.f32 v26, v25  }
0x70e: {  	v34 =	vld [tilespmem:s30+$0x1D0]  }
0x70f: {  	v35 =	vld [tilespmem:s9+$0x3210];
	[tilespmem:s31+$0x1C0] =	vst v33;
	v36 =	vadd.f32 v29, v28  }
0x710: {  	v37 =	vld [tilespmem:s1+$0x1D0]  }
0x711: {  	v38 =	vld [tilespmem:s14+$0x3210];
	[tilespmem:s0+$0x1C0] =	vst v36  }
0x712: {  	v39 =	vadd.f32 v32, v31;
	v40 =	vld [tilespmem:s11+$0x1D0]  }
0x713: {  	v41 =	vld [tilespmem:s21+$0x3210]  }
0x714: {  	[tilespmem:s26+$0x1D0] =	vst v39;
	v42 =	vadd.f32 v35, v34  }
0x715: {  	v43 =	vld [tilespmem:s28+$0x1E0]  }
0x716: {  	v44 =	vld [tilespmem:s6+$0x3220];
	[tilespmem:s29+$0x1D0] =	vst v42;
	v45 =	vadd.f32 v38, v37  }
0x717: {  	v46 =	vld [tilespmem:s30+$0x1E0]  }
0x718: {  	v47 =	vld [tilespmem:s9+$0x3220];
	[tilespmem:s31+$0x1D0] =	vst v45;
	v48 =	vadd.f32 v41, v40  }
0x719: {  	v49 =	vld [tilespmem:s1+$0x1E0]  }
0x71a: {  	v50 =	vld [tilespmem:s14+$0x3220];
	[tilespmem:s0+$0x1D0] =	vst v48  }
0x71b: {  	v51 =	vadd.f32 v44, v43;
	v52 =	vld [tilespmem:s11+$0x1E0]  }
0x71c: {  	v53 =	vld [tilespmem:s21+$0x3220]  }
0x71d: {  	[tilespmem:s26+$0x1E0] =	vst v51;
	v54 =	vadd.f32 v47, v46  }
0x71e: {  	v55 =	vld [tilespmem:s28+$0x1F0]  }
0x71f: {  	v56 =	vld [tilespmem:s6+$0x3230];
	[tilespmem:s29+$0x1E0] =	vst v54;
	v57 =	vadd.f32 v50, v49  }
0x720: {  	v58 =	vld [tilespmem:s30+$0x1F0]  }
0x721: {  	v59 =	vld [tilespmem:s9+$0x3230];
	[tilespmem:s31+$0x1E0] =	vst v57;
	v60 =	vadd.f32 v53, v52  }
0x722: {  	v61 =	vld [tilespmem:s1+$0x1F0]  }
0x723: {  	v62 =	vld [tilespmem:s14+$0x3230];
	[tilespmem:s0+$0x1E0] =	vst v60  }
0x724: {  	v0 =	vld [tilespmem:s11+$0x1F0]  }
0x725: {  	v63 =	vld [tilespmem:s21+$0x3230];
	_ =	sdelay $0x1  }
0x726: {  	v2 =	vadd.f32 v56, v55  }
0x727: {  	v4 =	vadd.f32 v59, v58  }
.Ltmp4:
0x728: {  	s28 =	sadd.s32 s3, s25;
	[tilespmem:s26+$0x1F0] =	vst v2;
	v1 =	vadd.f32 v62, v61;
	(pc) =	sbr.rel @p1 .LBB2_8-.Ltmp4, $4  }
0x729: {  	[tilespmem:s29+$0x1F0] =	vst v4;
	s1 =	sshll.u32 s28, $0x3;
	v0 =	vadd.f32 v63, v0  }
0x72a: {  	s15 =	simm.s32 $0x0;
	s1 =	sand.u32 $0x1FFFFF80, s1;
	[tilespmem:s31+$0x1F0] =	vst v1  }
0x72b: {  	s14 =	smov.u32 s17;
	s30 =	sadd.s32 s17, s1;
	s31 =	simm.s32 $0x16100;
	[tilespmem:s0+$0x1F0] =	vst v0  }
0x72c: {  	[hbm4b:s30+s15] =	stream.linear.scatter [tilespmem:s31], [sflag:$0x4], $0x6400, $0x38;
	[tilespmem:$0x1C500] =	vst v63  }
0x72d: {  	s0 =	smul.u32 $0xC80, s24  }
.Ltmp5:
0x72e: {  	_ = 	snop;
	(pc) =	sbr.rel .LBB2_2-.Ltmp5, $4  }
0x72f: {  	s1 =	simm.s32 $0x190  }
0x730: {  	s2 =	simm.s32 $0x9900;
	s24 =	sadd.s32 $0x1, s24;
	s0 =	sshra.s32 s0, $0x2  }
0x731: {  	s22 =	sadd.s32 $0x320, s22;
	s23 =	sadd.s32 $0x320, s23;
	s0 =	sadd.s32 $0x4B0, s0  }
0x732: {  	[tilespmem:s2], [sflag:$0x2] =	stream.indirect.gather [hbm4b:s5+s1], $0x40, s0, s1, $0xb8;
	[tilespmem:$0x1C500] =	vst v63  }
.LBB2_9:
0x733: {  	_ =	sfence.sel $0x180000  }
0x734: {  	[bflag:$0x0] =	sbarrier.arrive $0xFFFF  }
0x735: {  	_ =	strace $0x90000047  }
0x736: {  	s0 =	stileid.u32;
	[bflag:$0x2] =	sbarrier.arrive $0xFFFF  }
0x737: {  	p0 =	sne.s32 s0, $0x0;
	s0 =	rddreg [dreg:$0x2]  }
0x738: {  	s0 =	sadd.s32 @!p0 $0x100000, s0  }
0x739: {  	[sflag:s0] =	ssyncadd.tile.s32 @!p0 $0x1;
	_ =	shalt  }
.Lfunc_end2:
_tile_overlayer_lowered:
.L_overlay_start_2:
0x73a: {  	(tag) =	ssettag $0x2  }
0x73b: {  	s0 =	rddreg [dreg:$0x0];
	s2 =	stileid.u32  }
0x73c: {  	s1 =	rddreg [dreg:$0x1];
	p0 =	sne.s32 s2, $0x0  }
0x73d: {  	s3 =	rddreg [dreg:$0x2];
	[bflag:$0x3] =	sbarrier.arrive $0xFFFF;
	s2 =	simm.s32 @!p0 $0x1C05  }
0x73e: {  	[timem:s3], [sflag:s2] =	dma.local @!p0 [hbm:s0], s1  }
0x73f: {  	s0 =	simm.s32 @!p0 $0x5  }
0x740: {  	_ =	swait.ge @!p0 [sflag:s0], s1  }
0x741: {  	s1 =	ssub.s32 @!p0 $0x0, s1;
	[sflag:s0] =	ssyncset.done @!p0 $0x0  }
0x742: {  	[sflag:s0] =	ssyncadd.s32 @!p0 s1  }
0x743: {  	[bflag:$0x3] =	sbarrier.arrive $0xFFFF  }
0x744: {  	_ =	shalt  }

// kernel: sparse-core-data-format-call.cloned.1.call-start
scs
called_computation_lowered:
.L_overlay_start_0:
0x0: {  	s2 =	sld [smem:$0x3FD9]  }
0x1: {  	s3 =	sld [smem:$0x3FFE];
	_ =	sdelay $0x1  }
0x2: {  	s1 =	srdreg.scid  }
0x3: {  	s0 =	sand.u32 $0x1, s1  }
0x4: {  	s18 =	sshll.u32 s0, $0xA;
	s2 =	sadd.s32 s3, s2  }
0x5: {  	s2 =	sadd.s32 s2, s18  }
0x6: {  	[smem:$0x3FC4] =	sst s2  }
0x7: {  	_ = 	snop  }
0x8: {  	s2 =	sld [smem:$0x3FD0];
	(tm) =	ssettm $0x1  }
0x9: {  	s19 =	sld [smem:$0x3FFB];
	_ =	sdelay $0x3  }
0xa: {  	_ =	strace s19  }
0xb: {  	s3 =	sld [smem:$0x3FFC];
	_ =	sdelay $0x3  }
0xc: {  	_ =	strace s3  }
0xd: {  	s3 =	sld [smem:$0x3FFD];
	_ =	sdelay $0x3  }
0xe: {  	_ =	strace s3  }
0xf: {  	_ =	strace $0x8FFFFFFF  }
0x10: {  	s20 =	sld [smem:$0x3FDB];
	_ =	sdelay $0x1  }
0x11: {  	s4 =	simm.s32 $_scs_section_size  }
0x12: {  	s5 =	simm.s32 $_size__tile_overlayer_lowered;
	s6 =	simm.s32 $_tile_overlayer_lowered  }
0x13: {  	s23 =	simm.s32 $0x1BFF;
	s22 =	sshll.u32 s6, $0x1;
	s3 =	sadd.s32 s4, s20  }
0x14: {  	s7 =	simm.s32 $0x0;
	s21 =	sshll.u32 s5, $0x1;
	s5 =	sadd.s32 s22, s3  }
0x15: {  	[timem:s7], [sflag:s23] =	dma.local [hbm:s5], s21  }
0x16: {  	_ =	swait.ge [sflag:s23], s21  }
0x17: {  	s4 =	ssub.s32 $0x0, s21;
	[sflag:s23] =	ssyncset.done $0x0  }
0x18: {  	[sflag:s23] =	ssyncadd.s32 s4;
	_ =	sdelay $0x1  }
0x19: {  	s24 =	simm.s32 $0x1B8B  }
0x1a: {  	_ =	swait.ge [sflag:s24], $0x1  }
0x1b: {  	[sflag:s24] =	ssyncset.done $0x0  }
0x1c: {  	s26 =	simm.s32 $0x1B8E;
	s25 =	sld [smem:$0x3FFE];
	[sflag:s24] =	ssyncadd.s32 $0xFFFFFFFF  }
0x1d: {  	s27 =	simm.s32 $execute0_lowered;
	[smem:$0x3FD2] =	sst s26  }
0x1e: {  	s5 =	sshll.u32 s27, $0x1;
	_ =	strace $0x80000049;
	[dreg:$0x1] =	wrdreg $0xFFFFFFFF  }
0x1f: {  	s28 =	simm.s32 $_size_execute0_lowered;
	s3 =	sadd.s32 s3, s5;
	[dreg:$0x0] =	wrdreg $0x0  }
0x20: {  	s5 =	sshll.u32 s28, $0x1;
	[dreg:$0x2] =	wrdreg s3  }
0x21: {  	[dreg:$0x3] =	wrdreg s5  }
0x22: {  	[dreg:$0x4] =	wrdreg $0xC0  }
0x23: {  	_ =	task [dreg:s7], $0x5FFFF  }
0x24: {  	[dreg:$0x1] =	wrdreg $0xFFFFFFFF  }
0x25: {  	[dreg:$0x0] =	wrdreg $0x60  }
0x26: {  	[dreg:$0x2] =	wrdreg s25  }
0x27: {  	[dreg:$0x3] =	wrdreg s2  }
0x28: {  	[dreg:$0x4] =	wrdreg $0x9  }
0x29: {  	_ =	task.clear_ibuf [dreg:s7], $0x5FFFF;
	_ =	strace $0x90000049  }
0x2a: {  	s29 =	simm.s32 $0x9;
	_ =	strace $0x8000004B  }
0x2b: {  	_ =	swait.ge [sflag:s29], $0x1  }
0x2c: {  	[sflag:s29] =	ssyncadd.s32 $0xFFFFFFFF  }
0x2d: {  	_ =	strace $0x9000004B  }
0x2e: {  	_ =	sfence  }
0x2f: {  	s30 =	sld [smem:$0x0];
	_ =	sdelay $0x2  }
0x30: {  	s31 =	sshll.u32 s1, $0xD;
	s1 =	sshrl.u32 s1, $0x2  }
0x31: {  	s3 =	sand.u32 $0x4000, s31;
	s1 =	sadd.s32 s1, s30  }
0x32: {  	s0 =	sor.u32 s3, s0;
	s1 =	sshll.u32 s1, $0x11  }
0x33: {  	s0 =	sor.u32 s1, s0  }
0x34: {  	s0 =	sadd.s32 $0x8F2B, s0  }
0x35: {  	[sflag:s0] =	ssyncadd.remote.s32 $0x1  }
0x36: {  	_ =	sfence.sel $0xFFFF  }
0x37: {  	[dreg:$0x0] =	wrdreg $0xFFFFFFFF;
	(pc) =	sbr.abs _section_cstart, $3  }
0x38: {  	[dreg:$0x1] =	wrdreg $0xFFFFFFFF  }
0x39: {  	_ =	task.clear_ibuf [dreg:s7], $0x2FFFF;
	_ =	strace $0x9FFFFFFF  }
0x3a: {  	(tm) =	ssettm $0x7FFFFFFF  }
0x3b: {  	_ =	shalt  }
tec
execute0_lowered:
.L_overlay_start_1:
0x0: {  	(tag) =	ssettag $0x1  }
0x1: {  	s0 =	srdreg.scid  }
0x2: {  	s1 =	sshll.u32 s0, $0x4  }
0x3: {  	s0 =	stileid.u32;
	s1 =	sand.u32 $0x10, s1  }
0x4: {  	s1 =	sor.u32 s0, s1  }
0x5: {  	s6 =	rddreg [dreg:$0x0];
	s4 =	simm.s32 $0x1;
	s2 =	sshll.u32 s1, $0x7  }
0x6: {  	s7 =	simm.s32 $0x2;
	s12 =	simm.s32 $0x0;
	s1 =	ssub.s32 $0x1000, s2  }
0x7: {  	s8 =	simm.s32 $0x8000;
	s13 =	simm.s32 $0x0;
	s3 =	sand.u32 $0xF80, s1  }
0x8: {  	s9 =	simm.s32 $0x0;
	s5 =	sshrl.u32 s1, $0xC;
	p0 =	sne.s32 s3, $0x0  }
.Ltmp0:
0x9: {  	s1 =	rddreg [dreg:$0x2];
	s4 =	simm.s32 @!p0 $0x0;
	(pc) =	sbr.rel .LBB1_1-.Ltmp0, $4  }
0xa: {  	s11 =	simm.s32 $0x0;
	s3 =	rddreg [dreg:$0x1];
	s5 =	sadd.s32 s4, s5  }
0xb: {  	_ =	strace $0x8000004A;
	s4 =	simm.s32 $0x1;
	s5 =	smul.u32 $0x32, s5  }
0xc: {  	s6 =	sadd.s32 $0x800, s6;
	s10 =	smov.u32 s2;
	[sflag:s4] =	ssyncpa.u1 $0x0  }
0xd: {  	p0 =	por $0x0, $0x0;
	[sflag:s7] =	ssyncpa.u1 $0x0;
	s7 =	sor.u32 $0x1, s5  }
.LBB1_4:
0xe: {  	s16 =	sshll.u32 s13, $0x3;
	s17 =	sand.u32 $0x78, s13  }
0xf: {  	s30 =	sand.u32 $0x7E00, s13;
	s12 =	sshll.u32 s12, $0xF;
	s16 =	sand.u32 $0xC00, s16  }
0x10: {  	[tilespmem:s15+$0x810 ss:$0x81] =	vst.msk $0xffff, v2;
	s31 =	sand.u32 $0x7, s13;
	s16 =	sor.u32 s17, s16;
	s17 =	sadd.s32 s3, s30  }
0x11: {  	[tilespmem:s15+$0x1020 ss:$0x81] =	vst.msk $0xffff, v0;
	s13 =	sshll.u32 s31, $0x12;
	s12 =	sadd.s32 s12, s17;
	s16 =	sshrl.u32 s16, $0x3  }
0x12: {  	[tilespmem:s15+$0x0 ss:$0x81] =	vst.msk $0xffff, v1;
	s13 =	sor.u32 $0x400, s13;
	s12 =	sadd.s32 s16, s12  }
0x13: {  	[hbm4b:s12+s13] =	stream.strided.scatter [tilespmem:s14], [sflag:$0x2], $0x2000, s8, s13, $0x20;
	[tilespmem:$0x8080] =	vst v63  }
.LBB1_5:
0x14: {  	s14 =	sadd.s32 $0x1, s9  }
0x15: {  	s12 =	sadd.s32 $0x1000, s10;
	s16 =	smov.u32 s10;
	p2 =	sgt.s32 s14, $0x31  }
0x16: {  	s16 =	smov.u32 @p2 s12  }
0x17: {  	s14 =	simm.s32 @p2 $0x0;
	p2 =	sgt.s32 s16, $0xFFF  }
0x18: {  	s16 =	smov.u32 @p2 s2;
	p2 =	sne.s32 s11, s7  }
.Ltmp1:
0x19: {  	p1 =	slt.u32 s11, $0x2;
	(pc) =	sbr.rel @!p2 .LBB1_6-.Ltmp1, $4  }
0x1a: {  	s15 =	simm.s32 @!p1 $0x2  }
0x1b: {  	s13 =	smov.u32 s10;
	p0 =	por !p0, !p0;
	_ =	swait.ge @!p1 [sflag:s15], $0x2000  }
0x1c: {  	s12 =	smov.u32 s9;
	[sflag:s15] =	ssyncset.done @!p1 $0x0;
	s9 =	smov.u32 s14  }
0x1d: {  	s11 =	sadd.s32 $0x1, s11;
	[sflag:s15] =	ssyncadd.s32 @!p1 $0xFFFFE000;
	s10 =	smov.u32 s16  }
.LBB1_1:
0x1e: {  	p1 =	sge.u32 s11, s5  }
0x1f: {  	s14 =	sand.u32 @!p1 $0x1FFFFFF, s9  }
0x20: {  	s15 =	smulhi.u32 @!p1 $0x4924925, s14;
	_ =	sdelay $0x1  }
0x21: {  	s15 =	smul.u32 @!p1 $0x38, s15  }
0x22: {  	s16 =	sxor.u32 @!p1 $0xFFFFFFFF, s11;
	s17 =	smul.u32 @!p1 $0x380, s10  }
0x23: {  	s31 =	sadd.s32 $0xFFFFFFFF, s11;
	s16 =	sshll.u32 @!p1 s16, $0xD;
	s14 =	ssub.s32 @!p1 s14, s15  }
0x24: {  	s15 =	sand.u32 @!p1 $0x2000, s16;
	s16 =	sadd.s32 @!p1 s6, s17;
	s14 =	sshll.u32 @!p1 s14, $0x4  }
0x25: {  	s17 =	simm.s32 @!p1 $0x1C00;
	s14 =	sadd.s32 @!p1 s14, s16;
	s16 =	simm.s32 @!p1 $0x40  }
0x26: {  	[tilespmem:s15], [sflag:$0x1] =	stream.strided.gather @!p1 [hbm4b:s14+s16], $0x2000, s17, s16, $0x38;
	[tilespmem:$0x8080] =	vst v63  }
0x27: {  	p1 =	sge.u32 s31, s5  }
.Ltmp2:
0x28: {  	_ = 	snop;
	(pc) =	sbr.rel @p1 .LBB1_5-.Ltmp2, $1  }
0x29: {  	_ =	sdelay $0x3  }
0x2a: {  	s14 =	simm.s32 $0x1  }
0x2b: {  	_ =	swait.ge [sflag:s4], $0x2000;
	s14 =	simm.s32 @!p0 $0x0  }
0x2c: {  	[sflag:s4] =	ssyncset.done $0x0;
	s15 =	sshll.u32 s14, $0xD  }
0x2d: {  	[sflag:s4] =	ssyncadd.s32 $0xFFFFE000;
	s18 =	sor.u32 $0x20, s15  }
0x2e: {  	s14 =	smul.u32 $0x8100, s14;
	v3 =	vld [tilespmem:s18+$0x10]  }
0x2f: {  	s30 =	sand.u32 $0x1, s11;
	v2 =	vld [tilespmem:s18+$0xFFFFFFF0]  }
0x30: {  	s15 =	smul.u32 $0x8100, s30;
	s14 =	sshrl.u32 s14, $0x2;
	v0 =	vld [tilespmem:s18+$0x0]  }
0x31: {  	v1 =	vld [tilespmem:s18+$0xFFFFFFE0];
	s16 =	sor.u32 $0x4000, s14  }
0x32: {  	s31 =	sshrl.u32 s15, $0x2;
	s15 =	sadd.s32 $0x0, s16  }
0x33: {  	s17 =	simm.s32 $0x4;
	s18 =	sadd.s32 $0x40, s18;
	s14 =	sor.u32 $0x4000, s31;
	[tilespmem:s15+$0x1830 ss:$0x81] =	vst.msk $0xffff, v3  }
.LBB1_3:
0x34: {  	v3 =	vld [tilespmem:s18+$0x10];
	p1 =	sne.s32 s17, $0x1FC;
	[tilespmem:s15+$0x810 ss:$0x81] =	vst.msk $0xffff, v2;
	s19 =	smov.u32 s17;
	s17 =	sadd.s32 $0x4, s17  }
.Ltmp3:
0x35: {  	v2 =	vld [tilespmem:s18+$0xFFFFFFF0];
	[tilespmem:s15+$0x1020 ss:$0x81] =	vst.msk $0xffff, v0;
	(pc) =	sbr.rel @p1 .LBB1_3-.Ltmp3, $4  }
0x36: {  	v0 =	vld [tilespmem:s18+$0x0];
	[tilespmem:s15+$0x0 ss:$0x81] =	vst.msk $0xffff, v1  }
0x37: {  	s15 =	sshra.s32 s19, $0x2;
	v1 =	vld [tilespmem:s18+$0xFFFFFFE0]  }
0x38: {  	s15 =	sadd.s32 s15, s16  }
0x39: {  	s18 =	sadd.s32 $0x40, s18;
	[tilespmem:s15+$0x1830 ss:$0x81] =	vst.msk $0xffff, v3  }
.Ltmp4:
0x3a: {  	_ = 	snop;
	(pc) =	sbr.rel .LBB1_4-.Ltmp4, $1  }
0x3b: {  	_ =	sdelay $0x3  }
.LBB1_6:
0x3c: {  	_ =	sfence.sel $0x180000  }
0x3d: {  	s2 =	simm.s32 $0x1;
	[bflag:$0x0] =	sbarrier.arrive $0xFFFF  }
0x3e: {  	s31 =	simm.s32 $0x2;
	[sflag:s2] =	ssyncpa.u1 $0x1  }
0x3f: {  	[sflag:s31] =	ssyncpa.u1 $0x1  }
0x40: {  	p0 =	sne.s32 s0, $0x0;
	_ =	strace $0x9000004A  }
0x41: {  	s0 =	sadd.s32 @!p0 $0x100000, s1;
	[bflag:$0x2] =	sbarrier.arrive $0xFFFF  }
0x42: {  	[sflag:s0] =	ssyncadd.tile.s32 @!p0 $0x1;
	_ =	shalt  }
.Lfunc_end1:
_tile_overlayer_lowered:
.L_overlay_start_2:
0x43: {  	(tag) =	ssettag $0x2  }
0x44: {  	s0 =	rddreg [dreg:$0x0];
	s2 =	stileid.u32  }
0x45: {  	s1 =	rddreg [dreg:$0x1];
	p0 =	sne.s32 s2, $0x0  }
0x46: {  	s3 =	rddreg [dreg:$0x2];
	[bflag:$0x3] =	sbarrier.arrive $0xFFFF;
	s2 =	simm.s32 @!p0 $0x1C01  }
0x47: {  	[timem:s3], [sflag:s2] =	dma.local @!p0 [hbm:s0], s1  }
0x48: {  	s0 =	simm.s32 @!p0 $0x1  }
0x49: {  	_ =	swait.ge @!p0 [sflag:s0], s1  }
0x4a: {  	s1 =	ssub.s32 @!p0 $0x0, s1;
	[sflag:s0] =	ssyncset.done @!p0 $0x0  }
0x4b: {  	[sflag:s0] =	ssyncadd.s32 @!p0 s1  }
0x4c: {  	[bflag:$0x3] =	sbarrier.arrive $0xFFFF  }
0x4d: {  	_ =	shalt  }

</sc_bundles>
